<compile_context>
chip_gen: v7x
topology: tpu7x:2x2x1
jax: 0.10.2.dev20260603
libtpu: 0.0.44.dev20260713+nightly
codegen_flags: <defaults>
</compile_context>

<pallas_src>
import functools

import jax
import jax.numpy as jnp
from jax import lax
from jax.experimental import pallas as pl
from jax.experimental.pallas import tpu as pltpu
from jax.experimental.pallas import tpu_sc as plsc

N = 10000
E = 320000
D = 128

NC = 2
NS = 16
NW = NC * NS
EPW = E // NW
CK = 40
NCH = EPW // CK
NP = 10240
RPT = NP // NS
NDMP = RPT // CK

_MESH = plsc.VectorSubcoreMesh(core_axis_name="c", subcore_axis_name="s")


@functools.partial(
    pl.kernel,
    out_type=jax.ShapeDtypeStruct((NC, NP), jnp.float32),
    mesh=_MESH,
    scratch_types=[
        pltpu.VMEM_SHARED((NP,), jnp.float32),
        pltpu.VMEM((EPW,), jnp.int32),
        pltpu.VMEM((CK,), jnp.float32),
        pltpu.VMEM((RPT,), jnp.float32),
        pltpu.SemaphoreType.DMA,
    ],
)
def _deg_kernel(dst_hbm, deg_out, acc_sh, didx_v, ones_v, tmp_v, sem):
    cid = lax.axis_index("c")
    sid = lax.axis_index("s")
    w = cid * NS + sid

    zeros16 = jnp.zeros((16,), jnp.float32)
    ones16 = jnp.ones((16,), jnp.float32)

    def zstage(k, carry):
        tmp_v[pl.ds(k * 16, 16)] = zeros16
        return carry

    lax.fori_loop(0, RPT // 16, zstage, 0)

    ones_v[pl.ds(0, 16)] = ones16
    ones_v[pl.ds(16, 16)] = ones16
    ones_v[pl.ds(CK - 16, 16)] = ones16

    pltpu.sync_copy(tmp_v, acc_sh.at[pl.ds(sid * RPT, RPT)])
    pltpu.sync_copy(dst_hbm.at[pl.ds(w * EPW, EPW)], didx_v)
    plsc.subcore_barrier()

    def wave(g, carry):
        def fire(i, c):
            pltpu.async_copy(
                ones_v, acc_sh.at[didx_v.at[pl.ds((g * 25 + i) * CK, CK)]],
                sem, add=True)
            return c

        lax.fori_loop(0, 25, fire, 0)

        def drain(i, c):
            pltpu.make_async_copy(
                dst_hbm.at[pl.ds(0, CK)], didx_v.at[pl.ds(0, CK)], sem).wait()
            return c

        lax.fori_loop(0, 25, drain, 0)
        return carry

    lax.fori_loop(0, NCH // 25, wave, 0)
    plsc.subcore_barrier()

    pltpu.sync_copy(acc_sh.at[pl.ds(sid * RPT, RPT)], tmp_v)
    pltpu.sync_copy(tmp_v, deg_out.at[cid, pl.ds(sid * RPT, RPT)])


@functools.partial(
    pl.kernel,
    out_type=jax.ShapeDtypeStruct((NC, NP, D), jnp.float32),
    mesh=_MESH,
    scratch_types=[
        pltpu.VMEM_SHARED((NP, D), jnp.float32),
        pltpu.VMEM((EPW,), jnp.int32),
        pltpu.VMEM((EPW,), jnp.int32),
        [pltpu.VMEM((CK, D), jnp.float32) for _ in range(5)],
        pltpu.SemaphoreType.DMA((5,)),
        pltpu.SemaphoreType.DMA((5,)),
    ],
)
def _agg_kernel(g_hbm, src_hbm, dst_hbm, part_out,
                acc_sh, sidx_v, didx_v, rows, gsem, ssem):
    NR = 5
    NG = NCH // NR
    cid = lax.axis_index("c")
    sid = lax.axis_index("s")
    w = cid * NS + sid

    zeros16 = jnp.zeros((16,), jnp.float32)

    def ztmp(k, carry):
        rows[0][k // 8, pl.ds((k % 8) * 16, 16)] = zeros16
        return carry

    lax.fori_loop(0, CK * (D // 16), ztmp, 0)

    def zacc(k, carry):
        pltpu.async_copy(rows[0], acc_sh.at[pl.ds(sid * RPT + k * CK, CK), :],
                         gsem.at[0])
        return carry

    lax.fori_loop(0, NDMP, zacc, 0)
    pltpu.sync_copy(src_hbm.at[pl.ds(w * EPW, EPW)], sidx_v)
    pltpu.sync_copy(dst_hbm.at[pl.ds(w * EPW, EPW)], didx_v)

    def zdrain(k, carry):
        pltpu.make_async_copy(g_hbm.at[pl.ds(0, CK)], rows[0], gsem.at[0]).wait()
        return carry

    lax.fori_loop(0, NDMP, zdrain, 0)
    plsc.subcore_barrier()

    def emit_group(g, drain_scatter):
        gcps = []
        for b in range(NR):
            i = g * NR + b
            if drain_scatter:
                pltpu.make_async_copy(g_hbm.at[pl.ds(0, CK)], rows[b],
                                      ssem.at[b]).wait()
            gcps.append(pltpu.async_copy(
                g_hbm.at[sidx_v.at[pl.ds(i * CK, CK)]], rows[b], gsem.at[b]))
        for b in range(NR):
            i = g * NR + b
            gcps[b].wait()
            pltpu.async_copy(rows[b], acc_sh.at[didx_v.at[pl.ds(i * CK, CK)]],
                             ssem.at[b], add=True)

    emit_group(0, False)

    def group(g, carry):
        emit_group(g, True)
        return carry

    lax.fori_loop(1, NG, group, 0)
    for b in range(NR):
        pltpu.make_async_copy(g_hbm.at[pl.ds(0, CK)], rows[b], ssem.at[b]).wait()
    plsc.subcore_barrier()

    def demit(k, drain):
        for b in range(4):
            r0 = sid * RPT + (k * 4 + b) * CK
            if drain:
                pltpu.make_async_copy(g_hbm.at[pl.ds(0, CK)], rows[b],
                                      ssem.at[b]).wait()
            pltpu.async_copy(acc_sh.at[pl.ds(r0, CK), :], rows[b], gsem.at[b])
        for b in range(4):
            r0 = sid * RPT + (k * 4 + b) * CK
            pltpu.make_async_copy(g_hbm.at[pl.ds(0, CK)], rows[b],
                                  gsem.at[b]).wait()
            pltpu.async_copy(rows[b], part_out.at[cid, pl.ds(r0, CK), :],
                             ssem.at[b])

    demit(0, False)

    def dgroup(k, carry):
        demit(k, True)
        return carry

    lax.fori_loop(1, NDMP // 4, dgroup, 0)
    for b in range(4):
        pltpu.make_async_copy(g_hbm.at[pl.ds(0, CK)], rows[b], ssem.at[b]).wait()


BN = 2000


def _tca_body(degp, x, w1, g1, dinv):
    deg = degp[0] + degp[1] + 1.0
    di = lax.rsqrt(deg)
    h = jnp.dot(x[...], w1[...], preferred_element_type=jnp.float32)
    g1[...] = h * di
    dinv[...] = di


_tca = pl.pallas_call(
    _tca_body,
    grid=(N // BN,),
    in_specs=[
        pl.BlockSpec((NC, BN, 1), lambda i: (0, i, 0)),
        pl.BlockSpec((BN, D), lambda i: (i, 0)),
        pl.BlockSpec((D, D), lambda i: (0, 0)),
    ],
    out_specs=[
        pl.BlockSpec((BN, D), lambda i: (i, 0)),
        pl.BlockSpec((BN, 1), lambda i: (i, 0)),
    ],
    out_shape=[
        jax.ShapeDtypeStruct((N, D), jnp.float32),
        jax.ShapeDtypeStruct((N, 1), jnp.float32),
    ],
)


def _tcb_body(p, g1, dinv, b1, w2, g2):
    agg = p[0] + p[1] + g1[...]
    di = dinv[...]
    out1 = jnp.maximum(agg * di + b1[...], 0.0)
    h2 = jnp.dot(out1, w2[...], preferred_element_type=jnp.float32)
    g2[...] = h2 * di


_tcb = pl.pallas_call(
    _tcb_body,
    grid=(N // BN,),
    in_specs=[
        pl.BlockSpec((NC, BN, D), lambda i: (0, i, 0)),
        pl.BlockSpec((BN, D), lambda i: (i, 0)),
        pl.BlockSpec((BN, 1), lambda i: (i, 0)),
        pl.BlockSpec((1, D), lambda i: (0, 0)),
        pl.BlockSpec((D, D), lambda i: (0, 0)),
    ],
    out_specs=pl.BlockSpec((BN, D), lambda i: (i, 0)),
    out_shape=jax.ShapeDtypeStruct((N, D), jnp.float32),
)


def _tcc_body(p, g2, dinv, b2, out):
    out[...] = (p[0] + p[1] + g2[...]) * dinv[...] + b2[...]


_tcc = pl.pallas_call(
    _tcc_body,
    grid=(N // BN,),
    in_specs=[
        pl.BlockSpec((NC, BN, D), lambda i: (0, i, 0)),
        pl.BlockSpec((BN, D), lambda i: (i, 0)),
        pl.BlockSpec((BN, 1), lambda i: (i, 0)),
        pl.BlockSpec((1, D), lambda i: (0, 0)),
    ],
    out_specs=pl.BlockSpec((BN, D), lambda i: (i, 0)),
    out_shape=jax.ShapeDtypeStruct((N, D), jnp.float32),
)


def kernel(x, edge_index, W1, b1, W2, b2):
    ei = edge_index.astype(jnp.int32)
    src = ei[0]
    dst = ei[1]
    b1r = b1.reshape(1, D)
    b2r = b2.reshape(1, D)

    degp = _deg_kernel(dst).reshape(NC, NP, 1)
    g1, dinv = _tca(degp, x, W1)
    part1 = _agg_kernel(g1, src, dst)
    g2 = _tcb(part1, g1, dinv, b1r, W2)
    part2 = _agg_kernel(g2, src, dst)
    out = _tcc(part2, g2, dinv, b2r)
    return out

# --- scband reference (transcript-rebuilt; emitter-appended) ---
"""Pipeline reference for scband-gcnmodel-17944373363171 (READ-ONLY COPY).

The authoritative reference and input builder live on the scoring server;
editing this copy changes nothing except your own understanding.
"""

import jax, jax.numpy as jnp
import numpy as np

N = 10000
E = 320000
D_IN = 128
D_HID = 128
D_OUT = 128


def setup_inputs(seed: int = 0) -> dict:
    key = jax.random.key(seed)
    k_x, k_e, k_w1, k_b1, k_w2, k_b2 = jax.random.split(key, 6)
    x = jax.random.normal(k_x, (N, D_IN), dtype=jnp.float32)
    edge_index = jax.random.randint(k_e, (2, E), 0, N, dtype=jnp.int64)
    # Glorot-style init for GCNConv weights, zeros for bias (PyG default)
    W1 = jax.random.normal(k_w1, (D_IN, D_HID), dtype=jnp.float32) * (1.0 / np.sqrt(D_IN))
    b1 = jnp.zeros((D_HID,), dtype=jnp.float32)
    W2 = jax.random.normal(k_w2, (D_HID, D_OUT), dtype=jnp.float32) * (1.0 / np.sqrt(D_HID))
    b2 = jnp.zeros((D_OUT,), dtype=jnp.float32)
    return {"x": x, "edge_index": edge_index, "W1": W1, "b1": b1, "W2": W2, "b2": b2}


def _gcn_conv(x, edge_index, W, b):
    # Faithful GCNConv: add self-loops, symmetric normalization, linear, scatter-add, bias.
    n = x.shape[0]
    src = edge_index[0]
    dst = edge_index[1]
    loop = jnp.arange(n, dtype=src.dtype)
    src = jnp.concatenate([src, loop], axis=0)
    dst = jnp.concatenate([dst, loop], axis=0)
    ones = jnp.ones(dst.shape, dtype=x.dtype)
    deg = jnp.zeros((n,), dtype=x.dtype).at[dst].add(ones)
    deg_inv_sqrt = jnp.where(deg > 0, jax.lax.rsqrt(jnp.maximum(deg, 1e-12)), 0.0)
    norm = deg_inv_sqrt[src] * deg_inv_sqrt[dst]
    h = x @ W
    msg = h[src] * norm[:, None]
    out = jnp.zeros((n, W.shape[1]), dtype=x.dtype).at[dst].add(msg)
    return out + b


def reference(x, edge_index, W1, b1, W2, b2):
    h = _gcn_conv(x, edge_index, W1, b1)
    h = jax.nn.relu(h)
    # dropout is identity in eval mode (deterministic reference)
    out = _gcn_conv(h, edge_index, W2, b2)
    return out

if __name__ == "__main__":
    import jax
    _d = setup_inputs()
    print(jax.jit(kernel)(*tuple(_d.values())))

</pallas_src>

<mosaic_0001>
#map = affine_map<(d0, d1) -> (0, 0)>
#map1 = affine_map<(d0, d1) -> (0)>
#map2 = affine_map<(d0, d1) -> (0, 0, 0)>
module attributes {stable_mosaic.version = 14 : i64} {
  func.func @_agg_kernel(%arg0: i32, %arg1: i32, %arg2: memref<10000x128xf32, #tpu.memory_space<hbm>>, %arg3: memref<320000xi32, #tpu.memory_space<hbm>>, %arg4: memref<320000xi32, #tpu.memory_space<hbm>>, %arg5: memref<2x10240x128xf32, #tpu.memory_space<hbm>>, %arg6: memref<10240x128xf32, #tpu.memory_space<vmem_shared>>, %arg7: memref<10000xi32, #tpu.memory_space<vmem>>, %arg8: memref<10000xi32, #tpu.memory_space<vmem>>, %arg9: memref<40x128xf32, #tpu.memory_space<vmem>>, %arg10: memref<40x128xf32, #tpu.memory_space<vmem>>, %arg11: memref<40x128xf32, #tpu.memory_space<vmem>>, %arg12: memref<40x128xf32, #tpu.memory_space<vmem>>, %arg13: memref<40x128xf32, #tpu.memory_space<vmem>>, %arg14: memref<5x!tpu.dma_semaphore, #tpu.memory_space<semaphore_mem>>, %arg15: memref<5x!tpu.dma_semaphore, #tpu.memory_space<semaphore_mem>>) attributes {dimension_semantics = [#tpu.dimension_semantics<core_parallel>, #tpu.dimension_semantics<subcore_parallel>], iteration_bounds = array<i64: 2, 16>, scalar_prefetch = 0 : i64, scratch_operands = 10 : i64, tpu.core_type = #tpu.core_type<sc_vector_subcore>, window_params = [{transform_indices = #map}, {transform_indices = #map1}, {transform_indices = #map1}, {transform_indices = #map2}]} {
    %mul3A = arith.constant 16 : i32
    %mul3A_0 = arith.muli %arg0, %mul3A : i32
    %add3A = arith.addi %mul3A_0, %arg1 : i32
    %broadcast_in_dim3A = arith.constant 0.000000e+00 : f32
    %broadcast_in_dim3A_1 = vector.broadcast %broadcast_in_dim3A : f32 to vector<16xf32>
    %scan3A = arith.constant 0 : i32
    %scan3A_2 = arith.constant 0 : i32
    %scan3A_3 = arith.constant 320 : i32
    %scan3A_4 = arith.addi %scan3A_2, %scan3A_3 : i32
    %scan3A_5 = arith.constant 1 : i32
    scf.for %scan3A_367 = %scan3A_2 to %scan3A_4 step %scan3A_5  : i32 {
      %jit3A = arith.constant 8 : i32
      %div3A = arith.divsi %scan3A_367, %jit3A : i32
      %sign3A = arith.constant 0 : i32
      %sign3A_368 = arith.cmpi sgt, %scan3A_367, %sign3A : i32
      %sign3A_369 = arith.extui %sign3A_368 : i1 to i32
      %sign3A_370 = arith.constant 0 : i32
      %sign3A_371 = arith.cmpi slt, %scan3A_367, %sign3A_370 : i32
      %sign3A_372 = arith.extui %sign3A_371 : i1 to i32
      %sign3A_373 = arith.subi %sign3A_369, %sign3A_372 : i32
      %sign3A_374 = arith.constant 0 : i32
      %sign3A_375 = arith.cmpi sgt, %jit3A, %sign3A_374 : i32
      %sign3A_376 = arith.extui %sign3A_375 : i1 to i32
      %sign3A_377 = arith.constant 0 : i32
      %sign3A_378 = arith.cmpi slt, %jit3A, %sign3A_377 : i32
      %sign3A_379 = arith.extui %sign3A_378 : i1 to i32
      %sign3A_380 = arith.subi %sign3A_376, %sign3A_379 : i32
      %ne3A = arith.cmpi ne, %sign3A_373, %sign3A_380 : i32
      %rem3A = arith.remsi %scan3A_367, %jit3A : i32
      %ne3A_381 = arith.constant 0 : i32
      %ne3A_382 = arith.cmpi ne, %rem3A, %ne3A_381 : i32
      %and3A = arith.andi %ne3A, %ne3A_382 : i1
      %sub3A = arith.constant 1 : i32
      %sub3A_383 = arith.subi %div3A, %sub3A : i32
      %select_n3A = arith.select %and3A, %sub3A_383, %div3A : i32
      %jit3A_384 = arith.constant 8 : i32
      %eq3A = arith.constant 0 : i32
      %eq3A_385 = arith.cmpi eq, %jit3A_384, %eq3A : i32
      %jit3A_386 = arith.constant 1 : i32
      %select_n3A_387 = arith.select %eq3A_385, %jit3A_386, %jit3A_384 : i32
      %rem3A_388 = arith.remsi %scan3A_367, %select_n3A_387 : i32
      %ne3A_389 = arith.constant 0 : i32
      %ne3A_390 = arith.cmpi ne, %rem3A_388, %ne3A_389 : i32
      %lt3A = arith.constant 0 : i32
      %lt3A_391 = arith.cmpi slt, %rem3A_388, %lt3A : i32
      %lt3A_392 = arith.constant 0 : i32
      %lt3A_393 = arith.cmpi slt, %select_n3A_387, %lt3A_392 : i32
      %ne3A_394 = arith.xori %lt3A_391, %lt3A_393 : i1
      %and3A_395 = arith.andi %ne3A_394, %ne3A_390 : i1
      %add3A_396 = arith.addi %rem3A_388, %select_n3A_387 : i32
      %select_n3A_397 = arith.select %and3A_395, %add3A_396, %rem3A_388 : i32
      %mul3A_398 = arith.constant 16 : i32
      %mul3A_399 = arith.muli %select_n3A_397, %mul3A_398 : i32
      %swap3A = arith.index_cast %select_n3A : i32 to index
      %swap3A_400 = arith.index_cast %mul3A_399 : i32 to index
      %swap3A_401 = tpu.vector_load %arg9[%swap3A, %swap3A_400] {strides = array<i32>} : memref<40x128xf32, #tpu.memory_space<vmem>>, vector<1x16xf32>,
      %swap3A_402 = vector.shape_cast %swap3A_401 : vector<1x16xf32> to vector<16xf32>
      %swap3A_403 = vector.shape_cast %broadcast_in_dim3A_1 : vector<16xf32> to vector<1x16xf32>
      tpu.vector_store %arg9[%swap3A, %swap3A_400], %swap3A_403 {strides = array<i32>} : memref<40x128xf32, #tpu.memory_space<vmem>>, vector<1x16xf32>,
    }
    %scan3A_6 = arith.constant 320 : i32
    %scan3A_7 = arith.constant 0 : i32
    %scan3A_8 = arith.constant 0 : i32
    %scan3A_9 = arith.constant 16 : i32
    %scan3A_10 = arith.addi %scan3A_8, %scan3A_9 : i32
    %scan3A_11 = arith.constant 1 : i32
    scf.for %scan3A_367 = %scan3A_8 to %scan3A_10 step %scan3A_11  : i32 {
      %mul3A_368 = arith.constant 640 : i32
      %mul3A_369 = arith.muli %arg1, %mul3A_368 : i32
      %mul3A_370 = arith.constant 40 : i32
      %mul3A_371 = arith.muli %scan3A_367, %mul3A_370 : i32
      %add3A_372 = arith.addi %mul3A_369, %mul3A_371 : i32
      %dma_start3A_373 = arith.constant 0 : i32
      %dma_start3A_374 = arith.constant 0 : i32
      %dma_start3A_375 = tpu.memref_slice %arg6[%add3A_372, %dma_start3A_374] : memref<10240x128xf32, #tpu.memory_space<vmem_shared>> -> memref<40x128xf32, #tpu.memory_space<vmem_shared>>
      %dma_start3A_376 = tpu.memref_slice %arg14[%dma_start3A_373] : memref<5x!tpu.dma_semaphore, #tpu.memory_space<semaphore_mem>> -> memref<1x!tpu.dma_semaphore, #tpu.memory_space<semaphore_mem>>
      %dma_start3A_377 = tpu.memref_squeeze %dma_start3A_376 : memref<1x!tpu.dma_semaphore, #tpu.memory_space<semaphore_mem>> -> memref<!tpu.dma_semaphore, #tpu.memory_space<semaphore_mem>>
      %dma_start3A_378 = arith.constant 0 : i32
      %dma_start3A_379 = tpu.memref_slice %arg6[%add3A_372, %dma_start3A_378] : memref<10240x128xf32, #tpu.memory_space<vmem_shared>> -> memref<40x128xf32, #tpu.memory_space<vmem_shared>>
      tpu.enqueue_dma source(%arg9 : memref<40x128xf32, #tpu.memory_space<vmem>>) target(%dma_start3A_379 : memref<40x128xf32, #tpu.memory_space<vmem_shared>>) target_semaphore(%dma_start3A_377 : memref<!tpu.dma_semaphore, #tpu.memory_space<semaphore_mem>>)
    }
    %scan3A_12 = arith.constant 16 : i32
    %mul3A_13 = arith.constant 10000 : i32
    %mul3A_14 = arith.muli %add3A, %mul3A_13 : i32
    "tpu.region"() ({
      %run_scoped3A = tpu.sem_alloc : memref<!tpu.dma_semaphore, #tpu.memory_space<semaphore_mem>>
      %dma_start3A_367 = tpu.memref_slice %arg3[%mul3A_14] : memref<320000xi32, #tpu.memory_space<hbm>> -> memref<10000xi32, #tpu.memory_space<hbm>>
      %dma_start3A_368 = tpu.memref_slice %arg3[%mul3A_14] : memref<320000xi32, #tpu.memory_space<hbm>> -> memref<10000xi32, #tpu.memory_space<hbm>>
      tpu.enqueue_dma source(%dma_start3A_368 : memref<10000xi32, #tpu.memory_space<hbm>>) target(%arg7 : memref<10000xi32, #tpu.memory_space<vmem>>) target_semaphore(%run_scoped3A : memref<!tpu.dma_semaphore, #tpu.memory_space<semaphore_mem>>)
      %dma_wait3A_369 = tpu.memref_slice %arg3[%mul3A_14] : memref<320000xi32, #tpu.memory_space<hbm>> -> memref<10000xi32, #tpu.memory_space<hbm>>
      %dma_wait3A_370 = tpu.memref_slice %arg3[%mul3A_14] : memref<320000xi32, #tpu.memory_space<hbm>> -> memref<10000xi32, #tpu.memory_space<hbm>>
      tpu.wait_dma2 semaphore(%run_scoped3A : memref<!tpu.dma_semaphore, #tpu.memory_space<semaphore_mem>>) src(%dma_wait3A_370 : memref<10000xi32, #tpu.memory_space<hbm>>) dst(%arg7 : memref<10000xi32, #tpu.memory_space<vmem>>)
      tpu.yield
    }) : () -> ()
    %mul3A_15 = arith.constant 10000 : i32
    %mul3A_16 = arith.muli %add3A, %mul3A_15 : i32
    "tpu.region"() ({
      %run_scoped3A = tpu.sem_alloc : memref<!tpu.dma_semaphore, #tpu.memory_space<semaphore_mem>>
      %dma_start3A_367 = tpu.memref_slice %arg4[%mul3A_16] : memref<320000xi32, #tpu.memory_space<hbm>> -> memref<10000xi32, #tpu.memory_space<hbm>>
      %dma_start3A_368 = tpu.memref_slice %arg4[%mul3A_16] : memref<320000xi32, #tpu.memory_space<hbm>> -> memref<10000xi32, #tpu.memory_space<hbm>>
      tpu.enqueue_dma source(%dma_start3A_368 : memref<10000xi32, #tpu.memory_space<hbm>>) target(%arg8 : memref<10000xi32, #tpu.memory_space<vmem>>) target_semaphore(%run_scoped3A : memref<!tpu.dma_semaphore, #tpu.memory_space<semaphore_mem>>)
      %dma_wait3A_369 = tpu.memref_slice %arg4[%mul3A_16] : memref<320000xi32, #tpu.memory_space<hbm>> -> memref<10000xi32, #tpu.memory_space<hbm>>
      %dma_wait3A_370 = tpu.memref_slice %arg4[%mul3A_16] : memref<320000xi32, #tpu.memory_space<hbm>> -> memref<10000xi32, #tpu.memory_space<hbm>>
      tpu.wait_dma2 semaphore(%run_scoped3A : memref<!tpu.dma_semaphore, #tpu.memory_space<semaphore_mem>>) src(%dma_wait3A_370 : memref<10000xi32, #tpu.memory_space<hbm>>) dst(%arg8 : memref<10000xi32, #tpu.memory_space<vmem>>)
      tpu.yield
    }) : () -> ()
    %scan3A_17 = arith.constant 0 : i32
    %scan3A_18 = arith.constant 0 : i32
    %scan3A_19 = arith.constant 16 : i32
    %scan3A_20 = arith.addi %scan3A_18, %scan3A_19 : i32
    %scan3A_21 = arith.constant 1 : i32
    scf.for %scan3A_367 = %scan3A_18 to %scan3A_20 step %scan3A_21  : i32 {
      %dma_wait3A_368 = arith.constant 0 : i32
      %dma_wait3A_369 = arith.constant 0 : i32
      %dma_wait3A_370 = arith.constant 0 : i32
      %dma_wait3A_371 = tpu.memref_slice %arg2[%dma_wait3A_369, %dma_wait3A_370] : memref<10000x128xf32, #tpu.memory_space<hbm>> -> memref<40x128xf32, #tpu.memory_space<hbm>>
      %dma_wait3A_372 = tpu.memref_slice %arg14[%dma_wait3A_368] : memref<5x!tpu.dma_semaphore, #tpu.memory_space<semaphore_mem>> -> memref<1x!tpu.dma_semaphore, #tpu.memory_space<semaphore_mem>>
      %dma_wait3A_373 = tpu.memref_squeeze %dma_wait3A_372 : memref<1x!tpu.dma_semaphore, #tpu.memory_space<semaphore_mem>> -> memref<!tpu.dma_semaphore, #tpu.memory_space<semaphore_mem>>
      %dma_wait3A_374 = arith.constant 0 : i32
      %dma_wait3A_375 = arith.constant 0 : i32
      %dma_wait3A_376 = tpu.memref_slice %arg2[%dma_wait3A_374, %dma_wait3A_375] : memref<10000x128xf32, #tpu.memory_space<hbm>> -> memref<40x128xf32, #tpu.memory_space<hbm>>
      tpu.wait_dma2 semaphore(%dma_wait3A_373 : memref<!tpu.dma_semaphore, #tpu.memory_space<semaphore_mem>>) src(%dma_wait3A_376 : memref<40x128xf32, #tpu.memory_space<hbm>>) dst(%arg9 : memref<40x128xf32, #tpu.memory_space<vmem>>)
    }
    %scan3A_22 = arith.constant 16 : i32
    %barrier3A = arith.constant 0 : index
    tpu.barrier barrier_id(%barrier3A)
    %dma_start3A = arith.constant 0 : i32
    %dma_start3A_23 = arith.constant 0 : i32
    %dma_start3A_24 = tpu.memref_slice %arg7[%dma_start3A_23] : memref<10000xi32, #tpu.memory_space<vmem>> -> memref<40xi32, #tpu.memory_space<vmem>>
    %dma_start3A_25 = arith.constant 0 : i32
    %dma_start3A_26 = arith.constant 0 : i32
    %dma_start3A_27 = tpu.memref_slice %arg2[%dma_start3A_25, %dma_start3A_26] : memref<10000x128xf32, #tpu.memory_space<hbm>> -> memref<10000x128xf32, #tpu.memory_space<hbm>>
    %dma_start3A_28 = tpu.memref_slice %arg14[%dma_start3A] : memref<5x!tpu.dma_semaphore, #tpu.memory_space<semaphore_mem>> -> memref<1x!tpu.dma_semaphore, #tpu.memory_space<semaphore_mem>>
    %dma_start3A_29 = tpu.memref_squeeze %dma_start3A_28 : memref<1x!tpu.dma_semaphore, #tpu.memory_space<semaphore_mem>> -> memref<!tpu.dma_semaphore, #tpu.memory_space<semaphore_mem>>
    tpu.enqueue_indirect_dma source(%dma_start3A_27 : memref<10000x128xf32, #tpu.memory_space<hbm>>) target(%arg9 : memref<40x128xf32, #tpu.memory_space<vmem>>) offsets(%dma_start3A_24 : memref<40xi32, #tpu.memory_space<vmem>>) semaphore(%dma_start3A_29 : memref<!tpu.dma_semaphore, #tpu.memory_space<semaphore_mem>>)
    %dma_start3A_30 = arith.constant 1 : i32
    %dma_start3A_31 = arith.constant 40 : i32
    %dma_start3A_32 = tpu.memref_slice %arg7[%dma_start3A_31] : memref<10000xi32, #tpu.memory_space<vmem>> -> memref<40xi32, #tpu.memory_space<vmem>>
    %dma_start3A_33 = arith.constant 0 : i32
    %dma_start3A_34 = arith.constant 0 : i32
    %dma_start3A_35 = tpu.memref_slice %arg2[%dma_start3A_33, %dma_start3A_34] : memref<10000x128xf32, #tpu.memory_space<hbm>> -> memref<10000x128xf32, #tpu.memory_space<hbm>>
    %dma_start3A_36 = tpu.memref_slice %arg14[%dma_start3A_30] : memref<5x!tpu.dma_semaphore, #tpu.memory_space<semaphore_mem>> -> memref<1x!tpu.dma_semaphore, #tpu.memory_space<semaphore_mem>>
    %dma_start3A_37 = tpu.memref_squeeze %dma_start3A_36 : memref<1x!tpu.dma_semaphore, #tpu.memory_space<semaphore_mem>> -> memref<!tpu.dma_semaphore, #tpu.memory_space<semaphore_mem>>
    tpu.enqueue_indirect_dma source(%dma_start3A_35 : memref<10000x128xf32, #tpu.memory_space<hbm>>) target(%arg10 : memref<40x128xf32, #tpu.memory_space<vmem>>) offsets(%dma_start3A_32 : memref<40xi32, #tpu.memory_space<vmem>>) semaphore(%dma_start3A_37 : memref<!tpu.dma_semaphore, #tpu.memory_space<semaphore_mem>>)
    %dma_start3A_38 = arith.constant 2 : i32
    %dma_start3A_39 = arith.constant 80 : i32
    %dma_start3A_40 = tpu.memref_slice %arg7[%dma_start3A_39] : memref<10000xi32, #tpu.memory_space<vmem>> -> memref<40xi32, #tpu.memory_space<vmem>>
    %dma_start3A_41 = arith.constant 0 : i32
    %dma_start3A_42 = arith.constant 0 : i32
    %dma_start3A_43 = tpu.memref_slice %arg2[%dma_start3A_41, %dma_start3A_42] : memref<10000x128xf32, #tpu.memory_space<hbm>> -> memref<10000x128xf32, #tpu.memory_space<hbm>>
    %dma_start3A_44 = tpu.memref_slice %arg14[%dma_start3A_38] : memref<5x!tpu.dma_semaphore, #tpu.memory_space<semaphore_mem>> -> memref<1x!tpu.dma_semaphore, #tpu.memory_space<semaphore_mem>>
    %dma_start3A_45 = tpu.memref_squeeze %dma_start3A_44 : memref<1x!tpu.dma_semaphore, #tpu.memory_space<semaphore_mem>> -> memref<!tpu.dma_semaphore, #tpu.memory_space<semaphore_mem>>
    tpu.enqueue_indirect_dma source(%dma_start3A_43 : memref<10000x128xf32, #tpu.memory_space<hbm>>) target(%arg11 : memref<40x128xf32, #tpu.memory_space<vmem>>) offsets(%dma_start3A_40 : memref<40xi32, #tpu.memory_space<vmem>>) semaphore(%dma_start3A_45 : memref<!tpu.dma_semaphore, #tpu.memory_space<semaphore_mem>>)
    %dma_start3A_46 = arith.constant 3 : i32
    %dma_start3A_47 = arith.constant 120 : i32
    %dma_start3A_48 = tpu.memref_slice %arg7[%dma_start3A_47] : memref<10000xi32, #tpu.memory_space<vmem>> -> memref<40xi32, #tpu.memory_space<vmem>>
    %dma_start3A_49 = arith.constant 0 : i32
    %dma_start3A_50 = arith.constant 0 : i32
    %dma_start3A_51 = tpu.memref_slice %arg2[%dma_start3A_49, %dma_start3A_50] : memref<10000x128xf32, #tpu.memory_space<hbm>> -> memref<10000x128xf32, #tpu.memory_space<hbm>>
    %dma_start3A_52 = tpu.memref_slice %arg14[%dma_start3A_46] : memref<5x!tpu.dma_semaphore, #tpu.memory_space<semaphore_mem>> -> memref<1x!tpu.dma_semaphore, #tpu.memory_space<semaphore_mem>>
    %dma_start3A_53 = tpu.memref_squeeze %dma_start3A_52 : memref<1x!tpu.dma_semaphore, #tpu.memory_space<semaphore_mem>> -> memref<!tpu.dma_semaphore, #tpu.memory_space<semaphore_mem>>
    tpu.enqueue_indirect_dma source(%dma_start3A_51 : memref<10000x128xf32, #tpu.memory_space<hbm>>) target(%arg12 : memref<40x128xf32, #tpu.memory_space<vmem>>) offsets(%dma_start3A_48 : memref<40xi32, #tpu.memory_space<vmem>>) semaphore(%dma_start3A_53 : memref<!tpu.dma_semaphore, #tpu.memory_space<semaphore_mem>>)
    %dma_start3A_54 = arith.constant 4 : i32
    %dma_start3A_55 = arith.constant 160 : i32
    %dma_start3A_56 = tpu.memref_slice %arg7[%dma_start3A_55] : memref<10000xi32, #tpu.memory_space<vmem>> -> memref<40xi32, #tpu.memory_space<vmem>>
    %dma_start3A_57 = arith.constant 0 : i32
    %dma_start3A_58 = arith.constant 0 : i32
    %dma_start3A_59 = tpu.memref_slice %arg2[%dma_start3A_57, %dma_start3A_58] : memref<10000x128xf32, #tpu.memory_space<hbm>> -> memref<10000x128xf32, #tpu.memory_space<hbm>>
    %dma_start3A_60 = tpu.memref_slice %arg14[%dma_start3A_54] : memref<5x!tpu.dma_semaphore, #tpu.memory_space<semaphore_mem>> -> memref<1x!tpu.dma_semaphore, #tpu.memory_space<semaphore_mem>>
    %dma_start3A_61 = tpu.memref_squeeze %dma_start3A_60 : memref<1x!tpu.dma_semaphore, #tpu.memory_space<semaphore_mem>> -> memref<!tpu.dma_semaphore, #tpu.memory_space<semaphore_mem>>
    tpu.enqueue_indirect_dma source(%dma_start3A_59 : memref<10000x128xf32, #tpu.memory_space<hbm>>) target(%arg13 : memref<40x128xf32, #tpu.memory_space<vmem>>) offsets(%dma_start3A_56 : memref<40xi32, #tpu.memory_space<vmem>>) semaphore(%dma_start3A_61 : memref<!tpu.dma_semaphore, #tpu.memory_space<semaphore_mem>>)
    %dma_wait3A = arith.constant 0 : i32
    %dma_wait3A_62 = arith.constant 0 : i32
    %dma_wait3A_63 = tpu.memref_slice %arg7[%dma_wait3A_62] : memref<10000xi32, #tpu.memory_space<vmem>> -> memref<40xi32, #tpu.memory_space<vmem>>
    %dma_wait3A_64 = arith.constant 0 : i32
    %dma_wait3A_65 = arith.constant 0 : i32
    %dma_wait3A_66 = tpu.memref_slice %arg2[%dma_wait3A_64, %dma_wait3A_65] : memref<10000x128xf32, #tpu.memory_space<hbm>> -> memref<10000x128xf32, #tpu.memory_space<hbm>>
    %dma_wait3A_67 = tpu.memref_slice %arg14[%dma_wait3A] : memref<5x!tpu.dma_semaphore, #tpu.memory_space<semaphore_mem>> -> memref<1x!tpu.dma_semaphore, #tpu.memory_space<semaphore_mem>>
    %dma_wait3A_68 = tpu.memref_squeeze %dma_wait3A_67 : memref<1x!tpu.dma_semaphore, #tpu.memory_space<semaphore_mem>> -> memref<!tpu.dma_semaphore, #tpu.memory_space<semaphore_mem>>
    tpu.wait_indirect_dma semaphore(%dma_wait3A_68 : memref<!tpu.dma_semaphore, #tpu.memory_space<semaphore_mem>>) src(%dma_wait3A_66 : memref<10000x128xf32, #tpu.memory_space<hbm>>) dst(%arg9 : memref<40x128xf32, #tpu.memory_space<vmem>>)
    %dma_start3A_69 = arith.constant 0 : i32
    %dma_start3A_70 = arith.constant 0 : i32
    %dma_start3A_71 = tpu.memref_slice %arg8[%dma_start3A_70] : memref<10000xi32, #tpu.memory_space<vmem>> -> memref<40xi32, #tpu.memory_space<vmem>>
    %dma_start3A_72 = arith.constant 0 : i32
    %dma_start3A_73 = arith.constant 0 : i32
    %dma_start3A_74 = tpu.memref_slice %arg6[%dma_start3A_72, %dma_start3A_73] : memref<10240x128xf32, #tpu.memory_space<vmem_shared>> -> memref<10240x128xf32, #tpu.memory_space<vmem_shared>>
    %dma_start3A_75 = tpu.memref_slice %arg15[%dma_start3A_69] : memref<5x!tpu.dma_semaphore, #tpu.memory_space<semaphore_mem>> -> memref<1x!tpu.dma_semaphore, #tpu.memory_space<semaphore_mem>>
    %dma_start3A_76 = tpu.memref_squeeze %dma_start3A_75 : memref<1x!tpu.dma_semaphore, #tpu.memory_space<semaphore_mem>> -> memref<!tpu.dma_semaphore, #tpu.memory_space<semaphore_mem>>
    tpu.enqueue_indirect_dma source(%arg9 : memref<40x128xf32, #tpu.memory_space<vmem>>) target(%dma_start3A_74 : memref<10240x128xf32, #tpu.memory_space<vmem_shared>>) offsets(%dma_start3A_71 : memref<40xi32, #tpu.memory_space<vmem>>) semaphore(%dma_start3A_76 : memref<!tpu.dma_semaphore, #tpu.memory_space<semaphore_mem>>) {add = true}
    %dma_wait3A_77 = arith.constant 1 : i32
    %dma_wait3A_78 = arith.constant 40 : i32
    %dma_wait3A_79 = tpu.memref_slice %arg7[%dma_wait3A_78] : memref<10000xi32, #tpu.memory_space<vmem>> -> memref<40xi32, #tpu.memory_space<vmem>>
    %dma_wait3A_80 = arith.constant 0 : i32
    %dma_wait3A_81 = arith.constant 0 : i32
    %dma_wait3A_82 = tpu.memref_slice %arg2[%dma_wait3A_80, %dma_wait3A_81] : memref<10000x128xf32, #tpu.memory_space<hbm>> -> memref<10000x128xf32, #tpu.memory_space<hbm>>
    %dma_wait3A_83 = tpu.memref_slice %arg14[%dma_wait3A_77] : memref<5x!tpu.dma_semaphore, #tpu.memory_space<semaphore_mem>> -> memref<1x!tpu.dma_semaphore, #tpu.memory_space<semaphore_mem>>
    %dma_wait3A_84 = tpu.memref_squeeze %dma_wait3A_83 : memref<1x!tpu.dma_semaphore, #tpu.memory_space<semaphore_mem>> -> memref<!tpu.dma_semaphore, #tpu.memory_space<semaphore_mem>>
    tpu.wait_indirect_dma semaphore(%dma_wait3A_84 : memref<!tpu.dma_semaphore, #tpu.memory_space<semaphore_mem>>) src(%dma_wait3A_82 : memref<10000x128xf32, #tpu.memory_space<hbm>>) dst(%arg10 : memref<40x128xf32, #tpu.memory_space<vmem>>)
    %dma_start3A_85 = arith.constant 1 : i32
    %dma_start3A_86 = arith.constant 40 : i32
    %dma_start3A_87 = tpu.memref_slice %arg8[%dma_start3A_86] : memref<10000xi32, #tpu.memory_space<vmem>> -> memref<40xi32, #tpu.memory_space<vmem>>
    %dma_start3A_88 = arith.constant 0 : i32
    %dma_start3A_89 = arith.constant 0 : i32
    %dma_start3A_90 = tpu.memref_slice %arg6[%dma_start3A_88, %dma_start3A_89] : memref<10240x128xf32, #tpu.memory_space<vmem_shared>> -> memref<10240x128xf32, #tpu.memory_space<vmem_shared>>
    %dma_start3A_91 = tpu.memref_slice %arg15[%dma_start3A_85] : memref<5x!tpu.dma_semaphore, #tpu.memory_space<semaphore_mem>> -> memref<1x!tpu.dma_semaphore, #tpu.memory_space<semaphore_mem>>
    %dma_start3A_92 = tpu.memref_squeeze %dma_start3A_91 : memref<1x!tpu.dma_semaphore, #tpu.memory_space<semaphore_mem>> -> memref<!tpu.dma_semaphore, #tpu.memory_space<semaphore_mem>>
    tpu.enqueue_indirect_dma source(%arg10 : memref<40x128xf32, #tpu.memory_space<vmem>>) target(%dma_start3A_90 : memref<10240x128xf32, #tpu.memory_space<vmem_shared>>) offsets(%dma_start3A_87 : memref<40xi32, #tpu.memory_space<vmem>>) semaphore(%dma_start3A_92 : memref<!tpu.dma_semaphore, #tpu.memory_space<semaphore_mem>>) {add = true}
    %dma_wait3A_93 = arith.constant 2 : i32
    %dma_wait3A_94 = arith.constant 80 : i32
    %dma_wait3A_95 = tpu.memref_slice %arg7[%dma_wait3A_94] : memref<10000xi32, #tpu.memory_space<vmem>> -> memref<40xi32, #tpu.memory_space<vmem>>
    %dma_wait3A_96 = arith.constant 0 : i32
    %dma_wait3A_97 = arith.constant 0 : i32
    %dma_wait3A_98 = tpu.memref_slice %arg2[%dma_wait3A_96, %dma_wait3A_97] : memref<10000x128xf32, #tpu.memory_space<hbm>> -> memref<10000x128xf32, #tpu.memory_space<hbm>>
    %dma_wait3A_99 = tpu.memref_slice %arg14[%dma_wait3A_93] : memref<5x!tpu.dma_semaphore, #tpu.memory_space<semaphore_mem>> -> memref<1x!tpu.dma_semaphore, #tpu.memory_space<semaphore_mem>>
    %dma_wait3A_100 = tpu.memref_squeeze %dma_wait3A_99 : memref<1x!tpu.dma_semaphore, #tpu.memory_space<semaphore_mem>> -> memref<!tpu.dma_semaphore, #tpu.memory_space<semaphore_mem>>
    tpu.wait_indirect_dma semaphore(%dma_wait3A_100 : memref<!tpu.dma_semaphore, #tpu.memory_space<semaphore_mem>>) src(%dma_wait3A_98 : memref<10000x128xf32, #tpu.memory_space<hbm>>) dst(%arg11 : memref<40x128xf32, #tpu.memory_space<vmem>>)
    %dma_start3A_101 = arith.constant 2 : i32
    %dma_start3A_102 = arith.constant 80 : i32
    %dma_start3A_103 = tpu.memref_slice %arg8[%dma_start3A_102] : memref<10000xi32, #tpu.memory_space<vmem>> -> memref<40xi32, #tpu.memory_space<vmem>>
    %dma_start3A_104 = arith.constant 0 : i32
    %dma_start3A_105 = arith.constant 0 : i32
    %dma_start3A_106 = tpu.memref_slice %arg6[%dma_start3A_104, %dma_start3A_105] : memref<10240x128xf32, #tpu.memory_space<vmem_shared>> -> memref<10240x128xf32, #tpu.memory_space<vmem_shared>>
    %dma_start3A_107 = tpu.memref_slice %arg15[%dma_start3A_101] : memref<5x!tpu.dma_semaphore, #tpu.memory_space<semaphore_mem>> -> memref<1x!tpu.dma_semaphore, #tpu.memory_space<semaphore_mem>>
    %dma_start3A_108 = tpu.memref_squeeze %dma_start3A_107 : memref<1x!tpu.dma_semaphore, #tpu.memory_space<semaphore_mem>> -> memref<!tpu.dma_semaphore, #tpu.memory_space<semaphore_mem>>
    tpu.enqueue_indirect_dma source(%arg11 : memref<40x128xf32, #tpu.memory_space<vmem>>) target(%dma_start3A_106 : memref<10240x128xf32, #tpu.memory_space<vmem_shared>>) offsets(%dma_start3A_103 : memref<40xi32, #tpu.memory_space<vmem>>) semaphore(%dma_start3A_108 : memref<!tpu.dma_semaphore, #tpu.memory_space<semaphore_mem>>) {add = true}
    %dma_wait3A_109 = arith.constant 3 : i32
    %dma_wait3A_110 = arith.constant 120 : i32
    %dma_wait3A_111 = tpu.memref_slice %arg7[%dma_wait3A_110] : memref<10000xi32, #tpu.memory_space<vmem>> -> memref<40xi32, #tpu.memory_space<vmem>>
    %dma_wait3A_112 = arith.constant 0 : i32
    %dma_wait3A_113 = arith.constant 0 : i32
    %dma_wait3A_114 = tpu.memref_slice %arg2[%dma_wait3A_112, %dma_wait3A_113] : memref<10000x128xf32, #tpu.memory_space<hbm>> -> memref<10000x128xf32, #tpu.memory_space<hbm>>
    %dma_wait3A_115 = tpu.memref_slice %arg14[%dma_wait3A_109] : memref<5x!tpu.dma_semaphore, #tpu.memory_space<semaphore_mem>> -> memref<1x!tpu.dma_semaphore, #tpu.memory_space<semaphore_mem>>
    %dma_wait3A_116 = tpu.memref_squeeze %dma_wait3A_115 : memref<1x!tpu.dma_semaphore, #tpu.memory_space<semaphore_mem>> -> memref<!tpu.dma_semaphore, #tpu.memory_space<semaphore_mem>>
    tpu.wait_indirect_dma semaphore(%dma_wait3A_116 : memref<!tpu.dma_semaphore, #tpu.memory_space<semaphore_mem>>) src(%dma_wait3A_114 : memref<10000x128xf32, #tpu.memory_space<hbm>>) dst(%arg12 : memref<40x128xf32, #tpu.memory_space<vmem>>)
    %dma_start3A_117 = arith.constant 3 : i32
    %dma_start3A_118 = arith.constant 120 : i32
    %dma_start3A_119 = tpu.memref_slice %arg8[%dma_start3A_118] : memref<10000xi32, #tpu.memory_space<vmem>> -> memref<40xi32, #tpu.memory_space<vmem>>
    %dma_start3A_120 = arith.constant 0 : i32
    %dma_start3A_121 = arith.constant 0 : i32
    %dma_start3A_122 = tpu.memref_slice %arg6[%dma_start3A_120, %dma_start3A_121] : memref<10240x128xf32, #tpu.memory_space<vmem_shared>> -> memref<10240x128xf32, #tpu.memory_space<vmem_shared>>
    %dma_start3A_123 = tpu.memref_slice %arg15[%dma_start3A_117] : memref<5x!tpu.dma_semaphore, #tpu.memory_space<semaphore_mem>> -> memref<1x!tpu.dma_semaphore, #tpu.memory_space<semaphore_mem>>
    %dma_start3A_124 = tpu.memref_squeeze %dma_start3A_123 : memref<1x!tpu.dma_semaphore, #tpu.memory_space<semaphore_mem>> -> memref<!tpu.dma_semaphore, #tpu.memory_space<semaphore_mem>>
    tpu.enqueue_indirect_dma source(%arg12 : memref<40x128xf32, #tpu.memory_space<vmem>>) target(%dma_start3A_122 : memref<10240x128xf32, #tpu.memory_space<vmem_shared>>) offsets(%dma_start3A_119 : memref<40xi32, #tpu.memory_space<vmem>>) semaphore(%dma_start3A_124 : memref<!tpu.dma_semaphore, #tpu.memory_space<semaphore_mem>>) {add = true}
    %dma_wait3A_125 = arith.constant 4 : i32
    %dma_wait3A_126 = arith.constant 160 : i32
    %dma_wait3A_127 = tpu.memref_slice %arg7[%dma_wait3A_126] : memref<10000xi32, #tpu.memory_space<vmem>> -> memref<40xi32, #tpu.memory_space<vmem>>
    %dma_wait3A_128 = arith.constant 0 : i32
    %dma_wait3A_129 = arith.constant 0 : i32
    %dma_wait3A_130 = tpu.memref_slice %arg2[%dma_wait3A_128, %dma_wait3A_129] : memref<10000x128xf32, #tpu.memory_space<hbm>> -> memref<10000x128xf32, #tpu.memory_space<hbm>>
    %dma_wait3A_131 = tpu.memref_slice %arg14[%dma_wait3A_125] : memref<5x!tpu.dma_semaphore, #tpu.memory_space<semaphore_mem>> -> memref<1x!tpu.dma_semaphore, #tpu.memory_space<semaphore_mem>>
    %dma_wait3A_132 = tpu.memref_squeeze %dma_wait3A_131 : memref<1x!tpu.dma_semaphore, #tpu.memory_space<semaphore_mem>> -> memref<!tpu.dma_semaphore, #tpu.memory_space<semaphore_mem>>
    tpu.wait_indirect_dma semaphore(%dma_wait3A_132 : memref<!tpu.dma_semaphore, #tpu.memory_space<semaphore_mem>>) src(%dma_wait3A_130 : memref<10000x128xf32, #tpu.memory_space<hbm>>) dst(%arg13 : memref<40x128xf32, #tpu.memory_space<vmem>>)
    %dma_start3A_133 = arith.constant 4 : i32
    %dma_start3A_134 = arith.constant 160 : i32
    %dma_start3A_135 = tpu.memref_slice %arg8[%dma_start3A_134] : memref<10000xi32, #tpu.memory_space<vmem>> -> memref<40xi32, #tpu.memory_space<vmem>>
    %dma_start3A_136 = arith.constant 0 : i32
    %dma_start3A_137 = arith.constant 0 : i32
    %dma_start3A_138 = tpu.memref_slice %arg6[%dma_start3A_136, %dma_start3A_137] : memref<10240x128xf32, #tpu.memory_space<vmem_shared>> -> memref<10240x128xf32, #tpu.memory_space<vmem_shared>>
    %dma_start3A_139 = tpu.memref_slice %arg15[%dma_start3A_133] : memref<5x!tpu.dma_semaphore, #tpu.memory_space<semaphore_mem>> -> memref<1x!tpu.dma_semaphore, #tpu.memory_space<semaphore_mem>>
    %dma_start3A_140 = tpu.memref_squeeze %dma_start3A_139 : memref<1x!tpu.dma_semaphore, #tpu.memory_space<semaphore_mem>> -> memref<!tpu.dma_semaphore, #tpu.memory_space<semaphore_mem>>
    tpu.enqueue_indirect_dma source(%arg13 : memref<40x128xf32, #tpu.memory_space<vmem>>) target(%dma_start3A_138 : memref<10240x128xf32, #tpu.memory_space<vmem_shared>>) offsets(%dma_start3A_135 : memref<40xi32, #tpu.memory_space<vmem>>) semaphore(%dma_start3A_140 : memref<!tpu.dma_semaphore, #tpu.memory_space<semaphore_mem>>) {add = true}
    %scan3A_141 = arith.constant 0 : i32
    %scan3A_142 = arith.constant 1 : i32
    %scan3A_143 = arith.constant 49 : i32
    %scan3A_144 = arith.addi %scan3A_142, %scan3A_143 : i32
    %scan3A_145 = arith.constant 1 : i32
    scf.for %scan3A_367 = %scan3A_142 to %scan3A_144 step %scan3A_145  : i32 {
      %mul3A_368 = arith.constant 5 : i32
      %mul3A_369 = arith.muli %scan3A_367, %mul3A_368 : i32
      %add3A_370 = arith.constant 0 : i32
      %add3A_371 = arith.addi %mul3A_369, %add3A_370 : i32
      %dma_wait3A_372 = arith.constant 0 : i32
      %dma_wait3A_373 = arith.constant 0 : i32
      %dma_wait3A_374 = arith.constant 0 : i32
      %dma_wait3A_375 = tpu.memref_slice %arg2[%dma_wait3A_373, %dma_wait3A_374] : memref<10000x128xf32, #tpu.memory_space<hbm>> -> memref<40x128xf32, #tpu.memory_space<hbm>>
      %dma_wait3A_376 = tpu.memref_slice %arg15[%dma_wait3A_372] : memref<5x!tpu.dma_semaphore, #tpu.memory_space<semaphore_mem>> -> memref<1x!tpu.dma_semaphore, #tpu.memory_space<semaphore_mem>>
      %dma_wait3A_377 = tpu.memref_squeeze %dma_wait3A_376 : memref<1x!tpu.dma_semaphore, #tpu.memory_space<semaphore_mem>> -> memref<!tpu.dma_semaphore, #tpu.memory_space<semaphore_mem>>
      %dma_wait3A_378 = arith.constant 0 : i32
      %dma_wait3A_379 = arith.constant 0 : i32
      %dma_wait3A_380 = tpu.memref_slice %arg2[%dma_wait3A_378, %dma_wait3A_379] : memref<10000x128xf32, #tpu.memory_space<hbm>> -> memref<40x128xf32, #tpu.memory_space<hbm>>
      tpu.wait_dma2 semaphore(%dma_wait3A_377 : memref<!tpu.dma_semaphore, #tpu.memory_space<semaphore_mem>>) src(%dma_wait3A_380 : memref<40x128xf32, #tpu.memory_space<hbm>>) dst(%arg9 : memref<40x128xf32, #tpu.memory_space<vmem>>)
      %mul3A_381 = arith.constant 40 : i32
      %mul3A_382 = arith.muli %add3A_371, %mul3A_381 : i32
      %dma_start3A_383 = arith.constant 0 : i32
      %dma_start3A_384 = tpu.memref_slice %arg7[%mul3A_382] : memref<10000xi32, #tpu.memory_space<vmem>> -> memref<40xi32, #tpu.memory_space<vmem>>
      %dma_start3A_385 = arith.constant 0 : i32
      %dma_start3A_386 = arith.constant 0 : i32
      %dma_start3A_387 = tpu.memref_slice %arg2[%dma_start3A_385, %dma_start3A_386] : memref<10000x128xf32, #tpu.memory_space<hbm>> -> memref<10000x128xf32, #tpu.memory_space<hbm>>
      %dma_start3A_388 = tpu.memref_slice %arg14[%dma_start3A_383] : memref<5x!tpu.dma_semaphore, #tpu.memory_space<semaphore_mem>> -> memref<1x!tpu.dma_semaphore, #tpu.memory_space<semaphore_mem>>
      %dma_start3A_389 = tpu.memref_squeeze %dma_start3A_388 : memref<1x!tpu.dma_semaphore, #tpu.memory_space<semaphore_mem>> -> memref<!tpu.dma_semaphore, #tpu.memory_space<semaphore_mem>>
      tpu.enqueue_indirect_dma source(%dma_start3A_387 : memref<10000x128xf32, #tpu.memory_space<hbm>>) target(%arg9 : memref<40x128xf32, #tpu.memory_space<vmem>>) offsets(%dma_start3A_384 : memref<40xi32, #tpu.memory_space<vmem>>) semaphore(%dma_start3A_389 : memref<!tpu.dma_semaphore, #tpu.memory_space<semaphore_mem>>)
      %mul3A_390 = arith.constant 5 : i32
      %mul3A_391 = arith.muli %scan3A_367, %mul3A_390 : i32
      %add3A_392 = arith.constant 1 : i32
      %add3A_393 = arith.addi %mul3A_391, %add3A_392 : i32
      %dma_wait3A_394 = arith.constant 1 : i32
      %dma_wait3A_395 = arith.constant 0 : i32
      %dma_wait3A_396 = arith.constant 0 : i32
      %dma_wait3A_397 = tpu.memref_slice %arg2[%dma_wait3A_395, %dma_wait3A_396] : memref<10000x128xf32, #tpu.memory_space<hbm>> -> memref<40x128xf32, #tpu.memory_space<hbm>>
      %dma_wait3A_398 = tpu.memref_slice %arg15[%dma_wait3A_394] : memref<5x!tpu.dma_semaphore, #tpu.memory_space<semaphore_mem>> -> memref<1x!tpu.dma_semaphore, #tpu.memory_space<semaphore_mem>>
      %dma_wait3A_399 = tpu.memref_squeeze %dma_wait3A_398 : memref<1x!tpu.dma_semaphore, #tpu.memory_space<semaphore_mem>> -> memref<!tpu.dma_semaphore, #tpu.memory_space<semaphore_mem>>
      %dma_wait3A_400 = arith.constant 0 : i32
      %dma_wait3A_401 = arith.constant 0 : i32
      %dma_wait3A_402 = tpu.memref_slice %arg2[%dma_wait3A_400, %dma_wait3A_401] : memref<10000x128xf32, #tpu.memory_space<hbm>> -> memref<40x128xf32, #tpu.memory_space<hbm>>
      tpu.wait_dma2 semaphore(%dma_wait3A_399 : memref<!tpu.dma_semaphore, #tpu.memory_space<semaphore_mem>>) src(%dma_wait3A_402 : memref<40x128xf32, #tpu.memory_space<hbm>>) dst(%arg10 : memref<40x128xf32, #tpu.memory_space<vmem>>)
      %mul3A_403 = arith.constant 40 : i32
      %mul3A_404 = arith.muli %add3A_393, %mul3A_403 : i32
      %dma_start3A_405 = arith.constant 1 : i32
      %dma_start3A_406 = tpu.memref_slice %arg7[%mul3A_404] : memref<10000xi32, #tpu.memory_space<vmem>> -> memref<40xi32, #tpu.memory_space<vmem>>
      %dma_start3A_407 = arith.constant 0 : i32
      %dma_start3A_408 = arith.constant 0 : i32
      %dma_start3A_409 = tpu.memref_slice %arg2[%dma_start3A_407, %dma_start3A_408] : memref<10000x128xf32, #tpu.memory_space<hbm>> -> memref<10000x128xf32, #tpu.memory_space<hbm>>
      %dma_start3A_410 = tpu.memref_slice %arg14[%dma_start3A_405] : memref<5x!tpu.dma_semaphore, #tpu.memory_space<semaphore_mem>> -> memref<1x!tpu.dma_semaphore, #tpu.memory_space<semaphore_mem>>
      %dma_start3A_411 = tpu.memref_squeeze %dma_start3A_410 : memref<1x!tpu.dma_semaphore, #tpu.memory_space<semaphore_mem>> -> memref<!tpu.dma_semaphore, #tpu.memory_space<semaphore_mem>>
      tpu.enqueue_indirect_dma source(%dma_start3A_409 : memref<10000x128xf32, #tpu.memory_space<hbm>>) target(%arg10 : memref<40x128xf32, #tpu.memory_space<vmem>>) offsets(%dma_start3A_406 : memref<40xi32, #tpu.memory_space<vmem>>) semaphore(%dma_start3A_411 : memref<!tpu.dma_semaphore, #tpu.memory_space<semaphore_mem>>)
      %mul3A_412 = arith.constant 5 : i32
      %mul3A_413 = arith.muli %scan3A_367, %mul3A_412 : i32
      %add3A_414 = arith.constant 2 : i32
      %add3A_415 = arith.addi %mul3A_413, %add3A_414 : i32
      %dma_wait3A_416 = arith.constant 2 : i32
      %dma_wait3A_417 = arith.constant 0 : i32
      %dma_wait3A_418 = arith.constant 0 : i32
      %dma_wait3A_419 = tpu.memref_slice %arg2[%dma_wait3A_417, %dma_wait3A_418] : memref<10000x128xf32, #tpu.memory_space<hbm>> -> memref<40x128xf32, #tpu.memory_space<hbm>>
      %dma_wait3A_420 = tpu.memref_slice %arg15[%dma_wait3A_416] : memref<5x!tpu.dma_semaphore, #tpu.memory_space<semaphore_mem>> -> memref<1x!tpu.dma_semaphore, #tpu.memory_space<semaphore_mem>>
      %dma_wait3A_421 = tpu.memref_squeeze %dma_wait3A_420 : memref<1x!tpu.dma_semaphore, #tpu.memory_space<semaphore_mem>> -> memref<!tpu.dma_semaphore, #tpu.memory_space<semaphore_mem>>
      %dma_wait3A_422 = arith.constant 0 : i32
      %dma_wait3A_423 = arith.constant 0 : i32
      %dma_wait3A_424 = tpu.memref_slice %arg2[%dma_wait3A_422, %dma_wait3A_423] : memref<10000x128xf32, #tpu.memory_space<hbm>> -> memref<40x128xf32, #tpu.memory_space<hbm>>
      tpu.wait_dma2 semaphore(%dma_wait3A_421 : memref<!tpu.dma_semaphore, #tpu.memory_space<semaphore_mem>>) src(%dma_wait3A_424 : memref<40x128xf32, #tpu.memory_space<hbm>>) dst(%arg11 : memref<40x128xf32, #tpu.memory_space<vmem>>)
      %mul3A_425 = arith.constant 40 : i32
      %mul3A_426 = arith.muli %add3A_415, %mul3A_425 : i32
      %dma_start3A_427 = arith.constant 2 : i32
      %dma_start3A_428 = tpu.memref_slice %arg7[%mul3A_426] : memref<10000xi32, #tpu.memory_space<vmem>> -> memref<40xi32, #tpu.memory_space<vmem>>
      %dma_start3A_429 = arith.constant 0 : i32
      %dma_start3A_430 = arith.constant 0 : i32
      %dma_start3A_431 = tpu.memref_slice %arg2[%dma_start3A_429, %dma_start3A_430] : memref<10000x128xf32, #tpu.memory_space<hbm>> -> memref<10000x128xf32, #tpu.memory_space<hbm>>
      %dma_start3A_432 = tpu.memref_slice %arg14[%dma_start3A_427] : memref<5x!tpu.dma_semaphore, #tpu.memory_space<semaphore_mem>> -> memref<1x!tpu.dma_semaphore, #tpu.memory_space<semaphore_mem>>
      %dma_start3A_433 = tpu.memref_squeeze %dma_start3A_432 : memref<1x!tpu.dma_semaphore, #tpu.memory_space<semaphore_mem>> -> memref<!tpu.dma_semaphore, #tpu.memory_space<semaphore_mem>>
      tpu.enqueue_indirect_dma source(%dma_start3A_431 : memref<10000x128xf32, #tpu.memory_space<hbm>>) target(%arg11 : memref<40x128xf32, #tpu.memory_space<vmem>>) offsets(%dma_start3A_428 : memref<40xi32, #tpu.memory_space<vmem>>) semaphore(%dma_start3A_433 : memref<!tpu.dma_semaphore, #tpu.memory_space<semaphore_mem>>)
      %mul3A_434 = arith.constant 5 : i32
      %mul3A_435 = arith.muli %scan3A_367, %mul3A_434 : i32
      %add3A_436 = arith.constant 3 : i32
      %add3A_437 = arith.addi %mul3A_435, %add3A_436 : i32
      %dma_wait3A_438 = arith.constant 3 : i32
      %dma_wait3A_439 = arith.constant 0 : i32
      %dma_wait3A_440 = arith.constant 0 : i32
      %dma_wait3A_441 = tpu.memref_slice %arg2[%dma_wait3A_439, %dma_wait3A_440] : memref<10000x128xf32, #tpu.memory_space<hbm>> -> memref<40x128xf32, #tpu.memory_space<hbm>>
      %dma_wait3A_442 = tpu.memref_slice %arg15[%dma_wait3A_438] : memref<5x!tpu.dma_semaphore, #tpu.memory_space<semaphore_mem>> -> memref<1x!tpu.dma_semaphore, #tpu.memory_space<semaphore_mem>>
      %dma_wait3A_443 = tpu.memref_squeeze %dma_wait3A_442 : memref<1x!tpu.dma_semaphore, #tpu.memory_space<semaphore_mem>> -> memref<!tpu.dma_semaphore, #tpu.memory_space<semaphore_mem>>
      %dma_wait3A_444 = arith.constant 0 : i32
      %dma_wait3A_445 = arith.constant 0 : i32
      %dma_wait3A_446 = tpu.memref_slice %arg2[%dma_wait3A_444, %dma_wait3A_445] : memref<10000x128xf32, #tpu.memory_space<hbm>> -> memref<40x128xf32, #tpu.memory_space<hbm>>
      tpu.wait_dma2 semaphore(%dma_wait3A_443 : memref<!tpu.dma_semaphore, #tpu.memory_space<semaphore_mem>>) src(%dma_wait3A_446 : memref<40x128xf32, #tpu.memory_space<hbm>>) dst(%arg12 : memref<40x128xf32, #tpu.memory_space<vmem>>)
      %mul3A_447 = arith.constant 40 : i32
      %mul3A_448 = arith.muli %add3A_437, %mul3A_447 : i32
      %dma_start3A_449 = arith.constant 3 : i32
      %dma_start3A_450 = tpu.memref_slice %arg7[%mul3A_448] : memref<10000xi32, #tpu.memory_space<vmem>> -> memref<40xi32, #tpu.memory_space<vmem>>
      %dma_start3A_451 = arith.constant 0 : i32
      %dma_start3A_452 = arith.constant 0 : i32
      %dma_start3A_453 = tpu.memref_slice %arg2[%dma_start3A_451, %dma_start3A_452] : memref<10000x128xf32, #tpu.memory_space<hbm>> -> memref<10000x128xf32, #tpu.memory_space<hbm>>
      %dma_start3A_454 = tpu.memref_slice %arg14[%dma_start3A_449] : memref<5x!tpu.dma_semaphore, #tpu.memory_space<semaphore_mem>> -> memref<1x!tpu.dma_semaphore, #tpu.memory_space<semaphore_mem>>
      %dma_start3A_455 = tpu.memref_squeeze %dma_start3A_454 : memref<1x!tpu.dma_semaphore, #tpu.memory_space<semaphore_mem>> -> memref<!tpu.dma_semaphore, #tpu.memory_space<semaphore_mem>>
      tpu.enqueue_indirect_dma source(%dma_start3A_453 : memref<10000x128xf32, #tpu.memory_space<hbm>>) target(%arg12 : memref<40x128xf32, #tpu.memory_space<vmem>>) offsets(%dma_start3A_450 : memref<40xi32, #tpu.memory_space<vmem>>) semaphore(%dma_start3A_455 : memref<!tpu.dma_semaphore, #tpu.memory_space<semaphore_mem>>)
      %mul3A_456 = arith.constant 5 : i32
      %mul3A_457 = arith.muli %scan3A_367, %mul3A_456 : i32
      %add3A_458 = arith.constant 4 : i32
      %add3A_459 = arith.addi %mul3A_457, %add3A_458 : i32
      %dma_wait3A_460 = arith.constant 4 : i32
      %dma_wait3A_461 = arith.constant 0 : i32
      %dma_wait3A_462 = arith.constant 0 : i32
      %dma_wait3A_463 = tpu.memref_slice %arg2[%dma_wait3A_461, %dma_wait3A_462] : memref<10000x128xf32, #tpu.memory_space<hbm>> -> memref<40x128xf32, #tpu.memory_space<hbm>>
      %dma_wait3A_464 = tpu.memref_slice %arg15[%dma_wait3A_460] : memref<5x!tpu.dma_semaphore, #tpu.memory_space<semaphore_mem>> -> memref<1x!tpu.dma_semaphore, #tpu.memory_space<semaphore_mem>>
      %dma_wait3A_465 = tpu.memref_squeeze %dma_wait3A_464 : memref<1x!tpu.dma_semaphore, #tpu.memory_space<semaphore_mem>> -> memref<!tpu.dma_semaphore, #tpu.memory_space<semaphore_mem>>
      %dma_wait3A_466 = arith.constant 0 : i32
      %dma_wait3A_467 = arith.constant 0 : i32
      %dma_wait3A_468 = tpu.memref_slice %arg2[%dma_wait3A_466, %dma_wait3A_467] : memref<10000x128xf32, #tpu.memory_space<hbm>> -> memref<40x128xf32, #tpu.memory_space<hbm>>
      tpu.wait_dma2 semaphore(%dma_wait3A_465 : memref<!tpu.dma_semaphore, #tpu.memory_space<semaphore_mem>>) src(%dma_wait3A_468 : memref<40x128xf32, #tpu.memory_space<hbm>>) dst(%arg13 : memref<40x128xf32, #tpu.memory_space<vmem>>)
      %mul3A_469 = arith.constant 40 : i32
      %mul3A_470 = arith.muli %add3A_459, %mul3A_469 : i32
      %dma_start3A_471 = arith.constant 4 : i32
      %dma_start3A_472 = tpu.memref_slice %arg7[%mul3A_470] : memref<10000xi32, #tpu.memory_space<vmem>> -> memref<40xi32, #tpu.memory_space<vmem>>
      %dma_start3A_473 = arith.constant 0 : i32
      %dma_start3A_474 = arith.constant 0 : i32
      %dma_start3A_475 = tpu.memref_slice %arg2[%dma_start3A_473, %dma_start3A_474] : memref<10000x128xf32, #tpu.memory_space<hbm>> -> memref<10000x128xf32, #tpu.memory_space<hbm>>
      %dma_start3A_476 = tpu.memref_slice %arg14[%dma_start3A_471] : memref<5x!tpu.dma_semaphore, #tpu.memory_space<semaphore_mem>> -> memref<1x!tpu.dma_semaphore, #tpu.memory_space<semaphore_mem>>
      %dma_start3A_477 = tpu.memref_squeeze %dma_start3A_476 : memref<1x!tpu.dma_semaphore, #tpu.memory_space<semaphore_mem>> -> memref<!tpu.dma_semaphore, #tpu.memory_space<semaphore_mem>>
      tpu.enqueue_indirect_dma source(%dma_start3A_475 : memref<10000x128xf32, #tpu.memory_space<hbm>>) target(%arg13 : memref<40x128xf32, #tpu.memory_space<vmem>>) offsets(%dma_start3A_472 : memref<40xi32, #tpu.memory_space<vmem>>) semaphore(%dma_start3A_477 : memref<!tpu.dma_semaphore, #tpu.memory_space<semaphore_mem>>)
      %mul3A_478 = arith.constant 5 : i32
      %mul3A_479 = arith.muli %scan3A_367, %mul3A_478 : i32
      %add3A_480 = arith.constant 0 : i32
      %add3A_481 = arith.addi %mul3A_479, %add3A_480 : i32
      %dma_wait3A_482 = arith.constant 0 : i32
      %dma_wait3A_483 = tpu.memref_slice %arg7[%mul3A_382] : memref<10000xi32, #tpu.memory_space<vmem>> -> memref<40xi32, #tpu.memory_space<vmem>>
      %dma_wait3A_484 = arith.constant 0 : i32
      %dma_wait3A_485 = arith.constant 0 : i32
      %dma_wait3A_486 = tpu.memref_slice %arg2[%dma_wait3A_484, %dma_wait3A_485] : memref<10000x128xf32, #tpu.memory_space<hbm>> -> memref<10000x128xf32, #tpu.memory_space<hbm>>
      %dma_wait3A_487 = tpu.memref_slice %arg14[%dma_wait3A_482] : memref<5x!tpu.dma_semaphore, #tpu.memory_space<semaphore_mem>> -> memref<1x!tpu.dma_semaphore, #tpu.memory_space<semaphore_mem>>
      %dma_wait3A_488 = tpu.memref_squeeze %dma_wait3A_487 : memref<1x!tpu.dma_semaphore, #tpu.memory_space<semaphore_mem>> -> memref<!tpu.dma_semaphore, #tpu.memory_space<semaphore_mem>>
      tpu.wait_indirect_dma semaphore(%dma_wait3A_488 : memref<!tpu.dma_semaphore, #tpu.memory_space<semaphore_mem>>) src(%dma_wait3A_486 : memref<10000x128xf32, #tpu.memory_space<hbm>>) dst(%arg9 : memref<40x128xf32, #tpu.memory_space<vmem>>)
      %mul3A_489 = arith.constant 40 : i32
      %mul3A_490 = arith.muli %add3A_481, %mul3A_489 : i32
      %dma_start3A_491 = arith.constant 0 : i32
      %dma_start3A_492 = tpu.memref_slice %arg8[%mul3A_490] : memref<10000xi32, #tpu.memory_space<vmem>> -> memref<40xi32, #tpu.memory_space<vmem>>
      %dma_start3A_493 = arith.constant 0 : i32
      %dma_start3A_494 = arith.constant 0 : i32
      %dma_start3A_495 = tpu.memref_slice %arg6[%dma_start3A_493, %dma_start3A_494] : memref<10240x128xf32, #tpu.memory_space<vmem_shared>> -> memref<10240x128xf32, #tpu.memory_space<vmem_shared>>
      %dma_start3A_496 = tpu.memref_slice %arg15[%dma_start3A_491] : memref<5x!tpu.dma_semaphore, #tpu.memory_space<semaphore_mem>> -> memref<1x!tpu.dma_semaphore, #tpu.memory_space<semaphore_mem>>
      %dma_start3A_497 = tpu.memref_squeeze %dma_start3A_496 : memref<1x!tpu.dma_semaphore, #tpu.memory_space<semaphore_mem>> -> memref<!tpu.dma_semaphore, #tpu.memory_space<semaphore_mem>>
      tpu.enqueue_indirect_dma source(%arg9 : memref<40x128xf32, #tpu.memory_space<vmem>>) target(%dma_start3A_495 : memref<10240x128xf32, #tpu.memory_space<vmem_shared>>) offsets(%dma_start3A_492 : memref<40xi32, #tpu.memory_space<vmem>>) semaphore(%dma_start3A_497 : memref<!tpu.dma_semaphore, #tpu.memory_space<semaphore_mem>>) {add = true}
      %mul3A_498 = arith.constant 5 : i32
      %mul3A_499 = arith.muli %scan3A_367, %mul3A_498 : i32
      %add3A_500 = arith.constant 1 : i32
      %add3A_501 = arith.addi %mul3A_499, %add3A_500 : i32
      %dma_wait3A_502 = arith.constant 1 : i32
      %dma_wait3A_503 = tpu.memref_slice %arg7[%mul3A_404] : memref<10000xi32, #tpu.memory_space<vmem>> -> memref<40xi32, #tpu.memory_space<vmem>>
      %dma_wait3A_504 = arith.constant 0 : i32
      %dma_wait3A_505 = arith.constant 0 : i32
      %dma_wait3A_506 = tpu.memref_slice %arg2[%dma_wait3A_504, %dma_wait3A_505] : memref<10000x128xf32, #tpu.memory_space<hbm>> -> memref<10000x128xf32, #tpu.memory_space<hbm>>
      %dma_wait3A_507 = tpu.memref_slice %arg14[%dma_wait3A_502] : memref<5x!tpu.dma_semaphore, #tpu.memory_space<semaphore_mem>> -> memref<1x!tpu.dma_semaphore, #tpu.memory_space<semaphore_mem>>
      %dma_wait3A_508 = tpu.memref_squeeze %dma_wait3A_507 : memref<1x!tpu.dma_semaphore, #tpu.memory_space<semaphore_mem>> -> memref<!tpu.dma_semaphore, #tpu.memory_space<semaphore_mem>>
      tpu.wait_indirect_dma semaphore(%dma_wait3A_508 : memref<!tpu.dma_semaphore, #tpu.memory_space<semaphore_mem>>) src(%dma_wait3A_506 : memref<10000x128xf32, #tpu.memory_space<hbm>>) dst(%arg10 : memref<40x128xf32, #tpu.memory_space<vmem>>)
      %mul3A_509 = arith.constant 40 : i32
      %mul3A_510 = arith.muli %add3A_501, %mul3A_509 : i32
      %dma_start3A_511 = arith.constant 1 : i32
      %dma_start3A_512 = tpu.memref_slice %arg8[%mul3A_510] : memref<10000xi32, #tpu.memory_space<vmem>> -> memref<40xi32, #tpu.memory_space<vmem>>
      %dma_start3A_513 = arith.constant 0 : i32
      %dma_start3A_514 = arith.constant 0 : i32
      %dma_start3A_515 = tpu.memref_slice %arg6[%dma_start3A_513, %dma_start3A_514] : memref<10240x128xf32, #tpu.memory_space<vmem_shared>> -> memref<10240x128xf32, #tpu.memory_space<vmem_shared>>
      %dma_start3A_516 = tpu.memref_slice %arg15[%dma_start3A_511] : memref<5x!tpu.dma_semaphore, #tpu.memory_space<semaphore_mem>> -> memref<1x!tpu.dma_semaphore, #tpu.memory_space<semaphore_mem>>
      %dma_start3A_517 = tpu.memref_squeeze %dma_start3A_516 : memref<1x!tpu.dma_semaphore, #tpu.memory_space<semaphore_mem>> -> memref<!tpu.dma_semaphore, #tpu.memory_space<semaphore_mem>>
      tpu.enqueue_indirect_dma source(%arg10 : memref<40x128xf32, #tpu.memory_space<vmem>>) target(%dma_start3A_515 : memref<10240x128xf32, #tpu.memory_space<vmem_shared>>) offsets(%dma_start3A_512 : memref<40xi32, #tpu.memory_space<vmem>>) semaphore(%dma_start3A_517 : memref<!tpu.dma_semaphore, #tpu.memory_space<semaphore_mem>>) {add = true}
      %mul3A_518 = arith.constant 5 : i32
      %mul3A_519 = arith.muli %scan3A_367, %mul3A_518 : i32
      %add3A_520 = arith.constant 2 : i32
      %add3A_521 = arith.addi %mul3A_519, %add3A_520 : i32
      %dma_wait3A_522 = arith.constant 2 : i32
      %dma_wait3A_523 = tpu.memref_slice %arg7[%mul3A_426] : memref<10000xi32, #tpu.memory_space<vmem>> -> memref<40xi32, #tpu.memory_space<vmem>>
      %dma_wait3A_524 = arith.constant 0 : i32
      %dma_wait3A_525 = arith.constant 0 : i32
      %dma_wait3A_526 = tpu.memref_slice %arg2[%dma_wait3A_524, %dma_wait3A_525] : memref<10000x128xf32, #tpu.memory_space<hbm>> -> memref<10000x128xf32, #tpu.memory_space<hbm>>
      %dma_wait3A_527 = tpu.memref_slice %arg14[%dma_wait3A_522] : memref<5x!tpu.dma_semaphore, #tpu.memory_space<semaphore_mem>> -> memref<1x!tpu.dma_semaphore, #tpu.memory_space<semaphore_mem>>
      %dma_wait3A_528 = tpu.memref_squeeze %dma_wait3A_527 : memref<1x!tpu.dma_semaphore, #tpu.memory_space<semaphore_mem>> -> memref<!tpu.dma_semaphore, #tpu.memory_space<semaphore_mem>>
      tpu.wait_indirect_dma semaphore(%dma_wait3A_528 : memref<!tpu.dma_semaphore, #tpu.memory_space<semaphore_mem>>) src(%dma_wait3A_526 : memref<10000x128xf32, #tpu.memory_space<hbm>>) dst(%arg11 : memref<40x128xf32, #tpu.memory_space<vmem>>)
      %mul3A_529 = arith.constant 40 : i32
      %mul3A_530 = arith.muli %add3A_521, %mul3A_529 : i32
      %dma_start3A_531 = arith.constant 2 : i32
      %dma_start3A_532 = tpu.memref_slice %arg8[%mul3A_530] : memref<10000xi32, #tpu.memory_space<vmem>> -> memref<40xi32, #tpu.memory_space<vmem>>
      %dma_start3A_533 = arith.constant 0 : i32
      %dma_start3A_534 = arith.constant 0 : i32
      %dma_start3A_535 = tpu.memref_slice %arg6[%dma_start3A_533, %dma_start3A_534] : memref<10240x128xf32, #tpu.memory_space<vmem_shared>> -> memref<10240x128xf32, #tpu.memory_space<vmem_shared>>
      %dma_start3A_536 = tpu.memref_slice %arg15[%dma_start3A_531] : memref<5x!tpu.dma_semaphore, #tpu.memory_space<semaphore_mem>> -> memref<1x!tpu.dma_semaphore, #tpu.memory_space<semaphore_mem>>
      %dma_start3A_537 = tpu.memref_squeeze %dma_start3A_536 : memref<1x!tpu.dma_semaphore, #tpu.memory_space<semaphore_mem>> -> memref<!tpu.dma_semaphore, #tpu.memory_space<semaphore_mem>>
      tpu.enqueue_indirect_dma source(%arg11 : memref<40x128xf32, #tpu.memory_space<vmem>>) target(%dma_start3A_535 : memref<10240x128xf32, #tpu.memory_space<vmem_shared>>) offsets(%dma_start3A_532 : memref<40xi32, #tpu.memory_space<vmem>>) semaphore(%dma_start3A_537 : memref<!tpu.dma_semaphore, #tpu.memory_space<semaphore_mem>>) {add = true}
      %mul3A_538 = arith.constant 5 : i32
      %mul3A_539 = arith.muli %scan3A_367, %mul3A_538 : i32
      %add3A_540 = arith.constant 3 : i32
      %add3A_541 = arith.addi %mul3A_539, %add3A_540 : i32
      %dma_wait3A_542 = arith.constant 3 : i32
      %dma_wait3A_543 = tpu.memref_slice %arg7[%mul3A_448] : memref<10000xi32, #tpu.memory_space<vmem>> -> memref<40xi32, #tpu.memory_space<vmem>>
      %dma_wait3A_544 = arith.constant 0 : i32
      %dma_wait3A_545 = arith.constant 0 : i32
      %dma_wait3A_546 = tpu.memref_slice %arg2[%dma_wait3A_544, %dma_wait3A_545] : memref<10000x128xf32, #tpu.memory_space<hbm>> -> memref<10000x128xf32, #tpu.memory_space<hbm>>
      %dma_wait3A_547 = tpu.memref_slice %arg14[%dma_wait3A_542] : memref<5x!tpu.dma_semaphore, #tpu.memory_space<semaphore_mem>> -> memref<1x!tpu.dma_semaphore, #tpu.memory_space<semaphore_mem>>
      %dma_wait3A_548 = tpu.memref_squeeze %dma_wait3A_547 : memref<1x!tpu.dma_semaphore, #tpu.memory_space<semaphore_mem>> -> memref<!tpu.dma_semaphore, #tpu.memory_space<semaphore_mem>>
      tpu.wait_indirect_dma semaphore(%dma_wait3A_548 : memref<!tpu.dma_semaphore, #tpu.memory_space<semaphore_mem>>) src(%dma_wait3A_546 : memref<10000x128xf32, #tpu.memory_space<hbm>>) dst(%arg12 : memref<40x128xf32, #tpu.memory_space<vmem>>)
      %mul3A_549 = arith.constant 40 : i32
      %mul3A_550 = arith.muli %add3A_541, %mul3A_549 : i32
      %dma_start3A_551 = arith.constant 3 : i32
      %dma_start3A_552 = tpu.memref_slice %arg8[%mul3A_550] : memref<10000xi32, #tpu.memory_space<vmem>> -> memref<40xi32, #tpu.memory_space<vmem>>
      %dma_start3A_553 = arith.constant 0 : i32
      %dma_start3A_554 = arith.constant 0 : i32
      %dma_start3A_555 = tpu.memref_slice %arg6[%dma_start3A_553, %dma_start3A_554] : memref<10240x128xf32, #tpu.memory_space<vmem_shared>> -> memref<10240x128xf32, #tpu.memory_space<vmem_shared>>
      %dma_start3A_556 = tpu.memref_slice %arg15[%dma_start3A_551] : memref<5x!tpu.dma_semaphore, #tpu.memory_space<semaphore_mem>> -> memref<1x!tpu.dma_semaphore, #tpu.memory_space<semaphore_mem>>
      %dma_start3A_557 = tpu.memref_squeeze %dma_start3A_556 : memref<1x!tpu.dma_semaphore, #tpu.memory_space<semaphore_mem>> -> memref<!tpu.dma_semaphore, #tpu.memory_space<semaphore_mem>>
      tpu.enqueue_indirect_dma source(%arg12 : memref<40x128xf32, #tpu.memory_space<vmem>>) target(%dma_start3A_555 : memref<10240x128xf32, #tpu.memory_space<vmem_shared>>) offsets(%dma_start3A_552 : memref<40xi32, #tpu.memory_space<vmem>>) semaphore(%dma_start3A_557 : memref<!tpu.dma_semaphore, #tpu.memory_space<semaphore_mem>>) {add = true}
      %mul3A_558 = arith.constant 5 : i32
      %mul3A_559 = arith.muli %scan3A_367, %mul3A_558 : i32
      %add3A_560 = arith.constant 4 : i32
      %add3A_561 = arith.addi %mul3A_559, %add3A_560 : i32
      %dma_wait3A_562 = arith.constant 4 : i32
      %dma_wait3A_563 = tpu.memref_slice %arg7[%mul3A_470] : memref<10000xi32, #tpu.memory_space<vmem>> -> memref<40xi32, #tpu.memory_space<vmem>>
      %dma_wait3A_564 = arith.constant 0 : i32
      %dma_wait3A_565 = arith.constant 0 : i32
      %dma_wait3A_566 = tpu.memref_slice %arg2[%dma_wait3A_564, %dma_wait3A_565] : memref<10000x128xf32, #tpu.memory_space<hbm>> -> memref<10000x128xf32, #tpu.memory_space<hbm>>
      %dma_wait3A_567 = tpu.memref_slice %arg14[%dma_wait3A_562] : memref<5x!tpu.dma_semaphore, #tpu.memory_space<semaphore_mem>> -> memref<1x!tpu.dma_semaphore, #tpu.memory_space<semaphore_mem>>
      %dma_wait3A_568 = tpu.memref_squeeze %dma_wait3A_567 : memref<1x!tpu.dma_semaphore, #tpu.memory_space<semaphore_mem>> -> memref<!tpu.dma_semaphore, #tpu.memory_space<semaphore_mem>>
      tpu.wait_indirect_dma semaphore(%dma_wait3A_568 : memref<!tpu.dma_semaphore, #tpu.memory_space<semaphore_mem>>) src(%dma_wait3A_566 : memref<10000x128xf32, #tpu.memory_space<hbm>>) dst(%arg13 : memref<40x128xf32, #tpu.memory_space<vmem>>)
      %mul3A_569 = arith.constant 40 : i32
      %mul3A_570 = arith.muli %add3A_561, %mul3A_569 : i32
      %dma_start3A_571 = arith.constant 4 : i32
      %dma_start3A_572 = tpu.memref_slice %arg8[%mul3A_570] : memref<10000xi32, #tpu.memory_space<vmem>> -> memref<40xi32, #tpu.memory_space<vmem>>
      %dma_start3A_573 = arith.constant 0 : i32
      %dma_start3A_574 = arith.constant 0 : i32
      %dma_start3A_575 = tpu.memref_slice %arg6[%dma_start3A_573, %dma_start3A_574] : memref<10240x128xf32, #tpu.memory_space<vmem_shared>> -> memref<10240x128xf32, #tpu.memory_space<vmem_shared>>
      %dma_start3A_576 = tpu.memref_slice %arg15[%dma_start3A_571] : memref<5x!tpu.dma_semaphore, #tpu.memory_space<semaphore_mem>> -> memref<1x!tpu.dma_semaphore, #tpu.memory_space<semaphore_mem>>
      %dma_start3A_577 = tpu.memref_squeeze %dma_start3A_576 : memref<1x!tpu.dma_semaphore, #tpu.memory_space<semaphore_mem>> -> memref<!tpu.dma_semaphore, #tpu.memory_space<semaphore_mem>>
      tpu.enqueue_indirect_dma source(%arg13 : memref<40x128xf32, #tpu.memory_space<vmem>>) target(%dma_start3A_575 : memref<10240x128xf32, #tpu.memory_space<vmem_shared>>) offsets(%dma_start3A_572 : memref<40xi32, #tpu.memory_space<vmem>>) semaphore(%dma_start3A_577 : memref<!tpu.dma_semaphore, #tpu.memory_space<semaphore_mem>>) {add = true}
    }
    %scan3A_146 = arith.constant 49 : i32
    %dma_wait3A_147 = arith.constant 0 : i32
    %dma_wait3A_148 = arith.constant 0 : i32
    %dma_wait3A_149 = arith.constant 0 : i32
    %dma_wait3A_150 = tpu.memref_slice %arg2[%dma_wait3A_148, %dma_wait3A_149] : memref<10000x128xf32, #tpu.memory_space<hbm>> -> memref<40x128xf32, #tpu.memory_space<hbm>>
    %dma_wait3A_151 = tpu.memref_slice %arg15[%dma_wait3A_147] : memref<5x!tpu.dma_semaphore, #tpu.memory_space<semaphore_mem>> -> memref<1x!tpu.dma_semaphore, #tpu.memory_space<semaphore_mem>>
    %dma_wait3A_152 = tpu.memref_squeeze %dma_wait3A_151 : memref<1x!tpu.dma_semaphore, #tpu.memory_space<semaphore_mem>> -> memref<!tpu.dma_semaphore, #tpu.memory_space<semaphore_mem>>
    %dma_wait3A_153 = arith.constant 0 : i32
    %dma_wait3A_154 = arith.constant 0 : i32
    %dma_wait3A_155 = tpu.memref_slice %arg2[%dma_wait3A_153, %dma_wait3A_154] : memref<10000x128xf32, #tpu.memory_space<hbm>> -> memref<40x128xf32, #tpu.memory_space<hbm>>
    tpu.wait_dma2 semaphore(%dma_wait3A_152 : memref<!tpu.dma_semaphore, #tpu.memory_space<semaphore_mem>>) src(%dma_wait3A_155 : memref<40x128xf32, #tpu.memory_space<hbm>>) dst(%arg9 : memref<40x128xf32, #tpu.memory_space<vmem>>)
    %dma_wait3A_156 = arith.constant 1 : i32
    %dma_wait3A_157 = arith.constant 0 : i32
    %dma_wait3A_158 = arith.constant 0 : i32
    %dma_wait3A_159 = tpu.memref_slice %arg2[%dma_wait3A_157, %dma_wait3A_158] : memref<10000x128xf32, #tpu.memory_space<hbm>> -> memref<40x128xf32, #tpu.memory_space<hbm>>
    %dma_wait3A_160 = tpu.memref_slice %arg15[%dma_wait3A_156] : memref<5x!tpu.dma_semaphore, #tpu.memory_space<semaphore_mem>> -> memref<1x!tpu.dma_semaphore, #tpu.memory_space<semaphore_mem>>
    %dma_wait3A_161 = tpu.memref_squeeze %dma_wait3A_160 : memref<1x!tpu.dma_semaphore, #tpu.memory_space<semaphore_mem>> -> memref<!tpu.dma_semaphore, #tpu.memory_space<semaphore_mem>>
    %dma_wait3A_162 = arith.constant 0 : i32
    %dma_wait3A_163 = arith.constant 0 : i32
    %dma_wait3A_164 = tpu.memref_slice %arg2[%dma_wait3A_162, %dma_wait3A_163] : memref<10000x128xf32, #tpu.memory_space<hbm>> -> memref<40x128xf32, #tpu.memory_space<hbm>>
    tpu.wait_dma2 semaphore(%dma_wait3A_161 : memref<!tpu.dma_semaphore, #tpu.memory_space<semaphore_mem>>) src(%dma_wait3A_164 : memref<40x128xf32, #tpu.memory_space<hbm>>) dst(%arg10 : memref<40x128xf32, #tpu.memory_space<vmem>>)
    %dma_wait3A_165 = arith.constant 2 : i32
    %dma_wait3A_166 = arith.constant 0 : i32
    %dma_wait3A_167 = arith.constant 0 : i32
    %dma_wait3A_168 = tpu.memref_slice %arg2[%dma_wait3A_166, %dma_wait3A_167] : memref<10000x128xf32, #tpu.memory_space<hbm>> -> memref<40x128xf32, #tpu.memory_space<hbm>>
    %dma_wait3A_169 = tpu.memref_slice %arg15[%dma_wait3A_165] : memref<5x!tpu.dma_semaphore, #tpu.memory_space<semaphore_mem>> -> memref<1x!tpu.dma_semaphore, #tpu.memory_space<semaphore_mem>>
    %dma_wait3A_170 = tpu.memref_squeeze %dma_wait3A_169 : memref<1x!tpu.dma_semaphore, #tpu.memory_space<semaphore_mem>> -> memref<!tpu.dma_semaphore, #tpu.memory_space<semaphore_mem>>
    %dma_wait3A_171 = arith.constant 0 : i32
    %dma_wait3A_172 = arith.constant 0 : i32
    %dma_wait3A_173 = tpu.memref_slice %arg2[%dma_wait3A_171, %dma_wait3A_172] : memref<10000x128xf32, #tpu.memory_space<hbm>> -> memref<40x128xf32, #tpu.memory_space<hbm>>
    tpu.wait_dma2 semaphore(%dma_wait3A_170 : memref<!tpu.dma_semaphore, #tpu.memory_space<semaphore_mem>>) src(%dma_wait3A_173 : memref<40x128xf32, #tpu.memory_space<hbm>>) dst(%arg11 : memref<40x128xf32, #tpu.memory_space<vmem>>)
    %dma_wait3A_174 = arith.constant 3 : i32
    %dma_wait3A_175 = arith.constant 0 : i32
    %dma_wait3A_176 = arith.constant 0 : i32
    %dma_wait3A_177 = tpu.memref_slice %arg2[%dma_wait3A_175, %dma_wait3A_176] : memref<10000x128xf32, #tpu.memory_space<hbm>> -> memref<40x128xf32, #tpu.memory_space<hbm>>
    %dma_wait3A_178 = tpu.memref_slice %arg15[%dma_wait3A_174] : memref<5x!tpu.dma_semaphore, #tpu.memory_space<semaphore_mem>> -> memref<1x!tpu.dma_semaphore, #tpu.memory_space<semaphore_mem>>
    %dma_wait3A_179 = tpu.memref_squeeze %dma_wait3A_178 : memref<1x!tpu.dma_semaphore, #tpu.memory_space<semaphore_mem>> -> memref<!tpu.dma_semaphore, #tpu.memory_space<semaphore_mem>>
    %dma_wait3A_180 = arith.constant 0 : i32
    %dma_wait3A_181 = arith.constant 0 : i32
    %dma_wait3A_182 = tpu.memref_slice %arg2[%dma_wait3A_180, %dma_wait3A_181] : memref<10000x128xf32, #tpu.memory_space<hbm>> -> memref<40x128xf32, #tpu.memory_space<hbm>>
    tpu.wait_dma2 semaphore(%dma_wait3A_179 : memref<!tpu.dma_semaphore, #tpu.memory_space<semaphore_mem>>) src(%dma_wait3A_182 : memref<40x128xf32, #tpu.memory_space<hbm>>) dst(%arg12 : memref<40x128xf32, #tpu.memory_space<vmem>>)
    %dma_wait3A_183 = arith.constant 4 : i32
    %dma_wait3A_184 = arith.constant 0 : i32
    %dma_wait3A_185 = arith.constant 0 : i32
    %dma_wait3A_186 = tpu.memref_slice %arg2[%dma_wait3A_184, %dma_wait3A_185] : memref<10000x128xf32, #tpu.memory_space<hbm>> -> memref<40x128xf32, #tpu.memory_space<hbm>>
    %dma_wait3A_187 = tpu.memref_slice %arg15[%dma_wait3A_183] : memref<5x!tpu.dma_semaphore, #tpu.memory_space<semaphore_mem>> -> memref<1x!tpu.dma_semaphore, #tpu.memory_space<semaphore_mem>>
    %dma_wait3A_188 = tpu.memref_squeeze %dma_wait3A_187 : memref<1x!tpu.dma_semaphore, #tpu.memory_space<semaphore_mem>> -> memref<!tpu.dma_semaphore, #tpu.memory_space<semaphore_mem>>
    %dma_wait3A_189 = arith.constant 0 : i32
    %dma_wait3A_190 = arith.constant 0 : i32
    %dma_wait3A_191 = tpu.memref_slice %arg2[%dma_wait3A_189, %dma_wait3A_190] : memref<10000x128xf32, #tpu.memory_space<hbm>> -> memref<40x128xf32, #tpu.memory_space<hbm>>
    tpu.wait_dma2 semaphore(%dma_wait3A_188 : memref<!tpu.dma_semaphore, #tpu.memory_space<semaphore_mem>>) src(%dma_wait3A_191 : memref<40x128xf32, #tpu.memory_space<hbm>>) dst(%arg13 : memref<40x128xf32, #tpu.memory_space<vmem>>)
    %barrier3A_192 = arith.constant 0 : index
    tpu.barrier barrier_id(%barrier3A_192)
    %mul3A_193 = arith.constant 640 : i32
    %mul3A_194 = arith.muli %arg1, %mul3A_193 : i32
    %add3A_195 = arith.constant 0 : i32
    %add3A_196 = arith.addi %mul3A_194, %add3A_195 : i32
    %dma_start3A_197 = arith.constant 0 : i32
    %dma_start3A_198 = arith.constant 0 : i32
    %dma_start3A_199 = tpu.memref_slice %arg6[%add3A_196, %dma_start3A_198] : memref<10240x128xf32, #tpu.memory_space<vmem_shared>> -> memref<40x128xf32, #tpu.memory_space<vmem_shared>>
    %dma_start3A_200 = tpu.memref_slice %arg14[%dma_start3A_197] : memref<5x!tpu.dma_semaphore, #tpu.memory_space<semaphore_mem>> -> memref<1x!tpu.dma_semaphore, #tpu.memory_space<semaphore_mem>>
    %dma_start3A_201 = tpu.memref_squeeze %dma_start3A_200 : memref<1x!tpu.dma_semaphore, #tpu.memory_space<semaphore_mem>> -> memref<!tpu.dma_semaphore, #tpu.memory_space<semaphore_mem>>
    %dma_start3A_202 = arith.constant 0 : i32
    %dma_start3A_203 = tpu.memref_slice %arg6[%add3A_196, %dma_start3A_202] : memref<10240x128xf32, #tpu.memory_space<vmem_shared>> -> memref<40x128xf32, #tpu.memory_space<vmem_shared>>
    tpu.enqueue_dma source(%dma_start3A_203 : memref<40x128xf32, #tpu.memory_space<vmem_shared>>) target(%arg9 : memref<40x128xf32, #tpu.memory_space<vmem>>) target_semaphore(%dma_start3A_201 : memref<!tpu.dma_semaphore, #tpu.memory_space<semaphore_mem>>)
    %mul3A_204 = arith.constant 640 : i32
    %mul3A_205 = arith.muli %arg1, %mul3A_204 : i32
    %add3A_206 = arith.constant 40 : i32
    %add3A_207 = arith.addi %mul3A_205, %add3A_206 : i32
    %dma_start3A_208 = arith.constant 1 : i32
    %dma_start3A_209 = arith.constant 0 : i32
    %dma_start3A_210 = tpu.memref_slice %arg6[%add3A_207, %dma_start3A_209] : memref<10240x128xf32, #tpu.memory_space<vmem_shared>> -> memref<40x128xf32, #tpu.memory_space<vmem_shared>>
    %dma_start3A_211 = tpu.memref_slice %arg14[%dma_start3A_208] : memref<5x!tpu.dma_semaphore, #tpu.memory_space<semaphore_mem>> -> memref<1x!tpu.dma_semaphore, #tpu.memory_space<semaphore_mem>>
    %dma_start3A_212 = tpu.memref_squeeze %dma_start3A_211 : memref<1x!tpu.dma_semaphore, #tpu.memory_space<semaphore_mem>> -> memref<!tpu.dma_semaphore, #tpu.memory_space<semaphore_mem>>
    %dma_start3A_213 = arith.constant 0 : i32
    %dma_start3A_214 = tpu.memref_slice %arg6[%add3A_207, %dma_start3A_213] : memref<10240x128xf32, #tpu.memory_space<vmem_shared>> -> memref<40x128xf32, #tpu.memory_space<vmem_shared>>
    tpu.enqueue_dma source(%dma_start3A_214 : memref<40x128xf32, #tpu.memory_space<vmem_shared>>) target(%arg10 : memref<40x128xf32, #tpu.memory_space<vmem>>) target_semaphore(%dma_start3A_212 : memref<!tpu.dma_semaphore, #tpu.memory_space<semaphore_mem>>)
    %mul3A_215 = arith.constant 640 : i32
    %mul3A_216 = arith.muli %arg1, %mul3A_215 : i32
    %add3A_217 = arith.constant 80 : i32
    %add3A_218 = arith.addi %mul3A_216, %add3A_217 : i32
    %dma_start3A_219 = arith.constant 2 : i32
    %dma_start3A_220 = arith.constant 0 : i32
    %dma_start3A_221 = tpu.memref_slice %arg6[%add3A_218, %dma_start3A_220] : memref<10240x128xf32, #tpu.memory_space<vmem_shared>> -> memref<40x128xf32, #tpu.memory_space<vmem_shared>>
    %dma_start3A_222 = tpu.memref_slice %arg14[%dma_start3A_219] : memref<5x!tpu.dma_semaphore, #tpu.memory_space<semaphore_mem>> -> memref<1x!tpu.dma_semaphore, #tpu.memory_space<semaphore_mem>>
    %dma_start3A_223 = tpu.memref_squeeze %dma_start3A_222 : memref<1x!tpu.dma_semaphore, #tpu.memory_space<semaphore_mem>> -> memref<!tpu.dma_semaphore, #tpu.memory_space<semaphore_mem>>
    %dma_start3A_224 = arith.constant 0 : i32
    %dma_start3A_225 = tpu.memref_slice %arg6[%add3A_218, %dma_start3A_224] : memref<10240x128xf32, #tpu.memory_space<vmem_shared>> -> memref<40x128xf32, #tpu.memory_space<vmem_shared>>
    tpu.enqueue_dma source(%dma_start3A_225 : memref<40x128xf32, #tpu.memory_space<vmem_shared>>) target(%arg11 : memref<40x128xf32, #tpu.memory_space<vmem>>) target_semaphore(%dma_start3A_223 : memref<!tpu.dma_semaphore, #tpu.memory_space<semaphore_mem>>)
    %mul3A_226 = arith.constant 640 : i32
    %mul3A_227 = arith.muli %arg1, %mul3A_226 : i32
    %add3A_228 = arith.constant 120 : i32
    %add3A_229 = arith.addi %mul3A_227, %add3A_228 : i32
    %dma_start3A_230 = arith.constant 3 : i32
    %dma_start3A_231 = arith.constant 0 : i32
    %dma_start3A_232 = tpu.memref_slice %arg6[%add3A_229, %dma_start3A_231] : memref<10240x128xf32, #tpu.memory_space<vmem_shared>> -> memref<40x128xf32, #tpu.memory_space<vmem_shared>>
    %dma_start3A_233 = tpu.memref_slice %arg14[%dma_start3A_230] : memref<5x!tpu.dma_semaphore, #tpu.memory_space<semaphore_mem>> -> memref<1x!tpu.dma_semaphore, #tpu.memory_space<semaphore_mem>>
    %dma_start3A_234 = tpu.memref_squeeze %dma_start3A_233 : memref<1x!tpu.dma_semaphore, #tpu.memory_space<semaphore_mem>> -> memref<!tpu.dma_semaphore, #tpu.memory_space<semaphore_mem>>
    %dma_start3A_235 = arith.constant 0 : i32
    %dma_start3A_236 = tpu.memref_slice %arg6[%add3A_229, %dma_start3A_235] : memref<10240x128xf32, #tpu.memory_space<vmem_shared>> -> memref<40x128xf32, #tpu.memory_space<vmem_shared>>
    tpu.enqueue_dma source(%dma_start3A_236 : memref<40x128xf32, #tpu.memory_space<vmem_shared>>) target(%arg12 : memref<40x128xf32, #tpu.memory_space<vmem>>) target_semaphore(%dma_start3A_234 : memref<!tpu.dma_semaphore, #tpu.memory_space<semaphore_mem>>)
    %mul3A_237 = arith.constant 640 : i32
    %mul3A_238 = arith.muli %arg1, %mul3A_237 : i32
    %add3A_239 = arith.constant 0 : i32
    %add3A_240 = arith.addi %mul3A_238, %add3A_239 : i32
    %dma_wait3A_241 = arith.constant 0 : i32
    %dma_wait3A_242 = arith.constant 0 : i32
    %dma_wait3A_243 = arith.constant 0 : i32
    %dma_wait3A_244 = tpu.memref_slice %arg2[%dma_wait3A_242, %dma_wait3A_243] : memref<10000x128xf32, #tpu.memory_space<hbm>> -> memref<40x128xf32, #tpu.memory_space<hbm>>
    %dma_wait3A_245 = tpu.memref_slice %arg14[%dma_wait3A_241] : memref<5x!tpu.dma_semaphore, #tpu.memory_space<semaphore_mem>> -> memref<1x!tpu.dma_semaphore, #tpu.memory_space<semaphore_mem>>
    %dma_wait3A_246 = tpu.memref_squeeze %dma_wait3A_245 : memref<1x!tpu.dma_semaphore, #tpu.memory_space<semaphore_mem>> -> memref<!tpu.dma_semaphore, #tpu.memory_space<semaphore_mem>>
    %dma_wait3A_247 = arith.constant 0 : i32
    %dma_wait3A_248 = arith.constant 0 : i32
    %dma_wait3A_249 = tpu.memref_slice %arg2[%dma_wait3A_247, %dma_wait3A_248] : memref<10000x128xf32, #tpu.memory_space<hbm>> -> memref<40x128xf32, #tpu.memory_space<hbm>>
    tpu.wait_dma2 semaphore(%dma_wait3A_246 : memref<!tpu.dma_semaphore, #tpu.memory_space<semaphore_mem>>) src(%dma_wait3A_249 : memref<40x128xf32, #tpu.memory_space<hbm>>) dst(%arg9 : memref<40x128xf32, #tpu.memory_space<vmem>>)
    %dma_start3A_250 = arith.constant 0 : i32
    %dma_start3A_251 = arith.constant 0 : i32
    %dma_start3A_252 = tpu.memref_slice %arg5[%arg0, %add3A_240, %dma_start3A_251] : memref<2x10240x128xf32, #tpu.memory_space<hbm>> -> memref<1x40x128xf32, #tpu.memory_space<hbm>>
    %dma_start3A_253 = tpu.memref_squeeze %dma_start3A_252 : memref<1x40x128xf32, #tpu.memory_space<hbm>> -> memref<40x128xf32, #tpu.memory_space<hbm>>
    %dma_start3A_254 = tpu.memref_slice %arg15[%dma_start3A_250] : memref<5x!tpu.dma_semaphore, #tpu.memory_space<semaphore_mem>> -> memref<1x!tpu.dma_semaphore, #tpu.memory_space<semaphore_mem>>
    %dma_start3A_255 = tpu.memref_squeeze %dma_start3A_254 : memref<1x!tpu.dma_semaphore, #tpu.memory_space<semaphore_mem>> -> memref<!tpu.dma_semaphore, #tpu.memory_space<semaphore_mem>>
    %dma_start3A_256 = arith.constant 0 : i32
    %dma_start3A_257 = tpu.memref_slice %arg5[%arg0, %add3A_240, %dma_start3A_256] : memref<2x10240x128xf32, #tpu.memory_space<hbm>> -> memref<1x40x128xf32, #tpu.memory_space<hbm>>
    %dma_start3A_258 = tpu.memref_squeeze %dma_start3A_257 : memref<1x40x128xf32, #tpu.memory_space<hbm>> -> memref<40x128xf32, #tpu.memory_space<hbm>>
    tpu.enqueue_dma source(%arg9 : memref<40x128xf32, #tpu.memory_space<vmem>>) target(%dma_start3A_258 : memref<40x128xf32, #tpu.memory_space<hbm>>) target_semaphore(%dma_start3A_255 : memref<!tpu.dma_semaphore, #tpu.memory_space<semaphore_mem>>)
    %mul3A_259 = arith.constant 640 : i32
    %mul3A_260 = arith.muli %arg1, %mul3A_259 : i32
    %add3A_261 = arith.constant 40 : i32
    %add3A_262 = arith.addi %mul3A_260, %add3A_261 : i32
    %dma_wait3A_263 = arith.constant 1 : i32
    %dma_wait3A_264 = arith.constant 0 : i32
    %dma_wait3A_265 = arith.constant 0 : i32
    %dma_wait3A_266 = tpu.memref_slice %arg2[%dma_wait3A_264, %dma_wait3A_265] : memref<10000x128xf32, #tpu.memory_space<hbm>> -> memref<40x128xf32, #tpu.memory_space<hbm>>
    %dma_wait3A_267 = tpu.memref_slice %arg14[%dma_wait3A_263] : memref<5x!tpu.dma_semaphore, #tpu.memory_space<semaphore_mem>> -> memref<1x!tpu.dma_semaphore, #tpu.memory_space<semaphore_mem>>
    %dma_wait3A_268 = tpu.memref_squeeze %dma_wait3A_267 : memref<1x!tpu.dma_semaphore, #tpu.memory_space<semaphore_mem>> -> memref<!tpu.dma_semaphore, #tpu.memory_space<semaphore_mem>>
    %dma_wait3A_269 = arith.constant 0 : i32
    %dma_wait3A_270 = arith.constant 0 : i32
    %dma_wait3A_271 = tpu.memref_slice %arg2[%dma_wait3A_269, %dma_wait3A_270] : memref<10000x128xf32, #tpu.memory_space<hbm>> -> memref<40x128xf32, #tpu.memory_space<hbm>>
    tpu.wait_dma2 semaphore(%dma_wait3A_268 : memref<!tpu.dma_semaphore, #tpu.memory_space<semaphore_mem>>) src(%dma_wait3A_271 : memref<40x128xf32, #tpu.memory_space<hbm>>) dst(%arg10 : memref<40x128xf32, #tpu.memory_space<vmem>>)
    %dma_start3A_272 = arith.constant 1 : i32
    %dma_start3A_273 = arith.constant 0 : i32
    %dma_start3A_274 = tpu.memref_slice %arg5[%arg0, %add3A_262, %dma_start3A_273] : memref<2x10240x128xf32, #tpu.memory_space<hbm>> -> memref<1x40x128xf32, #tpu.memory_space<hbm>>
    %dma_start3A_275 = tpu.memref_squeeze %dma_start3A_274 : memref<1x40x128xf32, #tpu.memory_space<hbm>> -> memref<40x128xf32, #tpu.memory_space<hbm>>
    %dma_start3A_276 = tpu.memref_slice %arg15[%dma_start3A_272] : memref<5x!tpu.dma_semaphore, #tpu.memory_space<semaphore_mem>> -> memref<1x!tpu.dma_semaphore, #tpu.memory_space<semaphore_mem>>
    %dma_start3A_277 = tpu.memref_squeeze %dma_start3A_276 : memref<1x!tpu.dma_semaphore, #tpu.memory_space<semaphore_mem>> -> memref<!tpu.dma_semaphore, #tpu.memory_space<semaphore_mem>>
    %dma_start3A_278 = arith.constant 0 : i32
    %dma_start3A_279 = tpu.memref_slice %arg5[%arg0, %add3A_262, %dma_start3A_278] : memref<2x10240x128xf32, #tpu.memory_space<hbm>> -> memref<1x40x128xf32, #tpu.memory_space<hbm>>
    %dma_start3A_280 = tpu.memref_squeeze %dma_start3A_279 : memref<1x40x128xf32, #tpu.memory_space<hbm>> -> memref<40x128xf32, #tpu.memory_space<hbm>>
    tpu.enqueue_dma source(%arg10 : memref<40x128xf32, #tpu.memory_space<vmem>>) target(%dma_start3A_280 : memref<40x128xf32, #tpu.memory_space<hbm>>) target_semaphore(%dma_start3A_277 : memref<!tpu.dma_semaphore, #tpu.memory_space<semaphore_mem>>)
    %mul3A_281 = arith.constant 640 : i32
    %mul3A_282 = arith.muli %arg1, %mul3A_281 : i32
    %add3A_283 = arith.constant 80 : i32
    %add3A_284 = arith.addi %mul3A_282, %add3A_283 : i32
    %dma_wait3A_285 = arith.constant 2 : i32
    %dma_wait3A_286 = arith.constant 0 : i32
    %dma_wait3A_287 = arith.constant 0 : i32
    %dma_wait3A_288 = tpu.memref_slice %arg2[%dma_wait3A_286, %dma_wait3A_287] : memref<10000x128xf32, #tpu.memory_space<hbm>> -> memref<40x128xf32, #tpu.memory_space<hbm>>
    %dma_wait3A_289 = tpu.memref_slice %arg14[%dma_wait3A_285] : memref<5x!tpu.dma_semaphore, #tpu.memory_space<semaphore_mem>> -> memref<1x!tpu.dma_semaphore, #tpu.memory_space<semaphore_mem>>
    %dma_wait3A_290 = tpu.memref_squeeze %dma_wait3A_289 : memref<1x!tpu.dma_semaphore, #tpu.memory_space<semaphore_mem>> -> memref<!tpu.dma_semaphore, #tpu.memory_space<semaphore_mem>>
    %dma_wait3A_291 = arith.constant 0 : i32
    %dma_wait3A_292 = arith.constant 0 : i32
    %dma_wait3A_293 = tpu.memref_slice %arg2[%dma_wait3A_291, %dma_wait3A_292] : memref<10000x128xf32, #tpu.memory_space<hbm>> -> memref<40x128xf32, #tpu.memory_space<hbm>>
    tpu.wait_dma2 semaphore(%dma_wait3A_290 : memref<!tpu.dma_semaphore, #tpu.memory_space<semaphore_mem>>) src(%dma_wait3A_293 : memref<40x128xf32, #tpu.memory_space<hbm>>) dst(%arg11 : memref<40x128xf32, #tpu.memory_space<vmem>>)
    %dma_start3A_294 = arith.constant 2 : i32
    %dma_start3A_295 = arith.constant 0 : i32
    %dma_start3A_296 = tpu.memref_slice %arg5[%arg0, %add3A_284, %dma_start3A_295] : memref<2x10240x128xf32, #tpu.memory_space<hbm>> -> memref<1x40x128xf32, #tpu.memory_space<hbm>>
    %dma_start3A_297 = tpu.memref_squeeze %dma_start3A_296 : memref<1x40x128xf32, #tpu.memory_space<hbm>> -> memref<40x128xf32, #tpu.memory_space<hbm>>
    %dma_start3A_298 = tpu.memref_slice %arg15[%dma_start3A_294] : memref<5x!tpu.dma_semaphore, #tpu.memory_space<semaphore_mem>> -> memref<1x!tpu.dma_semaphore, #tpu.memory_space<semaphore_mem>>
    %dma_start3A_299 = tpu.memref_squeeze %dma_start3A_298 : memref<1x!tpu.dma_semaphore, #tpu.memory_space<semaphore_mem>> -> memref<!tpu.dma_semaphore, #tpu.memory_space<semaphore_mem>>
    %dma_start3A_300 = arith.constant 0 : i32
    %dma_start3A_301 = tpu.memref_slice %arg5[%arg0, %add3A_284, %dma_start3A_300] : memref<2x10240x128xf32, #tpu.memory_space<hbm>> -> memref<1x40x128xf32, #tpu.memory_space<hbm>>
    %dma_start3A_302 = tpu.memref_squeeze %dma_start3A_301 : memref<1x40x128xf32, #tpu.memory_space<hbm>> -> memref<40x128xf32, #tpu.memory_space<hbm>>
    tpu.enqueue_dma source(%arg11 : memref<40x128xf32, #tpu.memory_space<vmem>>) target(%dma_start3A_302 : memref<40x128xf32, #tpu.memory_space<hbm>>) target_semaphore(%dma_start3A_299 : memref<!tpu.dma_semaphore, #tpu.memory_space<semaphore_mem>>)
    %mul3A_303 = arith.constant 640 : i32
    %mul3A_304 = arith.muli %arg1, %mul3A_303 : i32
    %add3A_305 = arith.constant 120 : i32
    %add3A_306 = arith.addi %mul3A_304, %add3A_305 : i32
    %dma_wait3A_307 = arith.constant 3 : i32
    %dma_wait3A_308 = arith.constant 0 : i32
    %dma_wait3A_309 = arith.constant 0 : i32
    %dma_wait3A_310 = tpu.memref_slice %arg2[%dma_wait3A_308, %dma_wait3A_309] : memref<10000x128xf32, #tpu.memory_space<hbm>> -> memref<40x128xf32, #tpu.memory_space<hbm>>
    %dma_wait3A_311 = tpu.memref_slice %arg14[%dma_wait3A_307] : memref<5x!tpu.dma_semaphore, #tpu.memory_space<semaphore_mem>> -> memref<1x!tpu.dma_semaphore, #tpu.memory_space<semaphore_mem>>
    %dma_wait3A_312 = tpu.memref_squeeze %dma_wait3A_311 : memref<1x!tpu.dma_semaphore, #tpu.memory_space<semaphore_mem>> -> memref<!tpu.dma_semaphore, #tpu.memory_space<semaphore_mem>>
    %dma_wait3A_313 = arith.constant 0 : i32
    %dma_wait3A_314 = arith.constant 0 : i32
    %dma_wait3A_315 = tpu.memref_slice %arg2[%dma_wait3A_313, %dma_wait3A_314] : memref<10000x128xf32, #tpu.memory_space<hbm>> -> memref<40x128xf32, #tpu.memory_space<hbm>>
    tpu.wait_dma2 semaphore(%dma_wait3A_312 : memref<!tpu.dma_semaphore, #tpu.memory_space<semaphore_mem>>) src(%dma_wait3A_315 : memref<40x128xf32, #tpu.memory_space<hbm>>) dst(%arg12 : memref<40x128xf32, #tpu.memory_space<vmem>>)
    %dma_start3A_316 = arith.constant 3 : i32
    %dma_start3A_317 = arith.constant 0 : i32
    %dma_start3A_318 = tpu.memref_slice %arg5[%arg0, %add3A_306, %dma_start3A_317] : memref<2x10240x128xf32, #tpu.memory_space<hbm>> -> memref<1x40x128xf32, #tpu.memory_space<hbm>>
    %dma_start3A_319 = tpu.memref_squeeze %dma_start3A_318 : memref<1x40x128xf32, #tpu.memory_space<hbm>> -> memref<40x128xf32, #tpu.memory_space<hbm>>
    %dma_start3A_320 = tpu.memref_slice %arg15[%dma_start3A_316] : memref<5x!tpu.dma_semaphore, #tpu.memory_space<semaphore_mem>> -> memref<1x!tpu.dma_semaphore, #tpu.memory_space<semaphore_mem>>
    %dma_start3A_321 = tpu.memref_squeeze %dma_start3A_320 : memref<1x!tpu.dma_semaphore, #tpu.memory_space<semaphore_mem>> -> memref<!tpu.dma_semaphore, #tpu.memory_space<semaphore_mem>>
    %dma_start3A_322 = arith.constant 0 : i32
    %dma_start3A_323 = tpu.memref_slice %arg5[%arg0, %add3A_306, %dma_start3A_322] : memref<2x10240x128xf32, #tpu.memory_space<hbm>> -> memref<1x40x128xf32, #tpu.memory_space<hbm>>
    %dma_start3A_324 = tpu.memref_squeeze %dma_start3A_323 : memref<1x40x128xf32, #tpu.memory_space<hbm>> -> memref<40x128xf32, #tpu.memory_space<hbm>>
    tpu.enqueue_dma source(%arg12 : memref<40x128xf32, #tpu.memory_space<vmem>>) target(%dma_start3A_324 : memref<40x128xf32, #tpu.memory_space<hbm>>) target_semaphore(%dma_start3A_321 : memref<!tpu.dma_semaphore, #tpu.memory_space<semaphore_mem>>)
    %scan3A_325 = arith.constant 0 : i32
    %scan3A_326 = arith.constant 1 : i32
    %scan3A_327 = arith.constant 3 : i32
    %scan3A_328 = arith.addi %scan3A_326, %scan3A_327 : i32
    %scan3A_329 = arith.constant 1 : i32
    scf.for %scan3A_367 = %scan3A_326 to %scan3A_328 step %scan3A_329  : i32 {
      %mul3A_368 = arith.constant 640 : i32
      %mul3A_369 = arith.muli %arg1, %mul3A_368 : i32
      %mul3A_370 = arith.constant 4 : i32
      %mul3A_371 = arith.muli %scan3A_367, %mul3A_370 : i32
      %add3A_372 = arith.constant 0 : i32
      %add3A_373 = arith.addi %mul3A_371, %add3A_372 : i32
      %mul3A_374 = arith.constant 40 : i32
      %mul3A_375 = arith.muli %add3A_373, %mul3A_374 : i32
      %add3A_376 = arith.addi %mul3A_369, %mul3A_375 : i32
      %dma_wait3A_377 = arith.constant 0 : i32
      %dma_wait3A_378 = arith.constant 0 : i32
      %dma_wait3A_379 = arith.constant 0 : i32
      %dma_wait3A_380 = tpu.memref_slice %arg2[%dma_wait3A_378, %dma_wait3A_379] : memref<10000x128xf32, #tpu.memory_space<hbm>> -> memref<40x128xf32, #tpu.memory_space<hbm>>
      %dma_wait3A_381 = tpu.memref_slice %arg15[%dma_wait3A_377] : memref<5x!tpu.dma_semaphore, #tpu.memory_space<semaphore_mem>> -> memref<1x!tpu.dma_semaphore, #tpu.memory_space<semaphore_mem>>
      %dma_wait3A_382 = tpu.memref_squeeze %dma_wait3A_381 : memref<1x!tpu.dma_semaphore, #tpu.memory_space<semaphore_mem>> -> memref<!tpu.dma_semaphore, #tpu.memory_space<semaphore_mem>>
      %dma_wait3A_383 = arith.constant 0 : i32
      %dma_wait3A_384 = arith.constant 0 : i32
      %dma_wait3A_385 = tpu.memref_slice %arg2[%dma_wait3A_383, %dma_wait3A_384] : memref<10000x128xf32, #tpu.memory_space<hbm>> -> memref<40x128xf32, #tpu.memory_space<hbm>>
      tpu.wait_dma2 semaphore(%dma_wait3A_382 : memref<!tpu.dma_semaphore, #tpu.memory_space<semaphore_mem>>) src(%dma_wait3A_385 : memref<40x128xf32, #tpu.memory_space<hbm>>) dst(%arg9 : memref<40x128xf32, #tpu.memory_space<vmem>>)
      %dma_start3A_386 = arith.constant 0 : i32
      %dma_start3A_387 = arith.constant 0 : i32
      %dma_start3A_388 = tpu.memref_slice %arg6[%add3A_376, %dma_start3A_387] : memref<10240x128xf32, #tpu.memory_space<vmem_shared>> -> memref<40x128xf32, #tpu.memory_space<vmem_shared>>
      %dma_start3A_389 = tpu.memref_slice %arg14[%dma_start3A_386] : memref<5x!tpu.dma_semaphore, #tpu.memory_space<semaphore_mem>> -> memref<1x!tpu.dma_semaphore, #tpu.memory_space<semaphore_mem>>
      %dma_start3A_390 = tpu.memref_squeeze %dma_start3A_389 : memref<1x!tpu.dma_semaphore, #tpu.memory_space<semaphore_mem>> -> memref<!tpu.dma_semaphore, #tpu.memory_space<semaphore_mem>>
      %dma_start3A_391 = arith.constant 0 : i32
      %dma_start3A_392 = tpu.memref_slice %arg6[%add3A_376, %dma_start3A_391] : memref<10240x128xf32, #tpu.memory_space<vmem_shared>> -> memref<40x128xf32, #tpu.memory_space<vmem_shared>>
      tpu.enqueue_dma source(%dma_start3A_392 : memref<40x128xf32, #tpu.memory_space<vmem_shared>>) target(%arg9 : memref<40x128xf32, #tpu.memory_space<vmem>>) target_semaphore(%dma_start3A_390 : memref<!tpu.dma_semaphore, #tpu.memory_space<semaphore_mem>>)
      %mul3A_393 = arith.constant 640 : i32
      %mul3A_394 = arith.muli %arg1, %mul3A_393 : i32
      %mul3A_395 = arith.constant 4 : i32
      %mul3A_396 = arith.muli %scan3A_367, %mul3A_395 : i32
      %add3A_397 = arith.constant 1 : i32
      %add3A_398 = arith.addi %mul3A_396, %add3A_397 : i32
      %mul3A_399 = arith.constant 40 : i32
      %mul3A_400 = arith.muli %add3A_398, %mul3A_399 : i32
      %add3A_401 = arith.addi %mul3A_394, %mul3A_400 : i32
      %dma_wait3A_402 = arith.constant 1 : i32
      %dma_wait3A_403 = arith.constant 0 : i32
      %dma_wait3A_404 = arith.constant 0 : i32
      %dma_wait3A_405 = tpu.memref_slice %arg2[%dma_wait3A_403, %dma_wait3A_404] : memref<10000x128xf32, #tpu.memory_space<hbm>> -> memref<40x128xf32, #tpu.memory_space<hbm>>
      %dma_wait3A_406 = tpu.memref_slice %arg15[%dma_wait3A_402] : memref<5x!tpu.dma_semaphore, #tpu.memory_space<semaphore_mem>> -> memref<1x!tpu.dma_semaphore, #tpu.memory_space<semaphore_mem>>
      %dma_wait3A_407 = tpu.memref_squeeze %dma_wait3A_406 : memref<1x!tpu.dma_semaphore, #tpu.memory_space<semaphore_mem>> -> memref<!tpu.dma_semaphore, #tpu.memory_space<semaphore_mem>>
      %dma_wait3A_408 = arith.constant 0 : i32
      %dma_wait3A_409 = arith.constant 0 : i32
      %dma_wait3A_410 = tpu.memref_slice %arg2[%dma_wait3A_408, %dma_wait3A_409] : memref<10000x128xf32, #tpu.memory_space<hbm>> -> memref<40x128xf32, #tpu.memory_space<hbm>>
      tpu.wait_dma2 semaphore(%dma_wait3A_407 : memref<!tpu.dma_semaphore, #tpu.memory_space<semaphore_mem>>) src(%dma_wait3A_410 : memref<40x128xf32, #tpu.memory_space<hbm>>) dst(%arg10 : memref<40x128xf32, #tpu.memory_space<vmem>>)
      %dma_start3A_411 = arith.constant 1 : i32
      %dma_start3A_412 = arith.constant 0 : i32
      %dma_start3A_413 = tpu.memref_slice %arg6[%add3A_401, %dma_start3A_412] : memref<10240x128xf32, #tpu.memory_space<vmem_shared>> -> memref<40x128xf32, #tpu.memory_space<vmem_shared>>
      %dma_start3A_414 = tpu.memref_slice %arg14[%dma_start3A_411] : memref<5x!tpu.dma_semaphore, #tpu.memory_space<semaphore_mem>> -> memref<1x!tpu.dma_semaphore, #tpu.memory_space<semaphore_mem>>
      %dma_start3A_415 = tpu.memref_squeeze %dma_start3A_414 : memref<1x!tpu.dma_semaphore, #tpu.memory_space<semaphore_mem>> -> memref<!tpu.dma_semaphore, #tpu.memory_space<semaphore_mem>>
      %dma_start3A_416 = arith.constant 0 : i32
      %dma_start3A_417 = tpu.memref_slice %arg6[%add3A_401, %dma_start3A_416] : memref<10240x128xf32, #tpu.memory_space<vmem_shared>> -> memref<40x128xf32, #tpu.memory_space<vmem_shared>>
      tpu.enqueue_dma source(%dma_start3A_417 : memref<40x128xf32, #tpu.memory_space<vmem_shared>>) target(%arg10 : memref<40x128xf32, #tpu.memory_space<vmem>>) target_semaphore(%dma_start3A_415 : memref<!tpu.dma_semaphore, #tpu.memory_space<semaphore_mem>>)
      %mul3A_418 = arith.constant 640 : i32
      %mul3A_419 = arith.muli %arg1, %mul3A_418 : i32
      %mul3A_420 = arith.constant 4 : i32
      %mul3A_421 = arith.muli %scan3A_367, %mul3A_420 : i32
      %add3A_422 = arith.constant 2 : i32
      %add3A_423 = arith.addi %mul3A_421, %add3A_422 : i32
      %mul3A_424 = arith.constant 40 : i32
      %mul3A_425 = arith.muli %add3A_423, %mul3A_424 : i32
      %add3A_426 = arith.addi %mul3A_419, %mul3A_425 : i32
      %dma_wait3A_427 = arith.constant 2 : i32
      %dma_wait3A_428 = arith.constant 0 : i32
      %dma_wait3A_429 = arith.constant 0 : i32
      %dma_wait3A_430 = tpu.memref_slice %arg2[%dma_wait3A_428, %dma_wait3A_429] : memref<10000x128xf32, #tpu.memory_space<hbm>> -> memref<40x128xf32, #tpu.memory_space<hbm>>
      %dma_wait3A_431 = tpu.memref_slice %arg15[%dma_wait3A_427] : memref<5x!tpu.dma_semaphore, #tpu.memory_space<semaphore_mem>> -> memref<1x!tpu.dma_semaphore, #tpu.memory_space<semaphore_mem>>
      %dma_wait3A_432 = tpu.memref_squeeze %dma_wait3A_431 : memref<1x!tpu.dma_semaphore, #tpu.memory_space<semaphore_mem>> -> memref<!tpu.dma_semaphore, #tpu.memory_space<semaphore_mem>>
      %dma_wait3A_433 = arith.constant 0 : i32
      %dma_wait3A_434 = arith.constant 0 : i32
      %dma_wait3A_435 = tpu.memref_slice %arg2[%dma_wait3A_433, %dma_wait3A_434] : memref<10000x128xf32, #tpu.memory_space<hbm>> -> memref<40x128xf32, #tpu.memory_space<hbm>>
      tpu.wait_dma2 semaphore(%dma_wait3A_432 : memref<!tpu.dma_semaphore, #tpu.memory_space<semaphore_mem>>) src(%dma_wait3A_435 : memref<40x128xf32, #tpu.memory_space<hbm>>) dst(%arg11 : memref<40x128xf32, #tpu.memory_space<vmem>>)
      %dma_start3A_436 = arith.constant 2 : i32
      %dma_start3A_437 = arith.constant 0 : i32
      %dma_start3A_438 = tpu.memref_slice %arg6[%add3A_426, %dma_start3A_437] : memref<10240x128xf32, #tpu.memory_space<vmem_shared>> -> memref<40x128xf32, #tpu.memory_space<vmem_shared>>
      %dma_start3A_439 = tpu.memref_slice %arg14[%dma_start3A_436] : memref<5x!tpu.dma_semaphore, #tpu.memory_space<semaphore_mem>> -> memref<1x!tpu.dma_semaphore, #tpu.memory_space<semaphore_mem>>
      %dma_start3A_440 = tpu.memref_squeeze %dma_start3A_439 : memref<1x!tpu.dma_semaphore, #tpu.memory_space<semaphore_mem>> -> memref<!tpu.dma_semaphore, #tpu.memory_space<semaphore_mem>>
      %dma_start3A_441 = arith.constant 0 : i32
      %dma_start3A_442 = tpu.memref_slice %arg6[%add3A_426, %dma_start3A_441] : memref<10240x128xf32, #tpu.memory_space<vmem_shared>> -> memref<40x128xf32, #tpu.memory_space<vmem_shared>>
      tpu.enqueue_dma source(%dma_start3A_442 : memref<40x128xf32, #tpu.memory_space<vmem_shared>>) target(%arg11 : memref<40x128xf32, #tpu.memory_space<vmem>>) target_semaphore(%dma_start3A_440 : memref<!tpu.dma_semaphore, #tpu.memory_space<semaphore_mem>>)
      %mul3A_443 = arith.constant 640 : i32
      %mul3A_444 = arith.muli %arg1, %mul3A_443 : i32
      %mul3A_445 = arith.constant 4 : i32
      %mul3A_446 = arith.muli %scan3A_367, %mul3A_445 : i32
      %add3A_447 = arith.constant 3 : i32
      %add3A_448 = arith.addi %mul3A_446, %add3A_447 : i32
      %mul3A_449 = arith.constant 40 : i32
      %mul3A_450 = arith.muli %add3A_448, %mul3A_449 : i32
      %add3A_451 = arith.addi %mul3A_444, %mul3A_450 : i32
      %dma_wait3A_452 = arith.constant 3 : i32
      %dma_wait3A_453 = arith.constant 0 : i32
      %dma_wait3A_454 = arith.constant 0 : i32
      %dma_wait3A_455 = tpu.memref_slice %arg2[%dma_wait3A_453, %dma_wait3A_454] : memref<10000x128xf32, #tpu.memory_space<hbm>> -> memref<40x128xf32, #tpu.memory_space<hbm>>
      %dma_wait3A_456 = tpu.memref_slice %arg15[%dma_wait3A_452] : memref<5x!tpu.dma_semaphore, #tpu.memory_space<semaphore_mem>> -> memref<1x!tpu.dma_semaphore, #tpu.memory_space<semaphore_mem>>
      %dma_wait3A_457 = tpu.memref_squeeze %dma_wait3A_456 : memref<1x!tpu.dma_semaphore, #tpu.memory_space<semaphore_mem>> -> memref<!tpu.dma_semaphore, #tpu.memory_space<semaphore_mem>>
      %dma_wait3A_458 = arith.constant 0 : i32
      %dma_wait3A_459 = arith.constant 0 : i32
      %dma_wait3A_460 = tpu.memref_slice %arg2[%dma_wait3A_458, %dma_wait3A_459] : memref<10000x128xf32, #tpu.memory_space<hbm>> -> memref<40x128xf32, #tpu.memory_space<hbm>>
      tpu.wait_dma2 semaphore(%dma_wait3A_457 : memref<!tpu.dma_semaphore, #tpu.memory_space<semaphore_mem>>) src(%dma_wait3A_460 : memref<40x128xf32, #tpu.memory_space<hbm>>) dst(%arg12 : memref<40x128xf32, #tpu.memory_space<vmem>>)
      %dma_start3A_461 = arith.constant 3 : i32
      %dma_start3A_462 = arith.constant 0 : i32
      %dma_start3A_463 = tpu.memref_slice %arg6[%add3A_451, %dma_start3A_462] : memref<10240x128xf32, #tpu.memory_space<vmem_shared>> -> memref<40x128xf32, #tpu.memory_space<vmem_shared>>
      %dma_start3A_464 = tpu.memref_slice %arg14[%dma_start3A_461] : memref<5x!tpu.dma_semaphore, #tpu.memory_space<semaphore_mem>> -> memref<1x!tpu.dma_semaphore, #tpu.memory_space<semaphore_mem>>
      %dma_start3A_465 = tpu.memref_squeeze %dma_start3A_464 : memref<1x!tpu.dma_semaphore, #tpu.memory_space<semaphore_mem>> -> memref<!tpu.dma_semaphore, #tpu.memory_space<semaphore_mem>>
      %dma_start3A_466 = arith.constant 0 : i32
      %dma_start3A_467 = tpu.memref_slice %arg6[%add3A_451, %dma_start3A_466] : memref<10240x128xf32, #tpu.memory_space<vmem_shared>> -> memref<40x128xf32, #tpu.memory_space<vmem_shared>>
      tpu.enqueue_dma source(%dma_start3A_467 : memref<40x128xf32, #tpu.memory_space<vmem_shared>>) target(%arg12 : memref<40x128xf32, #tpu.memory_space<vmem>>) target_semaphore(%dma_start3A_465 : memref<!tpu.dma_semaphore, #tpu.memory_space<semaphore_mem>>)
      %mul3A_468 = arith.constant 640 : i32
      %mul3A_469 = arith.muli %arg1, %mul3A_468 : i32
      %mul3A_470 = arith.constant 4 : i32
      %mul3A_471 = arith.muli %scan3A_367, %mul3A_470 : i32
      %add3A_472 = arith.constant 0 : i32
      %add3A_473 = arith.addi %mul3A_471, %add3A_472 : i32
      %mul3A_474 = arith.constant 40 : i32
      %mul3A_475 = arith.muli %add3A_473, %mul3A_474 : i32
      %add3A_476 = arith.addi %mul3A_469, %mul3A_475 : i32
      %dma_wait3A_477 = arith.constant 0 : i32
      %dma_wait3A_478 = arith.constant 0 : i32
      %dma_wait3A_479 = arith.constant 0 : i32
      %dma_wait3A_480 = tpu.memref_slice %arg2[%dma_wait3A_478, %dma_wait3A_479] : memref<10000x128xf32, #tpu.memory_space<hbm>> -> memref<40x128xf32, #tpu.memory_space<hbm>>
      %dma_wait3A_481 = tpu.memref_slice %arg14[%dma_wait3A_477] : memref<5x!tpu.dma_semaphore, #tpu.memory_space<semaphore_mem>> -> memref<1x!tpu.dma_semaphore, #tpu.memory_space<semaphore_mem>>
      %dma_wait3A_482 = tpu.memref_squeeze %dma_wait3A_481 : memref<1x!tpu.dma_semaphore, #tpu.memory_space<semaphore_mem>> -> memref<!tpu.dma_semaphore, #tpu.memory_space<semaphore_mem>>
      %dma_wait3A_483 = arith.constant 0 : i32
      %dma_wait3A_484 = arith.constant 0 : i32
      %dma_wait3A_485 = tpu.memref_slice %arg2[%dma_wait3A_483, %dma_wait3A_484] : memref<10000x128xf32, #tpu.memory_space<hbm>> -> memref<40x128xf32, #tpu.memory_space<hbm>>
      tpu.wait_dma2 semaphore(%dma_wait3A_482 : memref<!tpu.dma_semaphore, #tpu.memory_space<semaphore_mem>>) src(%dma_wait3A_485 : memref<40x128xf32, #tpu.memory_space<hbm>>) dst(%arg9 : memref<40x128xf32, #tpu.memory_space<vmem>>)
      %dma_start3A_486 = arith.constant 0 : i32
      %dma_start3A_487 = arith.constant 0 : i32
      %dma_start3A_488 = tpu.memref_slice %arg5[%arg0, %add3A_476, %dma_start3A_487] : memref<2x10240x128xf32, #tpu.memory_space<hbm>> -> memref<1x40x128xf32, #tpu.memory_space<hbm>>
      %dma_start3A_489 = tpu.memref_squeeze %dma_start3A_488 : memref<1x40x128xf32, #tpu.memory_space<hbm>> -> memref<40x128xf32, #tpu.memory_space<hbm>>
      %dma_start3A_490 = tpu.memref_slice %arg15[%dma_start3A_486] : memref<5x!tpu.dma_semaphore, #tpu.memory_space<semaphore_mem>> -> memref<1x!tpu.dma_semaphore, #tpu.memory_space<semaphore_mem>>
      %dma_start3A_491 = tpu.memref_squeeze %dma_start3A_490 : memref<1x!tpu.dma_semaphore, #tpu.memory_space<semaphore_mem>> -> memref<!tpu.dma_semaphore, #tpu.memory_space<semaphore_mem>>
      %dma_start3A_492 = arith.constant 0 : i32
      %dma_start3A_493 = tpu.memref_slice %arg5[%arg0, %add3A_476, %dma_start3A_492] : memref<2x10240x128xf32, #tpu.memory_space<hbm>> -> memref<1x40x128xf32, #tpu.memory_space<hbm>>
      %dma_start3A_494 = tpu.memref_squeeze %dma_start3A_493 : memref<1x40x128xf32, #tpu.memory_space<hbm>> -> memref<40x128xf32, #tpu.memory_space<hbm>>
      tpu.enqueue_dma source(%arg9 : memref<40x128xf32, #tpu.memory_space<vmem>>) target(%dma_start3A_494 : memref<40x128xf32, #tpu.memory_space<hbm>>) target_semaphore(%dma_start3A_491 : memref<!tpu.dma_semaphore, #tpu.memory_space<semaphore_mem>>)
      %mul3A_495 = arith.constant 640 : i32
      %mul3A_496 = arith.muli %arg1, %mul3A_495 : i32
      %mul3A_497 = arith.constant 4 : i32
      %mul3A_498 = arith.muli %scan3A_367, %mul3A_497 : i32
      %add3A_499 = arith.constant 1 : i32
      %add3A_500 = arith.addi %mul3A_498, %add3A_499 : i32
      %mul3A_501 = arith.constant 40 : i32
      %mul3A_502 = arith.muli %add3A_500, %mul3A_501 : i32
      %add3A_503 = arith.addi %mul3A_496, %mul3A_502 : i32
      %dma_wait3A_504 = arith.constant 1 : i32
      %dma_wait3A_505 = arith.constant 0 : i32
      %dma_wait3A_506 = arith.constant 0 : i32
      %dma_wait3A_507 = tpu.memref_slice %arg2[%dma_wait3A_505, %dma_wait3A_506] : memref<10000x128xf32, #tpu.memory_space<hbm>> -> memref<40x128xf32, #tpu.memory_space<hbm>>
      %dma_wait3A_508 = tpu.memref_slice %arg14[%dma_wait3A_504] : memref<5x!tpu.dma_semaphore, #tpu.memory_space<semaphore_mem>> -> memref<1x!tpu.dma_semaphore, #tpu.memory_space<semaphore_mem>>
      %dma_wait3A_509 = tpu.memref_squeeze %dma_wait3A_508 : memref<1x!tpu.dma_semaphore, #tpu.memory_space<semaphore_mem>> -> memref<!tpu.dma_semaphore, #tpu.memory_space<semaphore_mem>>
      %dma_wait3A_510 = arith.constant 0 : i32
      %dma_wait3A_511 = arith.constant 0 : i32
      %dma_wait3A_512 = tpu.memref_slice %arg2[%dma_wait3A_510, %dma_wait3A_511] : memref<10000x128xf32, #tpu.memory_space<hbm>> -> memref<40x128xf32, #tpu.memory_space<hbm>>
      tpu.wait_dma2 semaphore(%dma_wait3A_509 : memref<!tpu.dma_semaphore, #tpu.memory_space<semaphore_mem>>) src(%dma_wait3A_512 : memref<40x128xf32, #tpu.memory_space<hbm>>) dst(%arg10 : memref<40x128xf32, #tpu.memory_space<vmem>>)
      %dma_start3A_513 = arith.constant 1 : i32
      %dma_start3A_514 = arith.constant 0 : i32
      %dma_start3A_515 = tpu.memref_slice %arg5[%arg0, %add3A_503, %dma_start3A_514] : memref<2x10240x128xf32, #tpu.memory_space<hbm>> -> memref<1x40x128xf32, #tpu.memory_space<hbm>>
      %dma_start3A_516 = tpu.memref_squeeze %dma_start3A_515 : memref<1x40x128xf32, #tpu.memory_space<hbm>> -> memref<40x128xf32, #tpu.memory_space<hbm>>
      %dma_start3A_517 = tpu.memref_slice %arg15[%dma_start3A_513] : memref<5x!tpu.dma_semaphore, #tpu.memory_space<semaphore_mem>> -> memref<1x!tpu.dma_semaphore, #tpu.memory_space<semaphore_mem>>
      %dma_start3A_518 = tpu.memref_squeeze %dma_start3A_517 : memref<1x!tpu.dma_semaphore, #tpu.memory_space<semaphore_mem>> -> memref<!tpu.dma_semaphore, #tpu.memory_space<semaphore_mem>>
      %dma_start3A_519 = arith.constant 0 : i32
      %dma_start3A_520 = tpu.memref_slice %arg5[%arg0, %add3A_503, %dma_start3A_519] : memref<2x10240x128xf32, #tpu.memory_space<hbm>> -> memref<1x40x128xf32, #tpu.memory_space<hbm>>
      %dma_start3A_521 = tpu.memref_squeeze %dma_start3A_520 : memref<1x40x128xf32, #tpu.memory_space<hbm>> -> memref<40x128xf32, #tpu.memory_space<hbm>>
      tpu.enqueue_dma source(%arg10 : memref<40x128xf32, #tpu.memory_space<vmem>>) target(%dma_start3A_521 : memref<40x128xf32, #tpu.memory_space<hbm>>) target_semaphore(%dma_start3A_518 : memref<!tpu.dma_semaphore, #tpu.memory_space<semaphore_mem>>)
      %mul3A_522 = arith.constant 640 : i32
      %mul3A_523 = arith.muli %arg1, %mul3A_522 : i32
      %mul3A_524 = arith.constant 4 : i32
      %mul3A_525 = arith.muli %scan3A_367, %mul3A_524 : i32
      %add3A_526 = arith.constant 2 : i32
      %add3A_527 = arith.addi %mul3A_525, %add3A_526 : i32
      %mul3A_528 = arith.constant 40 : i32
      %mul3A_529 = arith.muli %add3A_527, %mul3A_528 : i32
      %add3A_530 = arith.addi %mul3A_523, %mul3A_529 : i32
      %dma_wait3A_531 = arith.constant 2 : i32
      %dma_wait3A_532 = arith.constant 0 : i32
      %dma_wait3A_533 = arith.constant 0 : i32
      %dma_wait3A_534 = tpu.memref_slice %arg2[%dma_wait3A_532, %dma_wait3A_533] : memref<10000x128xf32, #tpu.memory_space<hbm>> -> memref<40x128xf32, #tpu.memory_space<hbm>>
      %dma_wait3A_535 = tpu.memref_slice %arg14[%dma_wait3A_531] : memref<5x!tpu.dma_semaphore, #tpu.memory_space<semaphore_mem>> -> memref<1x!tpu.dma_semaphore, #tpu.memory_space<semaphore_mem>>
      %dma_wait3A_536 = tpu.memref_squeeze %dma_wait3A_535 : memref<1x!tpu.dma_semaphore, #tpu.memory_space<semaphore_mem>> -> memref<!tpu.dma_semaphore, #tpu.memory_space<semaphore_mem>>
      %dma_wait3A_537 = arith.constant 0 : i32
      %dma_wait3A_538 = arith.constant 0 : i32
      %dma_wait3A_539 = tpu.memref_slice %arg2[%dma_wait3A_537, %dma_wait3A_538] : memref<10000x128xf32, #tpu.memory_space<hbm>> -> memref<40x128xf32, #tpu.memory_space<hbm>>
      tpu.wait_dma2 semaphore(%dma_wait3A_536 : memref<!tpu.dma_semaphore, #tpu.memory_space<semaphore_mem>>) src(%dma_wait3A_539 : memref<40x128xf32, #tpu.memory_space<hbm>>) dst(%arg11 : memref<40x128xf32, #tpu.memory_space<vmem>>)
      %dma_start3A_540 = arith.constant 2 : i32
      %dma_start3A_541 = arith.constant 0 : i32
      %dma_start3A_542 = tpu.memref_slice %arg5[%arg0, %add3A_530, %dma_start3A_541] : memref<2x10240x128xf32, #tpu.memory_space<hbm>> -> memref<1x40x128xf32, #tpu.memory_space<hbm>>
      %dma_start3A_543 = tpu.memref_squeeze %dma_start3A_542 : memref<1x40x128xf32, #tpu.memory_space<hbm>> -> memref<40x128xf32, #tpu.memory_space<hbm>>
      %dma_start3A_544 = tpu.memref_slice %arg15[%dma_start3A_540] : memref<5x!tpu.dma_semaphore, #tpu.memory_space<semaphore_mem>> -> memref<1x!tpu.dma_semaphore, #tpu.memory_space<semaphore_mem>>
      %dma_start3A_545 = tpu.memref_squeeze %dma_start3A_544 : memref<1x!tpu.dma_semaphore, #tpu.memory_space<semaphore_mem>> -> memref<!tpu.dma_semaphore, #tpu.memory_space<semaphore_mem>>
      %dma_start3A_546 = arith.constant 0 : i32
      %dma_start3A_547 = tpu.memref_slice %arg5[%arg0, %add3A_530, %dma_start3A_546] : memref<2x10240x128xf32, #tpu.memory_space<hbm>> -> memref<1x40x128xf32, #tpu.memory_space<hbm>>
      %dma_start3A_548 = tpu.memref_squeeze %dma_start3A_547 : memref<1x40x128xf32, #tpu.memory_space<hbm>> -> memref<40x128xf32, #tpu.memory_space<hbm>>
      tpu.enqueue_dma source(%arg11 : memref<40x128xf32, #tpu.memory_space<vmem>>) target(%dma_start3A_548 : memref<40x128xf32, #tpu.memory_space<hbm>>) target_semaphore(%dma_start3A_545 : memref<!tpu.dma_semaphore, #tpu.memory_space<semaphore_mem>>)
      %mul3A_549 = arith.constant 640 : i32
      %mul3A_550 = arith.muli %arg1, %mul3A_549 : i32
      %mul3A_551 = arith.constant 4 : i32
      %mul3A_552 = arith.muli %scan3A_367, %mul3A_551 : i32
      %add3A_553 = arith.constant 3 : i32
      %add3A_554 = arith.addi %mul3A_552, %add3A_553 : i32
      %mul3A_555 = arith.constant 40 : i32
      %mul3A_556 = arith.muli %add3A_554, %mul3A_555 : i32
      %add3A_557 = arith.addi %mul3A_550, %mul3A_556 : i32
      %dma_wait3A_558 = arith.constant 3 : i32
      %dma_wait3A_559 = arith.constant 0 : i32
      %dma_wait3A_560 = arith.constant 0 : i32
      %dma_wait3A_561 = tpu.memref_slice %arg2[%dma_wait3A_559, %dma_wait3A_560] : memref<10000x128xf32, #tpu.memory_space<hbm>> -> memref<40x128xf32, #tpu.memory_space<hbm>>
      %dma_wait3A_562 = tpu.memref_slice %arg14[%dma_wait3A_558] : memref<5x!tpu.dma_semaphore, #tpu.memory_space<semaphore_mem>> -> memref<1x!tpu.dma_semaphore, #tpu.memory_space<semaphore_mem>>
      %dma_wait3A_563 = tpu.memref_squeeze %dma_wait3A_562 : memref<1x!tpu.dma_semaphore, #tpu.memory_space<semaphore_mem>> -> memref<!tpu.dma_semaphore, #tpu.memory_space<semaphore_mem>>
      %dma_wait3A_564 = arith.constant 0 : i32
      %dma_wait3A_565 = arith.constant 0 : i32
      %dma_wait3A_566 = tpu.memref_slice %arg2[%dma_wait3A_564, %dma_wait3A_565] : memref<10000x128xf32, #tpu.memory_space<hbm>> -> memref<40x128xf32, #tpu.memory_space<hbm>>
      tpu.wait_dma2 semaphore(%dma_wait3A_563 : memref<!tpu.dma_semaphore, #tpu.memory_space<semaphore_mem>>) src(%dma_wait3A_566 : memref<40x128xf32, #tpu.memory_space<hbm>>) dst(%arg12 : memref<40x128xf32, #tpu.memory_space<vmem>>)
      %dma_start3A_567 = arith.constant 3 : i32
      %dma_start3A_568 = arith.constant 0 : i32
      %dma_start3A_569 = tpu.memref_slice %arg5[%arg0, %add3A_557, %dma_start3A_568] : memref<2x10240x128xf32, #tpu.memory_space<hbm>> -> memref<1x40x128xf32, #tpu.memory_space<hbm>>
      %dma_start3A_570 = tpu.memref_squeeze %dma_start3A_569 : memref<1x40x128xf32, #tpu.memory_space<hbm>> -> memref<40x128xf32, #tpu.memory_space<hbm>>
      %dma_start3A_571 = tpu.memref_slice %arg15[%dma_start3A_567] : memref<5x!tpu.dma_semaphore, #tpu.memory_space<semaphore_mem>> -> memref<1x!tpu.dma_semaphore, #tpu.memory_space<semaphore_mem>>
      %dma_start3A_572 = tpu.memref_squeeze %dma_start3A_571 : memref<1x!tpu.dma_semaphore, #tpu.memory_space<semaphore_mem>> -> memref<!tpu.dma_semaphore, #tpu.memory_space<semaphore_mem>>
      %dma_start3A_573 = arith.constant 0 : i32
      %dma_start3A_574 = tpu.memref_slice %arg5[%arg0, %add3A_557, %dma_start3A_573] : memref<2x10240x128xf32, #tpu.memory_space<hbm>> -> memref<1x40x128xf32, #tpu.memory_space<hbm>>
      %dma_start3A_575 = tpu.memref_squeeze %dma_start3A_574 : memref<1x40x128xf32, #tpu.memory_space<hbm>> -> memref<40x128xf32, #tpu.memory_space<hbm>>
      tpu.enqueue_dma source(%arg12 : memref<40x128xf32, #tpu.memory_space<vmem>>) target(%dma_start3A_575 : memref<40x128xf32, #tpu.memory_space<hbm>>) target_semaphore(%dma_start3A_572 : memref<!tpu.dma_semaphore, #tpu.memory_space<semaphore_mem>>)
    }
    %scan3A_330 = arith.constant 3 : i32
    %dma_wait3A_331 = arith.constant 0 : i32
    %dma_wait3A_332 = arith.constant 0 : i32
    %dma_wait3A_333 = arith.constant 0 : i32
    %dma_wait3A_334 = tpu.memref_slice %arg2[%dma_wait3A_332, %dma_wait3A_333] : memref<10000x128xf32, #tpu.memory_space<hbm>> -> memref<40x128xf32, #tpu.memory_space<hbm>>
    %dma_wait3A_335 = tpu.memref_slice %arg15[%dma_wait3A_331] : memref<5x!tpu.dma_semaphore, #tpu.memory_space<semaphore_mem>> -> memref<1x!tpu.dma_semaphore, #tpu.memory_space<semaphore_mem>>
    %dma_wait3A_336 = tpu.memref_squeeze %dma_wait3A_335 : memref<1x!tpu.dma_semaphore, #tpu.memory_space<semaphore_mem>> -> memref<!tpu.dma_semaphore, #tpu.memory_space<semaphore_mem>>
    %dma_wait3A_337 = arith.constant 0 : i32
    %dma_wait3A_338 = arith.constant 0 : i32
    %dma_wait3A_339 = tpu.memref_slice %arg2[%dma_wait3A_337, %dma_wait3A_338] : memref<10000x128xf32, #tpu.memory_space<hbm>> -> memref<40x128xf32, #tpu.memory_space<hbm>>
    tpu.wait_dma2 semaphore(%dma_wait3A_336 : memref<!tpu.dma_semaphore, #tpu.memory_space<semaphore_mem>>) src(%dma_wait3A_339 : memref<40x128xf32, #tpu.memory_space<hbm>>) dst(%arg9 : memref<40x128xf32, #tpu.memory_space<vmem>>)
    %dma_wait3A_340 = arith.constant 1 : i32
    %dma_wait3A_341 = arith.constant 0 : i32
    %dma_wait3A_342 = arith.constant 0 : i32
    %dma_wait3A_343 = tpu.memref_slice %arg2[%dma_wait3A_341, %dma_wait3A_342] : memref<10000x128xf32, #tpu.memory_space<hbm>> -> memref<40x128xf32, #tpu.memory_space<hbm>>
    %dma_wait3A_344 = tpu.memref_slice %arg15[%dma_wait3A_340] : memref<5x!tpu.dma_semaphore, #tpu.memory_space<semaphore_mem>> -> memref<1x!tpu.dma_semaphore, #tpu.memory_space<semaphore_mem>>
    %dma_wait3A_345 = tpu.memref_squeeze %dma_wait3A_344 : memref<1x!tpu.dma_semaphore, #tpu.memory_space<semaphore_mem>> -> memref<!tpu.dma_semaphore, #tpu.memory_space<semaphore_mem>>
    %dma_wait3A_346 = arith.constant 0 : i32
    %dma_wait3A_347 = arith.constant 0 : i32
    %dma_wait3A_348 = tpu.memref_slice %arg2[%dma_wait3A_346, %dma_wait3A_347] : memref<10000x128xf32, #tpu.memory_space<hbm>> -> memref<40x128xf32, #tpu.memory_space<hbm>>
    tpu.wait_dma2 semaphore(%dma_wait3A_345 : memref<!tpu.dma_semaphore, #tpu.memory_space<semaphore_mem>>) src(%dma_wait3A_348 : memref<40x128xf32, #tpu.memory_space<hbm>>) dst(%arg10 : memref<40x128xf32, #tpu.memory_space<vmem>>)
    %dma_wait3A_349 = arith.constant 2 : i32
    %dma_wait3A_350 = arith.constant 0 : i32
    %dma_wait3A_351 = arith.constant 0 : i32
    %dma_wait3A_352 = tpu.memref_slice %arg2[%dma_wait3A_350, %dma_wait3A_351] : memref<10000x128xf32, #tpu.memory_space<hbm>> -> memref<40x128xf32, #tpu.memory_space<hbm>>
    %dma_wait3A_353 = tpu.memref_slice %arg15[%dma_wait3A_349] : memref<5x!tpu.dma_semaphore, #tpu.memory_space<semaphore_mem>> -> memref<1x!tpu.dma_semaphore, #tpu.memory_space<semaphore_mem>>
    %dma_wait3A_354 = tpu.memref_squeeze %dma_wait3A_353 : memref<1x!tpu.dma_semaphore, #tpu.memory_space<semaphore_mem>> -> memref<!tpu.dma_semaphore, #tpu.memory_space<semaphore_mem>>
    %dma_wait3A_355 = arith.constant 0 : i32
    %dma_wait3A_356 = arith.constant 0 : i32
    %dma_wait3A_357 = tpu.memref_slice %arg2[%dma_wait3A_355, %dma_wait3A_356] : memref<10000x128xf32, #tpu.memory_space<hbm>> -> memref<40x128xf32, #tpu.memory_space<hbm>>
    tpu.wait_dma2 semaphore(%dma_wait3A_354 : memref<!tpu.dma_semaphore, #tpu.memory_space<semaphore_mem>>) src(%dma_wait3A_357 : memref<40x128xf32, #tpu.memory_space<hbm>>) dst(%arg11 : memref<40x128xf32, #tpu.memory_space<vmem>>)
    %dma_wait3A_358 = arith.constant 3 : i32
    %dma_wait3A_359 = arith.constant 0 : i32
    %dma_wait3A_360 = arith.constant 0 : i32
    %dma_wait3A_361 = tpu.memref_slice %arg2[%dma_wait3A_359, %dma_wait3A_360] : memref<10000x128xf32, #tpu.memory_space<hbm>> -> memref<40x128xf32, #tpu.memory_space<hbm>>
    %dma_wait3A_362 = tpu.memref_slice %arg15[%dma_wait3A_358] : memref<5x!tpu.dma_semaphore, #tpu.memory_space<semaphore_mem>> -> memref<1x!tpu.dma_semaphore, #tpu.memory_space<semaphore_mem>>
    %dma_wait3A_363 = tpu.memref_squeeze %dma_wait3A_362 : memref<1x!tpu.dma_semaphore, #tpu.memory_space<semaphore_mem>> -> memref<!tpu.dma_semaphore, #tpu.memory_space<semaphore_mem>>
    %dma_wait3A_364 = arith.constant 0 : i32
    %dma_wait3A_365 = arith.constant 0 : i32
    %dma_wait3A_366 = tpu.memref_slice %arg2[%dma_wait3A_364, %dma_wait3A_365] : memref<10000x128xf32, #tpu.memory_space<hbm>> -> memref<40x128xf32, #tpu.memory_space<hbm>>
    tpu.wait_dma2 semaphore(%dma_wait3A_363 : memref<!tpu.dma_semaphore, #tpu.memory_space<semaphore_mem>>) src(%dma_wait3A_366 : memref<40x128xf32, #tpu.memory_space<hbm>>) dst(%arg12 : memref<40x128xf32, #tpu.memory_space<vmem>>)
    return
  }
}

#map = affine_map<(d0, d1) -> (0)>
#map1 = affine_map<(d0, d1) -> (0, 0)>
module attributes {stable_mosaic.version = 14 : i64} {
  func.func @_deg_kernel(%arg0: i32, %arg1: i32, %arg2: memref<320000xi32, #tpu.memory_space<hbm>>, %arg3: memref<2x10240xf32, #tpu.memory_space<hbm>>, %arg4: memref<10240xf32, #tpu.memory_space<vmem_shared>>, %arg5: memref<10000xi32, #tpu.memory_space<vmem>>, %arg6: memref<40xf32, #tpu.memory_space<vmem>>, %arg7: memref<640xf32, #tpu.memory_space<vmem>>, %arg8: memref<!tpu.dma_semaphore, #tpu.memory_space<semaphore_mem>>) attributes {dimension_semantics = [#tpu.dimension_semantics<core_parallel>, #tpu.dimension_semantics<subcore_parallel>], iteration_bounds = array<i64: 2, 16>, scalar_prefetch = 0 : i64, scratch_operands = 5 : i64, tpu.core_type = #tpu.core_type<sc_vector_subcore>, window_params = [{transform_indices = #map}, {transform_indices = #map1}]} {
    %mul3A = arith.constant 16 : i32
    %mul3A_0 = arith.muli %arg0, %mul3A : i32
    %add3A = arith.addi %mul3A_0, %arg1 : i32
    %broadcast_in_dim3A = arith.constant 0.000000e+00 : f32
    %broadcast_in_dim3A_1 = vector.broadcast %broadcast_in_dim3A : f32 to vector<16xf32>
    %broadcast_in_dim3A_2 = arith.constant 1.000000e+00 : f32
    %broadcast_in_dim3A_3 = vector.broadcast %broadcast_in_dim3A_2 : f32 to vector<16xf32>
    %scan3A = arith.constant 0 : i32
    %scan3A_4 = arith.constant 0 : i32
    %scan3A_5 = arith.constant 40 : i32
    %scan3A_6 = arith.addi %scan3A_4, %scan3A_5 : i32
    %scan3A_7 = arith.constant 1 : i32
    scf.for %scan3A_35 = %scan3A_4 to %scan3A_6 step %scan3A_7  : i32 {
      %mul3A_36 = arith.constant 16 : i32
      %mul3A_37 = arith.muli %scan3A_35, %mul3A_36 : i32
      %swap3A_38 = arith.index_cast %mul3A_37 : i32 to index
      %swap3A_39 = tpu.vector_load %arg7[%swap3A_38] {strides = array<i32>} : memref<640xf32, #tpu.memory_space<vmem>>, vector<16xf32>,
      %swap3A_40 = vector.shape_cast %swap3A_39 : vector<16xf32> to vector<16xf32>
      %swap3A_41 = vector.shape_cast %broadcast_in_dim3A_1 : vector<16xf32> to vector<16xf32>
      tpu.vector_store %arg7[%swap3A_38], %swap3A_41 {strides = array<i32>} : memref<640xf32, #tpu.memory_space<vmem>>, vector<16xf32>,
    }
    %scan3A_8 = arith.constant 40 : i32
    %swap3A = arith.constant 0 : index
    %swap3A_9 = tpu.vector_load %arg6[%swap3A] {strides = array<i32>} : memref<40xf32, #tpu.memory_space<vmem>>, vector<16xf32>,
    %swap3A_10 = vector.shape_cast %swap3A_9 : vector<16xf32> to vector<16xf32>
    %swap3A_11 = vector.shape_cast %broadcast_in_dim3A_3 : vector<16xf32> to vector<16xf32>
    tpu.vector_store %arg6[%swap3A], %swap3A_11 {strides = array<i32>} : memref<40xf32, #tpu.memory_space<vmem>>, vector<16xf32>,
    %swap3A_12 = arith.constant 16 : index
    %swap3A_13 = tpu.vector_load %arg6[%swap3A_12] {strides = array<i32>} : memref<40xf32, #tpu.memory_space<vmem>>, vector<16xf32>,
    %swap3A_14 = vector.shape_cast %swap3A_13 : vector<16xf32> to vector<16xf32>
    %swap3A_15 = vector.shape_cast %broadcast_in_dim3A_3 : vector<16xf32> to vector<16xf32>
    tpu.vector_store %arg6[%swap3A_12], %swap3A_15 {strides = array<i32>} : memref<40xf32, #tpu.memory_space<vmem>>, vector<16xf32>,
    %swap3A_16 = arith.constant 24 : index
    %swap3A_17 = tpu.vector_load %arg6[%swap3A_16] {strides = array<i32>} : memref<40xf32, #tpu.memory_space<vmem>>, vector<16xf32>,
    %swap3A_18 = vector.shape_cast %swap3A_17 : vector<16xf32> to vector<16xf32>
    %swap3A_19 = vector.shape_cast %broadcast_in_dim3A_3 : vector<16xf32> to vector<16xf32>
    tpu.vector_store %arg6[%swap3A_16], %swap3A_19 {strides = array<i32>} : memref<40xf32, #tpu.memory_space<vmem>>, vector<16xf32>,
    %mul3A_20 = arith.constant 640 : i32
    %mul3A_21 = arith.muli %arg1, %mul3A_20 : i32
    "tpu.region"() ({
      %run_scoped3A = tpu.sem_alloc : memref<!tpu.dma_semaphore, #tpu.memory_space<semaphore_mem>>
      %dma_start3A = tpu.memref_slice %arg4[%mul3A_21] : memref<10240xf32, #tpu.memory_space<vmem_shared>> -> memref<640xf32, #tpu.memory_space<vmem_shared>>
      %dma_start3A_35 = tpu.memref_slice %arg4[%mul3A_21] : memref<10240xf32, #tpu.memory_space<vmem_shared>> -> memref<640xf32, #tpu.memory_space<vmem_shared>>
      tpu.enqueue_dma source(%arg7 : memref<640xf32, #tpu.memory_space<vmem>>) target(%dma_start3A_35 : memref<640xf32, #tpu.memory_space<vmem_shared>>) target_semaphore(%run_scoped3A : memref<!tpu.dma_semaphore, #tpu.memory_space<semaphore_mem>>)
      %dma_wait3A = tpu.memref_slice %arg4[%mul3A_21] : memref<10240xf32, #tpu.memory_space<vmem_shared>> -> memref<640xf32, #tpu.memory_space<vmem_shared>>
      %dma_wait3A_36 = tpu.memref_slice %arg4[%mul3A_21] : memref<10240xf32, #tpu.memory_space<vmem_shared>> -> memref<640xf32, #tpu.memory_space<vmem_shared>>
      tpu.wait_dma2 semaphore(%run_scoped3A : memref<!tpu.dma_semaphore, #tpu.memory_space<semaphore_mem>>) src(%arg7 : memref<640xf32, #tpu.memory_space<vmem>>) dst(%dma_wait3A_36 : memref<640xf32, #tpu.memory_space<vmem_shared>>)
      tpu.yield
    }) : () -> ()
    %mul3A_22 = arith.constant 10000 : i32
    %mul3A_23 = arith.muli %add3A, %mul3A_22 : i32
    "tpu.region"() ({
      %run_scoped3A = tpu.sem_alloc : memref<!tpu.dma_semaphore, #tpu.memory_space<semaphore_mem>>
      %dma_start3A = tpu.memref_slice %arg2[%mul3A_23] : memref<320000xi32, #tpu.memory_space<hbm>> -> memref<10000xi32, #tpu.memory_space<hbm>>
      %dma_start3A_35 = tpu.memref_slice %arg2[%mul3A_23] : memref<320000xi32, #tpu.memory_space<hbm>> -> memref<10000xi32, #tpu.memory_space<hbm>>
      tpu.enqueue_dma source(%dma_start3A_35 : memref<10000xi32, #tpu.memory_space<hbm>>) target(%arg5 : memref<10000xi32, #tpu.memory_space<vmem>>) target_semaphore(%run_scoped3A : memref<!tpu.dma_semaphore, #tpu.memory_space<semaphore_mem>>)
      %dma_wait3A = tpu.memref_slice %arg2[%mul3A_23] : memref<320000xi32, #tpu.memory_space<hbm>> -> memref<10000xi32, #tpu.memory_space<hbm>>
      %dma_wait3A_36 = tpu.memref_slice %arg2[%mul3A_23] : memref<320000xi32, #tpu.memory_space<hbm>> -> memref<10000xi32, #tpu.memory_space<hbm>>
      tpu.wait_dma2 semaphore(%run_scoped3A : memref<!tpu.dma_semaphore, #tpu.memory_space<semaphore_mem>>) src(%dma_wait3A_36 : memref<10000xi32, #tpu.memory_space<hbm>>) dst(%arg5 : memref<10000xi32, #tpu.memory_space<vmem>>)
      tpu.yield
    }) : () -> ()
    %barrier3A = arith.constant 0 : index
    tpu.barrier barrier_id(%barrier3A)
    %scan3A_24 = arith.constant 0 : i32
    %scan3A_25 = arith.constant 0 : i32
    %scan3A_26 = arith.constant 10 : i32
    %scan3A_27 = arith.addi %scan3A_25, %scan3A_26 : i32
    %scan3A_28 = arith.constant 1 : i32
    scf.for %scan3A_35 = %scan3A_25 to %scan3A_27 step %scan3A_28  : i32 {
      %scan3A_36 = arith.constant 0 : i32
      %scan3A_37 = arith.constant 0 : i32
      %scan3A_38 = arith.constant 25 : i32
      %scan3A_39 = arith.addi %scan3A_37, %scan3A_38 : i32
      %scan3A_40 = arith.constant 1 : i32
      scf.for %scan3A_48 = %scan3A_37 to %scan3A_39 step %scan3A_40  : i32 {
        %mul3A_49 = arith.constant 25 : i32
        %mul3A_50 = arith.muli %scan3A_35, %mul3A_49 : i32
        %add3A_51 = arith.addi %mul3A_50, %scan3A_48 : i32
        %mul3A_52 = arith.constant 40 : i32
        %mul3A_53 = arith.muli %add3A_51, %mul3A_52 : i32
        %dma_start3A = tpu.memref_slice %arg5[%mul3A_53] : memref<10000xi32, #tpu.memory_space<vmem>> -> memref<40xi32, #tpu.memory_space<vmem>>
        %dma_start3A_54 = arith.constant 0 : i32
        %dma_start3A_55 = tpu.memref_slice %arg4[%dma_start3A_54] : memref<10240xf32, #tpu.memory_space<vmem_shared>> -> memref<10240xf32, #tpu.memory_space<vmem_shared>>
        tpu.enqueue_indirect_dma source(%arg6 : memref<40xf32, #tpu.memory_space<vmem>>) target(%dma_start3A_55 : memref<10240xf32, #tpu.memory_space<vmem_shared>>) offsets(%dma_start3A : memref<40xi32, #tpu.memory_space<vmem>>) semaphore(%arg8 : memref<!tpu.dma_semaphore, #tpu.memory_space<semaphore_mem>>) {add = true}
      }
      %scan3A_41 = arith.constant 25 : i32
      %scan3A_42 = arith.constant 0 : i32
      %scan3A_43 = arith.constant 0 : i32
      %scan3A_44 = arith.constant 25 : i32
      %scan3A_45 = arith.addi %scan3A_43, %scan3A_44 : i32
      %scan3A_46 = arith.constant 1 : i32
      scf.for %scan3A_48 = %scan3A_43 to %scan3A_45 step %scan3A_46  : i32 {
        %dma_wait3A = arith.constant 0 : i32
        %dma_wait3A_49 = tpu.memref_slice %arg5[%dma_wait3A] : memref<10000xi32, #tpu.memory_space<vmem>> -> memref<40xi32, #tpu.memory_space<vmem>>
        %dma_wait3A_50 = arith.constant 0 : i32
        %dma_wait3A_51 = tpu.memref_slice %arg2[%dma_wait3A_50] : memref<320000xi32, #tpu.memory_space<hbm>> -> memref<40xi32, #tpu.memory_space<hbm>>
        %dma_wait3A_52 = arith.constant 0 : i32
        %dma_wait3A_53 = tpu.memref_slice %arg5[%dma_wait3A_52] : memref<10000xi32, #tpu.memory_space<vmem>> -> memref<40xi32, #tpu.memory_space<vmem>>
        %dma_wait3A_54 = arith.constant 0 : i32
        %dma_wait3A_55 = tpu.memref_slice %arg2[%dma_wait3A_54] : memref<320000xi32, #tpu.memory_space<hbm>> -> memref<40xi32, #tpu.memory_space<hbm>>
        tpu.wait_dma2 semaphore(%arg8 : memref<!tpu.dma_semaphore, #tpu.memory_space<semaphore_mem>>) src(%dma_wait3A_55 : memref<40xi32, #tpu.memory_space<hbm>>) dst(%dma_wait3A_53 : memref<40xi32, #tpu.memory_space<vmem>>)
      }
      %scan3A_47 = arith.constant 25 : i32
    }
    %scan3A_29 = arith.constant 10 : i32
    %barrier3A_30 = arith.constant 0 : index
    tpu.barrier barrier_id(%barrier3A_30)
    %mul3A_31 = arith.constant 640 : i32
    %mul3A_32 = arith.muli %arg1, %mul3A_31 : i32
    "tpu.region"() ({
      %run_scoped3A = tpu.sem_alloc : memref<!tpu.dma_semaphore, #tpu.memory_space<semaphore_mem>>
      %dma_start3A = tpu.memref_slice %arg4[%mul3A_32] : memref<10240xf32, #tpu.memory_space<vmem_shared>> -> memref<640xf32, #tpu.memory_space<vmem_shared>>
      %dma_start3A_35 = tpu.memref_slice %arg4[%mul3A_32] : memref<10240xf32, #tpu.memory_space<vmem_shared>> -> memref<640xf32, #tpu.memory_space<vmem_shared>>
      tpu.enqueue_dma source(%dma_start3A_35 : memref<640xf32, #tpu.memory_space<vmem_shared>>) target(%arg7 : memref<640xf32, #tpu.memory_space<vmem>>) target_semaphore(%run_scoped3A : memref<!tpu.dma_semaphore, #tpu.memory_space<semaphore_mem>>)
      %dma_wait3A = tpu.memref_slice %arg4[%mul3A_32] : memref<10240xf32, #tpu.memory_space<vmem_shared>> -> memref<640xf32, #tpu.memory_space<vmem_shared>>
      %dma_wait3A_36 = tpu.memref_slice %arg4[%mul3A_32] : memref<10240xf32, #tpu.memory_space<vmem_shared>> -> memref<640xf32, #tpu.memory_space<vmem_shared>>
      tpu.wait_dma2 semaphore(%run_scoped3A : memref<!tpu.dma_semaphore, #tpu.memory_space<semaphore_mem>>) src(%dma_wait3A_36 : memref<640xf32, #tpu.memory_space<vmem_shared>>) dst(%arg7 : memref<640xf32, #tpu.memory_space<vmem>>)
      tpu.yield
    }) : () -> ()
    %mul3A_33 = arith.constant 640 : i32
    %mul3A_34 = arith.muli %arg1, %mul3A_33 : i32
    "tpu.region"() ({
      %run_scoped3A = tpu.sem_alloc : memref<!tpu.dma_semaphore, #tpu.memory_space<semaphore_mem>>
      %dma_start3A = tpu.memref_slice %arg3[%arg0, %mul3A_34] : memref<2x10240xf32, #tpu.memory_space<hbm>> -> memref<1x640xf32, #tpu.memory_space<hbm>>
      %dma_start3A_35 = tpu.memref_squeeze %dma_start3A : memref<1x640xf32, #tpu.memory_space<hbm>> -> memref<640xf32, #tpu.memory_space<hbm>>
      %dma_start3A_36 = tpu.memref_slice %arg3[%arg0, %mul3A_34] : memref<2x10240xf32, #tpu.memory_space<hbm>> -> memref<1x640xf32, #tpu.memory_space<hbm>>
      %dma_start3A_37 = tpu.memref_squeeze %dma_start3A_36 : memref<1x640xf32, #tpu.memory_space<hbm>> -> memref<640xf32, #tpu.memory_space<hbm>>
      tpu.enqueue_dma source(%arg7 : memref<640xf32, #tpu.memory_space<vmem>>) target(%dma_start3A_37 : memref<640xf32, #tpu.memory_space<hbm>>) target_semaphore(%run_scoped3A : memref<!tpu.dma_semaphore, #tpu.memory_space<semaphore_mem>>)
      %dma_wait3A = tpu.memref_slice %arg3[%arg0, %mul3A_34] : memref<2x10240xf32, #tpu.memory_space<hbm>> -> memref<1x640xf32, #tpu.memory_space<hbm>>
      %dma_wait3A_38 = tpu.memref_squeeze %dma_wait3A : memref<1x640xf32, #tpu.memory_space<hbm>> -> memref<640xf32, #tpu.memory_space<hbm>>
      %dma_wait3A_39 = tpu.memref_slice %arg3[%arg0, %mul3A_34] : memref<2x10240xf32, #tpu.memory_space<hbm>> -> memref<1x640xf32, #tpu.memory_space<hbm>>
      %dma_wait3A_40 = tpu.memref_squeeze %dma_wait3A_39 : memref<1x640xf32, #tpu.memory_space<hbm>> -> memref<640xf32, #tpu.memory_space<hbm>>
      tpu.wait_dma2 semaphore(%run_scoped3A : memref<!tpu.dma_semaphore, #tpu.memory_space<semaphore_mem>>) src(%arg7 : memref<640xf32, #tpu.memory_space<vmem>>) dst(%dma_wait3A_40 : memref<640xf32, #tpu.memory_space<hbm>>)
      tpu.yield
    }) : () -> ()
    return
  }
}

#map = affine_map<(d0, d1) -> (0, 0)>
#map1 = affine_map<(d0, d1) -> (0)>
#map2 = affine_map<(d0, d1) -> (0, 0, 0)>
module attributes {stable_mosaic.version = 14 : i64} {
  func.func @_agg_kernel(%arg0: i32, %arg1: i32, %arg2: memref<10000x128xf32, #tpu.memory_space<hbm>>, %arg3: memref<320000xi32, #tpu.memory_space<hbm>>, %arg4: memref<320000xi32, #tpu.memory_space<hbm>>, %arg5: memref<2x10240x128xf32, #tpu.memory_space<hbm>>, %arg6: memref<10240x128xf32, #tpu.memory_space<vmem_shared>>, %arg7: memref<10000xi32, #tpu.memory_space<vmem>>, %arg8: memref<10000xi32, #tpu.memory_space<vmem>>, %arg9: memref<40x128xf32, #tpu.memory_space<vmem>>, %arg10: memref<40x128xf32, #tpu.memory_space<vmem>>, %arg11: memref<40x128xf32, #tpu.memory_space<vmem>>, %arg12: memref<40x128xf32, #tpu.memory_space<vmem>>, %arg13: memref<40x128xf32, #tpu.memory_space<vmem>>, %arg14: memref<5x!tpu.dma_semaphore, #tpu.memory_space<semaphore_mem>>, %arg15: memref<5x!tpu.dma_semaphore, #tpu.memory_space<semaphore_mem>>) attributes {dimension_semantics = [#tpu.dimension_semantics<core_parallel>, #tpu.dimension_semantics<subcore_parallel>], iteration_bounds = array<i64: 2, 16>, scalar_prefetch = 0 : i64, scratch_operands = 10 : i64, tpu.core_type = #tpu.core_type<sc_vector_subcore>, window_params = [{transform_indices = #map}, {transform_indices = #map1}, {transform_indices = #map1}, {transform_indices = #map2}]} {
    %mul3A = arith.constant 16 : i32
    %mul3A_0 = arith.muli %arg0, %mul3A : i32
    %add3A = arith.addi %mul3A_0, %arg1 : i32
    %broadcast_in_dim3A = arith.constant 0.000000e+00 : f32
    %broadcast_in_dim3A_1 = vector.broadcast %broadcast_in_dim3A : f32 to vector<16xf32>
    %scan3A = arith.constant 0 : i32
    %scan3A_2 = arith.constant 0 : i32
    %scan3A_3 = arith.constant 320 : i32
    %scan3A_4 = arith.addi %scan3A_2, %scan3A_3 : i32
    %scan3A_5 = arith.constant 1 : i32
    scf.for %scan3A_367 = %scan3A_2 to %scan3A_4 step %scan3A_5  : i32 {
      %jit3A = arith.constant 8 : i32
      %div3A = arith.divsi %scan3A_367, %jit3A : i32
      %sign3A = arith.constant 0 : i32
      %sign3A_368 = arith.cmpi sgt, %scan3A_367, %sign3A : i32
      %sign3A_369 = arith.extui %sign3A_368 : i1 to i32
      %sign3A_370 = arith.constant 0 : i32
      %sign3A_371 = arith.cmpi slt, %scan3A_367, %sign3A_370 : i32
      %sign3A_372 = arith.extui %sign3A_371 : i1 to i32
      %sign3A_373 = arith.subi %sign3A_369, %sign3A_372 : i32
      %sign3A_374 = arith.constant 0 : i32
      %sign3A_375 = arith.cmpi sgt, %jit3A, %sign3A_374 : i32
      %sign3A_376 = arith.extui %sign3A_375 : i1 to i32
      %sign3A_377 = arith.constant 0 : i32
      %sign3A_378 = arith.cmpi slt, %jit3A, %sign3A_377 : i32
      %sign3A_379 = arith.extui %sign3A_378 : i1 to i32
      %sign3A_380 = arith.subi %sign3A_376, %sign3A_379 : i32
      %ne3A = arith.cmpi ne, %sign3A_373, %sign3A_380 : i32
      %rem3A = arith.remsi %scan3A_367, %jit3A : i32
      %ne3A_381 = arith.constant 0 : i32
      %ne3A_382 = arith.cmpi ne, %rem3A, %ne3A_381 : i32
      %and3A = arith.andi %ne3A, %ne3A_382 : i1
      %sub3A = arith.constant 1 : i32
      %sub3A_383 = arith.subi %div3A, %sub3A : i32
      %select_n3A = arith.select %and3A, %sub3A_383, %div3A : i32
      %jit3A_384 = arith.constant 8 : i32
      %eq3A = arith.constant 0 : i32
      %eq3A_385 = arith.cmpi eq, %jit3A_384, %eq3A : i32
      %jit3A_386 = arith.constant 1 : i32
      %select_n3A_387 = arith.select %eq3A_385, %jit3A_386, %jit3A_384 : i32
      %rem3A_388 = arith.remsi %scan3A_367, %select_n3A_387 : i32
      %ne3A_389 = arith.constant 0 : i32
      %ne3A_390 = arith.cmpi ne, %rem3A_388, %ne3A_389 : i32
      %lt3A = arith.constant 0 : i32
      %lt3A_391 = arith.cmpi slt, %rem3A_388, %lt3A : i32
      %lt3A_392 = arith.constant 0 : i32
      %lt3A_393 = arith.cmpi slt, %select_n3A_387, %lt3A_392 : i32
      %ne3A_394 = arith.xori %lt3A_391, %lt3A_393 : i1
      %and3A_395 = arith.andi %ne3A_394, %ne3A_390 : i1
      %add3A_396 = arith.addi %rem3A_388, %select_n3A_387 : i32
      %select_n3A_397 = arith.select %and3A_395, %add3A_396, %rem3A_388 : i32
      %mul3A_398 = arith.constant 16 : i32
      %mul3A_399 = arith.muli %select_n3A_397, %mul3A_398 : i32
      %swap3A = arith.index_cast %select_n3A : i32 to index
      %swap3A_400 = arith.index_cast %mul3A_399 : i32 to index
      %swap3A_401 = tpu.vector_load %arg9[%swap3A, %swap3A_400] {strides = array<i32>} : memref<40x128xf32, #tpu.memory_space<vmem>>, vector<1x16xf32>,
      %swap3A_402 = vector.shape_cast %swap3A_401 : vector<1x16xf32> to vector<16xf32>
      %swap3A_403 = vector.shape_cast %broadcast_in_dim3A_1 : vector<16xf32> to vector<1x16xf32>
      tpu.vector_store %arg9[%swap3A, %swap3A_400], %swap3A_403 {strides = array<i32>} : memref<40x128xf32, #tpu.memory_space<vmem>>, vector<1x16xf32>,
    }
    %scan3A_6 = arith.constant 320 : i32
    %scan3A_7 = arith.constant 0 : i32
    %scan3A_8 = arith.constant 0 : i32
    %scan3A_9 = arith.constant 16 : i32
    %scan3A_10 = arith.addi %scan3A_8, %scan3A_9 : i32
    %scan3A_11 = arith.constant 1 : i32
    scf.for %scan3A_367 = %scan3A_8 to %scan3A_10 step %scan3A_11  : i32 {
      %mul3A_368 = arith.constant 640 : i32
      %mul3A_369 = arith.muli %arg1, %mul3A_368 : i32
      %mul3A_370 = arith.constant 40 : i32
      %mul3A_371 = arith.muli %scan3A_367, %mul3A_370 : i32
      %add3A_372 = arith.addi %mul3A_369, %mul3A_371 : i32
      %dma_start3A_373 = arith.constant 0 : i32
      %dma_start3A_374 = arith.constant 0 : i32
      %dma_start3A_375 = tpu.memref_slice %arg6[%add3A_372, %dma_start3A_374] : memref<10240x128xf32, #tpu.memory_space<vmem_shared>> -> memref<40x128xf32, #tpu.memory_space<vmem_shared>>
      %dma_start3A_376 = tpu.memref_slice %arg14[%dma_start3A_373] : memref<5x!tpu.dma_semaphore, #tpu.memory_space<semaphore_mem>> -> memref<1x!tpu.dma_semaphore, #tpu.memory_space<semaphore_mem>>
      %dma_start3A_377 = tpu.memref_squeeze %dma_start3A_376 : memref<1x!tpu.dma_semaphore, #tpu.memory_space<semaphore_mem>> -> memref<!tpu.dma_semaphore, #tpu.memory_space<semaphore_mem>>
      %dma_start3A_378 = arith.constant 0 : i32
      %dma_start3A_379 = tpu.memref_slice %arg6[%add3A_372, %dma_start3A_378] : memref<10240x128xf32, #tpu.memory_space<vmem_shared>> -> memref<40x128xf32, #tpu.memory_space<vmem_shared>>
      tpu.enqueue_dma source(%arg9 : memref<40x128xf32, #tpu.memory_space<vmem>>) target(%dma_start3A_379 : memref<40x128xf32, #tpu.memory_space<vmem_shared>>) target_semaphore(%dma_start3A_377 : memref<!tpu.dma_semaphore, #tpu.memory_space<semaphore_mem>>)
    }
    %scan3A_12 = arith.constant 16 : i32
    %mul3A_13 = arith.constant 10000 : i32
    %mul3A_14 = arith.muli %add3A, %mul3A_13 : i32
    "tpu.region"() ({
      %run_scoped3A = tpu.sem_alloc : memref<!tpu.dma_semaphore, #tpu.memory_space<semaphore_mem>>
      %dma_start3A_367 = tpu.memref_slice %arg3[%mul3A_14] : memref<320000xi32, #tpu.memory_space<hbm>> -> memref<10000xi32, #tpu.memory_space<hbm>>
      %dma_start3A_368 = tpu.memref_slice %arg3[%mul3A_14] : memref<320000xi32, #tpu.memory_space<hbm>> -> memref<10000xi32, #tpu.memory_space<hbm>>
      tpu.enqueue_dma source(%dma_start3A_368 : memref<10000xi32, #tpu.memory_space<hbm>>) target(%arg7 : memref<10000xi32, #tpu.memory_space<vmem>>) target_semaphore(%run_scoped3A : memref<!tpu.dma_semaphore, #tpu.memory_space<semaphore_mem>>)
      %dma_wait3A_369 = tpu.memref_slice %arg3[%mul3A_14] : memref<320000xi32, #tpu.memory_space<hbm>> -> memref<10000xi32, #tpu.memory_space<hbm>>
      %dma_wait3A_370 = tpu.memref_slice %arg3[%mul3A_14] : memref<320000xi32, #tpu.memory_space<hbm>> -> memref<10000xi32, #tpu.memory_space<hbm>>
      tpu.wait_dma2 semaphore(%run_scoped3A : memref<!tpu.dma_semaphore, #tpu.memory_space<semaphore_mem>>) src(%dma_wait3A_370 : memref<10000xi32, #tpu.memory_space<hbm>>) dst(%arg7 : memref<10000xi32, #tpu.memory_space<vmem>>)
      tpu.yield
    }) : () -> ()
    %mul3A_15 = arith.constant 10000 : i32
    %mul3A_16 = arith.muli %add3A, %mul3A_15 : i32
    "tpu.region"() ({
      %run_scoped3A = tpu.sem_alloc : memref<!tpu.dma_semaphore, #tpu.memory_space<semaphore_mem>>
      %dma_start3A_367 = tpu.memref_slice %arg4[%mul3A_16] : memref<320000xi32, #tpu.memory_space<hbm>> -> memref<10000xi32, #tpu.memory_space<hbm>>
      %dma_start3A_368 = tpu.memref_slice %arg4[%mul3A_16] : memref<320000xi32, #tpu.memory_space<hbm>> -> memref<10000xi32, #tpu.memory_space<hbm>>
      tpu.enqueue_dma source(%dma_start3A_368 : memref<10000xi32, #tpu.memory_space<hbm>>) target(%arg8 : memref<10000xi32, #tpu.memory_space<vmem>>) target_semaphore(%run_scoped3A : memref<!tpu.dma_semaphore, #tpu.memory_space<semaphore_mem>>)
      %dma_wait3A_369 = tpu.memref_slice %arg4[%mul3A_16] : memref<320000xi32, #tpu.memory_space<hbm>> -> memref<10000xi32, #tpu.memory_space<hbm>>
      %dma_wait3A_370 = tpu.memref_slice %arg4[%mul3A_16] : memref<320000xi32, #tpu.memory_space<hbm>> -> memref<10000xi32, #tpu.memory_space<hbm>>
      tpu.wait_dma2 semaphore(%run_scoped3A : memref<!tpu.dma_semaphore, #tpu.memory_space<semaphore_mem>>) src(%dma_wait3A_370 : memref<10000xi32, #tpu.memory_space<hbm>>) dst(%arg8 : memref<10000xi32, #tpu.memory_space<vmem>>)
      tpu.yield
    }) : () -> ()
    %scan3A_17 = arith.constant 0 : i32
    %scan3A_18 = arith.constant 0 : i32
    %scan3A_19 = arith.constant 16 : i32
    %scan3A_20 = arith.addi %scan3A_18, %scan3A_19 : i32
    %scan3A_21 = arith.constant 1 : i32
    scf.for %scan3A_367 = %scan3A_18 to %scan3A_20 step %scan3A_21  : i32 {
      %dma_wait3A_368 = arith.constant 0 : i32
      %dma_wait3A_369 = arith.constant 0 : i32
      %dma_wait3A_370 = arith.constant 0 : i32
      %dma_wait3A_371 = tpu.memref_slice %arg2[%dma_wait3A_369, %dma_wait3A_370] : memref<10000x128xf32, #tpu.memory_space<hbm>> -> memref<40x128xf32, #tpu.memory_space<hbm>>
      %dma_wait3A_372 = tpu.memref_slice %arg14[%dma_wait3A_368] : memref<5x!tpu.dma_semaphore, #tpu.memory_space<semaphore_mem>> -> memref<1x!tpu.dma_semaphore, #tpu.memory_space<semaphore_mem>>
      %dma_wait3A_373 = tpu.memref_squeeze %dma_wait3A_372 : memref<1x!tpu.dma_semaphore, #tpu.memory_space<semaphore_mem>> -> memref<!tpu.dma_semaphore, #tpu.memory_space<semaphore_mem>>
      %dma_wait3A_374 = arith.constant 0 : i32
      %dma_wait3A_375 = arith.constant 0 : i32
      %dma_wait3A_376 = tpu.memref_slice %arg2[%dma_wait3A_374, %dma_wait3A_375] : memref<10000x128xf32, #tpu.memory_space<hbm>> -> memref<40x128xf32, #tpu.memory_space<hbm>>
      tpu.wait_dma2 semaphore(%dma_wait3A_373 : memref<!tpu.dma_semaphore, #tpu.memory_space<semaphore_mem>>) src(%dma_wait3A_376 : memref<40x128xf32, #tpu.memory_space<hbm>>) dst(%arg9 : memref<40x128xf32, #tpu.memory_space<vmem>>)
    }
    %scan3A_22 = arith.constant 16 : i32
    %barrier3A = arith.constant 0 : index
    tpu.barrier barrier_id(%barrier3A)
    %dma_start3A = arith.constant 0 : i32
    %dma_start3A_23 = arith.constant 0 : i32
    %dma_start3A_24 = tpu.memref_slice %arg7[%dma_start3A_23] : memref<10000xi32, #tpu.memory_space<vmem>> -> memref<40xi32, #tpu.memory_space<vmem>>
    %dma_start3A_25 = arith.constant 0 : i32
    %dma_start3A_26 = arith.constant 0 : i32
    %dma_start3A_27 = tpu.memref_slice %arg2[%dma_start3A_25, %dma_start3A_26] : memref<10000x128xf32, #tpu.memory_space<hbm>> -> memref<10000x128xf32, #tpu.memory_space<hbm>>
    %dma_start3A_28 = tpu.memref_slice %arg14[%dma_start3A] : memref<5x!tpu.dma_semaphore, #tpu.memory_space<semaphore_mem>> -> memref<1x!tpu.dma_semaphore, #tpu.memory_space<semaphore_mem>>
    %dma_start3A_29 = tpu.memref_squeeze %dma_start3A_28 : memref<1x!tpu.dma_semaphore, #tpu.memory_space<semaphore_mem>> -> memref<!tpu.dma_semaphore, #tpu.memory_space<semaphore_mem>>
    tpu.enqueue_indirect_dma source(%dma_start3A_27 : memref<10000x128xf32, #tpu.memory_space<hbm>>) target(%arg9 : memref<40x128xf32, #tpu.memory_space<vmem>>) offsets(%dma_start3A_24 : memref<40xi32, #tpu.memory_space<vmem>>) semaphore(%dma_start3A_29 : memref<!tpu.dma_semaphore, #tpu.memory_space<semaphore_mem>>)
    %dma_start3A_30 = arith.constant 1 : i32
    %dma_start3A_31 = arith.constant 40 : i32
    %dma_start3A_32 = tpu.memref_slice %arg7[%dma_start3A_31] : memref<10000xi32, #tpu.memory_space<vmem>> -> memref<40xi32, #tpu.memory_space<vmem>>
    %dma_start3A_33 = arith.constant 0 : i32
    %dma_start3A_34 = arith.constant 0 : i32
    %dma_start3A_35 = tpu.memref_slice %arg2[%dma_start3A_33, %dma_start3A_34] : memref<10000x128xf32, #tpu.memory_space<hbm>> -> memref<10000x128xf32, #tpu.memory_space<hbm>>
    %dma_start3A_36 = tpu.memref_slice %arg14[%dma_start3A_30] : memref<5x!tpu.dma_semaphore, #tpu.memory_space<semaphore_mem>> -> memref<1x!tpu.dma_semaphore, #tpu.memory_space<semaphore_mem>>
    %dma_start3A_37 = tpu.memref_squeeze %dma_start3A_36 : memref<1x!tpu.dma_semaphore, #tpu.memory_space<semaphore_mem>> -> memref<!tpu.dma_semaphore, #tpu.memory_space<semaphore_mem>>
    tpu.enqueue_indirect_dma source(%dma_start3A_35 : memref<10000x128xf32, #tpu.memory_space<hbm>>) target(%arg10 : memref<40x128xf32, #tpu.memory_space<vmem>>) offsets(%dma_start3A_32 : memref<40xi32, #tpu.memory_space<vmem>>) semaphore(%dma_start3A_37 : memref<!tpu.dma_semaphore, #tpu.memory_space<semaphore_mem>>)
    %dma_start3A_38 = arith.constant 2 : i32
    %dma_start3A_39 = arith.constant 80 : i32
    %dma_start3A_40 = tpu.memref_slice %arg7[%dma_start3A_39] : memref<10000xi32, #tpu.memory_space<vmem>> -> memref<40xi32, #tpu.memory_space<vmem>>
    %dma_start3A_41 = arith.constant 0 : i32
    %dma_start3A_42 = arith.constant 0 : i32
    %dma_start3A_43 = tpu.memref_slice %arg2[%dma_start3A_41, %dma_start3A_42] : memref<10000x128xf32, #tpu.memory_space<hbm>> -> memref<10000x128xf32, #tpu.memory_space<hbm>>
    %dma_start3A_44 = tpu.memref_slice %arg14[%dma_start3A_38] : memref<5x!tpu.dma_semaphore, #tpu.memory_space<semaphore_mem>> -> memref<1x!tpu.dma_semaphore, #tpu.memory_space<semaphore_mem>>
    %dma_start3A_45 = tpu.memref_squeeze %dma_start3A_44 : memref<1x!tpu.dma_semaphore, #tpu.memory_space<semaphore_mem>> -> memref<!tpu.dma_semaphore, #tpu.memory_space<semaphore_mem>>
    tpu.enqueue_indirect_dma source(%dma_start3A_43 : memref<10000x128xf32, #tpu.memory_space<hbm>>) target(%arg11 : memref<40x128xf32, #tpu.memory_space<vmem>>) offsets(%dma_start3A_40 : memref<40xi32, #tpu.memory_space<vmem>>) semaphore(%dma_start3A_45 : memref<!tpu.dma_semaphore, #tpu.memory_space<semaphore_mem>>)
    %dma_start3A_46 = arith.constant 3 : i32
    %dma_start3A_47 = arith.constant 120 : i32
    %dma_start3A_48 = tpu.memref_slice %arg7[%dma_start3A_47] : memref<10000xi32, #tpu.memory_space<vmem>> -> memref<40xi32, #tpu.memory_space<vmem>>
    %dma_start3A_49 = arith.constant 0 : i32
    %dma_start3A_50 = arith.constant 0 : i32
    %dma_start3A_51 = tpu.memref_slice %arg2[%dma_start3A_49, %dma_start3A_50] : memref<10000x128xf32, #tpu.memory_space<hbm>> -> memref<10000x128xf32, #tpu.memory_space<hbm>>
    %dma_start3A_52 = tpu.memref_slice %arg14[%dma_start3A_46] : memref<5x!tpu.dma_semaphore, #tpu.memory_space<semaphore_mem>> -> memref<1x!tpu.dma_semaphore, #tpu.memory_space<semaphore_mem>>
    %dma_start3A_53 = tpu.memref_squeeze %dma_start3A_52 : memref<1x!tpu.dma_semaphore, #tpu.memory_space<semaphore_mem>> -> memref<!tpu.dma_semaphore, #tpu.memory_space<semaphore_mem>>
    tpu.enqueue_indirect_dma source(%dma_start3A_51 : memref<10000x128xf32, #tpu.memory_space<hbm>>) target(%arg12 : memref<40x128xf32, #tpu.memory_space<vmem>>) offsets(%dma_start3A_48 : memref<40xi32, #tpu.memory_space<vmem>>) semaphore(%dma_start3A_53 : memref<!tpu.dma_semaphore, #tpu.memory_space<semaphore_mem>>)
    %dma_start3A_54 = arith.constant 4 : i32
    %dma_start3A_55 = arith.constant 160 : i32
    %dma_start3A_56 = tpu.memref_slice %arg7[%dma_start3A_55] : memref<10000xi32, #tpu.memory_space<vmem>> -> memref<40xi32, #tpu.memory_space<vmem>>
    %dma_start3A_57 = arith.constant 0 : i32
    %dma_start3A_58 = arith.constant 0 : i32
    %dma_start3A_59 = tpu.memref_slice %arg2[%dma_start3A_57, %dma_start3A_58] : memref<10000x128xf32, #tpu.memory_space<hbm>> -> memref<10000x128xf32, #tpu.memory_space<hbm>>
    %dma_start3A_60 = tpu.memref_slice %arg14[%dma_start3A_54] : memref<5x!tpu.dma_semaphore, #tpu.memory_space<semaphore_mem>> -> memref<1x!tpu.dma_semaphore, #tpu.memory_space<semaphore_mem>>
    %dma_start3A_61 = tpu.memref_squeeze %dma_start3A_60 : memref<1x!tpu.dma_semaphore, #tpu.memory_space<semaphore_mem>> -> memref<!tpu.dma_semaphore, #tpu.memory_space<semaphore_mem>>
    tpu.enqueue_indirect_dma source(%dma_start3A_59 : memref<10000x128xf32, #tpu.memory_space<hbm>>) target(%arg13 : memref<40x128xf32, #tpu.memory_space<vmem>>) offsets(%dma_start3A_56 : memref<40xi32, #tpu.memory_space<vmem>>) semaphore(%dma_start3A_61 : memref<!tpu.dma_semaphore, #tpu.memory_space<semaphore_mem>>)
    %dma_wait3A = arith.constant 0 : i32
    %dma_wait3A_62 = arith.constant 0 : i32
    %dma_wait3A_63 = tpu.memref_slice %arg7[%dma_wait3A_62] : memref<10000xi32, #tpu.memory_space<vmem>> -> memref<40xi32, #tpu.memory_space<vmem>>
    %dma_wait3A_64 = arith.constant 0 : i32
    %dma_wait3A_65 = arith.constant 0 : i32
    %dma_wait3A_66 = tpu.memref_slice %arg2[%dma_wait3A_64, %dma_wait3A_65] : memref<10000x128xf32, #tpu.memory_space<hbm>> -> memref<10000x128xf32, #tpu.memory_space<hbm>>
    %dma_wait3A_67 = tpu.memref_slice %arg14[%dma_wait3A] : memref<5x!tpu.dma_semaphore, #tpu.memory_space<semaphore_mem>> -> memref<1x!tpu.dma_semaphore, #tpu.memory_space<semaphore_mem>>
    %dma_wait3A_68 = tpu.memref_squeeze %dma_wait3A_67 : memref<1x!tpu.dma_semaphore, #tpu.memory_space<semaphore_mem>> -> memref<!tpu.dma_semaphore, #tpu.memory_space<semaphore_mem>>
    tpu.wait_indirect_dma semaphore(%dma_wait3A_68 : memref<!tpu.dma_semaphore, #tpu.memory_space<semaphore_mem>>) src(%dma_wait3A_66 : memref<10000x128xf32, #tpu.memory_space<hbm>>) dst(%arg9 : memref<40x128xf32, #tpu.memory_space<vmem>>)
    %dma_start3A_69 = arith.constant 0 : i32
    %dma_start3A_70 = arith.constant 0 : i32
    %dma_start3A_71 = tpu.memref_slice %arg8[%dma_start3A_70] : memref<10000xi32, #tpu.memory_space<vmem>> -> memref<40xi32, #tpu.memory_space<vmem>>
    %dma_start3A_72 = arith.constant 0 : i32
    %dma_start3A_73 = arith.constant 0 : i32
    %dma_start3A_74 = tpu.memref_slice %arg6[%dma_start3A_72, %dma_start3A_73] : memref<10240x128xf32, #tpu.memory_space<vmem_shared>> -> memref<10240x128xf32, #tpu.memory_space<vmem_shared>>
    %dma_start3A_75 = tpu.memref_slice %arg15[%dma_start3A_69] : memref<5x!tpu.dma_semaphore, #tpu.memory_space<semaphore_mem>> -> memref<1x!tpu.dma_semaphore, #tpu.memory_space<semaphore_mem>>
    %dma_start3A_76 = tpu.memref_squeeze %dma_start3A_75 : memref<1x!tpu.dma_semaphore, #tpu.memory_space<semaphore_mem>> -> memref<!tpu.dma_semaphore, #tpu.memory_space<semaphore_mem>>
    tpu.enqueue_indirect_dma source(%arg9 : memref<40x128xf32, #tpu.memory_space<vmem>>) target(%dma_start3A_74 : memref<10240x128xf32, #tpu.memory_space<vmem_shared>>) offsets(%dma_start3A_71 : memref<40xi32, #tpu.memory_space<vmem>>) semaphore(%dma_start3A_76 : memref<!tpu.dma_semaphore, #tpu.memory_space<semaphore_mem>>) {add = true}
    %dma_wait3A_77 = arith.constant 1 : i32
    %dma_wait3A_78 = arith.constant 40 : i32
    %dma_wait3A_79 = tpu.memref_slice %arg7[%dma_wait3A_78] : memref<10000xi32, #tpu.memory_space<vmem>> -> memref<40xi32, #tpu.memory_space<vmem>>
    %dma_wait3A_80 = arith.constant 0 : i32
    %dma_wait3A_81 = arith.constant 0 : i32
    %dma_wait3A_82 = tpu.memref_slice %arg2[%dma_wait3A_80, %dma_wait3A_81] : memref<10000x128xf32, #tpu.memory_space<hbm>> -> memref<10000x128xf32, #tpu.memory_space<hbm>>
    %dma_wait3A_83 = tpu.memref_slice %arg14[%dma_wait3A_77] : memref<5x!tpu.dma_semaphore, #tpu.memory_space<semaphore_mem>> -> memref<1x!tpu.dma_semaphore, #tpu.memory_space<semaphore_mem>>
    %dma_wait3A_84 = tpu.memref_squeeze %dma_wait3A_83 : memref<1x!tpu.dma_semaphore, #tpu.memory_space<semaphore_mem>> -> memref<!tpu.dma_semaphore, #tpu.memory_space<semaphore_mem>>
    tpu.wait_indirect_dma semaphore(%dma_wait3A_84 : memref<!tpu.dma_semaphore, #tpu.memory_space<semaphore_mem>>) src(%dma_wait3A_82 : memref<10000x128xf32, #tpu.memory_space<hbm>>) dst(%arg10 : memref<40x128xf32, #tpu.memory_space<vmem>>)
    %dma_start3A_85 = arith.constant 1 : i32
    %dma_start3A_86 = arith.constant 40 : i32
    %dma_start3A_87 = tpu.memref_slice %arg8[%dma_start3A_86] : memref<10000xi32, #tpu.memory_space<vmem>> -> memref<40xi32, #tpu.memory_space<vmem>>
    %dma_start3A_88 = arith.constant 0 : i32
    %dma_start3A_89 = arith.constant 0 : i32
    %dma_start3A_90 = tpu.memref_slice %arg6[%dma_start3A_88, %dma_start3A_89] : memref<10240x128xf32, #tpu.memory_space<vmem_shared>> -> memref<10240x128xf32, #tpu.memory_space<vmem_shared>>
    %dma_start3A_91 = tpu.memref_slice %arg15[%dma_start3A_85] : memref<5x!tpu.dma_semaphore, #tpu.memory_space<semaphore_mem>> -> memref<1x!tpu.dma_semaphore, #tpu.memory_space<semaphore_mem>>
    %dma_start3A_92 = tpu.memref_squeeze %dma_start3A_91 : memref<1x!tpu.dma_semaphore, #tpu.memory_space<semaphore_mem>> -> memref<!tpu.dma_semaphore, #tpu.memory_space<semaphore_mem>>
    tpu.enqueue_indirect_dma source(%arg10 : memref<40x128xf32, #tpu.memory_space<vmem>>) target(%dma_start3A_90 : memref<10240x128xf32, #tpu.memory_space<vmem_shared>>) offsets(%dma_start3A_87 : memref<40xi32, #tpu.memory_space<vmem>>) semaphore(%dma_start3A_92 : memref<!tpu.dma_semaphore, #tpu.memory_space<semaphore_mem>>) {add = true}
    %dma_wait3A_93 = arith.constant 2 : i32
    %dma_wait3A_94 = arith.constant 80 : i32
    %dma_wait3A_95 = tpu.memref_slice %arg7[%dma_wait3A_94] : memref<10000xi32, #tpu.memory_space<vmem>> -> memref<40xi32, #tpu.memory_space<vmem>>
    %dma_wait3A_96 = arith.constant 0 : i32
    %dma_wait3A_97 = arith.constant 0 : i32
    %dma_wait3A_98 = tpu.memref_slice %arg2[%dma_wait3A_96, %dma_wait3A_97] : memref<10000x128xf32, #tpu.memory_space<hbm>> -> memref<10000x128xf32, #tpu.memory_space<hbm>>
    %dma_wait3A_99 = tpu.memref_slice %arg14[%dma_wait3A_93] : memref<5x!tpu.dma_semaphore, #tpu.memory_space<semaphore_mem>> -> memref<1x!tpu.dma_semaphore, #tpu.memory_space<semaphore_mem>>
    %dma_wait3A_100 = tpu.memref_squeeze %dma_wait3A_99 : memref<1x!tpu.dma_semaphore, #tpu.memory_space<semaphore_mem>> -> memref<!tpu.dma_semaphore, #tpu.memory_space<semaphore_mem>>
    tpu.wait_indirect_dma semaphore(%dma_wait3A_100 : memref<!tpu.dma_semaphore, #tpu.memory_space<semaphore_mem>>) src(%dma_wait3A_98 : memref<10000x128xf32, #tpu.memory_space<hbm>>) dst(%arg11 : memref<40x128xf32, #tpu.memory_space<vmem>>)
    %dma_start3A_101 = arith.constant 2 : i32
    %dma_start3A_102 = arith.constant 80 : i32
    %dma_start3A_103 = tpu.memref_slice %arg8[%dma_start3A_102] : memref<10000xi32, #tpu.memory_space<vmem>> -> memref<40xi32, #tpu.memory_space<vmem>>
    %dma_start3A_104 = arith.constant 0 : i32
    %dma_start3A_105 = arith.constant 0 : i32
    %dma_start3A_106 = tpu.memref_slice %arg6[%dma_start3A_104, %dma_start3A_105] : memref<10240x128xf32, #tpu.memory_space<vmem_shared>> -> memref<10240x128xf32, #tpu.memory_space<vmem_shared>>
    %dma_start3A_107 = tpu.memref_slice %arg15[%dma_start3A_101] : memref<5x!tpu.dma_semaphore, #tpu.memory_space<semaphore_mem>> -> memref<1x!tpu.dma_semaphore, #tpu.memory_space<semaphore_mem>>
    %dma_start3A_108 = tpu.memref_squeeze %dma_start3A_107 : memref<1x!tpu.dma_semaphore, #tpu.memory_space<semaphore_mem>> -> memref<!tpu.dma_semaphore, #tpu.memory_space<semaphore_mem>>
    tpu.enqueue_indirect_dma source(%arg11 : memref<40x128xf32, #tpu.memory_space<vmem>>) target(%dma_start3A_106 : memref<10240x128xf32, #tpu.memory_space<vmem_shared>>) offsets(%dma_start3A_103 : memref<40xi32, #tpu.memory_space<vmem>>) semaphore(%dma_start3A_108 : memref<!tpu.dma_semaphore, #tpu.memory_space<semaphore_mem>>) {add = true}
    %dma_wait3A_109 = arith.constant 3 : i32
    %dma_wait3A_110 = arith.constant 120 : i32
    %dma_wait3A_111 = tpu.memref_slice %arg7[%dma_wait3A_110] : memref<10000xi32, #tpu.memory_space<vmem>> -> memref<40xi32, #tpu.memory_space<vmem>>
    %dma_wait3A_112 = arith.constant 0 : i32
    %dma_wait3A_113 = arith.constant 0 : i32
    %dma_wait3A_114 = tpu.memref_slice %arg2[%dma_wait3A_112, %dma_wait3A_113] : memref<10000x128xf32, #tpu.memory_space<hbm>> -> memref<10000x128xf32, #tpu.memory_space<hbm>>
    %dma_wait3A_115 = tpu.memref_slice %arg14[%dma_wait3A_109] : memref<5x!tpu.dma_semaphore, #tpu.memory_space<semaphore_mem>> -> memref<1x!tpu.dma_semaphore, #tpu.memory_space<semaphore_mem>>
    %dma_wait3A_116 = tpu.memref_squeeze %dma_wait3A_115 : memref<1x!tpu.dma_semaphore, #tpu.memory_space<semaphore_mem>> -> memref<!tpu.dma_semaphore, #tpu.memory_space<semaphore_mem>>
    tpu.wait_indirect_dma semaphore(%dma_wait3A_116 : memref<!tpu.dma_semaphore, #tpu.memory_space<semaphore_mem>>) src(%dma_wait3A_114 : memref<10000x128xf32, #tpu.memory_space<hbm>>) dst(%arg12 : memref<40x128xf32, #tpu.memory_space<vmem>>)
    %dma_start3A_117 = arith.constant 3 : i32
    %dma_start3A_118 = arith.constant 120 : i32
    %dma_start3A_119 = tpu.memref_slice %arg8[%dma_start3A_118] : memref<10000xi32, #tpu.memory_space<vmem>> -> memref<40xi32, #tpu.memory_space<vmem>>
    %dma_start3A_120 = arith.constant 0 : i32
    %dma_start3A_121 = arith.constant 0 : i32
    %dma_start3A_122 = tpu.memref_slice %arg6[%dma_start3A_120, %dma_start3A_121] : memref<10240x128xf32, #tpu.memory_space<vmem_shared>> -> memref<10240x128xf32, #tpu.memory_space<vmem_shared>>
    %dma_start3A_123 = tpu.memref_slice %arg15[%dma_start3A_117] : memref<5x!tpu.dma_semaphore, #tpu.memory_space<semaphore_mem>> -> memref<1x!tpu.dma_semaphore, #tpu.memory_space<semaphore_mem>>
    %dma_start3A_124 = tpu.memref_squeeze %dma_start3A_123 : memref<1x!tpu.dma_semaphore, #tpu.memory_space<semaphore_mem>> -> memref<!tpu.dma_semaphore, #tpu.memory_space<semaphore_mem>>
    tpu.enqueue_indirect_dma source(%arg12 : memref<40x128xf32, #tpu.memory_space<vmem>>) target(%dma_start3A_122 : memref<10240x128xf32, #tpu.memory_space<vmem_shared>>) offsets(%dma_start3A_119 : memref<40xi32, #tpu.memory_space<vmem>>) semaphore(%dma_start3A_124 : memref<!tpu.dma_semaphore, #tpu.memory_space<semaphore_mem>>) {add = true}
    %dma_wait3A_125 = arith.constant 4 : i32
    %dma_wait3A_126 = arith.constant 160 : i32
    %dma_wait3A_127 = tpu.memref_slice %arg7[%dma_wait3A_126] : memref<10000xi32, #tpu.memory_space<vmem>> -> memref<40xi32, #tpu.memory_space<vmem>>
    %dma_wait3A_128 = arith.constant 0 : i32
    %dma_wait3A_129 = arith.constant 0 : i32
    %dma_wait3A_130 = tpu.memref_slice %arg2[%dma_wait3A_128, %dma_wait3A_129] : memref<10000x128xf32, #tpu.memory_space<hbm>> -> memref<10000x128xf32, #tpu.memory_space<hbm>>
    %dma_wait3A_131 = tpu.memref_slice %arg14[%dma_wait3A_125] : memref<5x!tpu.dma_semaphore, #tpu.memory_space<semaphore_mem>> -> memref<1x!tpu.dma_semaphore, #tpu.memory_space<semaphore_mem>>
    %dma_wait3A_132 = tpu.memref_squeeze %dma_wait3A_131 : memref<1x!tpu.dma_semaphore, #tpu.memory_space<semaphore_mem>> -> memref<!tpu.dma_semaphore, #tpu.memory_space<semaphore_mem>>
    tpu.wait_indirect_dma semaphore(%dma_wait3A_132 : memref<!tpu.dma_semaphore, #tpu.memory_space<semaphore_mem>>) src(%dma_wait3A_130 : memref<10000x128xf32, #tpu.memory_space<hbm>>) dst(%arg13 : memref<40x128xf32, #tpu.memory_space<vmem>>)
    %dma_start3A_133 = arith.constant 4 : i32
    %dma_start3A_134 = arith.constant 160 : i32
    %dma_start3A_135 = tpu.memref_slice %arg8[%dma_start3A_134] : memref<10000xi32, #tpu.memory_space<vmem>> -> memref<40xi32, #tpu.memory_space<vmem>>
    %dma_start3A_136 = arith.constant 0 : i32
    %dma_start3A_137 = arith.constant 0 : i32
    %dma_start3A_138 = tpu.memref_slice %arg6[%dma_start3A_136, %dma_start3A_137] : memref<10240x128xf32, #tpu.memory_space<vmem_shared>> -> memref<10240x128xf32, #tpu.memory_space<vmem_shared>>
    %dma_start3A_139 = tpu.memref_slice %arg15[%dma_start3A_133] : memref<5x!tpu.dma_semaphore, #tpu.memory_space<semaphore_mem>> -> memref<1x!tpu.dma_semaphore, #tpu.memory_space<semaphore_mem>>
    %dma_start3A_140 = tpu.memref_squeeze %dma_start3A_139 : memref<1x!tpu.dma_semaphore, #tpu.memory_space<semaphore_mem>> -> memref<!tpu.dma_semaphore, #tpu.memory_space<semaphore_mem>>
    tpu.enqueue_indirect_dma source(%arg13 : memref<40x128xf32, #tpu.memory_space<vmem>>) target(%dma_start3A_138 : memref<10240x128xf32, #tpu.memory_space<vmem_shared>>) offsets(%dma_start3A_135 : memref<40xi32, #tpu.memory_space<vmem>>) semaphore(%dma_start3A_140 : memref<!tpu.dma_semaphore, #tpu.memory_space<semaphore_mem>>) {add = true}
    %scan3A_141 = arith.constant 0 : i32
    %scan3A_142 = arith.constant 1 : i32
    %scan3A_143 = arith.constant 49 : i32
    %scan3A_144 = arith.addi %scan3A_142, %scan3A_143 : i32
    %scan3A_145 = arith.constant 1 : i32
    scf.for %scan3A_367 = %scan3A_142 to %scan3A_144 step %scan3A_145  : i32 {
      %mul3A_368 = arith.constant 5 : i32
      %mul3A_369 = arith.muli %scan3A_367, %mul3A_368 : i32
      %add3A_370 = arith.constant 0 : i32
      %add3A_371 = arith.addi %mul3A_369, %add3A_370 : i32
      %dma_wait3A_372 = arith.constant 0 : i32
      %dma_wait3A_373 = arith.constant 0 : i32
      %dma_wait3A_374 = arith.constant 0 : i32
      %dma_wait3A_375 = tpu.memref_slice %arg2[%dma_wait3A_373, %dma_wait3A_374] : memref<10000x128xf32, #tpu.memory_space<hbm>> -> memref<40x128xf32, #tpu.memory_space<hbm>>
      %dma_wait3A_376 = tpu.memref_slice %arg15[%dma_wait3A_372] : memref<5x!tpu.dma_semaphore, #tpu.memory_space<semaphore_mem>> -> memref<1x!tpu.dma_semaphore, #tpu.memory_space<semaphore_mem>>
      %dma_wait3A_377 = tpu.memref_squeeze %dma_wait3A_376 : memref<1x!tpu.dma_semaphore, #tpu.memory_space<semaphore_mem>> -> memref<!tpu.dma_semaphore, #tpu.memory_space<semaphore_mem>>
      %dma_wait3A_378 = arith.constant 0 : i32
      %dma_wait3A_379 = arith.constant 0 : i32
      %dma_wait3A_380 = tpu.memref_slice %arg2[%dma_wait3A_378, %dma_wait3A_379] : memref<10000x128xf32, #tpu.memory_space<hbm>> -> memref<40x128xf32, #tpu.memory_space<hbm>>
      tpu.wait_dma2 semaphore(%dma_wait3A_377 : memref<!tpu.dma_semaphore, #tpu.memory_space<semaphore_mem>>) src(%dma_wait3A_380 : memref<40x128xf32, #tpu.memory_space<hbm>>) dst(%arg9 : memref<40x128xf32, #tpu.memory_space<vmem>>)
      %mul3A_381 = arith.constant 40 : i32
      %mul3A_382 = arith.muli %add3A_371, %mul3A_381 : i32
      %dma_start3A_383 = arith.constant 0 : i32
      %dma_start3A_384 = tpu.memref_slice %arg7[%mul3A_382] : memref<10000xi32, #tpu.memory_space<vmem>> -> memref<40xi32, #tpu.memory_space<vmem>>
      %dma_start3A_385 = arith.constant 0 : i32
      %dma_start3A_386 = arith.constant 0 : i32
      %dma_start3A_387 = tpu.memref_slice %arg2[%dma_start3A_385, %dma_start3A_386] : memref<10000x128xf32, #tpu.memory_space<hbm>> -> memref<10000x128xf32, #tpu.memory_space<hbm>>
      %dma_start3A_388 = tpu.memref_slice %arg14[%dma_start3A_383] : memref<5x!tpu.dma_semaphore, #tpu.memory_space<semaphore_mem>> -> memref<1x!tpu.dma_semaphore, #tpu.memory_space<semaphore_mem>>
      %dma_start3A_389 = tpu.memref_squeeze %dma_start3A_388 : memref<1x!tpu.dma_semaphore, #tpu.memory_space<semaphore_mem>> -> memref<!tpu.dma_semaphore, #tpu.memory_space<semaphore_mem>>
      tpu.enqueue_indirect_dma source(%dma_start3A_387 : memref<10000x128xf32, #tpu.memory_space<hbm>>) target(%arg9 : memref<40x128xf32, #tpu.memory_space<vmem>>) offsets(%dma_start3A_384 : memref<40xi32, #tpu.memory_space<vmem>>) semaphore(%dma_start3A_389 : memref<!tpu.dma_semaphore, #tpu.memory_space<semaphore_mem>>)
      %mul3A_390 = arith.constant 5 : i32
      %mul3A_391 = arith.muli %scan3A_367, %mul3A_390 : i32
      %add3A_392 = arith.constant 1 : i32
      %add3A_393 = arith.addi %mul3A_391, %add3A_392 : i32
      %dma_wait3A_394 = arith.constant 1 : i32
      %dma_wait3A_395 = arith.constant 0 : i32
      %dma_wait3A_396 = arith.constant 0 : i32
      %dma_wait3A_397 = tpu.memref_slice %arg2[%dma_wait3A_395, %dma_wait3A_396] : memref<10000x128xf32, #tpu.memory_space<hbm>> -> memref<40x128xf32, #tpu.memory_space<hbm>>
      %dma_wait3A_398 = tpu.memref_slice %arg15[%dma_wait3A_394] : memref<5x!tpu.dma_semaphore, #tpu.memory_space<semaphore_mem>> -> memref<1x!tpu.dma_semaphore, #tpu.memory_space<semaphore_mem>>
      %dma_wait3A_399 = tpu.memref_squeeze %dma_wait3A_398 : memref<1x!tpu.dma_semaphore, #tpu.memory_space<semaphore_mem>> -> memref<!tpu.dma_semaphore, #tpu.memory_space<semaphore_mem>>
      %dma_wait3A_400 = arith.constant 0 : i32
      %dma_wait3A_401 = arith.constant 0 : i32
      %dma_wait3A_402 = tpu.memref_slice %arg2[%dma_wait3A_400, %dma_wait3A_401] : memref<10000x128xf32, #tpu.memory_space<hbm>> -> memref<40x128xf32, #tpu.memory_space<hbm>>
      tpu.wait_dma2 semaphore(%dma_wait3A_399 : memref<!tpu.dma_semaphore, #tpu.memory_space<semaphore_mem>>) src(%dma_wait3A_402 : memref<40x128xf32, #tpu.memory_space<hbm>>) dst(%arg10 : memref<40x128xf32, #tpu.memory_space<vmem>>)
      %mul3A_403 = arith.constant 40 : i32
      %mul3A_404 = arith.muli %add3A_393, %mul3A_403 : i32
      %dma_start3A_405 = arith.constant 1 : i32
      %dma_start3A_406 = tpu.memref_slice %arg7[%mul3A_404] : memref<10000xi32, #tpu.memory_space<vmem>> -> memref<40xi32, #tpu.memory_space<vmem>>
      %dma_start3A_407 = arith.constant 0 : i32
      %dma_start3A_408 = arith.constant 0 : i32
      %dma_start3A_409 = tpu.memref_slice %arg2[%dma_start3A_407, %dma_start3A_408] : memref<10000x128xf32, #tpu.memory_space<hbm>> -> memref<10000x128xf32, #tpu.memory_space<hbm>>
      %dma_start3A_410 = tpu.memref_slice %arg14[%dma_start3A_405] : memref<5x!tpu.dma_semaphore, #tpu.memory_space<semaphore_mem>> -> memref<1x!tpu.dma_semaphore, #tpu.memory_space<semaphore_mem>>
      %dma_start3A_411 = tpu.memref_squeeze %dma_start3A_410 : memref<1x!tpu.dma_semaphore, #tpu.memory_space<semaphore_mem>> -> memref<!tpu.dma_semaphore, #tpu.memory_space<semaphore_mem>>
      tpu.enqueue_indirect_dma source(%dma_start3A_409 : memref<10000x128xf32, #tpu.memory_space<hbm>>) target(%arg10 : memref<40x128xf32, #tpu.memory_space<vmem>>) offsets(%dma_start3A_406 : memref<40xi32, #tpu.memory_space<vmem>>) semaphore(%dma_start3A_411 : memref<!tpu.dma_semaphore, #tpu.memory_space<semaphore_mem>>)
      %mul3A_412 = arith.constant 5 : i32
      %mul3A_413 = arith.muli %scan3A_367, %mul3A_412 : i32
      %add3A_414 = arith.constant 2 : i32
      %add3A_415 = arith.addi %mul3A_413, %add3A_414 : i32
      %dma_wait3A_416 = arith.constant 2 : i32
      %dma_wait3A_417 = arith.constant 0 : i32
      %dma_wait3A_418 = arith.constant 0 : i32
      %dma_wait3A_419 = tpu.memref_slice %arg2[%dma_wait3A_417, %dma_wait3A_418] : memref<10000x128xf32, #tpu.memory_space<hbm>> -> memref<40x128xf32, #tpu.memory_space<hbm>>
      %dma_wait3A_420 = tpu.memref_slice %arg15[%dma_wait3A_416] : memref<5x!tpu.dma_semaphore, #tpu.memory_space<semaphore_mem>> -> memref<1x!tpu.dma_semaphore, #tpu.memory_space<semaphore_mem>>
      %dma_wait3A_421 = tpu.memref_squeeze %dma_wait3A_420 : memref<1x!tpu.dma_semaphore, #tpu.memory_space<semaphore_mem>> -> memref<!tpu.dma_semaphore, #tpu.memory_space<semaphore_mem>>
      %dma_wait3A_422 = arith.constant 0 : i32
      %dma_wait3A_423 = arith.constant 0 : i32
      %dma_wait3A_424 = tpu.memref_slice %arg2[%dma_wait3A_422, %dma_wait3A_423] : memref<10000x128xf32, #tpu.memory_space<hbm>> -> memref<40x128xf32, #tpu.memory_space<hbm>>
      tpu.wait_dma2 semaphore(%dma_wait3A_421 : memref<!tpu.dma_semaphore, #tpu.memory_space<semaphore_mem>>) src(%dma_wait3A_424 : memref<40x128xf32, #tpu.memory_space<hbm>>) dst(%arg11 : memref<40x128xf32, #tpu.memory_space<vmem>>)
      %mul3A_425 = arith.constant 40 : i32
      %mul3A_426 = arith.muli %add3A_415, %mul3A_425 : i32
      %dma_start3A_427 = arith.constant 2 : i32
      %dma_start3A_428 = tpu.memref_slice %arg7[%mul3A_426] : memref<10000xi32, #tpu.memory_space<vmem>> -> memref<40xi32, #tpu.memory_space<vmem>>
      %dma_start3A_429 = arith.constant 0 : i32
      %dma_start3A_430 = arith.constant 0 : i32
      %dma_start3A_431 = tpu.memref_slice %arg2[%dma_start3A_429, %dma_start3A_430] : memref<10000x128xf32, #tpu.memory_space<hbm>> -> memref<10000x128xf32, #tpu.memory_space<hbm>>
      %dma_start3A_432 = tpu.memref_slice %arg14[%dma_start3A_427] : memref<5x!tpu.dma_semaphore, #tpu.memory_space<semaphore_mem>> -> memref<1x!tpu.dma_semaphore, #tpu.memory_space<semaphore_mem>>
      %dma_start3A_433 = tpu.memref_squeeze %dma_start3A_432 : memref<1x!tpu.dma_semaphore, #tpu.memory_space<semaphore_mem>> -> memref<!tpu.dma_semaphore, #tpu.memory_space<semaphore_mem>>
      tpu.enqueue_indirect_dma source(%dma_start3A_431 : memref<10000x128xf32, #tpu.memory_space<hbm>>) target(%arg11 : memref<40x128xf32, #tpu.memory_space<vmem>>) offsets(%dma_start3A_428 : memref<40xi32, #tpu.memory_space<vmem>>) semaphore(%dma_start3A_433 : memref<!tpu.dma_semaphore, #tpu.memory_space<semaphore_mem>>)
      %mul3A_434 = arith.constant 5 : i32
      %mul3A_435 = arith.muli %scan3A_367, %mul3A_434 : i32
      %add3A_436 = arith.constant 3 : i32
      %add3A_437 = arith.addi %mul3A_435, %add3A_436 : i32
      %dma_wait3A_438 = arith.constant 3 : i32
      %dma_wait3A_439 = arith.constant 0 : i32
      %dma_wait3A_440 = arith.constant 0 : i32
      %dma_wait3A_441 = tpu.memref_slice %arg2[%dma_wait3A_439, %dma_wait3A_440] : memref<10000x128xf32, #tpu.memory_space<hbm>> -> memref<40x128xf32, #tpu.memory_space<hbm>>
      %dma_wait3A_442 = tpu.memref_slice %arg15[%dma_wait3A_438] : memref<5x!tpu.dma_semaphore, #tpu.memory_space<semaphore_mem>> -> memref<1x!tpu.dma_semaphore, #tpu.memory_space<semaphore_mem>>
      %dma_wait3A_443 = tpu.memref_squeeze %dma_wait3A_442 : memref<1x!tpu.dma_semaphore, #tpu.memory_space<semaphore_mem>> -> memref<!tpu.dma_semaphore, #tpu.memory_space<semaphore_mem>>
      %dma_wait3A_444 = arith.constant 0 : i32
      %dma_wait3A_445 = arith.constant 0 : i32
      %dma_wait3A_446 = tpu.memref_slice %arg2[%dma_wait3A_444, %dma_wait3A_445] : memref<10000x128xf32, #tpu.memory_space<hbm>> -> memref<40x128xf32, #tpu.memory_space<hbm>>
      tpu.wait_dma2 semaphore(%dma_wait3A_443 : memref<!tpu.dma_semaphore, #tpu.memory_space<semaphore_mem>>) src(%dma_wait3A_446 : memref<40x128xf32, #tpu.memory_space<hbm>>) dst(%arg12 : memref<40x128xf32, #tpu.memory_space<vmem>>)
      %mul3A_447 = arith.constant 40 : i32
      %mul3A_448 = arith.muli %add3A_437, %mul3A_447 : i32
      %dma_start3A_449 = arith.constant 3 : i32
      %dma_start3A_450 = tpu.memref_slice %arg7[%mul3A_448] : memref<10000xi32, #tpu.memory_space<vmem>> -> memref<40xi32, #tpu.memory_space<vmem>>
      %dma_start3A_451 = arith.constant 0 : i32
      %dma_start3A_452 = arith.constant 0 : i32
      %dma_start3A_453 = tpu.memref_slice %arg2[%dma_start3A_451, %dma_start3A_452] : memref<10000x128xf32, #tpu.memory_space<hbm>> -> memref<10000x128xf32, #tpu.memory_space<hbm>>
      %dma_start3A_454 = tpu.memref_slice %arg14[%dma_start3A_449] : memref<5x!tpu.dma_semaphore, #tpu.memory_space<semaphore_mem>> -> memref<1x!tpu.dma_semaphore, #tpu.memory_space<semaphore_mem>>
      %dma_start3A_455 = tpu.memref_squeeze %dma_start3A_454 : memref<1x!tpu.dma_semaphore, #tpu.memory_space<semaphore_mem>> -> memref<!tpu.dma_semaphore, #tpu.memory_space<semaphore_mem>>
      tpu.enqueue_indirect_dma source(%dma_start3A_453 : memref<10000x128xf32, #tpu.memory_space<hbm>>) target(%arg12 : memref<40x128xf32, #tpu.memory_space<vmem>>) offsets(%dma_start3A_450 : memref<40xi32, #tpu.memory_space<vmem>>) semaphore(%dma_start3A_455 : memref<!tpu.dma_semaphore, #tpu.memory_space<semaphore_mem>>)
      %mul3A_456 = arith.constant 5 : i32
      %mul3A_457 = arith.muli %scan3A_367, %mul3A_456 : i32
      %add3A_458 = arith.constant 4 : i32
      %add3A_459 = arith.addi %mul3A_457, %add3A_458 : i32
      %dma_wait3A_460 = arith.constant 4 : i32
      %dma_wait3A_461 = arith.constant 0 : i32
      %dma_wait3A_462 = arith.constant 0 : i32
      %dma_wait3A_463 = tpu.memref_slice %arg2[%dma_wait3A_461, %dma_wait3A_462] : memref<10000x128xf32, #tpu.memory_space<hbm>> -> memref<40x128xf32, #tpu.memory_space<hbm>>
      %dma_wait3A_464 = tpu.memref_slice %arg15[%dma_wait3A_460] : memref<5x!tpu.dma_semaphore, #tpu.memory_space<semaphore_mem>> -> memref<1x!tpu.dma_semaphore, #tpu.memory_space<semaphore_mem>>
      %dma_wait3A_465 = tpu.memref_squeeze %dma_wait3A_464 : memref<1x!tpu.dma_semaphore, #tpu.memory_space<semaphore_mem>> -> memref<!tpu.dma_semaphore, #tpu.memory_space<semaphore_mem>>
      %dma_wait3A_466 = arith.constant 0 : i32
      %dma_wait3A_467 = arith.constant 0 : i32
      %dma_wait3A_468 = tpu.memref_slice %arg2[%dma_wait3A_466, %dma_wait3A_467] : memref<10000x128xf32, #tpu.memory_space<hbm>> -> memref<40x128xf32, #tpu.memory_space<hbm>>
      tpu.wait_dma2 semaphore(%dma_wait3A_465 : memref<!tpu.dma_semaphore, #tpu.memory_space<semaphore_mem>>) src(%dma_wait3A_468 : memref<40x128xf32, #tpu.memory_space<hbm>>) dst(%arg13 : memref<40x128xf32, #tpu.memory_space<vmem>>)
      %mul3A_469 = arith.constant 40 : i32
      %mul3A_470 = arith.muli %add3A_459, %mul3A_469 : i32
      %dma_start3A_471 = arith.constant 4 : i32
      %dma_start3A_472 = tpu.memref_slice %arg7[%mul3A_470] : memref<10000xi32, #tpu.memory_space<vmem>> -> memref<40xi32, #tpu.memory_space<vmem>>
      %dma_start3A_473 = arith.constant 0 : i32
      %dma_start3A_474 = arith.constant 0 : i32
      %dma_start3A_475 = tpu.memref_slice %arg2[%dma_start3A_473, %dma_start3A_474] : memref<10000x128xf32, #tpu.memory_space<hbm>> -> memref<10000x128xf32, #tpu.memory_space<hbm>>
      %dma_start3A_476 = tpu.memref_slice %arg14[%dma_start3A_471] : memref<5x!tpu.dma_semaphore, #tpu.memory_space<semaphore_mem>> -> memref<1x!tpu.dma_semaphore, #tpu.memory_space<semaphore_mem>>
      %dma_start3A_477 = tpu.memref_squeeze %dma_start3A_476 : memref<1x!tpu.dma_semaphore, #tpu.memory_space<semaphore_mem>> -> memref<!tpu.dma_semaphore, #tpu.memory_space<semaphore_mem>>
      tpu.enqueue_indirect_dma source(%dma_start3A_475 : memref<10000x128xf32, #tpu.memory_space<hbm>>) target(%arg13 : memref<40x128xf32, #tpu.memory_space<vmem>>) offsets(%dma_start3A_472 : memref<40xi32, #tpu.memory_space<vmem>>) semaphore(%dma_start3A_477 : memref<!tpu.dma_semaphore, #tpu.memory_space<semaphore_mem>>)
      %mul3A_478 = arith.constant 5 : i32
      %mul3A_479 = arith.muli %scan3A_367, %mul3A_478 : i32
      %add3A_480 = arith.constant 0 : i32
      %add3A_481 = arith.addi %mul3A_479, %add3A_480 : i32
      %dma_wait3A_482 = arith.constant 0 : i32
      %dma_wait3A_483 = tpu.memref_slice %arg7[%mul3A_382] : memref<10000xi32, #tpu.memory_space<vmem>> -> memref<40xi32, #tpu.memory_space<vmem>>
      %dma_wait3A_484 = arith.constant 0 : i32
      %dma_wait3A_485 = arith.constant 0 : i32
      %dma_wait3A_486 = tpu.memref_slice %arg2[%dma_wait3A_484, %dma_wait3A_485] : memref<10000x128xf32, #tpu.memory_space<hbm>> -> memref<10000x128xf32, #tpu.memory_space<hbm>>
      %dma_wait3A_487 = tpu.memref_slice %arg14[%dma_wait3A_482] : memref<5x!tpu.dma_semaphore, #tpu.memory_space<semaphore_mem>> -> memref<1x!tpu.dma_semaphore, #tpu.memory_space<semaphore_mem>>
      %dma_wait3A_488 = tpu.memref_squeeze %dma_wait3A_487 : memref<1x!tpu.dma_semaphore, #tpu.memory_space<semaphore_mem>> -> memref<!tpu.dma_semaphore, #tpu.memory_space<semaphore_mem>>
      tpu.wait_indirect_dma semaphore(%dma_wait3A_488 : memref<!tpu.dma_semaphore, #tpu.memory_space<semaphore_mem>>) src(%dma_wait3A_486 : memref<10000x128xf32, #tpu.memory_space<hbm>>) dst(%arg9 : memref<40x128xf32, #tpu.memory_space<vmem>>)
      %mul3A_489 = arith.constant 40 : i32
      %mul3A_490 = arith.muli %add3A_481, %mul3A_489 : i32
      %dma_start3A_491 = arith.constant 0 : i32
      %dma_start3A_492 = tpu.memref_slice %arg8[%mul3A_490] : memref<10000xi32, #tpu.memory_space<vmem>> -> memref<40xi32, #tpu.memory_space<vmem>>
      %dma_start3A_493 = arith.constant 0 : i32
      %dma_start3A_494 = arith.constant 0 : i32
      %dma_start3A_495 = tpu.memref_slice %arg6[%dma_start3A_493, %dma_start3A_494] : memref<10240x128xf32, #tpu.memory_space<vmem_shared>> -> memref<10240x128xf32, #tpu.memory_space<vmem_shared>>
      %dma_start3A_496 = tpu.memref_slice %arg15[%dma_start3A_491] : memref<5x!tpu.dma_semaphore, #tpu.memory_space<semaphore_mem>> -> memref<1x!tpu.dma_semaphore, #tpu.memory_space<semaphore_mem>>
      %dma_start3A_497 = tpu.memref_squeeze %dma_start3A_496 : memref<1x!tpu.dma_semaphore, #tpu.memory_space<semaphore_mem>> -> memref<!tpu.dma_semaphore, #tpu.memory_space<semaphore_mem>>
      tpu.enqueue_indirect_dma source(%arg9 : memref<40x128xf32, #tpu.memory_space<vmem>>) target(%dma_start3A_495 : memref<10240x128xf32, #tpu.memory_space<vmem_shared>>) offsets(%dma_start3A_492 : memref<40xi32, #tpu.memory_space<vmem>>) semaphore(%dma_start3A_497 : memref<!tpu.dma_semaphore, #tpu.memory_space<semaphore_mem>>) {add = true}
      %mul3A_498 = arith.constant 5 : i32
      %mul3A_499 = arith.muli %scan3A_367, %mul3A_498 : i32
      %add3A_500 = arith.constant 1 : i32
      %add3A_501 = arith.addi %mul3A_499, %add3A_500 : i32
      %dma_wait3A_502 = arith.constant 1 : i32
      %dma_wait3A_503 = tpu.memref_slice %arg7[%mul3A_404] : memref<10000xi32, #tpu.memory_space<vmem>> -> memref<40xi32, #tpu.memory_space<vmem>>
      %dma_wait3A_504 = arith.constant 0 : i32
      %dma_wait3A_505 = arith.constant 0 : i32
      %dma_wait3A_506 = tpu.memref_slice %arg2[%dma_wait3A_504, %dma_wait3A_505] : memref<10000x128xf32, #tpu.memory_space<hbm>> -> memref<10000x128xf32, #tpu.memory_space<hbm>>
      %dma_wait3A_507 = tpu.memref_slice %arg14[%dma_wait3A_502] : memref<5x!tpu.dma_semaphore, #tpu.memory_space<semaphore_mem>> -> memref<1x!tpu.dma_semaphore, #tpu.memory_space<semaphore_mem>>
      %dma_wait3A_508 = tpu.memref_squeeze %dma_wait3A_507 : memref<1x!tpu.dma_semaphore, #tpu.memory_space<semaphore_mem>> -> memref<!tpu.dma_semaphore, #tpu.memory_space<semaphore_mem>>
      tpu.wait_indirect_dma semaphore(%dma_wait3A_508 : memref<!tpu.dma_semaphore, #tpu.memory_space<semaphore_mem>>) src(%dma_wait3A_506 : memref<10000x128xf32, #tpu.memory_space<hbm>>) dst(%arg10 : memref<40x128xf32, #tpu.memory_space<vmem>>)
      %mul3A_509 = arith.constant 40 : i32
      %mul3A_510 = arith.muli %add3A_501, %mul3A_509 : i32
      %dma_start3A_511 = arith.constant 1 : i32
      %dma_start3A_512 = tpu.memref_slice %arg8[%mul3A_510] : memref<10000xi32, #tpu.memory_space<vmem>> -> memref<40xi32, #tpu.memory_space<vmem>>
      %dma_start3A_513 = arith.constant 0 : i32
      %dma_start3A_514 = arith.constant 0 : i32
      %dma_start3A_515 = tpu.memref_slice %arg6[%dma_start3A_513, %dma_start3A_514] : memref<10240x128xf32, #tpu.memory_space<vmem_shared>> -> memref<10240x128xf32, #tpu.memory_space<vmem_shared>>
      %dma_start3A_516 = tpu.memref_slice %arg15[%dma_start3A_511] : memref<5x!tpu.dma_semaphore, #tpu.memory_space<semaphore_mem>> -> memref<1x!tpu.dma_semaphore, #tpu.memory_space<semaphore_mem>>
      %dma_start3A_517 = tpu.memref_squeeze %dma_start3A_516 : memref<1x!tpu.dma_semaphore, #tpu.memory_space<semaphore_mem>> -> memref<!tpu.dma_semaphore, #tpu.memory_space<semaphore_mem>>
      tpu.enqueue_indirect_dma source(%arg10 : memref<40x128xf32, #tpu.memory_space<vmem>>) target(%dma_start3A_515 : memref<10240x128xf32, #tpu.memory_space<vmem_shared>>) offsets(%dma_start3A_512 : memref<40xi32, #tpu.memory_space<vmem>>) semaphore(%dma_start3A_517 : memref<!tpu.dma_semaphore, #tpu.memory_space<semaphore_mem>>) {add = true}
      %mul3A_518 = arith.constant 5 : i32
      %mul3A_519 = arith.muli %scan3A_367, %mul3A_518 : i32
      %add3A_520 = arith.constant 2 : i32
      %add3A_521 = arith.addi %mul3A_519, %add3A_520 : i32
      %dma_wait3A_522 = arith.constant 2 : i32
      %dma_wait3A_523 = tpu.memref_slice %arg7[%mul3A_426] : memref<10000xi32, #tpu.memory_space<vmem>> -> memref<40xi32, #tpu.memory_space<vmem>>
      %dma_wait3A_524 = arith.constant 0 : i32
      %dma_wait3A_525 = arith.constant 0 : i32
      %dma_wait3A_526 = tpu.memref_slice %arg2[%dma_wait3A_524, %dma_wait3A_525] : memref<10000x128xf32, #tpu.memory_space<hbm>> -> memref<10000x128xf32, #tpu.memory_space<hbm>>
      %dma_wait3A_527 = tpu.memref_slice %arg14[%dma_wait3A_522] : memref<5x!tpu.dma_semaphore, #tpu.memory_space<semaphore_mem>> -> memref<1x!tpu.dma_semaphore, #tpu.memory_space<semaphore_mem>>
      %dma_wait3A_528 = tpu.memref_squeeze %dma_wait3A_527 : memref<1x!tpu.dma_semaphore, #tpu.memory_space<semaphore_mem>> -> memref<!tpu.dma_semaphore, #tpu.memory_space<semaphore_mem>>
      tpu.wait_indirect_dma semaphore(%dma_wait3A_528 : memref<!tpu.dma_semaphore, #tpu.memory_space<semaphore_mem>>) src(%dma_wait3A_526 : memref<10000x128xf32, #tpu.memory_space<hbm>>) dst(%arg11 : memref<40x128xf32, #tpu.memory_space<vmem>>)
      %mul3A_529 = arith.constant 40 : i32
      %mul3A_530 = arith.muli %add3A_521, %mul3A_529 : i32
      %dma_start3A_531 = arith.constant 2 : i32
      %dma_start3A_532 = tpu.memref_slice %arg8[%mul3A_530] : memref<10000xi32, #tpu.memory_space<vmem>> -> memref<40xi32, #tpu.memory_space<vmem>>
      %dma_start3A_533 = arith.constant 0 : i32
      %dma_start3A_534 = arith.constant 0 : i32
      %dma_start3A_535 = tpu.memref_slice %arg6[%dma_start3A_533, %dma_start3A_534] : memref<10240x128xf32, #tpu.memory_space<vmem_shared>> -> memref<10240x128xf32, #tpu.memory_space<vmem_shared>>
      %dma_start3A_536 = tpu.memref_slice %arg15[%dma_start3A_531] : memref<5x!tpu.dma_semaphore, #tpu.memory_space<semaphore_mem>> -> memref<1x!tpu.dma_semaphore, #tpu.memory_space<semaphore_mem>>
      %dma_start3A_537 = tpu.memref_squeeze %dma_start3A_536 : memref<1x!tpu.dma_semaphore, #tpu.memory_space<semaphore_mem>> -> memref<!tpu.dma_semaphore, #tpu.memory_space<semaphore_mem>>
      tpu.enqueue_indirect_dma source(%arg11 : memref<40x128xf32, #tpu.memory_space<vmem>>) target(%dma_start3A_535 : memref<10240x128xf32, #tpu.memory_space<vmem_shared>>) offsets(%dma_start3A_532 : memref<40xi32, #tpu.memory_space<vmem>>) semaphore(%dma_start3A_537 : memref<!tpu.dma_semaphore, #tpu.memory_space<semaphore_mem>>) {add = true}
      %mul3A_538 = arith.constant 5 : i32
      %mul3A_539 = arith.muli %scan3A_367, %mul3A_538 : i32
      %add3A_540 = arith.constant 3 : i32
      %add3A_541 = arith.addi %mul3A_539, %add3A_540 : i32
      %dma_wait3A_542 = arith.constant 3 : i32
      %dma_wait3A_543 = tpu.memref_slice %arg7[%mul3A_448] : memref<10000xi32, #tpu.memory_space<vmem>> -> memref<40xi32, #tpu.memory_space<vmem>>
      %dma_wait3A_544 = arith.constant 0 : i32
      %dma_wait3A_545 = arith.constant 0 : i32
      %dma_wait3A_546 = tpu.memref_slice %arg2[%dma_wait3A_544, %dma_wait3A_545] : memref<10000x128xf32, #tpu.memory_space<hbm>> -> memref<10000x128xf32, #tpu.memory_space<hbm>>
      %dma_wait3A_547 = tpu.memref_slice %arg14[%dma_wait3A_542] : memref<5x!tpu.dma_semaphore, #tpu.memory_space<semaphore_mem>> -> memref<1x!tpu.dma_semaphore, #tpu.memory_space<semaphore_mem>>
      %dma_wait3A_548 = tpu.memref_squeeze %dma_wait3A_547 : memref<1x!tpu.dma_semaphore, #tpu.memory_space<semaphore_mem>> -> memref<!tpu.dma_semaphore, #tpu.memory_space<semaphore_mem>>
      tpu.wait_indirect_dma semaphore(%dma_wait3A_548 : memref<!tpu.dma_semaphore, #tpu.memory_space<semaphore_mem>>) src(%dma_wait3A_546 : memref<10000x128xf32, #tpu.memory_space<hbm>>) dst(%arg12 : memref<40x128xf32, #tpu.memory_space<vmem>>)
      %mul3A_549 = arith.constant 40 : i32
      %mul3A_550 = arith.muli %add3A_541, %mul3A_549 : i32
      %dma_start3A_551 = arith.constant 3 : i32
      %dma_start3A_552 = tpu.memref_slice %arg8[%mul3A_550] : memref<10000xi32, #tpu.memory_space<vmem>> -> memref<40xi32, #tpu.memory_space<vmem>>
      %dma_start3A_553 = arith.constant 0 : i32
      %dma_start3A_554 = arith.constant 0 : i32
      %dma_start3A_555 = tpu.memref_slice %arg6[%dma_start3A_553, %dma_start3A_554] : memref<10240x128xf32, #tpu.memory_space<vmem_shared>> -> memref<10240x128xf32, #tpu.memory_space<vmem_shared>>
      %dma_start3A_556 = tpu.memref_slice %arg15[%dma_start3A_551] : memref<5x!tpu.dma_semaphore, #tpu.memory_space<semaphore_mem>> -> memref<1x!tpu.dma_semaphore, #tpu.memory_space<semaphore_mem>>
      %dma_start3A_557 = tpu.memref_squeeze %dma_start3A_556 : memref<1x!tpu.dma_semaphore, #tpu.memory_space<semaphore_mem>> -> memref<!tpu.dma_semaphore, #tpu.memory_space<semaphore_mem>>
      tpu.enqueue_indirect_dma source(%arg12 : memref<40x128xf32, #tpu.memory_space<vmem>>) target(%dma_start3A_555 : memref<10240x128xf32, #tpu.memory_space<vmem_shared>>) offsets(%dma_start3A_552 : memref<40xi32, #tpu.memory_space<vmem>>) semaphore(%dma_start3A_557 : memref<!tpu.dma_semaphore, #tpu.memory_space<semaphore_mem>>) {add = true}
      %mul3A_558 = arith.constant 5 : i32
      %mul3A_559 = arith.muli %scan3A_367, %mul3A_558 : i32
      %add3A_560 = arith.constant 4 : i32
      %add3A_561 = arith.addi %mul3A_559, %add3A_560 : i32
      %dma_wait3A_562 = arith.constant 4 : i32
      %dma_wait3A_563 = tpu.memref_slice %arg7[%mul3A_470] : memref<10000xi32, #tpu.memory_space<vmem>> -> memref<40xi32, #tpu.memory_space<vmem>>
      %dma_wait3A_564 = arith.constant 0 : i32
      %dma_wait3A_565 = arith.constant 0 : i32
      %dma_wait3A_566 = tpu.memref_slice %arg2[%dma_wait3A_564, %dma_wait3A_565] : memref<10000x128xf32, #tpu.memory_space<hbm>> -> memref<10000x128xf32, #tpu.memory_space<hbm>>
      %dma_wait3A_567 = tpu.memref_slice %arg14[%dma_wait3A_562] : memref<5x!tpu.dma_semaphore, #tpu.memory_space<semaphore_mem>> -> memref<1x!tpu.dma_semaphore, #tpu.memory_space<semaphore_mem>>
      %dma_wait3A_568 = tpu.memref_squeeze %dma_wait3A_567 : memref<1x!tpu.dma_semaphore, #tpu.memory_space<semaphore_mem>> -> memref<!tpu.dma_semaphore, #tpu.memory_space<semaphore_mem>>
      tpu.wait_indirect_dma semaphore(%dma_wait3A_568 : memref<!tpu.dma_semaphore, #tpu.memory_space<semaphore_mem>>) src(%dma_wait3A_566 : memref<10000x128xf32, #tpu.memory_space<hbm>>) dst(%arg13 : memref<40x128xf32, #tpu.memory_space<vmem>>)
      %mul3A_569 = arith.constant 40 : i32
      %mul3A_570 = arith.muli %add3A_561, %mul3A_569 : i32
      %dma_start3A_571 = arith.constant 4 : i32
      %dma_start3A_572 = tpu.memref_slice %arg8[%mul3A_570] : memref<10000xi32, #tpu.memory_space<vmem>> -> memref<40xi32, #tpu.memory_space<vmem>>
      %dma_start3A_573 = arith.constant 0 : i32
      %dma_start3A_574 = arith.constant 0 : i32
      %dma_start3A_575 = tpu.memref_slice %arg6[%dma_start3A_573, %dma_start3A_574] : memref<10240x128xf32, #tpu.memory_space<vmem_shared>> -> memref<10240x128xf32, #tpu.memory_space<vmem_shared>>
      %dma_start3A_576 = tpu.memref_slice %arg15[%dma_start3A_571] : memref<5x!tpu.dma_semaphore, #tpu.memory_space<semaphore_mem>> -> memref<1x!tpu.dma_semaphore, #tpu.memory_space<semaphore_mem>>
      %dma_start3A_577 = tpu.memref_squeeze %dma_start3A_576 : memref<1x!tpu.dma_semaphore, #tpu.memory_space<semaphore_mem>> -> memref<!tpu.dma_semaphore, #tpu.memory_space<semaphore_mem>>
      tpu.enqueue_indirect_dma source(%arg13 : memref<40x128xf32, #tpu.memory_space<vmem>>) target(%dma_start3A_575 : memref<10240x128xf32, #tpu.memory_space<vmem_shared>>) offsets(%dma_start3A_572 : memref<40xi32, #tpu.memory_space<vmem>>) semaphore(%dma_start3A_577 : memref<!tpu.dma_semaphore, #tpu.memory_space<semaphore_mem>>) {add = true}
    }
    %scan3A_146 = arith.constant 49 : i32
    %dma_wait3A_147 = arith.constant 0 : i32
    %dma_wait3A_148 = arith.constant 0 : i32
    %dma_wait3A_149 = arith.constant 0 : i32
    %dma_wait3A_150 = tpu.memref_slice %arg2[%dma_wait3A_148, %dma_wait3A_149] : memref<10000x128xf32, #tpu.memory_space<hbm>> -> memref<40x128xf32, #tpu.memory_space<hbm>>
    %dma_wait3A_151 = tpu.memref_slice %arg15[%dma_wait3A_147] : memref<5x!tpu.dma_semaphore, #tpu.memory_space<semaphore_mem>> -> memref<1x!tpu.dma_semaphore, #tpu.memory_space<semaphore_mem>>
    %dma_wait3A_152 = tpu.memref_squeeze %dma_wait3A_151 : memref<1x!tpu.dma_semaphore, #tpu.memory_space<semaphore_mem>> -> memref<!tpu.dma_semaphore, #tpu.memory_space<semaphore_mem>>
    %dma_wait3A_153 = arith.constant 0 : i32
    %dma_wait3A_154 = arith.constant 0 : i32
    %dma_wait3A_155 = tpu.memref_slice %arg2[%dma_wait3A_153, %dma_wait3A_154] : memref<10000x128xf32, #tpu.memory_space<hbm>> -> memref<40x128xf32, #tpu.memory_space<hbm>>
    tpu.wait_dma2 semaphore(%dma_wait3A_152 : memref<!tpu.dma_semaphore, #tpu.memory_space<semaphore_mem>>) src(%dma_wait3A_155 : memref<40x128xf32, #tpu.memory_space<hbm>>) dst(%arg9 : memref<40x128xf32, #tpu.memory_space<vmem>>)
    %dma_wait3A_156 = arith.constant 1 : i32
    %dma_wait3A_157 = arith.constant 0 : i32
    %dma_wait3A_158 = arith.constant 0 : i32
    %dma_wait3A_159 = tpu.memref_slice %arg2[%dma_wait3A_157, %dma_wait3A_158] : memref<10000x128xf32, #tpu.memory_space<hbm>> -> memref<40x128xf32, #tpu.memory_space<hbm>>
    %dma_wait3A_160 = tpu.memref_slice %arg15[%dma_wait3A_156] : memref<5x!tpu.dma_semaphore, #tpu.memory_space<semaphore_mem>> -> memref<1x!tpu.dma_semaphore, #tpu.memory_space<semaphore_mem>>
    %dma_wait3A_161 = tpu.memref_squeeze %dma_wait3A_160 : memref<1x!tpu.dma_semaphore, #tpu.memory_space<semaphore_mem>> -> memref<!tpu.dma_semaphore, #tpu.memory_space<semaphore_mem>>
    %dma_wait3A_162 = arith.constant 0 : i32
    %dma_wait3A_163 = arith.constant 0 : i32
    %dma_wait3A_164 = tpu.memref_slice %arg2[%dma_wait3A_162, %dma_wait3A_163] : memref<10000x128xf32, #tpu.memory_space<hbm>> -> memref<40x128xf32, #tpu.memory_space<hbm>>
    tpu.wait_dma2 semaphore(%dma_wait3A_161 : memref<!tpu.dma_semaphore, #tpu.memory_space<semaphore_mem>>) src(%dma_wait3A_164 : memref<40x128xf32, #tpu.memory_space<hbm>>) dst(%arg10 : memref<40x128xf32, #tpu.memory_space<vmem>>)
    %dma_wait3A_165 = arith.constant 2 : i32
    %dma_wait3A_166 = arith.constant 0 : i32
    %dma_wait3A_167 = arith.constant 0 : i32
    %dma_wait3A_168 = tpu.memref_slice %arg2[%dma_wait3A_166, %dma_wait3A_167] : memref<10000x128xf32, #tpu.memory_space<hbm>> -> memref<40x128xf32, #tpu.memory_space<hbm>>
    %dma_wait3A_169 = tpu.memref_slice %arg15[%dma_wait3A_165] : memref<5x!tpu.dma_semaphore, #tpu.memory_space<semaphore_mem>> -> memref<1x!tpu.dma_semaphore, #tpu.memory_space<semaphore_mem>>
    %dma_wait3A_170 = tpu.memref_squeeze %dma_wait3A_169 : memref<1x!tpu.dma_semaphore, #tpu.memory_space<semaphore_mem>> -> memref<!tpu.dma_semaphore, #tpu.memory_space<semaphore_mem>>
    %dma_wait3A_171 = arith.constant 0 : i32
    %dma_wait3A_172 = arith.constant 0 : i32
    %dma_wait3A_173 = tpu.memref_slice %arg2[%dma_wait3A_171, %dma_wait3A_172] : memref<10000x128xf32, #tpu.memory_space<hbm>> -> memref<40x128xf32, #tpu.memory_space<hbm>>
    tpu.wait_dma2 semaphore(%dma_wait3A_170 : memref<!tpu.dma_semaphore, #tpu.memory_space<semaphore_mem>>) src(%dma_wait3A_173 : memref<40x128xf32, #tpu.memory_space<hbm>>) dst(%arg11 : memref<40x128xf32, #tpu.memory_space<vmem>>)
    %dma_wait3A_174 = arith.constant 3 : i32
    %dma_wait3A_175 = arith.constant 0 : i32
    %dma_wait3A_176 = arith.constant 0 : i32
    %dma_wait3A_177 = tpu.memref_slice %arg2[%dma_wait3A_175, %dma_wait3A_176] : memref<10000x128xf32, #tpu.memory_space<hbm>> -> memref<40x128xf32, #tpu.memory_space<hbm>>
    %dma_wait3A_178 = tpu.memref_slice %arg15[%dma_wait3A_174] : memref<5x!tpu.dma_semaphore, #tpu.memory_space<semaphore_mem>> -> memref<1x!tpu.dma_semaphore, #tpu.memory_space<semaphore_mem>>
    %dma_wait3A_179 = tpu.memref_squeeze %dma_wait3A_178 : memref<1x!tpu.dma_semaphore, #tpu.memory_space<semaphore_mem>> -> memref<!tpu.dma_semaphore, #tpu.memory_space<semaphore_mem>>
    %dma_wait3A_180 = arith.constant 0 : i32
    %dma_wait3A_181 = arith.constant 0 : i32
    %dma_wait3A_182 = tpu.memref_slice %arg2[%dma_wait3A_180, %dma_wait3A_181] : memref<10000x128xf32, #tpu.memory_space<hbm>> -> memref<40x128xf32, #tpu.memory_space<hbm>>
    tpu.wait_dma2 semaphore(%dma_wait3A_179 : memref<!tpu.dma_semaphore, #tpu.memory_space<semaphore_mem>>) src(%dma_wait3A_182 : memref<40x128xf32, #tpu.memory_space<hbm>>) dst(%arg12 : memref<40x128xf32, #tpu.memory_space<vmem>>)
    %dma_wait3A_183 = arith.constant 4 : i32
    %dma_wait3A_184 = arith.constant 0 : i32
    %dma_wait3A_185 = arith.constant 0 : i32
    %dma_wait3A_186 = tpu.memref_slice %arg2[%dma_wait3A_184, %dma_wait3A_185] : memref<10000x128xf32, #tpu.memory_space<hbm>> -> memref<40x128xf32, #tpu.memory_space<hbm>>
    %dma_wait3A_187 = tpu.memref_slice %arg15[%dma_wait3A_183] : memref<5x!tpu.dma_semaphore, #tpu.memory_space<semaphore_mem>> -> memref<1x!tpu.dma_semaphore, #tpu.memory_space<semaphore_mem>>
    %dma_wait3A_188 = tpu.memref_squeeze %dma_wait3A_187 : memref<1x!tpu.dma_semaphore, #tpu.memory_space<semaphore_mem>> -> memref<!tpu.dma_semaphore, #tpu.memory_space<semaphore_mem>>
    %dma_wait3A_189 = arith.constant 0 : i32
    %dma_wait3A_190 = arith.constant 0 : i32
    %dma_wait3A_191 = tpu.memref_slice %arg2[%dma_wait3A_189, %dma_wait3A_190] : memref<10000x128xf32, #tpu.memory_space<hbm>> -> memref<40x128xf32, #tpu.memory_space<hbm>>
    tpu.wait_dma2 semaphore(%dma_wait3A_188 : memref<!tpu.dma_semaphore, #tpu.memory_space<semaphore_mem>>) src(%dma_wait3A_191 : memref<40x128xf32, #tpu.memory_space<hbm>>) dst(%arg13 : memref<40x128xf32, #tpu.memory_space<vmem>>)
    %barrier3A_192 = arith.constant 0 : index
    tpu.barrier barrier_id(%barrier3A_192)
    %mul3A_193 = arith.constant 640 : i32
    %mul3A_194 = arith.muli %arg1, %mul3A_193 : i32
    %add3A_195 = arith.constant 0 : i32
    %add3A_196 = arith.addi %mul3A_194, %add3A_195 : i32
    %dma_start3A_197 = arith.constant 0 : i32
    %dma_start3A_198 = arith.constant 0 : i32
    %dma_start3A_199 = tpu.memref_slice %arg6[%add3A_196, %dma_start3A_198] : memref<10240x128xf32, #tpu.memory_space<vmem_shared>> -> memref<40x128xf32, #tpu.memory_space<vmem_shared>>
    %dma_start3A_200 = tpu.memref_slice %arg14[%dma_start3A_197] : memref<5x!tpu.dma_semaphore, #tpu.memory_space<semaphore_mem>> -> memref<1x!tpu.dma_semaphore, #tpu.memory_space<semaphore_mem>>
    %dma_start3A_201 = tpu.memref_squeeze %dma_start3A_200 : memref<1x!tpu.dma_semaphore, #tpu.memory_space<semaphore_mem>> -> memref<!tpu.dma_semaphore, #tpu.memory_space<semaphore_mem>>
    %dma_start3A_202 = arith.constant 0 : i32
    %dma_start3A_203 = tpu.memref_slice %arg6[%add3A_196, %dma_start3A_202] : memref<10240x128xf32, #tpu.memory_space<vmem_shared>> -> memref<40x128xf32, #tpu.memory_space<vmem_shared>>
    tpu.enqueue_dma source(%dma_start3A_203 : memref<40x128xf32, #tpu.memory_space<vmem_shared>>) target(%arg9 : memref<40x128xf32, #tpu.memory_space<vmem>>) target_semaphore(%dma_start3A_201 : memref<!tpu.dma_semaphore, #tpu.memory_space<semaphore_mem>>)
    %mul3A_204 = arith.constant 640 : i32
    %mul3A_205 = arith.muli %arg1, %mul3A_204 : i32
    %add3A_206 = arith.constant 40 : i32
    %add3A_207 = arith.addi %mul3A_205, %add3A_206 : i32
    %dma_start3A_208 = arith.constant 1 : i32
    %dma_start3A_209 = arith.constant 0 : i32
    %dma_start3A_210 = tpu.memref_slice %arg6[%add3A_207, %dma_start3A_209] : memref<10240x128xf32, #tpu.memory_space<vmem_shared>> -> memref<40x128xf32, #tpu.memory_space<vmem_shared>>
    %dma_start3A_211 = tpu.memref_slice %arg14[%dma_start3A_208] : memref<5x!tpu.dma_semaphore, #tpu.memory_space<semaphore_mem>> -> memref<1x!tpu.dma_semaphore, #tpu.memory_space<semaphore_mem>>
    %dma_start3A_212 = tpu.memref_squeeze %dma_start3A_211 : memref<1x!tpu.dma_semaphore, #tpu.memory_space<semaphore_mem>> -> memref<!tpu.dma_semaphore, #tpu.memory_space<semaphore_mem>>
    %dma_start3A_213 = arith.constant 0 : i32
    %dma_start3A_214 = tpu.memref_slice %arg6[%add3A_207, %dma_start3A_213] : memref<10240x128xf32, #tpu.memory_space<vmem_shared>> -> memref<40x128xf32, #tpu.memory_space<vmem_shared>>
    tpu.enqueue_dma source(%dma_start3A_214 : memref<40x128xf32, #tpu.memory_space<vmem_shared>>) target(%arg10 : memref<40x128xf32, #tpu.memory_space<vmem>>) target_semaphore(%dma_start3A_212 : memref<!tpu.dma_semaphore, #tpu.memory_space<semaphore_mem>>)
    %mul3A_215 = arith.constant 640 : i32
    %mul3A_216 = arith.muli %arg1, %mul3A_215 : i32
    %add3A_217 = arith.constant 80 : i32
    %add3A_218 = arith.addi %mul3A_216, %add3A_217 : i32
    %dma_start3A_219 = arith.constant 2 : i32
    %dma_start3A_220 = arith.constant 0 : i32
    %dma_start3A_221 = tpu.memref_slice %arg6[%add3A_218, %dma_start3A_220] : memref<10240x128xf32, #tpu.memory_space<vmem_shared>> -> memref<40x128xf32, #tpu.memory_space<vmem_shared>>
    %dma_start3A_222 = tpu.memref_slice %arg14[%dma_start3A_219] : memref<5x!tpu.dma_semaphore, #tpu.memory_space<semaphore_mem>> -> memref<1x!tpu.dma_semaphore, #tpu.memory_space<semaphore_mem>>
    %dma_start3A_223 = tpu.memref_squeeze %dma_start3A_222 : memref<1x!tpu.dma_semaphore, #tpu.memory_space<semaphore_mem>> -> memref<!tpu.dma_semaphore, #tpu.memory_space<semaphore_mem>>
    %dma_start3A_224 = arith.constant 0 : i32
    %dma_start3A_225 = tpu.memref_slice %arg6[%add3A_218, %dma_start3A_224] : memref<10240x128xf32, #tpu.memory_space<vmem_shared>> -> memref<40x128xf32, #tpu.memory_space<vmem_shared>>
    tpu.enqueue_dma source(%dma_start3A_225 : memref<40x128xf32, #tpu.memory_space<vmem_shared>>) target(%arg11 : memref<40x128xf32, #tpu.memory_space<vmem>>) target_semaphore(%dma_start3A_223 : memref<!tpu.dma_semaphore, #tpu.memory_space<semaphore_mem>>)
    %mul3A_226 = arith.constant 640 : i32
    %mul3A_227 = arith.muli %arg1, %mul3A_226 : i32
    %add3A_228 = arith.constant 120 : i32
    %add3A_229 = arith.addi %mul3A_227, %add3A_228 : i32
    %dma_start3A_230 = arith.constant 3 : i32
    %dma_start3A_231 = arith.constant 0 : i32
    %dma_start3A_232 = tpu.memref_slice %arg6[%add3A_229, %dma_start3A_231] : memref<10240x128xf32, #tpu.memory_space<vmem_shared>> -> memref<40x128xf32, #tpu.memory_space<vmem_shared>>
    %dma_start3A_233 = tpu.memref_slice %arg14[%dma_start3A_230] : memref<5x!tpu.dma_semaphore, #tpu.memory_space<semaphore_mem>> -> memref<1x!tpu.dma_semaphore, #tpu.memory_space<semaphore_mem>>
    %dma_start3A_234 = tpu.memref_squeeze %dma_start3A_233 : memref<1x!tpu.dma_semaphore, #tpu.memory_space<semaphore_mem>> -> memref<!tpu.dma_semaphore, #tpu.memory_space<semaphore_mem>>
    %dma_start3A_235 = arith.constant 0 : i32
    %dma_start3A_236 = tpu.memref_slice %arg6[%add3A_229, %dma_start3A_235] : memref<10240x128xf32, #tpu.memory_space<vmem_shared>> -> memref<40x128xf32, #tpu.memory_space<vmem_shared>>
    tpu.enqueue_dma source(%dma_start3A_236 : memref<40x128xf32, #tpu.memory_space<vmem_shared>>) target(%arg12 : memref<40x128xf32, #tpu.memory_space<vmem>>) target_semaphore(%dma_start3A_234 : memref<!tpu.dma_semaphore, #tpu.memory_space<semaphore_mem>>)
    %mul3A_237 = arith.constant 640 : i32
    %mul3A_238 = arith.muli %arg1, %mul3A_237 : i32
    %add3A_239 = arith.constant 0 : i32
    %add3A_240 = arith.addi %mul3A_238, %add3A_239 : i32
    %dma_wait3A_241 = arith.constant 0 : i32
    %dma_wait3A_242 = arith.constant 0 : i32
    %dma_wait3A_243 = arith.constant 0 : i32
    %dma_wait3A_244 = tpu.memref_slice %arg2[%dma_wait3A_242, %dma_wait3A_243] : memref<10000x128xf32, #tpu.memory_space<hbm>> -> memref<40x128xf32, #tpu.memory_space<hbm>>
    %dma_wait3A_245 = tpu.memref_slice %arg14[%dma_wait3A_241] : memref<5x!tpu.dma_semaphore, #tpu.memory_space<semaphore_mem>> -> memref<1x!tpu.dma_semaphore, #tpu.memory_space<semaphore_mem>>
    %dma_wait3A_246 = tpu.memref_squeeze %dma_wait3A_245 : memref<1x!tpu.dma_semaphore, #tpu.memory_space<semaphore_mem>> -> memref<!tpu.dma_semaphore, #tpu.memory_space<semaphore_mem>>
    %dma_wait3A_247 = arith.constant 0 : i32
    %dma_wait3A_248 = arith.constant 0 : i32
    %dma_wait3A_249 = tpu.memref_slice %arg2[%dma_wait3A_247, %dma_wait3A_248] : memref<10000x128xf32, #tpu.memory_space<hbm>> -> memref<40x128xf32, #tpu.memory_space<hbm>>
    tpu.wait_dma2 semaphore(%dma_wait3A_246 : memref<!tpu.dma_semaphore, #tpu.memory_space<semaphore_mem>>) src(%dma_wait3A_249 : memref<40x128xf32, #tpu.memory_space<hbm>>) dst(%arg9 : memref<40x128xf32, #tpu.memory_space<vmem>>)
    %dma_start3A_250 = arith.constant 0 : i32
    %dma_start3A_251 = arith.constant 0 : i32
    %dma_start3A_252 = tpu.memref_slice %arg5[%arg0, %add3A_240, %dma_start3A_251] : memref<2x10240x128xf32, #tpu.memory_space<hbm>> -> memref<1x40x128xf32, #tpu.memory_space<hbm>>
    %dma_start3A_253 = tpu.memref_squeeze %dma_start3A_252 : memref<1x40x128xf32, #tpu.memory_space<hbm>> -> memref<40x128xf32, #tpu.memory_space<hbm>>
    %dma_start3A_254 = tpu.memref_slice %arg15[%dma_start3A_250] : memref<5x!tpu.dma_semaphore, #tpu.memory_space<semaphore_mem>> -> memref<1x!tpu.dma_semaphore, #tpu.memory_space<semaphore_mem>>
    %dma_start3A_255 = tpu.memref_squeeze %dma_start3A_254 : memref<1x!tpu.dma_semaphore, #tpu.memory_space<semaphore_mem>> -> memref<!tpu.dma_semaphore, #tpu.memory_space<semaphore_mem>>
    %dma_start3A_256 = arith.constant 0 : i32
    %dma_start3A_257 = tpu.memref_slice %arg5[%arg0, %add3A_240, %dma_start3A_256] : memref<2x10240x128xf32, #tpu.memory_space<hbm>> -> memref<1x40x128xf32, #tpu.memory_space<hbm>>
    %dma_start3A_258 = tpu.memref_squeeze %dma_start3A_257 : memref<1x40x128xf32, #tpu.memory_space<hbm>> -> memref<40x128xf32, #tpu.memory_space<hbm>>
    tpu.enqueue_dma source(%arg9 : memref<40x128xf32, #tpu.memory_space<vmem>>) target(%dma_start3A_258 : memref<40x128xf32, #tpu.memory_space<hbm>>) target_semaphore(%dma_start3A_255 : memref<!tpu.dma_semaphore, #tpu.memory_space<semaphore_mem>>)
    %mul3A_259 = arith.constant 640 : i32
    %mul3A_260 = arith.muli %arg1, %mul3A_259 : i32
    %add3A_261 = arith.constant 40 : i32
    %add3A_262 = arith.addi %mul3A_260, %add3A_261 : i32
    %dma_wait3A_263 = arith.constant 1 : i32
    %dma_wait3A_264 = arith.constant 0 : i32
    %dma_wait3A_265 = arith.constant 0 : i32
    %dma_wait3A_266 = tpu.memref_slice %arg2[%dma_wait3A_264, %dma_wait3A_265] : memref<10000x128xf32, #tpu.memory_space<hbm>> -> memref<40x128xf32, #tpu.memory_space<hbm>>
    %dma_wait3A_267 = tpu.memref_slice %arg14[%dma_wait3A_263] : memref<5x!tpu.dma_semaphore, #tpu.memory_space<semaphore_mem>> -> memref<1x!tpu.dma_semaphore, #tpu.memory_space<semaphore_mem>>
    %dma_wait3A_268 = tpu.memref_squeeze %dma_wait3A_267 : memref<1x!tpu.dma_semaphore, #tpu.memory_space<semaphore_mem>> -> memref<!tpu.dma_semaphore, #tpu.memory_space<semaphore_mem>>
    %dma_wait3A_269 = arith.constant 0 : i32
    %dma_wait3A_270 = arith.constant 0 : i32
    %dma_wait3A_271 = tpu.memref_slice %arg2[%dma_wait3A_269, %dma_wait3A_270] : memref<10000x128xf32, #tpu.memory_space<hbm>> -> memref<40x128xf32, #tpu.memory_space<hbm>>
    tpu.wait_dma2 semaphore(%dma_wait3A_268 : memref<!tpu.dma_semaphore, #tpu.memory_space<semaphore_mem>>) src(%dma_wait3A_271 : memref<40x128xf32, #tpu.memory_space<hbm>>) dst(%arg10 : memref<40x128xf32, #tpu.memory_space<vmem>>)
    %dma_start3A_272 = arith.constant 1 : i32
    %dma_start3A_273 = arith.constant 0 : i32
    %dma_start3A_274 = tpu.memref_slice %arg5[%arg0, %add3A_262, %dma_start3A_273] : memref<2x10240x128xf32, #tpu.memory_space<hbm>> -> memref<1x40x128xf32, #tpu.memory_space<hbm>>
    %dma_start3A_275 = tpu.memref_squeeze %dma_start3A_274 : memref<1x40x128xf32, #tpu.memory_space<hbm>> -> memref<40x128xf32, #tpu.memory_space<hbm>>
    %dma_start3A_276 = tpu.memref_slice %arg15[%dma_start3A_272] : memref<5x!tpu.dma_semaphore, #tpu.memory_space<semaphore_mem>> -> memref<1x!tpu.dma_semaphore, #tpu.memory_space<semaphore_mem>>
    %dma_start3A_277 = tpu.memref_squeeze %dma_start3A_276 : memref<1x!tpu.dma_semaphore, #tpu.memory_space<semaphore_mem>> -> memref<!tpu.dma_semaphore, #tpu.memory_space<semaphore_mem>>
    %dma_start3A_278 = arith.constant 0 : i32
    %dma_start3A_279 = tpu.memref_slice %arg5[%arg0, %add3A_262, %dma_start3A_278] : memref<2x10240x128xf32, #tpu.memory_space<hbm>> -> memref<1x40x128xf32, #tpu.memory_space<hbm>>
    %dma_start3A_280 = tpu.memref_squeeze %dma_start3A_279 : memref<1x40x128xf32, #tpu.memory_space<hbm>> -> memref<40x128xf32, #tpu.memory_space<hbm>>
    tpu.enqueue_dma source(%arg10 : memref<40x128xf32, #tpu.memory_space<vmem>>) target(%dma_start3A_280 : memref<40x128xf32, #tpu.memory_space<hbm>>) target_semaphore(%dma_start3A_277 : memref<!tpu.dma_semaphore, #tpu.memory_space<semaphore_mem>>)
    %mul3A_281 = arith.constant 640 : i32
    %mul3A_282 = arith.muli %arg1, %mul3A_281 : i32
    %add3A_283 = arith.constant 80 : i32
    %add3A_284 = arith.addi %mul3A_282, %add3A_283 : i32
    %dma_wait3A_285 = arith.constant 2 : i32
    %dma_wait3A_286 = arith.constant 0 : i32
    %dma_wait3A_287 = arith.constant 0 : i32
    %dma_wait3A_288 = tpu.memref_slice %arg2[%dma_wait3A_286, %dma_wait3A_287] : memref<10000x128xf32, #tpu.memory_space<hbm>> -> memref<40x128xf32, #tpu.memory_space<hbm>>
    %dma_wait3A_289 = tpu.memref_slice %arg14[%dma_wait3A_285] : memref<5x!tpu.dma_semaphore, #tpu.memory_space<semaphore_mem>> -> memref<1x!tpu.dma_semaphore, #tpu.memory_space<semaphore_mem>>
    %dma_wait3A_290 = tpu.memref_squeeze %dma_wait3A_289 : memref<1x!tpu.dma_semaphore, #tpu.memory_space<semaphore_mem>> -> memref<!tpu.dma_semaphore, #tpu.memory_space<semaphore_mem>>
    %dma_wait3A_291 = arith.constant 0 : i32
    %dma_wait3A_292 = arith.constant 0 : i32
    %dma_wait3A_293 = tpu.memref_slice %arg2[%dma_wait3A_291, %dma_wait3A_292] : memref<10000x128xf32, #tpu.memory_space<hbm>> -> memref<40x128xf32, #tpu.memory_space<hbm>>
    tpu.wait_dma2 semaphore(%dma_wait3A_290 : memref<!tpu.dma_semaphore, #tpu.memory_space<semaphore_mem>>) src(%dma_wait3A_293 : memref<40x128xf32, #tpu.memory_space<hbm>>) dst(%arg11 : memref<40x128xf32, #tpu.memory_space<vmem>>)
    %dma_start3A_294 = arith.constant 2 : i32
    %dma_start3A_295 = arith.constant 0 : i32
    %dma_start3A_296 = tpu.memref_slice %arg5[%arg0, %add3A_284, %dma_start3A_295] : memref<2x10240x128xf32, #tpu.memory_space<hbm>> -> memref<1x40x128xf32, #tpu.memory_space<hbm>>
    %dma_start3A_297 = tpu.memref_squeeze %dma_start3A_296 : memref<1x40x128xf32, #tpu.memory_space<hbm>> -> memref<40x128xf32, #tpu.memory_space<hbm>>
    %dma_start3A_298 = tpu.memref_slice %arg15[%dma_start3A_294] : memref<5x!tpu.dma_semaphore, #tpu.memory_space<semaphore_mem>> -> memref<1x!tpu.dma_semaphore, #tpu.memory_space<semaphore_mem>>
    %dma_start3A_299 = tpu.memref_squeeze %dma_start3A_298 : memref<1x!tpu.dma_semaphore, #tpu.memory_space<semaphore_mem>> -> memref<!tpu.dma_semaphore, #tpu.memory_space<semaphore_mem>>
    %dma_start3A_300 = arith.constant 0 : i32
    %dma_start3A_301 = tpu.memref_slice %arg5[%arg0, %add3A_284, %dma_start3A_300] : memref<2x10240x128xf32, #tpu.memory_space<hbm>> -> memref<1x40x128xf32, #tpu.memory_space<hbm>>
    %dma_start3A_302 = tpu.memref_squeeze %dma_start3A_301 : memref<1x40x128xf32, #tpu.memory_space<hbm>> -> memref<40x128xf32, #tpu.memory_space<hbm>>
    tpu.enqueue_dma source(%arg11 : memref<40x128xf32, #tpu.memory_space<vmem>>) target(%dma_start3A_302 : memref<40x128xf32, #tpu.memory_space<hbm>>) target_semaphore(%dma_start3A_299 : memref<!tpu.dma_semaphore, #tpu.memory_space<semaphore_mem>>)
    %mul3A_303 = arith.constant 640 : i32
    %mul3A_304 = arith.muli %arg1, %mul3A_303 : i32
    %add3A_305 = arith.constant 120 : i32
    %add3A_306 = arith.addi %mul3A_304, %add3A_305 : i32
    %dma_wait3A_307 = arith.constant 3 : i32
    %dma_wait3A_308 = arith.constant 0 : i32
    %dma_wait3A_309 = arith.constant 0 : i32
    %dma_wait3A_310 = tpu.memref_slice %arg2[%dma_wait3A_308, %dma_wait3A_309] : memref<10000x128xf32, #tpu.memory_space<hbm>> -> memref<40x128xf32, #tpu.memory_space<hbm>>
    %dma_wait3A_311 = tpu.memref_slice %arg14[%dma_wait3A_307] : memref<5x!tpu.dma_semaphore, #tpu.memory_space<semaphore_mem>> -> memref<1x!tpu.dma_semaphore, #tpu.memory_space<semaphore_mem>>
    %dma_wait3A_312 = tpu.memref_squeeze %dma_wait3A_311 : memref<1x!tpu.dma_semaphore, #tpu.memory_space<semaphore_mem>> -> memref<!tpu.dma_semaphore, #tpu.memory_space<semaphore_mem>>
    %dma_wait3A_313 = arith.constant 0 : i32
    %dma_wait3A_314 = arith.constant 0 : i32
    %dma_wait3A_315 = tpu.memref_slice %arg2[%dma_wait3A_313, %dma_wait3A_314] : memref<10000x128xf32, #tpu.memory_space<hbm>> -> memref<40x128xf32, #tpu.memory_space<hbm>>
    tpu.wait_dma2 semaphore(%dma_wait3A_312 : memref<!tpu.dma_semaphore, #tpu.memory_space<semaphore_mem>>) src(%dma_wait3A_315 : memref<40x128xf32, #tpu.memory_space<hbm>>) dst(%arg12 : memref<40x128xf32, #tpu.memory_space<vmem>>)
    %dma_start3A_316 = arith.constant 3 : i32
    %dma_start3A_317 = arith.constant 0 : i32
    %dma_start3A_318 = tpu.memref_slice %arg5[%arg0, %add3A_306, %dma_start3A_317] : memref<2x10240x128xf32, #tpu.memory_space<hbm>> -> memref<1x40x128xf32, #tpu.memory_space<hbm>>
    %dma_start3A_319 = tpu.memref_squeeze %dma_start3A_318 : memref<1x40x128xf32, #tpu.memory_space<hbm>> -> memref<40x128xf32, #tpu.memory_space<hbm>>
    %dma_start3A_320 = tpu.memref_slice %arg15[%dma_start3A_316] : memref<5x!tpu.dma_semaphore, #tpu.memory_space<semaphore_mem>> -> memref<1x!tpu.dma_semaphore, #tpu.memory_space<semaphore_mem>>
    %dma_start3A_321 = tpu.memref_squeeze %dma_start3A_320 : memref<1x!tpu.dma_semaphore, #tpu.memory_space<semaphore_mem>> -> memref<!tpu.dma_semaphore, #tpu.memory_space<semaphore_mem>>
    %dma_start3A_322 = arith.constant 0 : i32
    %dma_start3A_323 = tpu.memref_slice %arg5[%arg0, %add3A_306, %dma_start3A_322] : memref<2x10240x128xf32, #tpu.memory_space<hbm>> -> memref<1x40x128xf32, #tpu.memory_space<hbm>>
    %dma_start3A_324 = tpu.memref_squeeze %dma_start3A_323 : memref<1x40x128xf32, #tpu.memory_space<hbm>> -> memref<40x128xf32, #tpu.memory_space<hbm>>
    tpu.enqueue_dma source(%arg12 : memref<40x128xf32, #tpu.memory_space<vmem>>) target(%dma_start3A_324 : memref<40x128xf32, #tpu.memory_space<hbm>>) target_semaphore(%dma_start3A_321 : memref<!tpu.dma_semaphore, #tpu.memory_space<semaphore_mem>>)
    %scan3A_325 = arith.constant 0 : i32
    %scan3A_326 = arith.constant 1 : i32
    %scan3A_327 = arith.constant 3 : i32
    %scan3A_328 = arith.addi %scan3A_326, %scan3A_327 : i32
    %scan3A_329 = arith.constant 1 : i32
    scf.for %scan3A_367 = %scan3A_326 to %scan3A_328 step %scan3A_329  : i32 {
      %mul3A_368 = arith.constant 640 : i32
      %mul3A_369 = arith.muli %arg1, %mul3A_368 : i32
      %mul3A_370 = arith.constant 4 : i32
      %mul3A_371 = arith.muli %scan3A_367, %mul3A_370 : i32
      %add3A_372 = arith.constant 0 : i32
      %add3A_373 = arith.addi %mul3A_371, %add3A_372 : i32
      %mul3A_374 = arith.constant 40 : i32
      %mul3A_375 = arith.muli %add3A_373, %mul3A_374 : i32
      %add3A_376 = arith.addi %mul3A_369, %mul3A_375 : i32
      %dma_wait3A_377 = arith.constant 0 : i32
      %dma_wait3A_378 = arith.constant 0 : i32
      %dma_wait3A_379 = arith.constant 0 : i32
      %dma_wait3A_380 = tpu.memref_slice %arg2[%dma_wait3A_378, %dma_wait3A_379] : memref<10000x128xf32, #tpu.memory_space<hbm>> -> memref<40x128xf32, #tpu.memory_space<hbm>>
      %dma_wait3A_381 = tpu.memref_slice %arg15[%dma_wait3A_377] : memref<5x!tpu.dma_semaphore, #tpu.memory_space<semaphore_mem>> -> memref<1x!tpu.dma_semaphore, #tpu.memory_space<semaphore_mem>>
      %dma_wait3A_382 = tpu.memref_squeeze %dma_wait3A_381 : memref<1x!tpu.dma_semaphore, #tpu.memory_space<semaphore_mem>> -> memref<!tpu.dma_semaphore, #tpu.memory_space<semaphore_mem>>
      %dma_wait3A_383 = arith.constant 0 : i32
      %dma_wait3A_384 = arith.constant 0 : i32
      %dma_wait3A_385 = tpu.memref_slice %arg2[%dma_wait3A_383, %dma_wait3A_384] : memref<10000x128xf32, #tpu.memory_space<hbm>> -> memref<40x128xf32, #tpu.memory_space<hbm>>
      tpu.wait_dma2 semaphore(%dma_wait3A_382 : memref<!tpu.dma_semaphore, #tpu.memory_space<semaphore_mem>>) src(%dma_wait3A_385 : memref<40x128xf32, #tpu.memory_space<hbm>>) dst(%arg9 : memref<40x128xf32, #tpu.memory_space<vmem>>)
      %dma_start3A_386 = arith.constant 0 : i32
      %dma_start3A_387 = arith.constant 0 : i32
      %dma_start3A_388 = tpu.memref_slice %arg6[%add3A_376, %dma_start3A_387] : memref<10240x128xf32, #tpu.memory_space<vmem_shared>> -> memref<40x128xf32, #tpu.memory_space<vmem_shared>>
      %dma_start3A_389 = tpu.memref_slice %arg14[%dma_start3A_386] : memref<5x!tpu.dma_semaphore, #tpu.memory_space<semaphore_mem>> -> memref<1x!tpu.dma_semaphore, #tpu.memory_space<semaphore_mem>>
      %dma_start3A_390 = tpu.memref_squeeze %dma_start3A_389 : memref<1x!tpu.dma_semaphore, #tpu.memory_space<semaphore_mem>> -> memref<!tpu.dma_semaphore, #tpu.memory_space<semaphore_mem>>
      %dma_start3A_391 = arith.constant 0 : i32
      %dma_start3A_392 = tpu.memref_slice %arg6[%add3A_376, %dma_start3A_391] : memref<10240x128xf32, #tpu.memory_space<vmem_shared>> -> memref<40x128xf32, #tpu.memory_space<vmem_shared>>
      tpu.enqueue_dma source(%dma_start3A_392 : memref<40x128xf32, #tpu.memory_space<vmem_shared>>) target(%arg9 : memref<40x128xf32, #tpu.memory_space<vmem>>) target_semaphore(%dma_start3A_390 : memref<!tpu.dma_semaphore, #tpu.memory_space<semaphore_mem>>)
      %mul3A_393 = arith.constant 640 : i32
      %mul3A_394 = arith.muli %arg1, %mul3A_393 : i32
      %mul3A_395 = arith.constant 4 : i32
      %mul3A_396 = arith.muli %scan3A_367, %mul3A_395 : i32
      %add3A_397 = arith.constant 1 : i32
      %add3A_398 = arith.addi %mul3A_396, %add3A_397 : i32
      %mul3A_399 = arith.constant 40 : i32
      %mul3A_400 = arith.muli %add3A_398, %mul3A_399 : i32
      %add3A_401 = arith.addi %mul3A_394, %mul3A_400 : i32
      %dma_wait3A_402 = arith.constant 1 : i32
      %dma_wait3A_403 = arith.constant 0 : i32
      %dma_wait3A_404 = arith.constant 0 : i32
      %dma_wait3A_405 = tpu.memref_slice %arg2[%dma_wait3A_403, %dma_wait3A_404] : memref<10000x128xf32, #tpu.memory_space<hbm>> -> memref<40x128xf32, #tpu.memory_space<hbm>>
      %dma_wait3A_406 = tpu.memref_slice %arg15[%dma_wait3A_402] : memref<5x!tpu.dma_semaphore, #tpu.memory_space<semaphore_mem>> -> memref<1x!tpu.dma_semaphore, #tpu.memory_space<semaphore_mem>>
      %dma_wait3A_407 = tpu.memref_squeeze %dma_wait3A_406 : memref<1x!tpu.dma_semaphore, #tpu.memory_space<semaphore_mem>> -> memref<!tpu.dma_semaphore, #tpu.memory_space<semaphore_mem>>
      %dma_wait3A_408 = arith.constant 0 : i32
      %dma_wait3A_409 = arith.constant 0 : i32
      %dma_wait3A_410 = tpu.memref_slice %arg2[%dma_wait3A_408, %dma_wait3A_409] : memref<10000x128xf32, #tpu.memory_space<hbm>> -> memref<40x128xf32, #tpu.memory_space<hbm>>
      tpu.wait_dma2 semaphore(%dma_wait3A_407 : memref<!tpu.dma_semaphore, #tpu.memory_space<semaphore_mem>>) src(%dma_wait3A_410 : memref<40x128xf32, #tpu.memory_space<hbm>>) dst(%arg10 : memref<40x128xf32, #tpu.memory_space<vmem>>)
      %dma_start3A_411 = arith.constant 1 : i32
      %dma_start3A_412 = arith.constant 0 : i32
      %dma_start3A_413 = tpu.memref_slice %arg6[%add3A_401, %dma_start3A_412] : memref<10240x128xf32, #tpu.memory_space<vmem_shared>> -> memref<40x128xf32, #tpu.memory_space<vmem_shared>>
      %dma_start3A_414 = tpu.memref_slice %arg14[%dma_start3A_411] : memref<5x!tpu.dma_semaphore, #tpu.memory_space<semaphore_mem>> -> memref<1x!tpu.dma_semaphore, #tpu.memory_space<semaphore_mem>>
      %dma_start3A_415 = tpu.memref_squeeze %dma_start3A_414 : memref<1x!tpu.dma_semaphore, #tpu.memory_space<semaphore_mem>> -> memref<!tpu.dma_semaphore, #tpu.memory_space<semaphore_mem>>
      %dma_start3A_416 = arith.constant 0 : i32
      %dma_start3A_417 = tpu.memref_slice %arg6[%add3A_401, %dma_start3A_416] : memref<10240x128xf32, #tpu.memory_space<vmem_shared>> -> memref<40x128xf32, #tpu.memory_space<vmem_shared>>
      tpu.enqueue_dma source(%dma_start3A_417 : memref<40x128xf32, #tpu.memory_space<vmem_shared>>) target(%arg10 : memref<40x128xf32, #tpu.memory_space<vmem>>) target_semaphore(%dma_start3A_415 : memref<!tpu.dma_semaphore, #tpu.memory_space<semaphore_mem>>)
      %mul3A_418 = arith.constant 640 : i32
      %mul3A_419 = arith.muli %arg1, %mul3A_418 : i32
      %mul3A_420 = arith.constant 4 : i32
      %mul3A_421 = arith.muli %scan3A_367, %mul3A_420 : i32
      %add3A_422 = arith.constant 2 : i32
      %add3A_423 = arith.addi %mul3A_421, %add3A_422 : i32
      %mul3A_424 = arith.constant 40 : i32
      %mul3A_425 = arith.muli %add3A_423, %mul3A_424 : i32
      %add3A_426 = arith.addi %mul3A_419, %mul3A_425 : i32
      %dma_wait3A_427 = arith.constant 2 : i32
      %dma_wait3A_428 = arith.constant 0 : i32
      %dma_wait3A_429 = arith.constant 0 : i32
      %dma_wait3A_430 = tpu.memref_slice %arg2[%dma_wait3A_428, %dma_wait3A_429] : memref<10000x128xf32, #tpu.memory_space<hbm>> -> memref<40x128xf32, #tpu.memory_space<hbm>>
      %dma_wait3A_431 = tpu.memref_slice %arg15[%dma_wait3A_427] : memref<5x!tpu.dma_semaphore, #tpu.memory_space<semaphore_mem>> -> memref<1x!tpu.dma_semaphore, #tpu.memory_space<semaphore_mem>>
      %dma_wait3A_432 = tpu.memref_squeeze %dma_wait3A_431 : memref<1x!tpu.dma_semaphore, #tpu.memory_space<semaphore_mem>> -> memref<!tpu.dma_semaphore, #tpu.memory_space<semaphore_mem>>
      %dma_wait3A_433 = arith.constant 0 : i32
      %dma_wait3A_434 = arith.constant 0 : i32
      %dma_wait3A_435 = tpu.memref_slice %arg2[%dma_wait3A_433, %dma_wait3A_434] : memref<10000x128xf32, #tpu.memory_space<hbm>> -> memref<40x128xf32, #tpu.memory_space<hbm>>
      tpu.wait_dma2 semaphore(%dma_wait3A_432 : memref<!tpu.dma_semaphore, #tpu.memory_space<semaphore_mem>>) src(%dma_wait3A_435 : memref<40x128xf32, #tpu.memory_space<hbm>>) dst(%arg11 : memref<40x128xf32, #tpu.memory_space<vmem>>)
      %dma_start3A_436 = arith.constant 2 : i32
      %dma_start3A_437 = arith.constant 0 : i32
      %dma_start3A_438 = tpu.memref_slice %arg6[%add3A_426, %dma_start3A_437] : memref<10240x128xf32, #tpu.memory_space<vmem_shared>> -> memref<40x128xf32, #tpu.memory_space<vmem_shared>>
      %dma_start3A_439 = tpu.memref_slice %arg14[%dma_start3A_436] : memref<5x!tpu.dma_semaphore, #tpu.memory_space<semaphore_mem>> -> memref<1x!tpu.dma_semaphore, #tpu.memory_space<semaphore_mem>>
      %dma_start3A_440 = tpu.memref_squeeze %dma_start3A_439 : memref<1x!tpu.dma_semaphore, #tpu.memory_space<semaphore_mem>> -> memref<!tpu.dma_semaphore, #tpu.memory_space<semaphore_mem>>
      %dma_start3A_441 = arith.constant 0 : i32
      %dma_start3A_442 = tpu.memref_slice %arg6[%add3A_426, %dma_start3A_441] : memref<10240x128xf32, #tpu.memory_space<vmem_shared>> -> memref<40x128xf32, #tpu.memory_space<vmem_shared>>
      tpu.enqueue_dma source(%dma_start3A_442 : memref<40x128xf32, #tpu.memory_space<vmem_shared>>) target(%arg11 : memref<40x128xf32, #tpu.memory_space<vmem>>) target_semaphore(%dma_start3A_440 : memref<!tpu.dma_semaphore, #tpu.memory_space<semaphore_mem>>)
      %mul3A_443 = arith.constant 640 : i32
      %mul3A_444 = arith.muli %arg1, %mul3A_443 : i32
      %mul3A_445 = arith.constant 4 : i32
      %mul3A_446 = arith.muli %scan3A_367, %mul3A_445 : i32
      %add3A_447 = arith.constant 3 : i32
      %add3A_448 = arith.addi %mul3A_446, %add3A_447 : i32
      %mul3A_449 = arith.constant 40 : i32
      %mul3A_450 = arith.muli %add3A_448, %mul3A_449 : i32
      %add3A_451 = arith.addi %mul3A_444, %mul3A_450 : i32
      %dma_wait3A_452 = arith.constant 3 : i32
      %dma_wait3A_453 = arith.constant 0 : i32
      %dma_wait3A_454 = arith.constant 0 : i32
      %dma_wait3A_455 = tpu.memref_slice %arg2[%dma_wait3A_453, %dma_wait3A_454] : memref<10000x128xf32, #tpu.memory_space<hbm>> -> memref<40x128xf32, #tpu.memory_space<hbm>>
      %dma_wait3A_456 = tpu.memref_slice %arg15[%dma_wait3A_452] : memref<5x!tpu.dma_semaphore, #tpu.memory_space<semaphore_mem>> -> memref<1x!tpu.dma_semaphore, #tpu.memory_space<semaphore_mem>>
      %dma_wait3A_457 = tpu.memref_squeeze %dma_wait3A_456 : memref<1x!tpu.dma_semaphore, #tpu.memory_space<semaphore_mem>> -> memref<!tpu.dma_semaphore, #tpu.memory_space<semaphore_mem>>
      %dma_wait3A_458 = arith.constant 0 : i32
      %dma_wait3A_459 = arith.constant 0 : i32
      %dma_wait3A_460 = tpu.memref_slice %arg2[%dma_wait3A_458, %dma_wait3A_459] : memref<10000x128xf32, #tpu.memory_space<hbm>> -> memref<40x128xf32, #tpu.memory_space<hbm>>
      tpu.wait_dma2 semaphore(%dma_wait3A_457 : memref<!tpu.dma_semaphore, #tpu.memory_space<semaphore_mem>>) src(%dma_wait3A_460 : memref<40x128xf32, #tpu.memory_space<hbm>>) dst(%arg12 : memref<40x128xf32, #tpu.memory_space<vmem>>)
      %dma_start3A_461 = arith.constant 3 : i32
      %dma_start3A_462 = arith.constant 0 : i32
      %dma_start3A_463 = tpu.memref_slice %arg6[%add3A_451, %dma_start3A_462] : memref<10240x128xf32, #tpu.memory_space<vmem_shared>> -> memref<40x128xf32, #tpu.memory_space<vmem_shared>>
      %dma_start3A_464 = tpu.memref_slice %arg14[%dma_start3A_461] : memref<5x!tpu.dma_semaphore, #tpu.memory_space<semaphore_mem>> -> memref<1x!tpu.dma_semaphore, #tpu.memory_space<semaphore_mem>>
      %dma_start3A_465 = tpu.memref_squeeze %dma_start3A_464 : memref<1x!tpu.dma_semaphore, #tpu.memory_space<semaphore_mem>> -> memref<!tpu.dma_semaphore, #tpu.memory_space<semaphore_mem>>
      %dma_start3A_466 = arith.constant 0 : i32
      %dma_start3A_467 = tpu.memref_slice %arg6[%add3A_451, %dma_start3A_466] : memref<10240x128xf32, #tpu.memory_space<vmem_shared>> -> memref<40x128xf32, #tpu.memory_space<vmem_shared>>
      tpu.enqueue_dma source(%dma_start3A_467 : memref<40x128xf32, #tpu.memory_space<vmem_shared>>) target(%arg12 : memref<40x128xf32, #tpu.memory_space<vmem>>) target_semaphore(%dma_start3A_465 : memref<!tpu.dma_semaphore, #tpu.memory_space<semaphore_mem>>)
      %mul3A_468 = arith.constant 640 : i32
      %mul3A_469 = arith.muli %arg1, %mul3A_468 : i32
      %mul3A_470 = arith.constant 4 : i32
      %mul3A_471 = arith.muli %scan3A_367, %mul3A_470 : i32
      %add3A_472 = arith.constant 0 : i32
      %add3A_473 = arith.addi %mul3A_471, %add3A_472 : i32
      %mul3A_474 = arith.constant 40 : i32
      %mul3A_475 = arith.muli %add3A_473, %mul3A_474 : i32
      %add3A_476 = arith.addi %mul3A_469, %mul3A_475 : i32
      %dma_wait3A_477 = arith.constant 0 : i32
      %dma_wait3A_478 = arith.constant 0 : i32
      %dma_wait3A_479 = arith.constant 0 : i32
      %dma_wait3A_480 = tpu.memref_slice %arg2[%dma_wait3A_478, %dma_wait3A_479] : memref<10000x128xf32, #tpu.memory_space<hbm>> -> memref<40x128xf32, #tpu.memory_space<hbm>>
      %dma_wait3A_481 = tpu.memref_slice %arg14[%dma_wait3A_477] : memref<5x!tpu.dma_semaphore, #tpu.memory_space<semaphore_mem>> -> memref<1x!tpu.dma_semaphore, #tpu.memory_space<semaphore_mem>>
      %dma_wait3A_482 = tpu.memref_squeeze %dma_wait3A_481 : memref<1x!tpu.dma_semaphore, #tpu.memory_space<semaphore_mem>> -> memref<!tpu.dma_semaphore, #tpu.memory_space<semaphore_mem>>
      %dma_wait3A_483 = arith.constant 0 : i32
      %dma_wait3A_484 = arith.constant 0 : i32
      %dma_wait3A_485 = tpu.memref_slice %arg2[%dma_wait3A_483, %dma_wait3A_484] : memref<10000x128xf32, #tpu.memory_space<hbm>> -> memref<40x128xf32, #tpu.memory_space<hbm>>
      tpu.wait_dma2 semaphore(%dma_wait3A_482 : memref<!tpu.dma_semaphore, #tpu.memory_space<semaphore_mem>>) src(%dma_wait3A_485 : memref<40x128xf32, #tpu.memory_space<hbm>>) dst(%arg9 : memref<40x128xf32, #tpu.memory_space<vmem>>)
      %dma_start3A_486 = arith.constant 0 : i32
      %dma_start3A_487 = arith.constant 0 : i32
      %dma_start3A_488 = tpu.memref_slice %arg5[%arg0, %add3A_476, %dma_start3A_487] : memref<2x10240x128xf32, #tpu.memory_space<hbm>> -> memref<1x40x128xf32, #tpu.memory_space<hbm>>
      %dma_start3A_489 = tpu.memref_squeeze %dma_start3A_488 : memref<1x40x128xf32, #tpu.memory_space<hbm>> -> memref<40x128xf32, #tpu.memory_space<hbm>>
      %dma_start3A_490 = tpu.memref_slice %arg15[%dma_start3A_486] : memref<5x!tpu.dma_semaphore, #tpu.memory_space<semaphore_mem>> -> memref<1x!tpu.dma_semaphore, #tpu.memory_space<semaphore_mem>>
      %dma_start3A_491 = tpu.memref_squeeze %dma_start3A_490 : memref<1x!tpu.dma_semaphore, #tpu.memory_space<semaphore_mem>> -> memref<!tpu.dma_semaphore, #tpu.memory_space<semaphore_mem>>
      %dma_start3A_492 = arith.constant 0 : i32
      %dma_start3A_493 = tpu.memref_slice %arg5[%arg0, %add3A_476, %dma_start3A_492] : memref<2x10240x128xf32, #tpu.memory_space<hbm>> -> memref<1x40x128xf32, #tpu.memory_space<hbm>>
      %dma_start3A_494 = tpu.memref_squeeze %dma_start3A_493 : memref<1x40x128xf32, #tpu.memory_space<hbm>> -> memref<40x128xf32, #tpu.memory_space<hbm>>
      tpu.enqueue_dma source(%arg9 : memref<40x128xf32, #tpu.memory_space<vmem>>) target(%dma_start3A_494 : memref<40x128xf32, #tpu.memory_space<hbm>>) target_semaphore(%dma_start3A_491 : memref<!tpu.dma_semaphore, #tpu.memory_space<semaphore_mem>>)
      %mul3A_495 = arith.constant 640 : i32
      %mul3A_496 = arith.muli %arg1, %mul3A_495 : i32
      %mul3A_497 = arith.constant 4 : i32
      %mul3A_498 = arith.muli %scan3A_367, %mul3A_497 : i32
      %add3A_499 = arith.constant 1 : i32
      %add3A_500 = arith.addi %mul3A_498, %add3A_499 : i32
      %mul3A_501 = arith.constant 40 : i32
      %mul3A_502 = arith.muli %add3A_500, %mul3A_501 : i32
      %add3A_503 = arith.addi %mul3A_496, %mul3A_502 : i32
      %dma_wait3A_504 = arith.constant 1 : i32
      %dma_wait3A_505 = arith.constant 0 : i32
      %dma_wait3A_506 = arith.constant 0 : i32
      %dma_wait3A_507 = tpu.memref_slice %arg2[%dma_wait3A_505, %dma_wait3A_506] : memref<10000x128xf32, #tpu.memory_space<hbm>> -> memref<40x128xf32, #tpu.memory_space<hbm>>
      %dma_wait3A_508 = tpu.memref_slice %arg14[%dma_wait3A_504] : memref<5x!tpu.dma_semaphore, #tpu.memory_space<semaphore_mem>> -> memref<1x!tpu.dma_semaphore, #tpu.memory_space<semaphore_mem>>
      %dma_wait3A_509 = tpu.memref_squeeze %dma_wait3A_508 : memref<1x!tpu.dma_semaphore, #tpu.memory_space<semaphore_mem>> -> memref<!tpu.dma_semaphore, #tpu.memory_space<semaphore_mem>>
      %dma_wait3A_510 = arith.constant 0 : i32
      %dma_wait3A_511 = arith.constant 0 : i32
      %dma_wait3A_512 = tpu.memref_slice %arg2[%dma_wait3A_510, %dma_wait3A_511] : memref<10000x128xf32, #tpu.memory_space<hbm>> -> memref<40x128xf32, #tpu.memory_space<hbm>>
      tpu.wait_dma2 semaphore(%dma_wait3A_509 : memref<!tpu.dma_semaphore, #tpu.memory_space<semaphore_mem>>) src(%dma_wait3A_512 : memref<40x128xf32, #tpu.memory_space<hbm>>) dst(%arg10 : memref<40x128xf32, #tpu.memory_space<vmem>>)
      %dma_start3A_513 = arith.constant 1 : i32
      %dma_start3A_514 = arith.constant 0 : i32
      %dma_start3A_515 = tpu.memref_slice %arg5[%arg0, %add3A_503, %dma_start3A_514] : memref<2x10240x128xf32, #tpu.memory_space<hbm>> -> memref<1x40x128xf32, #tpu.memory_space<hbm>>
      %dma_start3A_516 = tpu.memref_squeeze %dma_start3A_515 : memref<1x40x128xf32, #tpu.memory_space<hbm>> -> memref<40x128xf32, #tpu.memory_space<hbm>>
      %dma_start3A_517 = tpu.memref_slice %arg15[%dma_start3A_513] : memref<5x!tpu.dma_semaphore, #tpu.memory_space<semaphore_mem>> -> memref<1x!tpu.dma_semaphore, #tpu.memory_space<semaphore_mem>>
      %dma_start3A_518 = tpu.memref_squeeze %dma_start3A_517 : memref<1x!tpu.dma_semaphore, #tpu.memory_space<semaphore_mem>> -> memref<!tpu.dma_semaphore, #tpu.memory_space<semaphore_mem>>
      %dma_start3A_519 = arith.constant 0 : i32
      %dma_start3A_520 = tpu.memref_slice %arg5[%arg0, %add3A_503, %dma_start3A_519] : memref<2x10240x128xf32, #tpu.memory_space<hbm>> -> memref<1x40x128xf32, #tpu.memory_space<hbm>>
      %dma_start3A_521 = tpu.memref_squeeze %dma_start3A_520 : memref<1x40x128xf32, #tpu.memory_space<hbm>> -> memref<40x128xf32, #tpu.memory_space<hbm>>
      tpu.enqueue_dma source(%arg10 : memref<40x128xf32, #tpu.memory_space<vmem>>) target(%dma_start3A_521 : memref<40x128xf32, #tpu.memory_space<hbm>>) target_semaphore(%dma_start3A_518 : memref<!tpu.dma_semaphore, #tpu.memory_space<semaphore_mem>>)
      %mul3A_522 = arith.constant 640 : i32
      %mul3A_523 = arith.muli %arg1, %mul3A_522 : i32
      %mul3A_524 = arith.constant 4 : i32
      %mul3A_525 = arith.muli %scan3A_367, %mul3A_524 : i32
      %add3A_526 = arith.constant 2 : i32
      %add3A_527 = arith.addi %mul3A_525, %add3A_526 : i32
      %mul3A_528 = arith.constant 40 : i32
      %mul3A_529 = arith.muli %add3A_527, %mul3A_528 : i32
      %add3A_530 = arith.addi %mul3A_523, %mul3A_529 : i32
      %dma_wait3A_531 = arith.constant 2 : i32
      %dma_wait3A_532 = arith.constant 0 : i32
      %dma_wait3A_533 = arith.constant 0 : i32
      %dma_wait3A_534 = tpu.memref_slice %arg2[%dma_wait3A_532, %dma_wait3A_533] : memref<10000x128xf32, #tpu.memory_space<hbm>> -> memref<40x128xf32, #tpu.memory_space<hbm>>
      %dma_wait3A_535 = tpu.memref_slice %arg14[%dma_wait3A_531] : memref<5x!tpu.dma_semaphore, #tpu.memory_space<semaphore_mem>> -> memref<1x!tpu.dma_semaphore, #tpu.memory_space<semaphore_mem>>
      %dma_wait3A_536 = tpu.memref_squeeze %dma_wait3A_535 : memref<1x!tpu.dma_semaphore, #tpu.memory_space<semaphore_mem>> -> memref<!tpu.dma_semaphore, #tpu.memory_space<semaphore_mem>>
      %dma_wait3A_537 = arith.constant 0 : i32
      %dma_wait3A_538 = arith.constant 0 : i32
      %dma_wait3A_539 = tpu.memref_slice %arg2[%dma_wait3A_537, %dma_wait3A_538] : memref<10000x128xf32, #tpu.memory_space<hbm>> -> memref<40x128xf32, #tpu.memory_space<hbm>>
      tpu.wait_dma2 semaphore(%dma_wait3A_536 : memref<!tpu.dma_semaphore, #tpu.memory_space<semaphore_mem>>) src(%dma_wait3A_539 : memref<40x128xf32, #tpu.memory_space<hbm>>) dst(%arg11 : memref<40x128xf32, #tpu.memory_space<vmem>>)
      %dma_start3A_540 = arith.constant 2 : i32
      %dma_start3A_541 = arith.constant 0 : i32
      %dma_start3A_542 = tpu.memref_slice %arg5[%arg0, %add3A_530, %dma_start3A_541] : memref<2x10240x128xf32, #tpu.memory_space<hbm>> -> memref<1x40x128xf32, #tpu.memory_space<hbm>>
      %dma_start3A_543 = tpu.memref_squeeze %dma_start3A_542 : memref<1x40x128xf32, #tpu.memory_space<hbm>> -> memref<40x128xf32, #tpu.memory_space<hbm>>
      %dma_start3A_544 = tpu.memref_slice %arg15[%dma_start3A_540] : memref<5x!tpu.dma_semaphore, #tpu.memory_space<semaphore_mem>> -> memref<1x!tpu.dma_semaphore, #tpu.memory_space<semaphore_mem>>
      %dma_start3A_545 = tpu.memref_squeeze %dma_start3A_544 : memref<1x!tpu.dma_semaphore, #tpu.memory_space<semaphore_mem>> -> memref<!tpu.dma_semaphore, #tpu.memory_space<semaphore_mem>>
      %dma_start3A_546 = arith.constant 0 : i32
      %dma_start3A_547 = tpu.memref_slice %arg5[%arg0, %add3A_530, %dma_start3A_546] : memref<2x10240x128xf32, #tpu.memory_space<hbm>> -> memref<1x40x128xf32, #tpu.memory_space<hbm>>
      %dma_start3A_548 = tpu.memref_squeeze %dma_start3A_547 : memref<1x40x128xf32, #tpu.memory_space<hbm>> -> memref<40x128xf32, #tpu.memory_space<hbm>>
      tpu.enqueue_dma source(%arg11 : memref<40x128xf32, #tpu.memory_space<vmem>>) target(%dma_start3A_548 : memref<40x128xf32, #tpu.memory_space<hbm>>) target_semaphore(%dma_start3A_545 : memref<!tpu.dma_semaphore, #tpu.memory_space<semaphore_mem>>)
      %mul3A_549 = arith.constant 640 : i32
      %mul3A_550 = arith.muli %arg1, %mul3A_549 : i32
      %mul3A_551 = arith.constant 4 : i32
      %mul3A_552 = arith.muli %scan3A_367, %mul3A_551 : i32
      %add3A_553 = arith.constant 3 : i32
      %add3A_554 = arith.addi %mul3A_552, %add3A_553 : i32
      %mul3A_555 = arith.constant 40 : i32
      %mul3A_556 = arith.muli %add3A_554, %mul3A_555 : i32
      %add3A_557 = arith.addi %mul3A_550, %mul3A_556 : i32
      %dma_wait3A_558 = arith.constant 3 : i32
      %dma_wait3A_559 = arith.constant 0 : i32
      %dma_wait3A_560 = arith.constant 0 : i32
      %dma_wait3A_561 = tpu.memref_slice %arg2[%dma_wait3A_559, %dma_wait3A_560] : memref<10000x128xf32, #tpu.memory_space<hbm>> -> memref<40x128xf32, #tpu.memory_space<hbm>>
      %dma_wait3A_562 = tpu.memref_slice %arg14[%dma_wait3A_558] : memref<5x!tpu.dma_semaphore, #tpu.memory_space<semaphore_mem>> -> memref<1x!tpu.dma_semaphore, #tpu.memory_space<semaphore_mem>>
      %dma_wait3A_563 = tpu.memref_squeeze %dma_wait3A_562 : memref<1x!tpu.dma_semaphore, #tpu.memory_space<semaphore_mem>> -> memref<!tpu.dma_semaphore, #tpu.memory_space<semaphore_mem>>
      %dma_wait3A_564 = arith.constant 0 : i32
      %dma_wait3A_565 = arith.constant 0 : i32
      %dma_wait3A_566 = tpu.memref_slice %arg2[%dma_wait3A_564, %dma_wait3A_565] : memref<10000x128xf32, #tpu.memory_space<hbm>> -> memref<40x128xf32, #tpu.memory_space<hbm>>
      tpu.wait_dma2 semaphore(%dma_wait3A_563 : memref<!tpu.dma_semaphore, #tpu.memory_space<semaphore_mem>>) src(%dma_wait3A_566 : memref<40x128xf32, #tpu.memory_space<hbm>>) dst(%arg12 : memref<40x128xf32, #tpu.memory_space<vmem>>)
      %dma_start3A_567 = arith.constant 3 : i32
      %dma_start3A_568 = arith.constant 0 : i32
      %dma_start3A_569 = tpu.memref_slice %arg5[%arg0, %add3A_557, %dma_start3A_568] : memref<2x10240x128xf32, #tpu.memory_space<hbm>> -> memref<1x40x128xf32, #tpu.memory_space<hbm>>
      %dma_start3A_570 = tpu.memref_squeeze %dma_start3A_569 : memref<1x40x128xf32, #tpu.memory_space<hbm>> -> memref<40x128xf32, #tpu.memory_space<hbm>>
      %dma_start3A_571 = tpu.memref_slice %arg15[%dma_start3A_567] : memref<5x!tpu.dma_semaphore, #tpu.memory_space<semaphore_mem>> -> memref<1x!tpu.dma_semaphore, #tpu.memory_space<semaphore_mem>>
      %dma_start3A_572 = tpu.memref_squeeze %dma_start3A_571 : memref<1x!tpu.dma_semaphore, #tpu.memory_space<semaphore_mem>> -> memref<!tpu.dma_semaphore, #tpu.memory_space<semaphore_mem>>
      %dma_start3A_573 = arith.constant 0 : i32
      %dma_start3A_574 = tpu.memref_slice %arg5[%arg0, %add3A_557, %dma_start3A_573] : memref<2x10240x128xf32, #tpu.memory_space<hbm>> -> memref<1x40x128xf32, #tpu.memory_space<hbm>>
      %dma_start3A_575 = tpu.memref_squeeze %dma_start3A_574 : memref<1x40x128xf32, #tpu.memory_space<hbm>> -> memref<40x128xf32, #tpu.memory_space<hbm>>
      tpu.enqueue_dma source(%arg12 : memref<40x128xf32, #tpu.memory_space<vmem>>) target(%dma_start3A_575 : memref<40x128xf32, #tpu.memory_space<hbm>>) target_semaphore(%dma_start3A_572 : memref<!tpu.dma_semaphore, #tpu.memory_space<semaphore_mem>>)
    }
    %scan3A_330 = arith.constant 3 : i32
    %dma_wait3A_331 = arith.constant 0 : i32
    %dma_wait3A_332 = arith.constant 0 : i32
    %dma_wait3A_333 = arith.constant 0 : i32
    %dma_wait3A_334 = tpu.memref_slice %arg2[%dma_wait3A_332, %dma_wait3A_333] : memref<10000x128xf32, #tpu.memory_space<hbm>> -> memref<40x128xf32, #tpu.memory_space<hbm>>
    %dma_wait3A_335 = tpu.memref_slice %arg15[%dma_wait3A_331] : memref<5x!tpu.dma_semaphore, #tpu.memory_space<semaphore_mem>> -> memref<1x!tpu.dma_semaphore, #tpu.memory_space<semaphore_mem>>
    %dma_wait3A_336 = tpu.memref_squeeze %dma_wait3A_335 : memref<1x!tpu.dma_semaphore, #tpu.memory_space<semaphore_mem>> -> memref<!tpu.dma_semaphore, #tpu.memory_space<semaphore_mem>>
    %dma_wait3A_337 = arith.constant 0 : i32
    %dma_wait3A_338 = arith.constant 0 : i32
    %dma_wait3A_339 = tpu.memref_slice %arg2[%dma_wait3A_337, %dma_wait3A_338] : memref<10000x128xf32, #tpu.memory_space<hbm>> -> memref<40x128xf32, #tpu.memory_space<hbm>>
    tpu.wait_dma2 semaphore(%dma_wait3A_336 : memref<!tpu.dma_semaphore, #tpu.memory_space<semaphore_mem>>) src(%dma_wait3A_339 : memref<40x128xf32, #tpu.memory_space<hbm>>) dst(%arg9 : memref<40x128xf32, #tpu.memory_space<vmem>>)
    %dma_wait3A_340 = arith.constant 1 : i32
    %dma_wait3A_341 = arith.constant 0 : i32
    %dma_wait3A_342 = arith.constant 0 : i32
    %dma_wait3A_343 = tpu.memref_slice %arg2[%dma_wait3A_341, %dma_wait3A_342] : memref<10000x128xf32, #tpu.memory_space<hbm>> -> memref<40x128xf32, #tpu.memory_space<hbm>>
    %dma_wait3A_344 = tpu.memref_slice %arg15[%dma_wait3A_340] : memref<5x!tpu.dma_semaphore, #tpu.memory_space<semaphore_mem>> -> memref<1x!tpu.dma_semaphore, #tpu.memory_space<semaphore_mem>>
    %dma_wait3A_345 = tpu.memref_squeeze %dma_wait3A_344 : memref<1x!tpu.dma_semaphore, #tpu.memory_space<semaphore_mem>> -> memref<!tpu.dma_semaphore, #tpu.memory_space<semaphore_mem>>
    %dma_wait3A_346 = arith.constant 0 : i32
    %dma_wait3A_347 = arith.constant 0 : i32
    %dma_wait3A_348 = tpu.memref_slice %arg2[%dma_wait3A_346, %dma_wait3A_347] : memref<10000x128xf32, #tpu.memory_space<hbm>> -> memref<40x128xf32, #tpu.memory_space<hbm>>
    tpu.wait_dma2 semaphore(%dma_wait3A_345 : memref<!tpu.dma_semaphore, #tpu.memory_space<semaphore_mem>>) src(%dma_wait3A_348 : memref<40x128xf32, #tpu.memory_space<hbm>>) dst(%arg10 : memref<40x128xf32, #tpu.memory_space<vmem>>)
    %dma_wait3A_349 = arith.constant 2 : i32
    %dma_wait3A_350 = arith.constant 0 : i32
    %dma_wait3A_351 = arith.constant 0 : i32
    %dma_wait3A_352 = tpu.memref_slice %arg2[%dma_wait3A_350, %dma_wait3A_351] : memref<10000x128xf32, #tpu.memory_space<hbm>> -> memref<40x128xf32, #tpu.memory_space<hbm>>
    %dma_wait3A_353 = tpu.memref_slice %arg15[%dma_wait3A_349] : memref<5x!tpu.dma_semaphore, #tpu.memory_space<semaphore_mem>> -> memref<1x!tpu.dma_semaphore, #tpu.memory_space<semaphore_mem>>
    %dma_wait3A_354 = tpu.memref_squeeze %dma_wait3A_353 : memref<1x!tpu.dma_semaphore, #tpu.memory_space<semaphore_mem>> -> memref<!tpu.dma_semaphore, #tpu.memory_space<semaphore_mem>>
    %dma_wait3A_355 = arith.constant 0 : i32
    %dma_wait3A_356 = arith.constant 0 : i32
    %dma_wait3A_357 = tpu.memref_slice %arg2[%dma_wait3A_355, %dma_wait3A_356] : memref<10000x128xf32, #tpu.memory_space<hbm>> -> memref<40x128xf32, #tpu.memory_space<hbm>>
    tpu.wait_dma2 semaphore(%dma_wait3A_354 : memref<!tpu.dma_semaphore, #tpu.memory_space<semaphore_mem>>) src(%dma_wait3A_357 : memref<40x128xf32, #tpu.memory_space<hbm>>) dst(%arg11 : memref<40x128xf32, #tpu.memory_space<vmem>>)
    %dma_wait3A_358 = arith.constant 3 : i32
    %dma_wait3A_359 = arith.constant 0 : i32
    %dma_wait3A_360 = arith.constant 0 : i32
    %dma_wait3A_361 = tpu.memref_slice %arg2[%dma_wait3A_359, %dma_wait3A_360] : memref<10000x128xf32, #tpu.memory_space<hbm>> -> memref<40x128xf32, #tpu.memory_space<hbm>>
    %dma_wait3A_362 = tpu.memref_slice %arg15[%dma_wait3A_358] : memref<5x!tpu.dma_semaphore, #tpu.memory_space<semaphore_mem>> -> memref<1x!tpu.dma_semaphore, #tpu.memory_space<semaphore_mem>>
    %dma_wait3A_363 = tpu.memref_squeeze %dma_wait3A_362 : memref<1x!tpu.dma_semaphore, #tpu.memory_space<semaphore_mem>> -> memref<!tpu.dma_semaphore, #tpu.memory_space<semaphore_mem>>
    %dma_wait3A_364 = arith.constant 0 : i32
    %dma_wait3A_365 = arith.constant 0 : i32
    %dma_wait3A_366 = tpu.memref_slice %arg2[%dma_wait3A_364, %dma_wait3A_365] : memref<10000x128xf32, #tpu.memory_space<hbm>> -> memref<40x128xf32, #tpu.memory_space<hbm>>
    tpu.wait_dma2 semaphore(%dma_wait3A_363 : memref<!tpu.dma_semaphore, #tpu.memory_space<semaphore_mem>>) src(%dma_wait3A_366 : memref<40x128xf32, #tpu.memory_space<hbm>>) dst(%arg12 : memref<40x128xf32, #tpu.memory_space<vmem>>)
    return
  }
}

module attributes {stable_mosaic.version = 14 : i64} {
  func.func @_tcb_body(%arg0: i32, %arg1: memref<2x2000x128xf32, #tpu.memory_space<vmem>>, %arg2: memref<2000x128xf32, #tpu.memory_space<vmem>>, %arg3: memref<2000x1xf32, #tpu.memory_space<vmem>>, %arg4: memref<1x128xf32, #tpu.memory_space<vmem>>, %arg5: memref<128x128xf32, #tpu.memory_space<vmem>>, %arg6: memref<2000x128xf32, #tpu.memory_space<vmem>>) attributes {dimension_semantics = [#tpu.dimension_semantics<arbitrary>], iteration_bounds = array<i64: 5>, scalar_prefetch = 0 : i64, scratch_operands = 0 : i64, tpu.core_type = #tpu.core_type<tc>, window_params = [{transform_indices = @transform_0, window_bounds = array<i64: 2, 2000, 128>}, {transform_indices = @transform_1, window_bounds = array<i64: 2000, 128>}, {transform_indices = @transform_2, window_bounds = array<i64: 2000, 1>}, {pipeline_mode = #tpu.pipeline_mode<synchronous>, transform_indices = @transform_3, window_bounds = array<i64: 1, 128>}, {pipeline_mode = #tpu.pipeline_mode<synchronous>, transform_indices = @transform_4, window_bounds = array<i64: 128, 128>}, {transform_indices = @transform_5, window_bounds = array<i64: 2000, 128>}]} {
    %get3A = arith.constant 0 : index
    %get3A_0 = arith.constant 0 : index
    %get3A_1 = arith.constant 0 : index
    %get3A_2 = vector.load %arg1[%get3A, %get3A_0, %get3A_1] : memref<2x2000x128xf32, #tpu.memory_space<vmem>>, vector<1x2000x128xf32>
    %get3A_3 = vector.shape_cast %get3A_2 : vector<1x2000x128xf32> to vector<2000x128xf32>
    %get3A_4 = arith.constant 1 : index
    %get3A_5 = arith.constant 0 : index
    %get3A_6 = arith.constant 0 : index
    %get3A_7 = vector.load %arg1[%get3A_4, %get3A_5, %get3A_6] : memref<2x2000x128xf32, #tpu.memory_space<vmem>>, vector<1x2000x128xf32>
    %get3A_8 = vector.shape_cast %get3A_7 : vector<1x2000x128xf32> to vector<2000x128xf32>
    %add3A = arith.addf %get3A_3, %get3A_8 : vector<2000x128xf32>
    %get3A_9 = arith.constant 0 : index
    %get3A_10 = arith.constant 0 : index
    %get3A_11 = vector.load %arg2[%get3A_9, %get3A_10] : memref<2000x128xf32, #tpu.memory_space<vmem>>, vector<2000x128xf32>
    %add3A_12 = arith.addf %add3A, %get3A_11 : vector<2000x128xf32>
    %get3A_13 = arith.constant 0 : index
    %get3A_14 = arith.constant 0 : index
    %get3A_15 = vector.load %arg3[%get3A_13, %get3A_14] : memref<2000x1xf32, #tpu.memory_space<vmem>>, vector<2000x1xf32>
    %mul3A = vector.broadcast %get3A_15 : vector<2000x1xf32> to vector<2000x128xf32>
    %mul3A_16 = arith.mulf %add3A_12, %mul3A : vector<2000x128xf32>
    %get3A_17 = arith.constant 0 : index
    %get3A_18 = arith.constant 0 : index
    %get3A_19 = vector.load %arg4[%get3A_17, %get3A_18] : memref<1x128xf32, #tpu.memory_space<vmem>>, vector<1x128xf32>
    %add3A_20 = vector.broadcast %get3A_19 : vector<1x128xf32> to vector<2000x128xf32>
    %add3A_21 = arith.addf %mul3A_16, %add3A_20 : vector<2000x128xf32>
    %max3A = arith.constant 0.000000e+00 : f32
    %max3A_22 = vector.broadcast %max3A : f32 to vector<2000x128xf32>
    %max3A_23 = arith.maximumf %add3A_21, %max3A_22 : vector<2000x128xf32>
    %get3A_24 = arith.constant 0 : index
    %get3A_25 = arith.constant 0 : index
    %get3A_26 = vector.load %arg5[%get3A_24, %get3A_25] : memref<128x128xf32, #tpu.memory_space<vmem>>, vector<128x128xf32>
    %dot_general3A = arith.constant dense<0.000000e+00> : vector<2000x128xf32>
    %dot_general3A_27 = tpu.matmul %max3A_23, %get3A_26, %dot_general3A {dimension_numbers = #tpu.dot_dimension_numbers<[1], [0], [0], [1], [0, 0, 1, 1], [], []>, transpose_lhs_hint = false} : vector<2000x128xf32>, vector<128x128xf32>, vector<2000x128xf32> -> vector<2000x128xf32>
    %mul3A_28 = vector.broadcast %get3A_15 : vector<2000x1xf32> to vector<2000x128xf32>
    %mul3A_29 = arith.mulf %dot_general3A_27, %mul3A_28 : vector<2000x128xf32>
    %swap3A = arith.constant 0 : index
    %swap3A_30 = arith.constant 0 : index
    %swap3A_31 = vector.load %arg6[%swap3A, %swap3A_30] : memref<2000x128xf32, #tpu.memory_space<vmem>>, vector<2000x128xf32>
    tpu.vector_store %arg6[%swap3A, %swap3A_30], %mul3A_29 {strides = array<i32>} : memref<2000x128xf32, #tpu.memory_space<vmem>>, vector<2000x128xf32>,
    return
  }
  func.func @transform_0(%arg0: i32) -> (i32, i32, i32) {
    %c0_i32 = arith.constant 0 : i32
    %c0_i32_0 = arith.constant 0 : i32
    %c0_i32_1 = arith.constant 0 : i32
    return %c0_i32, %arg0, %c0_i32_0 : i32, i32, i32
  }
  func.func @transform_1(%arg0: i32) -> (i32, i32) {
    %c0_i32 = arith.constant 0 : i32
    %c0_i32_0 = arith.constant 0 : i32
    return %arg0, %c0_i32 : i32, i32
  }
  func.func @transform_2(%arg0: i32) -> (i32, i32) {
    %c0_i32 = arith.constant 0 : i32
    %c0_i32_0 = arith.constant 0 : i32
    return %arg0, %c0_i32 : i32, i32
  }
  func.func @transform_3(%arg0: i32) -> (i32, i32) {
    %c0_i32 = arith.constant 0 : i32
    %c0_i32_0 = arith.constant 0 : i32
    %c0_i32_1 = arith.constant 0 : i32
    return %c0_i32, %c0_i32_0 : i32, i32
  }
  func.func @transform_4(%arg0: i32) -> (i32, i32) {
    %c0_i32 = arith.constant 0 : i32
    %c0_i32_0 = arith.constant 0 : i32
    %c0_i32_1 = arith.constant 0 : i32
    return %c0_i32, %c0_i32_0 : i32, i32
  }
  func.func @transform_5(%arg0: i32) -> (i32, i32) {
    %c0_i32 = arith.constant 0 : i32
    %c0_i32_0 = arith.constant 0 : i32
    return %arg0, %c0_i32 : i32, i32
  }
}

module attributes {stable_mosaic.version = 14 : i64} {
  func.func @_tca_body(%arg0: i32, %arg1: memref<2x2000x1xf32, #tpu.memory_space<vmem>>, %arg2: memref<2000x128xf32, #tpu.memory_space<vmem>>, %arg3: memref<128x128xf32, #tpu.memory_space<vmem>>, %arg4: memref<2000x128xf32, #tpu.memory_space<vmem>>, %arg5: memref<2000x1xf32, #tpu.memory_space<vmem>>) attributes {dimension_semantics = [#tpu.dimension_semantics<arbitrary>], iteration_bounds = array<i64: 5>, scalar_prefetch = 0 : i64, scratch_operands = 0 : i64, tpu.core_type = #tpu.core_type<tc>, window_params = [{transform_indices = @transform_0, window_bounds = array<i64: 2, 2000, 1>}, {transform_indices = @transform_1, window_bounds = array<i64: 2000, 128>}, {pipeline_mode = #tpu.pipeline_mode<synchronous>, transform_indices = @transform_2, window_bounds = array<i64: 128, 128>}, {transform_indices = @transform_3, window_bounds = array<i64: 2000, 128>}, {transform_indices = @transform_4, window_bounds = array<i64: 2000, 1>}]} {
    %get3A = arith.constant 0 : index
    %get3A_0 = arith.constant 0 : index
    %get3A_1 = arith.constant 0 : index
    %get3A_2 = vector.load %arg1[%get3A, %get3A_0, %get3A_1] : memref<2x2000x1xf32, #tpu.memory_space<vmem>>, vector<1x2000x1xf32>
    %get3A_3 = vector.shape_cast %get3A_2 : vector<1x2000x1xf32> to vector<2000x1xf32>
    %get3A_4 = arith.constant 1 : index
    %get3A_5 = arith.constant 0 : index
    %get3A_6 = arith.constant 0 : index
    %get3A_7 = vector.load %arg1[%get3A_4, %get3A_5, %get3A_6] : memref<2x2000x1xf32, #tpu.memory_space<vmem>>, vector<1x2000x1xf32>
    %get3A_8 = vector.shape_cast %get3A_7 : vector<1x2000x1xf32> to vector<2000x1xf32>
    %add3A = arith.addf %get3A_3, %get3A_8 : vector<2000x1xf32>
    %add3A_9 = arith.constant 1.000000e+00 : f32
    %add3A_10 = vector.broadcast %add3A_9 : f32 to vector<2000x1xf32>
    %add3A_11 = arith.addf %add3A, %add3A_10 : vector<2000x1xf32>
    %rsqrt3A = math.rsqrt %add3A_11 : vector<2000x1xf32>
    %get3A_12 = arith.constant 0 : index
    %get3A_13 = arith.constant 0 : index
    %get3A_14 = vector.load %arg2[%get3A_12, %get3A_13] : memref<2000x128xf32, #tpu.memory_space<vmem>>, vector<2000x128xf32>
    %get3A_15 = arith.constant 0 : index
    %get3A_16 = arith.constant 0 : index
    %get3A_17 = vector.load %arg3[%get3A_15, %get3A_16] : memref<128x128xf32, #tpu.memory_space<vmem>>, vector<128x128xf32>
    %dot_general3A = arith.constant dense<0.000000e+00> : vector<2000x128xf32>
    %dot_general3A_18 = tpu.matmul %get3A_14, %get3A_17, %dot_general3A {dimension_numbers = #tpu.dot_dimension_numbers<[1], [0], [0], [1], [0, 0, 1, 1], [], []>, transpose_lhs_hint = false} : vector<2000x128xf32>, vector<128x128xf32>, vector<2000x128xf32> -> vector<2000x128xf32>
    %mul3A = vector.broadcast %rsqrt3A : vector<2000x1xf32> to vector<2000x128xf32>
    %mul3A_19 = arith.mulf %dot_general3A_18, %mul3A : vector<2000x128xf32>
    %swap3A = arith.constant 0 : index
    %swap3A_20 = arith.constant 0 : index
    %swap3A_21 = vector.load %arg4[%swap3A, %swap3A_20] : memref<2000x128xf32, #tpu.memory_space<vmem>>, vector<2000x128xf32>
    tpu.vector_store %arg4[%swap3A, %swap3A_20], %mul3A_19 {strides = array<i32>} : memref<2000x128xf32, #tpu.memory_space<vmem>>, vector<2000x128xf32>,
    %swap3A_22 = arith.constant 0 : index
    %swap3A_23 = arith.constant 0 : index
    %swap3A_24 = vector.load %arg5[%swap3A_22, %swap3A_23] : memref<2000x1xf32, #tpu.memory_space<vmem>>, vector<2000x1xf32>
    tpu.vector_store %arg5[%swap3A_22, %swap3A_23], %rsqrt3A {strides = array<i32>} : memref<2000x1xf32, #tpu.memory_space<vmem>>, vector<2000x1xf32>,
    return
  }
  func.func @transform_0(%arg0: i32) -> (i32, i32, i32) {
    %c0_i32 = arith.constant 0 : i32
    %c0_i32_0 = arith.constant 0 : i32
    %c0_i32_1 = arith.constant 0 : i32
    return %c0_i32, %arg0, %c0_i32_0 : i32, i32, i32
  }
  func.func @transform_1(%arg0: i32) -> (i32, i32) {
    %c0_i32 = arith.constant 0 : i32
    %c0_i32_0 = arith.constant 0 : i32
    return %arg0, %c0_i32 : i32, i32
  }
  func.func @transform_2(%arg0: i32) -> (i32, i32) {
    %c0_i32 = arith.constant 0 : i32
    %c0_i32_0 = arith.constant 0 : i32
    %c0_i32_1 = arith.constant 0 : i32
    return %c0_i32, %c0_i32_0 : i32, i32
  }
  func.func @transform_3(%arg0: i32) -> (i32, i32) {
    %c0_i32 = arith.constant 0 : i32
    %c0_i32_0 = arith.constant 0 : i32
    return %arg0, %c0_i32 : i32, i32
  }
  func.func @transform_4(%arg0: i32) -> (i32, i32) {
    %c0_i32 = arith.constant 0 : i32
    %c0_i32_0 = arith.constant 0 : i32
    return %arg0, %c0_i32 : i32, i32
  }
}

module attributes {stable_mosaic.version = 14 : i64} {
  func.func @_tcc_body(%arg0: i32, %arg1: memref<2x2000x128xf32, #tpu.memory_space<vmem>>, %arg2: memref<2000x128xf32, #tpu.memory_space<vmem>>, %arg3: memref<2000x1xf32, #tpu.memory_space<vmem>>, %arg4: memref<1x128xf32, #tpu.memory_space<vmem>>, %arg5: memref<2000x128xf32, #tpu.memory_space<vmem>>) attributes {dimension_semantics = [#tpu.dimension_semantics<arbitrary>], iteration_bounds = array<i64: 5>, scalar_prefetch = 0 : i64, scratch_operands = 0 : i64, tpu.core_type = #tpu.core_type<tc>, window_params = [{transform_indices = @transform_0, window_bounds = array<i64: 2, 2000, 128>}, {transform_indices = @transform_1, window_bounds = array<i64: 2000, 128>}, {transform_indices = @transform_2, window_bounds = array<i64: 2000, 1>}, {pipeline_mode = #tpu.pipeline_mode<synchronous>, transform_indices = @transform_3, window_bounds = array<i64: 1, 128>}, {transform_indices = @transform_4, window_bounds = array<i64: 2000, 128>}]} {
    %get3A = arith.constant 0 : index
    %get3A_0 = arith.constant 0 : index
    %get3A_1 = arith.constant 0 : index
    %get3A_2 = vector.load %arg1[%get3A, %get3A_0, %get3A_1] : memref<2x2000x128xf32, #tpu.memory_space<vmem>>, vector<1x2000x128xf32>
    %get3A_3 = vector.shape_cast %get3A_2 : vector<1x2000x128xf32> to vector<2000x128xf32>
    %get3A_4 = arith.constant 1 : index
    %get3A_5 = arith.constant 0 : index
    %get3A_6 = arith.constant 0 : index
    %get3A_7 = vector.load %arg1[%get3A_4, %get3A_5, %get3A_6] : memref<2x2000x128xf32, #tpu.memory_space<vmem>>, vector<1x2000x128xf32>
    %get3A_8 = vector.shape_cast %get3A_7 : vector<1x2000x128xf32> to vector<2000x128xf32>
    %add3A = arith.addf %get3A_3, %get3A_8 : vector<2000x128xf32>
    %get3A_9 = arith.constant 0 : index
    %get3A_10 = arith.constant 0 : index
    %get3A_11 = vector.load %arg2[%get3A_9, %get3A_10] : memref<2000x128xf32, #tpu.memory_space<vmem>>, vector<2000x128xf32>
    %add3A_12 = arith.addf %add3A, %get3A_11 : vector<2000x128xf32>
    %get3A_13 = arith.constant 0 : index
    %get3A_14 = arith.constant 0 : index
    %get3A_15 = vector.load %arg3[%get3A_13, %get3A_14] : memref<2000x1xf32, #tpu.memory_space<vmem>>, vector<2000x1xf32>
    %mul3A = vector.broadcast %get3A_15 : vector<2000x1xf32> to vector<2000x128xf32>
    %mul3A_16 = arith.mulf %add3A_12, %mul3A : vector<2000x128xf32>
    %get3A_17 = arith.constant 0 : index
    %get3A_18 = arith.constant 0 : index
    %get3A_19 = vector.load %arg4[%get3A_17, %get3A_18] : memref<1x128xf32, #tpu.memory_space<vmem>>, vector<1x128xf32>
    %add3A_20 = vector.broadcast %get3A_19 : vector<1x128xf32> to vector<2000x128xf32>
    %add3A_21 = arith.addf %mul3A_16, %add3A_20 : vector<2000x128xf32>
    %swap3A = arith.constant 0 : index
    %swap3A_22 = arith.constant 0 : index
    %swap3A_23 = vector.load %arg5[%swap3A, %swap3A_22] : memref<2000x128xf32, #tpu.memory_space<vmem>>, vector<2000x128xf32>
    tpu.vector_store %arg5[%swap3A, %swap3A_22], %add3A_21 {strides = array<i32>} : memref<2000x128xf32, #tpu.memory_space<vmem>>, vector<2000x128xf32>,
    return
  }
  func.func @transform_0(%arg0: i32) -> (i32, i32, i32) {
    %c0_i32 = arith.constant 0 : i32
    %c0_i32_0 = arith.constant 0 : i32
    %c0_i32_1 = arith.constant 0 : i32
    return %c0_i32, %arg0, %c0_i32_0 : i32, i32, i32
  }
  func.func @transform_1(%arg0: i32) -> (i32, i32) {
    %c0_i32 = arith.constant 0 : i32
    %c0_i32_0 = arith.constant 0 : i32
    return %arg0, %c0_i32 : i32, i32
  }
  func.func @transform_2(%arg0: i32) -> (i32, i32) {
    %c0_i32 = arith.constant 0 : i32
    %c0_i32_0 = arith.constant 0 : i32
    return %arg0, %c0_i32 : i32, i32
  }
  func.func @transform_3(%arg0: i32) -> (i32, i32) {
    %c0_i32 = arith.constant 0 : i32
    %c0_i32_0 = arith.constant 0 : i32
    %c0_i32_1 = arith.constant 0 : i32
    return %c0_i32, %c0_i32_0 : i32, i32
  }
  func.func @transform_4(%arg0: i32) -> (i32, i32) {
    %c0_i32 = arith.constant 0 : i32
    %c0_i32_0 = arith.constant 0 : i32
    return %arg0, %c0_i32 : i32, i32
  }
}

</mosaic_0001>

<sc_bundles>
// kernel: kernel.11.cloned.1.call-start
scs
__scs_entry_jumppad:
0x0: {  	(pc) =	sbr.rel $0x88, $3  }
0x1: {  	(tag) =	ssettag $0x0;
	lr =	simm.s32 $0x1  }
0x2: {  	[smem:$0x3F9B] =	sst lr;
	_ =	strace $0xD0000000  }
0x3: {  	_ = 	snop  }
0x4: {  	_ = 	snop  }
0x5: {  	_ = 	snop  }
0x6: {  	_ = 	snop  }
0x7: {  	_ = 	snop  }
__scs_overlays_trampoline_lowered:
0x8: {  	[smem:$0x3FAA] =	sst s0  }
0x9: {  	[smem:$0x3FAB] =	sst s1  }
0xa: {  	[smem:$0x3FAC] =	sst s2  }
0xb: {  	[smem:$0x3FAD] =	sst s3  }
0xc: {  	[smem:$0x3FAE] =	sst s4  }
0xd: {  	[smem:$0x3FAF] =	sst s5  }
0xe: {  	[smem:$0x3FB0] =	sst s6  }
0xf: {  	[smem:$0x3FB1] =	sst s7  }
0x10: {  	[smem:$0x3FB2] =	sst s8  }
0x11: {  	[smem:$0x3FB3] =	sst s9;
	s0 =	simm.s32 @!p0 $0x0  }
0x12: {  	s1 =	sld [smem:$0x3F99];
	s0 =	simm.s32 @p0 $0x1  }
0x13: {  	[smem:$0x3FB4] =	sst s0;
	s0 =	simm.s32 @!p1 $0x0  }
0x14: {  	s2 =	sld [smem:$0x3F98];
	s0 =	simm.s32 @p1 $0x1  }
0x15: {  	[smem:$0x3FB5] =	sst s0;
	s0 =	simm.s32 @!p2 $0x0  }
0x16: {  	s3 =	sld [smem:$0x3FDB];
	s0 =	simm.s32 @p2 $0x1  }
0x17: {  	s4 =	simm.s32 $0x1BF5;
	[smem:$0x3FB7] =	sst s0  }
0x18: {  	s0 =	sld [smem:$0x3F9A];
	_ =	swait.ge [sflag:s4], $0x0  }
0x19: {  	s7 =	sld [smem:$0x3F9B]  }
0x1a: {  	s8 =	sadd.s32 $0xFFFFE003, lr  }
0x1b: {  	s9 =	sadd.s32 $0xFFFFFEF7, lr;
	s5 =	simm.s32 $0xFFFFFFFF;
	p2 =	slt.u32 s8, $0xFFFFF086  }
0x1c: {  	p1 =	slt.u32 s9, $0xF7A;
	s5 =	simm.s32 @!p2 $0x0  }
0x1d: {  	s5 =	simm.s32 @p1 $0x1;
	p0 =	seq.s32 s7, s2  }
0x1e: {  	s7 =	smul.u32 @!p0 $0xF7A, s2;
	p2 =	seq.s32 @!p0 s5, $0x0  }
0x1f: {  	s9 =	smul.u32 $0xF7A, s1;
	s8 =	simm.s32 @!p0 $0x1BF5;
	p2 =	por !p2, p0  }
0x20: {  	[sflag:s8] =	ssyncset.s32 @!p0 $0xFFFFF086;
	s6 =	sadd.s32 @!p0 s3, s7;
	s7 =	simm.s32 @!p0 $0x108  }
0x21: {  	s3 =	sadd.s32 s3, s9;
	s6 =	sadd.s32 @!p0 $0x88, s6;
	s7 =	simm.s32 @p2 $0x1082  }
0x22: {  	[simem:s7], [sflag:s8] =	dma.local @!p0 [hbm:s6], $0xF7A  }
0x23: {  	s9 =	sor.u32 $0xD0000000, s2;
	s6 =	simm.s32 $0x108;
	_ =	swait.ge @!p0 [sflag:s8], $0x0  }
0x24: {  	s3 =	sadd.s32 $0x88, s3;
	s6 =	simm.s32 @!p1 $0x1082;
	[sflag:s4] =	ssyncset.s32 $0xFFFFF086  }
0x25: {  	[simem:s6], [sflag:s4] =	dma.local [hbm:s3], $0xF7A  }
0x26: {  	[smem:$0x3F9B] =	sst s1;
	(tag) =	ssettag s2;
	_ =	strace s9  }
0x27: {  	s1 =	sld [smem:$0x3FAB]  }
0x28: {  	s2 =	sld [smem:$0x3FAC]  }
0x29: {  	s4 =	sld [smem:$0x3FAE]  }
0x2a: {  	p0 =	seq.s32 s5, $0x0;
	s5 =	sld [smem:$0x3FAF]  }
0x2b: {  	s6 =	sld [smem:$0x3FB0]  }
0x2c: {  	s7 =	sld [smem:$0x3FB1]  }
0x2d: {  	s3 =	simm.s32 $0x108;
	s8 =	sld [smem:$0x3FB2]  }
0x2e: {  	s3 =	simm.s32 @!p0 $0x1082;
	s9 =	sld [smem:$0x3FB3]  }
0x2f: {  	lr =	sadd.s32 s0, s3;
	s0 =	sld [smem:$0x3FAA]  }
0x30: {  	s3 =	sld [smem:$0x3FAD]  }
0x31: {  	[smem:$0x3FB6] =	sst s10  }
0x32: {  	s10 =	sld [smem:$0x3FB4];
	_ =	sdelay $0x3  }
0x33: {  	p0 =	seq.s32 s10, $0x1;
	s10 =	sld [smem:$0x3FB6];
	_ =	sdelay $0x3  }
0x34: {  	[smem:$0x3FB6] =	sst s10  }
0x35: {  	s10 =	sld [smem:$0x3FB5];
	_ =	sdelay $0x3  }
0x36: {  	p1 =	seq.s32 s10, $0x1;
	s10 =	sld [smem:$0x3FB6];
	_ =	sdelay $0x3  }
0x37: {  	[smem:$0x3FB6] =	sst s10  }
0x38: {  	s10 =	sld [smem:$0x3FB7]  }
0x39: {  	_ = 	snop;
	(pc) =	sbr.ind lr, $3  }
0x3a: {  	_ = 	snop  }
0x3b: {  	_ = 	snop  }
0x3c: {  	p2 =	seq.s32 s10, $0x1;
	s10 =	sld [smem:$0x3FB6]  }
0x3d: {  	_ =	shalt  }
0x3e: {  	_ =	shalt  }
0x3f: {  	_ =	shalt  }
0x40: {  	_ =	shalt  }
0x41: {  	_ =	shalt  }
0x42: {  	_ =	shalt  }
0x43: {  	_ =	shalt  }
0x44: {  	_ =	shalt  }
0x45: {  	_ =	shalt  }
0x46: {  	_ =	shalt  }
0x47: {  	_ =	shalt  }
0x48: {  	_ =	shalt  }
0x49: {  	_ =	shalt  }
0x4a: {  	_ =	shalt  }
0x4b: {  	_ =	shalt  }
0x4c: {  	_ =	shalt  }
0x4d: {  	_ =	shalt  }
0x4e: {  	_ =	shalt  }
0x4f: {  	_ =	shalt  }
0x50: {  	_ =	shalt  }
0x51: {  	_ =	shalt  }
0x52: {  	_ =	shalt  }
0x53: {  	_ =	shalt  }
0x54: {  	_ =	shalt  }
0x55: {  	_ =	shalt  }
0x56: {  	_ =	shalt  }
0x57: {  	_ =	shalt  }
0x58: {  	_ =	shalt  }
0x59: {  	_ =	shalt  }
0x5a: {  	_ =	shalt  }
0x5b: {  	_ =	shalt  }
0x5c: {  	_ =	shalt  }
0x5d: {  	_ =	shalt  }
0x5e: {  	_ =	shalt  }
0x5f: {  	_ =	shalt  }
0x60: {  	_ =	shalt  }
0x61: {  	_ =	shalt  }
0x62: {  	_ =	shalt  }
0x63: {  	_ =	shalt  }
0x64: {  	_ =	shalt  }
0x65: {  	_ =	shalt  }
0x66: {  	_ =	shalt  }
0x67: {  	_ =	shalt  }
0x68: {  	_ =	shalt  }
0x69: {  	_ =	shalt  }
0x6a: {  	_ =	shalt  }
0x6b: {  	_ =	shalt  }
0x6c: {  	_ =	shalt  }
0x6d: {  	_ =	shalt  }
0x6e: {  	_ =	shalt  }
0x6f: {  	_ =	shalt  }
0x70: {  	_ =	shalt  }
0x71: {  	_ =	shalt  }
0x72: {  	_ =	shalt  }
0x73: {  	_ =	shalt  }
0x74: {  	_ =	shalt  }
0x75: {  	_ =	shalt  }
0x76: {  	_ =	shalt  }
0x77: {  	_ =	shalt  }
0x78: {  	_ =	shalt  }
0x79: {  	_ =	shalt  }
0x7a: {  	_ =	shalt  }
0x7b: {  	_ =	shalt  }
0x7c: {  	_ =	shalt  }
0x7d: {  	_ =	shalt  }
0x7e: {  	_ =	shalt  }
0x7f: {  	_ =	shalt  }
0x80: {  	_ =	shalt  }
0x81: {  	_ =	shalt  }
0x82: {  	_ =	shalt  }
0x83: {  	_ =	shalt  }
0x84: {  	_ =	shalt  }
0x85: {  	_ =	shalt  }
0x86: {  	_ =	shalt  }
0x87: {  	_ =	shalt  }
.Lfunc_end0:
.L_simem_size_0:
called_computation.1_lowered:
.L_overlay_start_0:
0x88: {  	s2 =	sld [smem:$0x3FD9]  }
0x89: {  	s3 =	sld [smem:$0x3FFE];
	_ =	sdelay $0x1  }
0x8a: {  	s1 =	srdreg.scid  }
0x8b: {  	s0 =	sand.u32 $0x1, s1  }
0x8c: {  	s17 =	sshll.u32 s0, $0xA;
	s2 =	sadd.s32 s3, s2  }
0x8d: {  	s2 =	sadd.s32 s2, s17  }
0x8e: {  	[smem:$0x3FC2] =	sst s2  }
0x8f: {  	_ = 	snop  }
0x90: {  	s2 =	sld [smem:$0x3FD0];
	(tm) =	ssettm $0x1  }
0x91: {  	s18 =	sld [smem:$0x3FFB];
	_ =	sdelay $0x3  }
0x92: {  	_ =	strace s18  }
0x93: {  	s3 =	sld [smem:$0x3FFC];
	_ =	sdelay $0x3  }
0x94: {  	_ =	strace s3  }
0x95: {  	s3 =	sld [smem:$0x3FFD];
	_ =	sdelay $0x3  }
0x96: {  	_ =	strace s3  }
0x97: {  	_ =	strace $0x8FFFFFFF  }
0x98: {  	s19 =	sld [smem:$0x3FDB];
	_ =	sdelay $0x1  }
0x99: {  	s4 =	simm.s32 $_scs_section_size  }
0x9a: {  	s5 =	simm.s32 $_size__tile_overlayer_lowered;
	s6 =	simm.s32 $_tile_overlayer_lowered  }
0x9b: {  	s22 =	simm.s32 $0x1BFF;
	s21 =	sshll.u32 s6, $0x1;
	s3 =	sadd.s32 s4, s19  }
0x9c: {  	s7 =	simm.s32 $0x0;
	s20 =	sshll.u32 s5, $0x1;
	s5 =	sadd.s32 s21, s3  }
0x9d: {  	[timem:s7], [sflag:s22] =	dma.local [hbm:s5], s20  }
0x9e: {  	_ =	swait.ge [sflag:s22], s20  }
0x9f: {  	s4 =	ssub.s32 $0x0, s20;
	[sflag:s22] =	ssyncset.done $0x0  }
0xa0: {  	[sflag:s22] =	ssyncadd.s32 s4;
	_ =	sdelay $0x1  }
0xa1: {  	s23 =	simm.s32 $0x1B8B  }
0xa2: {  	_ =	swait.ge [sflag:s23], $0x1  }
0xa3: {  	[sflag:s23] =	ssyncset.done $0x0  }
0xa4: {  	s25 =	simm.s32 $0x1B8E;
	s24 =	sld [smem:$0x3FFE];
	[sflag:s23] =	ssyncadd.s32 $0xFFFFFFFF  }
0xa5: {  	s26 =	simm.s32 $execute0_lowered;
	[smem:$0x3FD2] =	sst s25  }
0xa6: {  	s5 =	sshll.u32 s26, $0x1;
	_ =	strace $0x80000049;
	[dreg:$0x1] =	wrdreg $0xFFFFFFFF  }
0xa7: {  	s28 =	simm.s32 $_size_execute0_lowered;
	s3 =	sadd.s32 s3, s5;
	[dreg:$0x0] =	wrdreg $0x0  }
0xa8: {  	s5 =	sshll.u32 s28, $0x1;
	[dreg:$0x2] =	wrdreg s3  }
0xa9: {  	[dreg:$0x3] =	wrdreg s5  }
0xaa: {  	[dreg:$0x4] =	wrdreg $0xC0  }
0xab: {  	_ =	task [dreg:s7], $0x5FFFF  }
0xac: {  	[dreg:$0x1] =	wrdreg $0xFFFFFFFF  }
0xad: {  	[dreg:$0x0] =	wrdreg $0x60  }
0xae: {  	[dreg:$0x2] =	wrdreg s2  }
0xaf: {  	[dreg:$0x3] =	wrdreg s24  }
0xb0: {  	[dreg:$0x4] =	wrdreg $0x0  }
0xb1: {  	[dreg:$0x5] =	wrdreg $0x9  }
0xb2: {  	_ =	task.clear_ibuf [dreg:s7], $0x6FFFF;
	_ =	strace $0x90000049  }
0xb3: {  	s29 =	simm.s32 $0x9;
	_ =	strace $0x8000004B  }
0xb4: {  	_ =	swait.ge [sflag:s29], $0x1  }
0xb5: {  	[sflag:s29] =	ssyncadd.s32 $0xFFFFFFFF  }
0xb6: {  	_ =	strace $0x9000004B  }
0xb7: {  	_ =	sfence  }
0xb8: {  	s30 =	sld [smem:$0x0];
	_ =	sdelay $0x2  }
0xb9: {  	s31 =	sshll.u32 s1, $0xD;
	s1 =	sshrl.u32 s1, $0x2  }
0xba: {  	s3 =	sand.u32 $0x4000, s31;
	s1 =	sadd.s32 s1, s30  }
0xbb: {  	s0 =	sor.u32 s3, s0;
	s1 =	sshll.u32 s1, $0x11  }
0xbc: {  	s0 =	sor.u32 s1, s0  }
0xbd: {  	s0 =	sadd.s32 $0x8F2B, s0  }
0xbe: {  	[sflag:s0] =	ssyncadd.remote.s32 $0x1  }
0xbf: {  	_ =	sfence.sel $0xFFFF  }
0xc0: {  	[dreg:$0x0] =	wrdreg $0xFFFFFFFF;
	(pc) =	sbr.abs _section_cstart, $3  }
0xc1: {  	[dreg:$0x1] =	wrdreg $0xFFFFFFFF  }
0xc2: {  	_ =	task.clear_ibuf [dreg:s7], $0x2FFFF;
	_ =	strace $0x9FFFFFFF  }
0xc3: {  	(tm) =	ssettm $0x7FFFFFFF  }
tec
execute0_lowered:
.L_overlay_start_1:
0x0: {  	(tag) =	ssettag $0x1  }
0x1: {  	s0 =	rddreg [dreg:$0x0]  }
0x2: {  	s2 =	rddreg [dreg:$0x1]  }
0x3: {  	s1 =	srdreg.scid;
	s3 =	rddreg [dreg:$0x2]  }
0x4: {  	s9 =	stileid.u32;
	s4 =	simm.s32 $0x0;
	s28 =	simm.s32 $0x5  }
0x5: {  	s29 =	simm.s32 $0x6;
	s30 =	simm.s32 $0x7;
	s1 =	sand.u32 $0x1, s1  }
0x6: {  	[smem:$0x7FF] =	sst s4;
	s8 =	smul.u32 $0x50000, s9;
	s5 =	sshll.u32 s1, $0x4  }
0x7: {  	_ =	strace $0x8000004A;
	s7 =	ssub.s32 $0x2, s1;
	s1 =	smul.u32 $0x140000, s1  }
0x8: {  	s5 =	sor.u32 s9, s5;
	s9 =	smul.u32 $0x14000, s9;
	s18 =	sshrl.u32 s8, $0x2  }
0x9: {  	s16 =	sshrl.u32 s7, $0x1;
	s5 =	smul.u32 $0x4E2, s5;
	s8 =	sadd.s32 s18, s3  }
0xa: {  	s19 =	sor.u32 $0x1400, s9;
	s21 =	sadd.s32 s9, s1;
	s10 =	sor.u32 $0x2800, s9  }
0xb: {  	s9 =	sor.u32 $0x3C00, s9;
	s26 =	sadd.s32 $0x1400, s8;
	s18 =	sadd.s32 $0x8C00, s8  }
0xc: {  	s6 =	sadd.s32 s5, s2;
	s5 =	sadd.s32 $0x15C00, s2;
	[dreg:$0xe] =	wrdreg s26  }
0xd: {  	s2 =	ssub.s32 s7, s16;
	s20 =	sadd.s32 s19, s3;
	[dreg:$0x18] =	wrdreg s18  }
0xe: {  	s12 =	sadd.s32 s10, s3;
	s22 =	sadd.s32 s9, s3;
	[dreg:$0x6] =	wrdreg s20  }
0xf: {  	s7 =	sadd.s32 s1, s19;
	s10 =	sadd.s32 s1, s10;
	[dreg:$0x7] =	wrdreg s12  }
0x10: {  	s1 =	sadd.s32 s1, s9;
	s9 =	sadd.s32 $0x5000, s8;
	[dreg:$0x8] =	wrdreg s22  }
0x11: {  	s31 =	simm.s32 $0x9;
	s16 =	sadd.s32 $0x5000, s21;
	[dreg:$0x11] =	wrdreg s9  }
0x12: {  	s11 =	sshrl.u32 s21, $0x3;
	s19 =	sadd.s32 $0xA000, s8;
	[dreg:$0x16] =	wrdreg s16  }
0x13: {  	s13 =	sadd.s32 $0x6400, s21;
	s26 =	sadd.s32 $0x12C00, s8;
	[dreg:$0x19] =	wrdreg s19  }
0x14: {  	s18 =	simm.s32 $0x1CB00;
	s17 =	sadd.s32 $0x2000, s6;
	[smem:$0x7FD] =	sst s26  }
0x15: {  	s6 =	sadd.s32 $0xBE00, s6;
	s11 =	sadd.s32 s5, s11;
	[dreg:$0x4] =	wrdreg s17  }
0x16: {  	s7 =	sshrl.u32 s7, $0x3;
	s23 =	sshrl.u32 s10, $0x3;
	[dreg:$0x5] =	wrdreg s6  }
0x17: {  	s1 =	sshrl.u32 s1, $0x3;
	s25 =	smax.u32 s2, $0x1;
	[dreg:$0x9] =	wrdreg s11  }
0x18: {  	s2 =	sadd.s32 $0x2800, s8;
	s10 =	sadd.s32 $0x6400, s8;
	[dreg:$0xd] =	wrdreg s25  }
0x19: {  	s12 =	sadd.s32 $0x7800, s21;
	s20 =	sadd.s32 $0xB400, s8;
	[dreg:$0xf] =	wrdreg s2  }
0x1a: {  	s22 =	sadd.s32 $0xDC00, s8;
	s16 =	simm.s32 $0x1A300;
	[dreg:$0x12] =	wrdreg s10  }
0x1b: {  	s19 =	simm.s32 $0x1DF00;
	s26 =	simm.s32 $0x4;
	[dreg:$0x1a] =	wrdreg s20  }
0x1c: {  	s7 =	sadd.s32 s5, s7;
	s24 =	sadd.s32 s5, s23;
	[dreg:$0x1c] =	wrdreg s22  }
0x1d: {  	s1 =	sadd.s32 s5, s1;
	s11 =	sadd.s32 $0x8C00, s21;
	[dreg:$0xa] =	wrdreg s7  }
0x1e: {  	s2 =	sshrl.u32 s12, $0x3;
	s17 =	sadd.s32 $0x7800, s8;
	[dreg:$0xb] =	wrdreg s24  }
0x1f: {  	s21 =	sadd.s32 $0xC800, s8;
	s23 =	sadd.s32 $0xF000, s8;
	[dreg:$0xc] =	wrdreg s1  }
0x20: {  	s25 =	sadd.s32 $0x11800, s8;
	s10 =	simm.s32 $0x18F00;
	[dreg:$0x17] =	wrdreg s17  }
0x21: {  	s12 =	simm.s32 $0xB;
	s20 =	simm.s32 $0x2;
	[dreg:$0x1b] =	wrdreg s21  }
0x22: {  	s7 =	sadd.s32 $0x3C00, s8;
	s1 =	sshrl.u32 s11, $0x3;
	[dreg:$0x1d] =	wrdreg s23  }
0x23: {  	s14 =	sadd.s32 s2, s5;
	s24 =	sadd.s32 $0x10400, s8;
	[dreg:$0x1f] =	wrdreg s25  }
0x24: {  	s17 =	simm.s32 $0x1B700;
	s21 =	simm.s32 $0x3;
	[dreg:$0x10] =	wrdreg s7  }
0x25: {  	s11 =	simm.s32 $0x8;
	s7 =	sshrl.u32 s13, $0x3;
	[dreg:$0x14] =	wrdreg s14  }
0x26: {  	s1 =	sadd.s32 s1, s5;
	[dreg:$0x1e] =	wrdreg s24;
	s14 =	simm.s32 $0x1  }
0x27: {  	s13 =	simm.s32 $0x0;
	[dreg:$0x13] =	wrdreg s1;
	s15 =	sadd.s32 s7, s5  }
0x28: {  	v0 =	vimm.f32 $0.0e+00;
	s1 =	simm.s32 $0xA;
	[dreg:$0x15] =	wrdreg s15;
	s15 =	simm.s32 $0x28  }
.LBB2_1:
0x29: {  	s2 =	sand.u32 $0x7E00, s4  }
0x2a: {  	s6 =	sand.u32 $0x70, s4;
	s7 =	sshrl.u32 s2, $0x2  }
0x2b: {  	s2 =	simm.s32 $0x40;
	s7 =	sor.u32 s6, s7;
	s6 =	simm.s32 $0x0  }
.LBB2_2:
0x2c: {  	p0 =	sne.s32 s2, $0x4FC0  }
0x2d: {  	[tilespmem:s7+$0x18F00] =	vst v0;
	s6 =	sadd.s32 $0x10, s6;
	s7 =	smov.u32 s2;
	s2 =	sadd.s32 $0x40, s2  }
.Ltmp0:
0x2e: {  	(pc) =	sbr.rel @p0 .LBB2_2-.Ltmp0, $4  }
0x2f: {  	_ = 	snop  }
0x30: {  	s7 =	sand.u32 $0x7E00, s7  }
0x31: {  	s9 =	sand.u32 $0x70, s6;
	s7 =	sshrl.u32 s7, $0x2  }
0x32: {  	s7 =	sor.u32 s9, s7  }
0x33: {  	[tilespmem:s7+$0x18F00] =	vst v0;
	s2 =	rddreg [dreg:$0xe]  }
0x34: {  	[spmem:s8] =	stream.linear.scatter [tilespmem:s10], [sflag:$0x1], $0x1400, $0x38;
	[tilespmem:$0x1F300] =	vst v63  }
0x35: {  	s24 =	rddreg [dreg:$0xf]  }
0x36: {  	[spmem:s2] =	stream.linear.scatter [tilespmem:s10], [sflag:$0x1], $0x1400, $0x38;
	[tilespmem:$0x1F300] =	vst v63  }
0x37: {  	s25 =	rddreg [dreg:$0x10]  }
0x38: {  	[spmem:s24] =	stream.linear.scatter [tilespmem:s10], [sflag:$0x1], $0x1400, $0x38;
	[tilespmem:$0x1F300] =	vst v63  }
0x39: {  	s6 =	rddreg [dreg:$0x11]  }
0x3a: {  	[spmem:s25] =	stream.linear.scatter [tilespmem:s10], [sflag:$0x1], $0x1400, $0x38;
	[tilespmem:$0x1F300] =	vst v63  }
0x3b: {  	s7 =	rddreg [dreg:$0x12]  }
0x3c: {  	[spmem:s6] =	stream.linear.scatter [tilespmem:s10], [sflag:$0x1], $0x1400, $0x38;
	[tilespmem:$0x1F300] =	vst v63  }
0x3d: {  	s9 =	rddreg [dreg:$0x17]  }
0x3e: {  	[spmem:s7] =	stream.linear.scatter [tilespmem:s10], [sflag:$0x1], $0x1400, $0x38;
	[tilespmem:$0x1F300] =	vst v63  }
0x3f: {  	s22 =	rddreg [dreg:$0x18]  }
0x40: {  	[spmem:s9] =	stream.linear.scatter [tilespmem:s10], [sflag:$0x1], $0x1400, $0x38;
	[tilespmem:$0x1F300] =	vst v63  }
0x41: {  	s23 =	rddreg [dreg:$0x19]  }
0x42: {  	[spmem:s22] =	stream.linear.scatter [tilespmem:s10], [sflag:$0x1], $0x1400, $0x38;
	[tilespmem:$0x1F300] =	vst v63  }
0x43: {  	s24 =	rddreg [dreg:$0x1a]  }
0x44: {  	[spmem:s23] =	stream.linear.scatter [tilespmem:s10], [sflag:$0x1], $0x1400, $0x38;
	[tilespmem:$0x1F300] =	vst v63  }
0x45: {  	s25 =	rddreg [dreg:$0x1b]  }
0x46: {  	[spmem:s24] =	stream.linear.scatter [tilespmem:s10], [sflag:$0x1], $0x1400, $0x38;
	[tilespmem:$0x1F300] =	vst v63  }
0x47: {  	s6 =	rddreg [dreg:$0x1c]  }
0x48: {  	[spmem:s25] =	stream.linear.scatter [tilespmem:s10], [sflag:$0x1], $0x1400, $0x38;
	[tilespmem:$0x1F300] =	vst v63  }
0x49: {  	s7 =	rddreg [dreg:$0x1d]  }
0x4a: {  	[spmem:s6] =	stream.linear.scatter [tilespmem:s10], [sflag:$0x1], $0x1400, $0x38;
	[tilespmem:$0x1F300] =	vst v63  }
0x4b: {  	s9 =	rddreg [dreg:$0x1e]  }
0x4c: {  	[spmem:s7] =	stream.linear.scatter [tilespmem:s10], [sflag:$0x1], $0x1400, $0x38;
	[tilespmem:$0x1F300] =	vst v63  }
0x4d: {  	s22 =	rddreg [dreg:$0x1f]  }
0x4e: {  	[spmem:s9] =	stream.linear.scatter [tilespmem:s10], [sflag:$0x1], $0x1400, $0x38;
	[tilespmem:$0x1F300] =	vst v63  }
0x4f: {  	s23 =	sld [smem:$0x7FD]  }
0x50: {  	[spmem:s22] =	stream.linear.scatter [tilespmem:s10], [sflag:$0x1], $0x1400, $0x38;
	[tilespmem:$0x1F300] =	vst v63  }
0x51: {  	_ = 	snop  }
0x52: {  	[spmem:s23] =	stream.linear.scatter [tilespmem:s10], [sflag:$0x1], $0x1400, $0x38;
	[tilespmem:$0x1F300] =	vst v63  }
0x53: {  	s24 =	simm.s32 $0x0;
	s25 =	simm.s32 $0x14000;
	s6 =	rddreg [dreg:$0x4]  }
0x54: {  	[tilespmem:s25], [sflag:$0xB] =	stream.linear.gather [hbm4b:s6+s24], $0x2710, $0x38;
	[tilespmem:$0x1F300] =	vst v63  }
0x55: {  	_ =	swait.ge [sflag:s12], $0x2710  }
0x56: {  	[sflag:s12] =	ssyncset.done $0x0  }
0x57: {  	s9 =	simm.s32 $0x16780;
	s22 =	rddreg [dreg:$0x5];
	[sflag:s12] =	ssyncadd.s32 $0xFFFFD8F0  }
0x58: {  	[tilespmem:s9], [sflag:$0xB] =	stream.linear.gather [hbm4b:s22+s24], $0x2710, $0x38;
	[tilespmem:$0x1F300] =	vst v63  }
0x59: {  	_ =	swait.ge [sflag:s12], $0x2710  }
0x5a: {  	[sflag:s12] =	ssyncset.done $0x0  }
0x5b: {  	[sflag:s12] =	ssyncadd.s32 $0xFFFFD8F0  }
0x5c: {  	_ =	swait.ge [sflag:s14], $0x1400  }
0x5d: {  	[sflag:s14] =	ssyncset.done $0x0  }
0x5e: {  	[sflag:s14] =	ssyncadd.s32 $0xFFFFEC00  }
0x5f: {  	_ =	swait.ge [sflag:s14], $0x1400  }
0x60: {  	[sflag:s14] =	ssyncset.done $0x0  }
0x61: {  	[sflag:s14] =	ssyncadd.s32 $0xFFFFEC00  }
0x62: {  	_ =	swait.ge [sflag:s14], $0x1400  }
0x63: {  	[sflag:s14] =	ssyncset.done $0x0  }
0x64: {  	[sflag:s14] =	ssyncadd.s32 $0xFFFFEC00  }
0x65: {  	_ =	swait.ge [sflag:s14], $0x1400  }
0x66: {  	[sflag:s14] =	ssyncset.done $0x0  }
0x67: {  	[sflag:s14] =	ssyncadd.s32 $0xFFFFEC00  }
0x68: {  	_ =	swait.ge [sflag:s14], $0x1400  }
0x69: {  	[sflag:s14] =	ssyncset.done $0x0  }
0x6a: {  	[sflag:s14] =	ssyncadd.s32 $0xFFFFEC00  }
0x6b: {  	_ =	swait.ge [sflag:s14], $0x1400  }
0x6c: {  	[sflag:s14] =	ssyncset.done $0x0  }
0x6d: {  	[sflag:s14] =	ssyncadd.s32 $0xFFFFEC00  }
0x6e: {  	_ =	swait.ge [sflag:s14], $0x1400  }
0x6f: {  	[sflag:s14] =	ssyncset.done $0x0  }
0x70: {  	[sflag:s14] =	ssyncadd.s32 $0xFFFFEC00  }
0x71: {  	_ =	swait.ge [sflag:s14], $0x1400  }
0x72: {  	[sflag:s14] =	ssyncset.done $0x0  }
0x73: {  	[sflag:s14] =	ssyncadd.s32 $0xFFFFEC00  }
0x74: {  	_ =	swait.ge [sflag:s14], $0x1400  }
0x75: {  	[sflag:s14] =	ssyncset.done $0x0  }
0x76: {  	[sflag:s14] =	ssyncadd.s32 $0xFFFFEC00  }
0x77: {  	_ =	swait.ge [sflag:s14], $0x1400  }
0x78: {  	[sflag:s14] =	ssyncset.done $0x0  }
0x79: {  	[sflag:s14] =	ssyncadd.s32 $0xFFFFEC00  }
0x7a: {  	_ =	swait.ge [sflag:s14], $0x1400  }
0x7b: {  	[sflag:s14] =	ssyncset.done $0x0  }
0x7c: {  	[sflag:s14] =	ssyncadd.s32 $0xFFFFEC00  }
0x7d: {  	_ =	swait.ge [sflag:s14], $0x1400  }
0x7e: {  	[sflag:s14] =	ssyncset.done $0x0  }
0x7f: {  	[sflag:s14] =	ssyncadd.s32 $0xFFFFEC00  }
0x80: {  	_ =	swait.ge [sflag:s14], $0x1400  }
0x81: {  	[sflag:s14] =	ssyncset.done $0x0  }
0x82: {  	[sflag:s14] =	ssyncadd.s32 $0xFFFFEC00  }
0x83: {  	_ =	swait.ge [sflag:s14], $0x1400  }
0x84: {  	[sflag:s14] =	ssyncset.done $0x0  }
0x85: {  	[sflag:s14] =	ssyncadd.s32 $0xFFFFEC00  }
0x86: {  	_ =	swait.ge [sflag:s14], $0x1400  }
0x87: {  	[sflag:s14] =	ssyncset.done $0x0  }
0x88: {  	[sflag:s14] =	ssyncadd.s32 $0xFFFFEC00  }
0x89: {  	_ =	swait.ge [sflag:s14], $0x1400  }
0x8a: {  	[sflag:s14] =	ssyncset.done $0x0  }
0x8b: {  	[sflag:s14] =	ssyncadd.s32 $0xFFFFEC00  }
0x8c: {  	[bflag:$0x0] =	sbarrier.arrive $0xFFFF  }
0x8d: {  	[tilespmem:s10], [sflag:$0x1] =	stream.indirect.gather [hbm4b:s0+s15], $0x80, s25, s15, $0xb8;
	[tilespmem:$0x1F300] =	vst v63  }
0x8e: {  	s23 =	simm.s32 $0x14028  }
0x8f: {  	[tilespmem:s16], [sflag:$0x2] =	stream.indirect.gather [hbm4b:s0+s15], $0x80, s23, s15, $0xb8;
	[tilespmem:$0x1F300] =	vst v63  }
0x90: {  	s24 =	simm.s32 $0x14050  }
0x91: {  	[tilespmem:s17], [sflag:$0x3] =	stream.indirect.gather [hbm4b:s0+s15], $0x80, s24, s15, $0xb8;
	[tilespmem:$0x1F300] =	vst v63  }
0x92: {  	s25 =	simm.s32 $0x14078  }
0x93: {  	[tilespmem:s18], [sflag:$0x4] =	stream.indirect.gather [hbm4b:s0+s15], $0x80, s25, s15, $0xb8;
	[tilespmem:$0x1F300] =	vst v63  }
0x94: {  	s6 =	simm.s32 $0x140A0  }
0x95: {  	[tilespmem:s19], [sflag:$0x5] =	stream.indirect.gather [hbm4b:s0+s15], $0x80, s6, s15, $0xb8;
	[tilespmem:$0x1F300] =	vst v63  }
0x96: {  	_ =	swait.ge [sflag:s14], $0x1400  }
0x97: {  	[sflag:s14] =	ssyncset.done $0x0  }
0x98: {  	[sflag:s14] =	ssyncadd.s32 $0xFFFFEC00  }
0x99: {  	[spmem:s3] =	stream.indirect.scatter.add.f32 [tilespmem:s10], [sflag:$0x6], $0x80, s9, s15, $0xb8;
	[tilespmem:$0x1F300] =	vst v63  }
0x9a: {  	_ =	swait.ge [sflag:s20], $0x1400  }
0x9b: {  	[sflag:s20] =	ssyncset.done $0x0  }
0x9c: {  	s7 =	simm.s32 $0x167A8;
	[sflag:s20] =	ssyncadd.s32 $0xFFFFEC00  }
0x9d: {  	[spmem:s3] =	stream.indirect.scatter.add.f32 [tilespmem:s16], [sflag:$0x7], $0x80, s7, s15, $0xb8;
	[tilespmem:$0x1F300] =	vst v63  }
0x9e: {  	_ =	swait.ge [sflag:s21], $0x1400  }
0x9f: {  	[sflag:s21] =	ssyncset.done $0x0  }
0xa0: {  	s9 =	simm.s32 $0x167D0;
	[sflag:s21] =	ssyncadd.s32 $0xFFFFEC00  }
0xa1: {  	[spmem:s3] =	stream.indirect.scatter.add.f32 [tilespmem:s17], [sflag:$0x8], $0x80, s9, s15, $0xb8;
	[tilespmem:$0x1F300] =	vst v63  }
0xa2: {  	_ =	swait.ge [sflag:s26], $0x1400  }
0xa3: {  	[sflag:s26] =	ssyncset.done $0x0  }
0xa4: {  	s22 =	simm.s32 $0x167F8;
	[sflag:s26] =	ssyncadd.s32 $0xFFFFEC00  }
0xa5: {  	[spmem:s3] =	stream.indirect.scatter.add.f32 [tilespmem:s18], [sflag:$0x9], $0x80, s22, s15, $0xb8;
	[tilespmem:$0x1F300] =	vst v63  }
0xa6: {  	_ =	swait.ge [sflag:s28], $0x1400  }
0xa7: {  	[sflag:s28] =	ssyncset.done $0x0  }
0xa8: {  	s23 =	simm.s32 $0x16820;
	[sflag:s28] =	ssyncadd.s32 $0xFFFFEC00  }
0xa9: {  	[spmem:s3] =	stream.indirect.scatter.add.f32 [tilespmem:s19], [sflag:$0xA], $0x80, s23, s15, $0xb8;
	[tilespmem:$0x1F300] =	vst v63  }
0xaa: {  	_ =	swait.ge [sflag:s29], $0x1400  }
0xab: {  	[sflag:s29] =	ssyncset.done $0x0  }
0xac: {  	s24 =	simm.s32 $0x140C8;
	[sflag:s29] =	ssyncadd.s32 $0xFFFFEC00  }
0xad: {  	[tilespmem:s10], [sflag:$0x1] =	stream.indirect.gather [hbm4b:s0+s15], $0x80, s24, s15, $0xb8;
	[tilespmem:$0x1F300] =	vst v63  }
0xae: {  	_ =	swait.ge [sflag:s30], $0x1400  }
0xaf: {  	[sflag:s30] =	ssyncset.done $0x0  }
0xb0: {  	s25 =	simm.s32 $0x140F0;
	[sflag:s30] =	ssyncadd.s32 $0xFFFFEC00  }
0xb1: {  	[tilespmem:s16], [sflag:$0x2] =	stream.indirect.gather [hbm4b:s0+s15], $0x80, s25, s15, $0xb8;
	[tilespmem:$0x1F300] =	vst v63  }
0xb2: {  	_ =	swait.ge [sflag:s11], $0x1400  }
0xb3: {  	[sflag:s11] =	ssyncset.done $0x0  }
0xb4: {  	s6 =	simm.s32 $0x14118;
	[sflag:s11] =	ssyncadd.s32 $0xFFFFEC00  }
0xb5: {  	[tilespmem:s17], [sflag:$0x3] =	stream.indirect.gather [hbm4b:s0+s15], $0x80, s6, s15, $0xb8;
	[tilespmem:$0x1F300] =	vst v63  }
0xb6: {  	_ =	swait.ge [sflag:s31], $0x1400  }
0xb7: {  	[sflag:s31] =	ssyncset.done $0x0  }
0xb8: {  	s7 =	simm.s32 $0x14140;
	[sflag:s31] =	ssyncadd.s32 $0xFFFFEC00  }
0xb9: {  	[tilespmem:s18], [sflag:$0x4] =	stream.indirect.gather [hbm4b:s0+s15], $0x80, s7, s15, $0xb8;
	[tilespmem:$0x1F300] =	vst v63  }
0xba: {  	_ =	swait.ge [sflag:s1], $0x1400  }
0xbb: {  	[sflag:s1] =	ssyncset.done $0x0  }
0xbc: {  	s9 =	simm.s32 $0x14168;
	[sflag:s1] =	ssyncadd.s32 $0xFFFFEC00  }
0xbd: {  	[tilespmem:s19], [sflag:$0x5] =	stream.indirect.gather [hbm4b:s0+s15], $0x80, s9, s15, $0xb8;
	[tilespmem:$0x1F300] =	vst v63  }
0xbe: {  	_ =	swait.ge [sflag:s14], $0x1400  }
0xbf: {  	[sflag:s14] =	ssyncset.done $0x0  }
0xc0: {  	s22 =	simm.s32 $0x16848;
	[sflag:s14] =	ssyncadd.s32 $0xFFFFEC00  }
0xc1: {  	[spmem:s3] =	stream.indirect.scatter.add.f32 [tilespmem:s10], [sflag:$0x6], $0x80, s22, s15, $0xb8;
	[tilespmem:$0x1F300] =	vst v63  }
0xc2: {  	_ =	swait.ge [sflag:s20], $0x1400  }
0xc3: {  	[sflag:s20] =	ssyncset.done $0x0  }
0xc4: {  	s23 =	simm.s32 $0x16870;
	[sflag:s20] =	ssyncadd.s32 $0xFFFFEC00  }
0xc5: {  	[spmem:s3] =	stream.indirect.scatter.add.f32 [tilespmem:s16], [sflag:$0x7], $0x80, s23, s15, $0xb8;
	[tilespmem:$0x1F300] =	vst v63  }
0xc6: {  	_ =	swait.ge [sflag:s21], $0x1400  }
0xc7: {  	[sflag:s21] =	ssyncset.done $0x0  }
0xc8: {  	s24 =	simm.s32 $0x16898;
	[sflag:s21] =	ssyncadd.s32 $0xFFFFEC00  }
0xc9: {  	[spmem:s3] =	stream.indirect.scatter.add.f32 [tilespmem:s17], [sflag:$0x8], $0x80, s24, s15, $0xb8;
	[tilespmem:$0x1F300] =	vst v63  }
0xca: {  	_ =	swait.ge [sflag:s26], $0x1400  }
0xcb: {  	[sflag:s26] =	ssyncset.done $0x0  }
0xcc: {  	s25 =	simm.s32 $0x168C0;
	[sflag:s26] =	ssyncadd.s32 $0xFFFFEC00  }
0xcd: {  	[spmem:s3] =	stream.indirect.scatter.add.f32 [tilespmem:s18], [sflag:$0x9], $0x80, s25, s15, $0xb8;
	[tilespmem:$0x1F300] =	vst v63  }
0xce: {  	_ =	swait.ge [sflag:s28], $0x1400  }
0xcf: {  	[sflag:s28] =	ssyncset.done $0x0  }
0xd0: {  	s2 =	simm.s32 $0x320;
	s6 =	simm.s32 $0x168E8;
	[sflag:s28] =	ssyncadd.s32 $0xFFFFEC00  }
.LBB2_4:
0xd1: {  	[spmem:s3] =	stream.indirect.scatter.add.f32 [tilespmem:s19], [sflag:$0xA], $0x80, s6, s15, $0xb8;
	[tilespmem:$0x1F300] =	vst v63  }
0xd2: {  	s6 =	smov.u32 s2  }
0xd3: {  	p0 =	sne.s32 s2, $0x9600;
	s2 =	sadd.s32 $0x320, s2;
	_ =	swait.ge [sflag:s29], $0x1400  }
0xd4: {  	s6 =	sshra.s32 s6, $0x2;
	[sflag:s29] =	ssyncset.done $0x0  }
0xd5: {  	s7 =	sadd.s32 $0x140C8, s6;
	[sflag:s29] =	ssyncadd.s32 $0xFFFFEC00  }
0xd6: {  	[tilespmem:s10], [sflag:$0x1] =	stream.indirect.gather [hbm4b:s0+s15], $0x80, s7, s15, $0xb8;
	[tilespmem:$0x1F300] =	vst v63  }
0xd7: {  	_ =	swait.ge [sflag:s30], $0x1400  }
0xd8: {  	[sflag:s30] =	ssyncset.done $0x0  }
0xd9: {  	s7 =	sadd.s32 $0x140F0, s6;
	[sflag:s30] =	ssyncadd.s32 $0xFFFFEC00  }
0xda: {  	[tilespmem:s16], [sflag:$0x2] =	stream.indirect.gather [hbm4b:s0+s15], $0x80, s7, s15, $0xb8;
	[tilespmem:$0x1F300] =	vst v63  }
0xdb: {  	_ =	swait.ge [sflag:s11], $0x1400  }
0xdc: {  	[sflag:s11] =	ssyncset.done $0x0  }
0xdd: {  	s7 =	sadd.s32 $0x14118, s6;
	[sflag:s11] =	ssyncadd.s32 $0xFFFFEC00  }
0xde: {  	[tilespmem:s17], [sflag:$0x3] =	stream.indirect.gather [hbm4b:s0+s15], $0x80, s7, s15, $0xb8;
	[tilespmem:$0x1F300] =	vst v63  }
0xdf: {  	_ =	swait.ge [sflag:s31], $0x1400  }
0xe0: {  	[sflag:s31] =	ssyncset.done $0x0  }
0xe1: {  	s7 =	sadd.s32 $0x14140, s6;
	[sflag:s31] =	ssyncadd.s32 $0xFFFFEC00  }
0xe2: {  	[tilespmem:s18], [sflag:$0x4] =	stream.indirect.gather [hbm4b:s0+s15], $0x80, s7, s15, $0xb8;
	[tilespmem:$0x1F300] =	vst v63  }
0xe3: {  	_ =	swait.ge [sflag:s1], $0x1400  }
0xe4: {  	[sflag:s1] =	ssyncset.done $0x0  }
0xe5: {  	s7 =	sadd.s32 $0x14168, s6;
	[sflag:s1] =	ssyncadd.s32 $0xFFFFEC00  }
0xe6: {  	[tilespmem:s19], [sflag:$0x5] =	stream.indirect.gather [hbm4b:s0+s15], $0x80, s7, s15, $0xb8;
	[tilespmem:$0x1F300] =	vst v63  }
0xe7: {  	_ =	swait.ge [sflag:s14], $0x1400  }
0xe8: {  	[sflag:s14] =	ssyncset.done $0x0  }
0xe9: {  	s7 =	sadd.s32 $0x16848, s6;
	[sflag:s14] =	ssyncadd.s32 $0xFFFFEC00  }
0xea: {  	[spmem:s3] =	stream.indirect.scatter.add.f32 [tilespmem:s10], [sflag:$0x6], $0x80, s7, s15, $0xb8;
	[tilespmem:$0x1F300] =	vst v63  }
0xeb: {  	_ =	swait.ge [sflag:s20], $0x1400  }
0xec: {  	[sflag:s20] =	ssyncset.done $0x0  }
0xed: {  	s7 =	sadd.s32 $0x16870, s6;
	[sflag:s20] =	ssyncadd.s32 $0xFFFFEC00  }
0xee: {  	[spmem:s3] =	stream.indirect.scatter.add.f32 [tilespmem:s16], [sflag:$0x7], $0x80, s7, s15, $0xb8;
	[tilespmem:$0x1F300] =	vst v63  }
0xef: {  	_ =	swait.ge [sflag:s21], $0x1400  }
0xf0: {  	[sflag:s21] =	ssyncset.done $0x0  }
0xf1: {  	s7 =	sadd.s32 $0x16898, s6;
	[sflag:s21] =	ssyncadd.s32 $0xFFFFEC00  }
0xf2: {  	[spmem:s3] =	stream.indirect.scatter.add.f32 [tilespmem:s17], [sflag:$0x8], $0x80, s7, s15, $0xb8;
	[tilespmem:$0x1F300] =	vst v63  }
0xf3: {  	_ =	swait.ge [sflag:s26], $0x1400  }
0xf4: {  	[sflag:s26] =	ssyncset.done $0x0  }
.Ltmp1:
0xf5: {  	s7 =	sadd.s32 $0x168C0, s6;
	[sflag:s26] =	ssyncadd.s32 $0xFFFFEC00;
	(pc) =	sbr.rel @p0 .LBB2_4-.Ltmp1, $4  }
0xf6: {  	[spmem:s3] =	stream.indirect.scatter.add.f32 [tilespmem:s18], [sflag:$0x9], $0x80, s7, s15, $0xb8;
	[tilespmem:$0x1F300] =	vst v63  }
0xf7: {  	_ =	swait.ge [sflag:s28], $0x1400  }
0xf8: {  	[sflag:s28] =	ssyncset.done $0x0  }
0xf9: {  	s6 =	sadd.s32 $0x168E8, s6;
	[sflag:s28] =	ssyncadd.s32 $0xFFFFEC00  }
0xfa: {  	[spmem:s3] =	stream.indirect.scatter.add.f32 [tilespmem:s19], [sflag:$0xA], $0x80, s6, s15, $0xb8;
	[tilespmem:$0x1F300] =	vst v63  }
0xfb: {  	_ =	swait.ge [sflag:s29], $0x1400  }
0xfc: {  	[sflag:s29] =	ssyncset.done $0x0  }
0xfd: {  	[sflag:s29] =	ssyncadd.s32 $0xFFFFEC00  }
0xfe: {  	_ =	swait.ge [sflag:s30], $0x1400  }
0xff: {  	[sflag:s30] =	ssyncset.done $0x0  }
0x100: {  	[sflag:s30] =	ssyncadd.s32 $0xFFFFEC00  }
0x101: {  	_ =	swait.ge [sflag:s11], $0x1400  }
0x102: {  	[sflag:s11] =	ssyncset.done $0x0  }
0x103: {  	[sflag:s11] =	ssyncadd.s32 $0xFFFFEC00  }
0x104: {  	_ =	swait.ge [sflag:s31], $0x1400  }
0x105: {  	[sflag:s31] =	ssyncset.done $0x0  }
0x106: {  	[sflag:s31] =	ssyncadd.s32 $0xFFFFEC00  }
0x107: {  	_ =	swait.ge [sflag:s1], $0x1400  }
0x108: {  	[sflag:s1] =	ssyncset.done $0x0  }
0x109: {  	[sflag:s1] =	ssyncadd.s32 $0xFFFFEC00  }
0x10a: {  	[bflag:$0x0] =	sbarrier.arrive $0xFFFF  }
0x10b: {  	[tilespmem:s10], [sflag:$0x1] =	stream.linear.gather [spmem:s8], $0x1400, $0x38;
	[tilespmem:$0x1F300] =	vst v63  }
0x10c: {  	s2 =	rddreg [dreg:$0x6]  }
0x10d: {  	[tilespmem:s16], [sflag:$0x2] =	stream.linear.gather [spmem:s2], $0x1400, $0x38;
	[tilespmem:$0x1F300] =	vst v63  }
0x10e: {  	s6 =	rddreg [dreg:$0x7]  }
0x10f: {  	[tilespmem:s17], [sflag:$0x3] =	stream.linear.gather [spmem:s6], $0x1400, $0x38;
	[tilespmem:$0x1F300] =	vst v63  }
0x110: {  	s7 =	rddreg [dreg:$0x8]  }
0x111: {  	[tilespmem:s18], [sflag:$0x4] =	stream.linear.gather [spmem:s7], $0x1400, $0x38;
	[tilespmem:$0x1F300] =	vst v63  }
0x112: {  	_ =	swait.ge [sflag:s14], $0x1400  }
0x113: {  	[sflag:s14] =	ssyncset.done $0x0  }
0x114: {  	s9 =	simm.s32 $0x0;
	s22 =	rddreg [dreg:$0x9];
	[sflag:s14] =	ssyncadd.s32 $0xFFFFEC00  }
0x115: {  	[hbm4b:s22+s9] =	stream.linear.scatter [tilespmem:s10], [sflag:$0x6], $0x1400, $0x38;
	[tilespmem:$0x1F300] =	vst v63  }
0x116: {  	_ =	swait.ge [sflag:s20], $0x1400  }
0x117: {  	[sflag:s20] =	ssyncset.done $0x0  }
0x118: {  	s23 =	rddreg [dreg:$0xa];
	[sflag:s20] =	ssyncadd.s32 $0xFFFFEC00  }
0x119: {  	[hbm4b:s23+s9] =	stream.linear.scatter [tilespmem:s16], [sflag:$0x7], $0x1400, $0x38;
	[tilespmem:$0x1F300] =	vst v63  }
0x11a: {  	_ =	swait.ge [sflag:s21], $0x1400  }
0x11b: {  	[sflag:s21] =	ssyncset.done $0x0  }
0x11c: {  	s24 =	rddreg [dreg:$0xb];
	[sflag:s21] =	ssyncadd.s32 $0xFFFFEC00  }
0x11d: {  	[hbm4b:s24+s9] =	stream.linear.scatter [tilespmem:s17], [sflag:$0x8], $0x1400, $0x38;
	[tilespmem:$0x1F300] =	vst v63  }
0x11e: {  	_ =	swait.ge [sflag:s26], $0x1400  }
0x11f: {  	[sflag:s26] =	ssyncset.done $0x0  }
0x120: {  	s25 =	rddreg [dreg:$0xc];
	[sflag:s26] =	ssyncadd.s32 $0xFFFFEC00  }
0x121: {  	[hbm4b:s25+s9] =	stream.linear.scatter [tilespmem:s18], [sflag:$0x9], $0x1400, $0x38;
	[tilespmem:$0x1F300] =	vst v63  }
0x122: {  	_ =	swait.ge [sflag:s29], $0x1400  }
0x123: {  	s7 =	sadd.s32 $0x0, s8;
	[sflag:s29] =	ssyncset.done $0x0  }
0x124: {  	s9 =	sadd.s32 $0x5000, s7;
	[sflag:s29] =	ssyncadd.s32 $0xFFFFEC00  }
0x125: {  	[tilespmem:s10], [sflag:$0x1] =	stream.linear.gather [spmem:s9], $0x1400, $0x38;
	[tilespmem:$0x1F300] =	vst v63  }
0x126: {  	_ =	swait.ge [sflag:s30], $0x1400  }
0x127: {  	[sflag:s30] =	ssyncset.done $0x0  }
0x128: {  	s22 =	sadd.s32 $0x6400, s7;
	[sflag:s30] =	ssyncadd.s32 $0xFFFFEC00  }
0x129: {  	[tilespmem:s16], [sflag:$0x2] =	stream.linear.gather [spmem:s22], $0x1400, $0x38;
	[tilespmem:$0x1F300] =	vst v63  }
0x12a: {  	_ =	swait.ge [sflag:s11], $0x1400  }
0x12b: {  	[sflag:s11] =	ssyncset.done $0x0  }
0x12c: {  	s23 =	sadd.s32 $0x7800, s7;
	[sflag:s11] =	ssyncadd.s32 $0xFFFFEC00  }
0x12d: {  	[tilespmem:s17], [sflag:$0x3] =	stream.linear.gather [spmem:s23], $0x1400, $0x38;
	[tilespmem:$0x1F300] =	vst v63  }
0x12e: {  	_ =	swait.ge [sflag:s31], $0x1400  }
0x12f: {  	[sflag:s31] =	ssyncset.done $0x0  }
0x130: {  	s2 =	sadd.s32 $0x8C00, s7;
	[sflag:s31] =	ssyncadd.s32 $0xFFFFEC00  }
0x131: {  	[tilespmem:s18], [sflag:$0x4] =	stream.linear.gather [spmem:s2], $0x1400, $0x38;
	[tilespmem:$0x1F300] =	vst v63  }
0x132: {  	_ =	swait.ge [sflag:s14], $0x1400  }
0x133: {  	s7 =	rddreg [dreg:$0x16]  }
0x134: {  	[sflag:s14] =	ssyncset.done $0x0;
	s24 =	sshrl.u32 s7, $0x3  }
0x135: {  	[sflag:s14] =	ssyncadd.s32 $0xFFFFEC00;
	s2 =	sadd.s32 s5, s24  }
0x136: {  	[hbm4b:s2+s4] =	stream.linear.scatter [tilespmem:s10], [sflag:$0x6], $0x1400, $0x38;
	[tilespmem:$0x1F300] =	vst v63  }
0x137: {  	_ =	swait.ge [sflag:s20], $0x1400  }
0x138: {  	[sflag:s20] =	ssyncset.done $0x0  }
0x139: {  	s25 =	rddreg [dreg:$0x15];
	[sflag:s20] =	ssyncadd.s32 $0xFFFFEC00  }
0x13a: {  	[hbm4b:s25+s4] =	stream.linear.scatter [tilespmem:s16], [sflag:$0x7], $0x1400, $0x38;
	[tilespmem:$0x1F300] =	vst v63  }
0x13b: {  	_ =	swait.ge [sflag:s21], $0x1400  }
0x13c: {  	[sflag:s21] =	ssyncset.done $0x0  }
0x13d: {  	s23 =	rddreg [dreg:$0x14];
	[sflag:s21] =	ssyncadd.s32 $0xFFFFEC00  }
0x13e: {  	[hbm4b:s23+s4] =	stream.linear.scatter [tilespmem:s17], [sflag:$0x8], $0x1400, $0x38;
	[tilespmem:$0x1F300] =	vst v63  }
0x13f: {  	s7 =	sadd.s32 $0x5000, s7;
	s2 =	simm.s32 $0x14000;
	_ =	swait.ge [sflag:s26], $0x1400  }
0x140: {  	s6 =	sadd.s32 $0xA00, s25;
	[sflag:s26] =	ssyncset.done $0x0;
	s22 =	rddreg [dreg:$0x13]  }
0x141: {  	s23 =	sadd.s32 $0xA00, s23;
	[sflag:s26] =	ssyncadd.s32 $0xFFFFEC00;
	s9 =	sadd.s32 $0xA00, s22  }
.LBB2_6:
0x142: {  	[hbm4b:s22+s4] =	stream.linear.scatter [tilespmem:s18], [sflag:$0x9], $0x1400, $0x38;
	[tilespmem:$0x1F300] =	vst v63  }
0x143: {  	s22 =	sshra.s32 s2, $0x2;
	p0 =	sne.s32 s2, $0x28000;
	_ =	swait.ge [sflag:s29], $0x1400  }
0x144: {  	s2 =	sadd.s32 $0x14000, s2;
	s25 =	sadd.s32 s22, s8;
	[sflag:s29] =	ssyncset.done $0x0  }
0x145: {  	s22 =	smov.u32 s9;
	s24 =	sadd.s32 $0x5000, s25;
	[sflag:s29] =	ssyncadd.s32 $0xFFFFEC00  }
0x146: {  	[tilespmem:s10], [sflag:$0x1] =	stream.linear.gather [spmem:s24], $0x1400, $0x38;
	[tilespmem:$0x1F300] =	vst v63  }
0x147: {  	_ =	swait.ge [sflag:s30], $0x1400  }
0x148: {  	[sflag:s30] =	ssyncset.done $0x0  }
0x149: {  	s24 =	sadd.s32 $0x6400, s25;
	[sflag:s30] =	ssyncadd.s32 $0xFFFFEC00  }
0x14a: {  	[tilespmem:s16], [sflag:$0x2] =	stream.linear.gather [spmem:s24], $0x1400, $0x38;
	[tilespmem:$0x1F300] =	vst v63  }
0x14b: {  	_ =	swait.ge [sflag:s11], $0x1400  }
0x14c: {  	[sflag:s11] =	ssyncset.done $0x0  }
0x14d: {  	s24 =	sadd.s32 $0x7800, s25;
	[sflag:s11] =	ssyncadd.s32 $0xFFFFEC00  }
0x14e: {  	[tilespmem:s17], [sflag:$0x3] =	stream.linear.gather [spmem:s24], $0x1400, $0x38;
	[tilespmem:$0x1F300] =	vst v63  }
0x14f: {  	_ =	swait.ge [sflag:s31], $0x1400  }
0x150: {  	[sflag:s31] =	ssyncset.done $0x0  }
0x151: {  	s24 =	sadd.s32 $0x8C00, s25;
	[sflag:s31] =	ssyncadd.s32 $0xFFFFEC00  }
0x152: {  	[tilespmem:s18], [sflag:$0x4] =	stream.linear.gather [spmem:s24], $0x1400, $0x38;
	[tilespmem:$0x1F300] =	vst v63  }
0x153: {  	_ =	swait.ge [sflag:s14], $0x1400  }
0x154: {  	s24 =	sshrl.u32 s7, $0x3;
	[sflag:s14] =	ssyncset.done $0x0  }
0x155: {  	s24 =	sadd.s32 s5, s24;
	[sflag:s14] =	ssyncadd.s32 $0xFFFFEC00  }
0x156: {  	[hbm4b:s24+s4] =	stream.linear.scatter [tilespmem:s10], [sflag:$0x6], $0x1400, $0x38;
	[tilespmem:$0x1F300] =	vst v63  }
0x157: {  	_ =	swait.ge [sflag:s20], $0x1400  }
0x158: {  	[sflag:s20] =	ssyncset.done $0x0  }
0x159: {  	[sflag:s20] =	ssyncadd.s32 $0xFFFFEC00  }
0x15a: {  	[hbm4b:s6+s4] =	stream.linear.scatter [tilespmem:s16], [sflag:$0x7], $0x1400, $0x38;
	[tilespmem:$0x1F300] =	vst v63  }
0x15b: {  	_ =	swait.ge [sflag:s21], $0x1400  }
0x15c: {  	[sflag:s21] =	ssyncset.done $0x0  }
.Ltmp2:
0x15d: {  	[sflag:s21] =	ssyncadd.s32 $0xFFFFEC00;
	(pc) =	sbr.rel @p0 .LBB2_6-.Ltmp2, $4  }
0x15e: {  	[hbm4b:s23+s4] =	stream.linear.scatter [tilespmem:s17], [sflag:$0x8], $0x1400, $0x38;
	[tilespmem:$0x1F300] =	vst v63  }
0x15f: {  	_ =	swait.ge [sflag:s26], $0x1400  }
0x160: {  	s7 =	sadd.s32 $0x5000, s7;
	s6 =	sadd.s32 $0xA00, s6;
	[sflag:s26] =	ssyncset.done $0x0  }
0x161: {  	s9 =	sadd.s32 $0xA00, s9;
	s23 =	sadd.s32 $0xA00, s23;
	[sflag:s26] =	ssyncadd.s32 $0xFFFFEC00  }
0x162: {  	[hbm4b:s22+s4] =	stream.linear.scatter [tilespmem:s18], [sflag:$0x9], $0x1400, $0x38;
	[tilespmem:$0x1F300] =	vst v63  }
0x163: {  	_ =	swait.ge [sflag:s29], $0x1400  }
0x164: {  	[sflag:s29] =	ssyncset.done $0x0  }
0x165: {  	[sflag:s29] =	ssyncadd.s32 $0xFFFFEC00  }
0x166: {  	_ =	swait.ge [sflag:s30], $0x1400  }
0x167: {  	[sflag:s30] =	ssyncset.done $0x0  }
0x168: {  	[sflag:s30] =	ssyncadd.s32 $0xFFFFEC00  }
0x169: {  	_ =	swait.ge [sflag:s11], $0x1400  }
0x16a: {  	[sflag:s11] =	ssyncset.done $0x0  }
0x16b: {  	[sflag:s11] =	ssyncadd.s32 $0xFFFFEC00  }
0x16c: {  	_ =	swait.ge [sflag:s31], $0x1400  }
0x16d: {  	s13 =	sadd.s32 $0x1, s13;
	s2 =	rddreg [dreg:$0xd]  }
0x16e: {  	p0 =	sne.s32 s13, s2  }
.Ltmp3:
0x16f: {  	_ = 	snop;
	(pc) =	sbr.rel @p0 .LBB2_1-.Ltmp3, $3  }
0x170: {  	_ =	sdelay $0x1  }
0x171: {  	[sflag:s31] =	ssyncset.done $0x0  }
0x172: {  	[sflag:s31] =	ssyncadd.s32 $0xFFFFEC00  }
0x173: {  	_ =	sfence.sel $0x180000  }
0x174: {  	[bflag:$0x0] =	sbarrier.arrive $0xFFFF  }
0x175: {  	_ =	strace $0x9000004A  }
0x176: {  	s0 =	stileid.u32;
	[bflag:$0x2] =	sbarrier.arrive $0xFFFF  }
0x177: {  	p0 =	sne.s32 s0, $0x0;
	s0 =	rddreg [dreg:$0x3]  }
0x178: {  	s0 =	sadd.s32 @!p0 $0x100000, s0  }
0x179: {  	[sflag:s0] =	ssyncadd.tile.s32 @!p0 $0x1;
	_ =	shalt  }
.Lfunc_end2:
_tile_overlayer_lowered:
.L_overlay_start_2:
0x17a: {  	(tag) =	ssettag $0x2  }
0x17b: {  	s0 =	rddreg [dreg:$0x0];
	s2 =	stileid.u32  }
0x17c: {  	s1 =	rddreg [dreg:$0x1];
	p0 =	sne.s32 s2, $0x0  }
0x17d: {  	s3 =	rddreg [dreg:$0x2];
	[bflag:$0x3] =	sbarrier.arrive $0xFFFF;
	s2 =	simm.s32 @!p0 $0x1C0B  }
0x17e: {  	[timem:s3], [sflag:s2] =	dma.local @!p0 [hbm:s0], s1  }
0x17f: {  	s0 =	simm.s32 @!p0 $0xB  }
0x180: {  	_ =	swait.ge @!p0 [sflag:s0], s1  }
0x181: {  	s1 =	ssub.s32 @!p0 $0x0, s1;
	[sflag:s0] =	ssyncset.done @!p0 $0x0  }
0x182: {  	[sflag:s0] =	ssyncadd.s32 @!p0 s1  }
0x183: {  	[bflag:$0x3] =	sbarrier.arrive $0xFFFF  }
0x184: {  	_ =	shalt  }

// kernel: kernel.14.cloned.1.call-start
scs
__scs_entry_jumppad:
0x0: {  	(pc) =	sbr.rel $0x88, $3  }
0x1: {  	(tag) =	ssettag $0x0;
	lr =	simm.s32 $0x1  }
0x2: {  	[smem:$0x3F9B] =	sst lr;
	_ =	strace $0xD0000000  }
0x3: {  	_ = 	snop  }
0x4: {  	_ = 	snop  }
0x5: {  	_ = 	snop  }
0x6: {  	_ = 	snop  }
0x7: {  	_ = 	snop  }
__scs_overlays_trampoline_lowered:
0x8: {  	[smem:$0x3FAA] =	sst s0  }
0x9: {  	[smem:$0x3FAB] =	sst s1  }
0xa: {  	[smem:$0x3FAC] =	sst s2  }
0xb: {  	[smem:$0x3FAD] =	sst s3  }
0xc: {  	[smem:$0x3FAE] =	sst s4  }
0xd: {  	[smem:$0x3FAF] =	sst s5  }
0xe: {  	[smem:$0x3FB0] =	sst s6  }
0xf: {  	[smem:$0x3FB1] =	sst s7  }
0x10: {  	[smem:$0x3FB2] =	sst s8  }
0x11: {  	[smem:$0x3FB3] =	sst s9;
	s0 =	simm.s32 @!p0 $0x0  }
0x12: {  	s1 =	sld [smem:$0x3F99];
	s0 =	simm.s32 @p0 $0x1  }
0x13: {  	[smem:$0x3FB4] =	sst s0;
	s0 =	simm.s32 @!p1 $0x0  }
0x14: {  	s2 =	sld [smem:$0x3F98];
	s0 =	simm.s32 @p1 $0x1  }
0x15: {  	[smem:$0x3FB5] =	sst s0;
	s0 =	simm.s32 @!p2 $0x0  }
0x16: {  	s3 =	sld [smem:$0x3FDB];
	s0 =	simm.s32 @p2 $0x1  }
0x17: {  	s4 =	simm.s32 $0x1BF5;
	[smem:$0x3FB7] =	sst s0  }
0x18: {  	s0 =	sld [smem:$0x3F9A];
	_ =	swait.ge [sflag:s4], $0x0  }
0x19: {  	s7 =	sld [smem:$0x3F9B]  }
0x1a: {  	s8 =	sadd.s32 $0xFFFFE003, lr  }
0x1b: {  	s9 =	sadd.s32 $0xFFFFFEF7, lr;
	s5 =	simm.s32 $0xFFFFFFFF;
	p2 =	slt.u32 s8, $0xFFFFF086  }
0x1c: {  	p1 =	slt.u32 s9, $0xF7A;
	s5 =	simm.s32 @!p2 $0x0  }
0x1d: {  	s5 =	simm.s32 @p1 $0x1;
	p0 =	seq.s32 s7, s2  }
0x1e: {  	s7 =	smul.u32 @!p0 $0xF7A, s2;
	p2 =	seq.s32 @!p0 s5, $0x0  }
0x1f: {  	s9 =	smul.u32 $0xF7A, s1;
	s8 =	simm.s32 @!p0 $0x1BF5;
	p2 =	por !p2, p0  }
0x20: {  	[sflag:s8] =	ssyncset.s32 @!p0 $0xFFFFF086;
	s6 =	sadd.s32 @!p0 s3, s7;
	s7 =	simm.s32 @!p0 $0x108  }
0x21: {  	s3 =	sadd.s32 s3, s9;
	s6 =	sadd.s32 @!p0 $0x88, s6;
	s7 =	simm.s32 @p2 $0x1082  }
0x22: {  	[simem:s7], [sflag:s8] =	dma.local @!p0 [hbm:s6], $0xF7A  }
0x23: {  	s9 =	sor.u32 $0xD0000000, s2;
	s6 =	simm.s32 $0x108;
	_ =	swait.ge @!p0 [sflag:s8], $0x0  }
0x24: {  	s3 =	sadd.s32 $0x88, s3;
	s6 =	simm.s32 @!p1 $0x1082;
	[sflag:s4] =	ssyncset.s32 $0xFFFFF086  }
0x25: {  	[simem:s6], [sflag:s4] =	dma.local [hbm:s3], $0xF7A  }
0x26: {  	[smem:$0x3F9B] =	sst s1;
	(tag) =	ssettag s2;
	_ =	strace s9  }
0x27: {  	s1 =	sld [smem:$0x3FAB]  }
0x28: {  	s2 =	sld [smem:$0x3FAC]  }
0x29: {  	s4 =	sld [smem:$0x3FAE]  }
0x2a: {  	p0 =	seq.s32 s5, $0x0;
	s5 =	sld [smem:$0x3FAF]  }
0x2b: {  	s6 =	sld [smem:$0x3FB0]  }
0x2c: {  	s7 =	sld [smem:$0x3FB1]  }
0x2d: {  	s3 =	simm.s32 $0x108;
	s8 =	sld [smem:$0x3FB2]  }
0x2e: {  	s3 =	simm.s32 @!p0 $0x1082;
	s9 =	sld [smem:$0x3FB3]  }
0x2f: {  	lr =	sadd.s32 s0, s3;
	s0 =	sld [smem:$0x3FAA]  }
0x30: {  	s3 =	sld [smem:$0x3FAD]  }
0x31: {  	[smem:$0x3FB6] =	sst s10  }
0x32: {  	s10 =	sld [smem:$0x3FB4];
	_ =	sdelay $0x3  }
0x33: {  	p0 =	seq.s32 s10, $0x1;
	s10 =	sld [smem:$0x3FB6];
	_ =	sdelay $0x3  }
0x34: {  	[smem:$0x3FB6] =	sst s10  }
0x35: {  	s10 =	sld [smem:$0x3FB5];
	_ =	sdelay $0x3  }
0x36: {  	p1 =	seq.s32 s10, $0x1;
	s10 =	sld [smem:$0x3FB6];
	_ =	sdelay $0x3  }
0x37: {  	[smem:$0x3FB6] =	sst s10  }
0x38: {  	s10 =	sld [smem:$0x3FB7]  }
0x39: {  	_ = 	snop;
	(pc) =	sbr.ind lr, $3  }
0x3a: {  	_ = 	snop  }
0x3b: {  	_ = 	snop  }
0x3c: {  	p2 =	seq.s32 s10, $0x1;
	s10 =	sld [smem:$0x3FB6]  }
0x3d: {  	_ =	shalt  }
0x3e: {  	_ =	shalt  }
0x3f: {  	_ =	shalt  }
0x40: {  	_ =	shalt  }
0x41: {  	_ =	shalt  }
0x42: {  	_ =	shalt  }
0x43: {  	_ =	shalt  }
0x44: {  	_ =	shalt  }
0x45: {  	_ =	shalt  }
0x46: {  	_ =	shalt  }
0x47: {  	_ =	shalt  }
0x48: {  	_ =	shalt  }
0x49: {  	_ =	shalt  }
0x4a: {  	_ =	shalt  }
0x4b: {  	_ =	shalt  }
0x4c: {  	_ =	shalt  }
0x4d: {  	_ =	shalt  }
0x4e: {  	_ =	shalt  }
0x4f: {  	_ =	shalt  }
0x50: {  	_ =	shalt  }
0x51: {  	_ =	shalt  }
0x52: {  	_ =	shalt  }
0x53: {  	_ =	shalt  }
0x54: {  	_ =	shalt  }
0x55: {  	_ =	shalt  }
0x56: {  	_ =	shalt  }
0x57: {  	_ =	shalt  }
0x58: {  	_ =	shalt  }
0x59: {  	_ =	shalt  }
0x5a: {  	_ =	shalt  }
0x5b: {  	_ =	shalt  }
0x5c: {  	_ =	shalt  }
0x5d: {  	_ =	shalt  }
0x5e: {  	_ =	shalt  }
0x5f: {  	_ =	shalt  }
0x60: {  	_ =	shalt  }
0x61: {  	_ =	shalt  }
0x62: {  	_ =	shalt  }
0x63: {  	_ =	shalt  }
0x64: {  	_ =	shalt  }
0x65: {  	_ =	shalt  }
0x66: {  	_ =	shalt  }
0x67: {  	_ =	shalt  }
0x68: {  	_ =	shalt  }
0x69: {  	_ =	shalt  }
0x6a: {  	_ =	shalt  }
0x6b: {  	_ =	shalt  }
0x6c: {  	_ =	shalt  }
0x6d: {  	_ =	shalt  }
0x6e: {  	_ =	shalt  }
0x6f: {  	_ =	shalt  }
0x70: {  	_ =	shalt  }
0x71: {  	_ =	shalt  }
0x72: {  	_ =	shalt  }
0x73: {  	_ =	shalt  }
0x74: {  	_ =	shalt  }
0x75: {  	_ =	shalt  }
0x76: {  	_ =	shalt  }
0x77: {  	_ =	shalt  }
0x78: {  	_ =	shalt  }
0x79: {  	_ =	shalt  }
0x7a: {  	_ =	shalt  }
0x7b: {  	_ =	shalt  }
0x7c: {  	_ =	shalt  }
0x7d: {  	_ =	shalt  }
0x7e: {  	_ =	shalt  }
0x7f: {  	_ =	shalt  }
0x80: {  	_ =	shalt  }
0x81: {  	_ =	shalt  }
0x82: {  	_ =	shalt  }
0x83: {  	_ =	shalt  }
0x84: {  	_ =	shalt  }
0x85: {  	_ =	shalt  }
0x86: {  	_ =	shalt  }
0x87: {  	_ =	shalt  }
.Lfunc_end0:
.L_simem_size_0:
called_computation.2_lowered:
.L_overlay_start_0:
0x88: {  	s2 =	sld [smem:$0x3FD9]  }
0x89: {  	s3 =	sld [smem:$0x3FFE];
	_ =	sdelay $0x1  }
0x8a: {  	s1 =	srdreg.scid  }
0x8b: {  	s0 =	sand.u32 $0x1, s1  }
0x8c: {  	s17 =	sshll.u32 s0, $0xA;
	s2 =	sadd.s32 s3, s2  }
0x8d: {  	s2 =	sadd.s32 s2, s17  }
0x8e: {  	[smem:$0x3FC2] =	sst s2  }
0x8f: {  	_ = 	snop  }
0x90: {  	s2 =	sld [smem:$0x3FD0];
	(tm) =	ssettm $0x1  }
0x91: {  	s18 =	sld [smem:$0x3FFB];
	_ =	sdelay $0x3  }
0x92: {  	_ =	strace s18  }
0x93: {  	s3 =	sld [smem:$0x3FFC];
	_ =	sdelay $0x3  }
0x94: {  	_ =	strace s3  }
0x95: {  	s3 =	sld [smem:$0x3FFD];
	_ =	sdelay $0x3  }
0x96: {  	_ =	strace s3  }
0x97: {  	_ =	strace $0x8FFFFFFF  }
0x98: {  	s19 =	sld [smem:$0x3FDB];
	_ =	sdelay $0x1  }
0x99: {  	s4 =	simm.s32 $_scs_section_size  }
0x9a: {  	s5 =	simm.s32 $_size__tile_overlayer_lowered;
	s6 =	simm.s32 $_tile_overlayer_lowered  }
0x9b: {  	s22 =	simm.s32 $0x1BFF;
	s21 =	sshll.u32 s6, $0x1;
	s3 =	sadd.s32 s4, s19  }
0x9c: {  	s7 =	simm.s32 $0x0;
	s20 =	sshll.u32 s5, $0x1;
	s5 =	sadd.s32 s21, s3  }
0x9d: {  	[timem:s7], [sflag:s22] =	dma.local [hbm:s5], s20  }
0x9e: {  	_ =	swait.ge [sflag:s22], s20  }
0x9f: {  	s4 =	ssub.s32 $0x0, s20;
	[sflag:s22] =	ssyncset.done $0x0  }
0xa0: {  	[sflag:s22] =	ssyncadd.s32 s4;
	_ =	sdelay $0x1  }
0xa1: {  	s23 =	simm.s32 $0x1B8B  }
0xa2: {  	_ =	swait.ge [sflag:s23], $0x1  }
0xa3: {  	[sflag:s23] =	ssyncset.done $0x0  }
0xa4: {  	s25 =	simm.s32 $0x1B8E;
	s24 =	sld [smem:$0x3FFE];
	[sflag:s23] =	ssyncadd.s32 $0xFFFFFFFF  }
0xa5: {  	s26 =	simm.s32 $execute0_lowered;
	[smem:$0x3FD2] =	sst s25  }
0xa6: {  	s5 =	sshll.u32 s26, $0x1;
	_ =	strace $0x8000004C;
	[dreg:$0x1] =	wrdreg $0xFFFFFFFF  }
0xa7: {  	s28 =	simm.s32 $_size_execute0_lowered;
	s3 =	sadd.s32 s3, s5;
	[dreg:$0x0] =	wrdreg $0x0  }
0xa8: {  	s5 =	sshll.u32 s28, $0x1;
	[dreg:$0x2] =	wrdreg s3  }
0xa9: {  	[dreg:$0x3] =	wrdreg s5  }
0xaa: {  	[dreg:$0x4] =	wrdreg $0xC0  }
0xab: {  	_ =	task [dreg:s7], $0x5FFFF  }
0xac: {  	[dreg:$0x1] =	wrdreg $0xFFFFFFFF  }
0xad: {  	[dreg:$0x0] =	wrdreg $0x60  }
0xae: {  	[dreg:$0x2] =	wrdreg s2  }
0xaf: {  	[dreg:$0x3] =	wrdreg s24  }
0xb0: {  	[dreg:$0x4] =	wrdreg $0x0  }
0xb1: {  	[dreg:$0x5] =	wrdreg $0x9  }
0xb2: {  	_ =	task.clear_ibuf [dreg:s7], $0x6FFFF;
	_ =	strace $0x9000004C  }
0xb3: {  	s29 =	simm.s32 $0x9;
	_ =	strace $0x8000004E  }
0xb4: {  	_ =	swait.ge [sflag:s29], $0x1  }
0xb5: {  	[sflag:s29] =	ssyncadd.s32 $0xFFFFFFFF  }
0xb6: {  	_ =	strace $0x9000004E  }
0xb7: {  	_ =	sfence  }
0xb8: {  	s30 =	sld [smem:$0x0];
	_ =	sdelay $0x2  }
0xb9: {  	s31 =	sshll.u32 s1, $0xD;
	s1 =	sshrl.u32 s1, $0x2  }
0xba: {  	s3 =	sand.u32 $0x4000, s31;
	s1 =	sadd.s32 s1, s30  }
0xbb: {  	s0 =	sor.u32 s3, s0;
	s1 =	sshll.u32 s1, $0x11  }
0xbc: {  	s0 =	sor.u32 s1, s0  }
0xbd: {  	s0 =	sadd.s32 $0x8F2B, s0  }
0xbe: {  	[sflag:s0] =	ssyncadd.remote.s32 $0x1  }
0xbf: {  	_ =	sfence.sel $0xFFFF  }
0xc0: {  	[dreg:$0x0] =	wrdreg $0xFFFFFFFF;
	(pc) =	sbr.abs _section_cstart, $3  }
0xc1: {  	[dreg:$0x1] =	wrdreg $0xFFFFFFFF  }
0xc2: {  	_ =	task.clear_ibuf [dreg:s7], $0x2FFFF;
	_ =	strace $0x9FFFFFFF  }
0xc3: {  	(tm) =	ssettm $0x7FFFFFFF  }
tec
execute0_lowered:
.L_overlay_start_1:
0x0: {  	(tag) =	ssettag $0x1  }
0x1: {  	s0 =	rddreg [dreg:$0x0]  }
0x2: {  	s2 =	rddreg [dreg:$0x1]  }
0x3: {  	s1 =	srdreg.scid;
	s3 =	rddreg [dreg:$0x2]  }
0x4: {  	s9 =	stileid.u32;
	s4 =	simm.s32 $0x0;
	s28 =	simm.s32 $0x5  }
0x5: {  	s29 =	simm.s32 $0x6;
	s30 =	simm.s32 $0x7;
	s1 =	sand.u32 $0x1, s1  }
0x6: {  	[smem:$0x7FF] =	sst s4;
	s8 =	smul.u32 $0x50000, s9;
	s5 =	sshll.u32 s1, $0x4  }
0x7: {  	_ =	strace $0x8000004D;
	s7 =	ssub.s32 $0x2, s1;
	s1 =	smul.u32 $0x140000, s1  }
0x8: {  	s5 =	sor.u32 s9, s5;
	s9 =	smul.u32 $0x14000, s9;
	s18 =	sshrl.u32 s8, $0x2  }
0x9: {  	s16 =	sshrl.u32 s7, $0x1;
	s5 =	smul.u32 $0x4E2, s5;
	s8 =	sadd.s32 s18, s3  }
0xa: {  	s19 =	sor.u32 $0x1400, s9;
	s21 =	sadd.s32 s9, s1;
	s10 =	sor.u32 $0x2800, s9  }
0xb: {  	s9 =	sor.u32 $0x3C00, s9;
	s26 =	sadd.s32 $0x1400, s8;
	s18 =	sadd.s32 $0x8C00, s8  }
0xc: {  	s6 =	sadd.s32 s5, s2;
	s5 =	sadd.s32 $0x15C00, s2;
	[dreg:$0xe] =	wrdreg s26  }
0xd: {  	s2 =	ssub.s32 s7, s16;
	s20 =	sadd.s32 s19, s3;
	[dreg:$0x18] =	wrdreg s18  }
0xe: {  	s12 =	sadd.s32 s10, s3;
	s22 =	sadd.s32 s9, s3;
	[dreg:$0x6] =	wrdreg s20  }
0xf: {  	s7 =	sadd.s32 s1, s19;
	s10 =	sadd.s32 s1, s10;
	[dreg:$0x7] =	wrdreg s12  }
0x10: {  	s1 =	sadd.s32 s1, s9;
	s9 =	sadd.s32 $0x5000, s8;
	[dreg:$0x8] =	wrdreg s22  }
0x11: {  	s31 =	simm.s32 $0x9;
	s16 =	sadd.s32 $0x5000, s21;
	[dreg:$0x11] =	wrdreg s9  }
0x12: {  	s11 =	sshrl.u32 s21, $0x3;
	s19 =	sadd.s32 $0xA000, s8;
	[dreg:$0x16] =	wrdreg s16  }
0x13: {  	s13 =	sadd.s32 $0x6400, s21;
	s26 =	sadd.s32 $0x12C00, s8;
	[dreg:$0x19] =	wrdreg s19  }
0x14: {  	s18 =	simm.s32 $0x1CB00;
	s17 =	sadd.s32 $0x2000, s6;
	[smem:$0x7FD] =	sst s26  }
0x15: {  	s6 =	sadd.s32 $0xBE00, s6;
	s11 =	sadd.s32 s5, s11;
	[dreg:$0x4] =	wrdreg s17  }
0x16: {  	s7 =	sshrl.u32 s7, $0x3;
	s23 =	sshrl.u32 s10, $0x3;
	[dreg:$0x5] =	wrdreg s6  }
0x17: {  	s1 =	sshrl.u32 s1, $0x3;
	s25 =	smax.u32 s2, $0x1;
	[dreg:$0x9] =	wrdreg s11  }
0x18: {  	s2 =	sadd.s32 $0x2800, s8;
	s10 =	sadd.s32 $0x6400, s8;
	[dreg:$0xd] =	wrdreg s25  }
0x19: {  	s12 =	sadd.s32 $0x7800, s21;
	s20 =	sadd.s32 $0xB400, s8;
	[dreg:$0xf] =	wrdreg s2  }
0x1a: {  	s22 =	sadd.s32 $0xDC00, s8;
	s16 =	simm.s32 $0x1A300;
	[dreg:$0x12] =	wrdreg s10  }
0x1b: {  	s19 =	simm.s32 $0x1DF00;
	s26 =	simm.s32 $0x4;
	[dreg:$0x1a] =	wrdreg s20  }
0x1c: {  	s7 =	sadd.s32 s5, s7;
	s24 =	sadd.s32 s5, s23;
	[dreg:$0x1c] =	wrdreg s22  }
0x1d: {  	s1 =	sadd.s32 s5, s1;
	s11 =	sadd.s32 $0x8C00, s21;
	[dreg:$0xa] =	wrdreg s7  }
0x1e: {  	s2 =	sshrl.u32 s12, $0x3;
	s17 =	sadd.s32 $0x7800, s8;
	[dreg:$0xb] =	wrdreg s24  }
0x1f: {  	s21 =	sadd.s32 $0xC800, s8;
	s23 =	sadd.s32 $0xF000, s8;
	[dreg:$0xc] =	wrdreg s1  }
0x20: {  	s25 =	sadd.s32 $0x11800, s8;
	s10 =	simm.s32 $0x18F00;
	[dreg:$0x17] =	wrdreg s17  }
0x21: {  	s12 =	simm.s32 $0xB;
	s20 =	simm.s32 $0x2;
	[dreg:$0x1b] =	wrdreg s21  }
0x22: {  	s7 =	sadd.s32 $0x3C00, s8;
	s1 =	sshrl.u32 s11, $0x3;
	[dreg:$0x1d] =	wrdreg s23  }
0x23: {  	s14 =	sadd.s32 s2, s5;
	s24 =	sadd.s32 $0x10400, s8;
	[dreg:$0x1f] =	wrdreg s25  }
0x24: {  	s17 =	simm.s32 $0x1B700;
	s21 =	simm.s32 $0x3;
	[dreg:$0x10] =	wrdreg s7  }
0x25: {  	s11 =	simm.s32 $0x8;
	s7 =	sshrl.u32 s13, $0x3;
	[dreg:$0x14] =	wrdreg s14  }
0x26: {  	s1 =	sadd.s32 s1, s5;
	[dreg:$0x1e] =	wrdreg s24;
	s14 =	simm.s32 $0x1  }
0x27: {  	s13 =	simm.s32 $0x0;
	[dreg:$0x13] =	wrdreg s1;
	s15 =	sadd.s32 s7, s5  }
0x28: {  	v0 =	vimm.f32 $0.0e+00;
	s1 =	simm.s32 $0xA;
	[dreg:$0x15] =	wrdreg s15;
	s15 =	simm.s32 $0x28  }
.LBB2_1:
0x29: {  	s2 =	sand.u32 $0x7E00, s4  }
0x2a: {  	s6 =	sand.u32 $0x70, s4;
	s7 =	sshrl.u32 s2, $0x2  }
0x2b: {  	s2 =	simm.s32 $0x40;
	s7 =	sor.u32 s6, s7;
	s6 =	simm.s32 $0x0  }
.LBB2_2:
0x2c: {  	p0 =	sne.s32 s2, $0x4FC0  }
0x2d: {  	[tilespmem:s7+$0x18F00] =	vst v0;
	s6 =	sadd.s32 $0x10, s6;
	s7 =	smov.u32 s2;
	s2 =	sadd.s32 $0x40, s2  }
.Ltmp0:
0x2e: {  	(pc) =	sbr.rel @p0 .LBB2_2-.Ltmp0, $4  }
0x2f: {  	_ = 	snop  }
0x30: {  	s7 =	sand.u32 $0x7E00, s7  }
0x31: {  	s9 =	sand.u32 $0x70, s6;
	s7 =	sshrl.u32 s7, $0x2  }
0x32: {  	s7 =	sor.u32 s9, s7  }
0x33: {  	[tilespmem:s7+$0x18F00] =	vst v0;
	s2 =	rddreg [dreg:$0xe]  }
0x34: {  	[spmem:s8] =	stream.linear.scatter [tilespmem:s10], [sflag:$0x1], $0x1400, $0x38;
	[tilespmem:$0x1F300] =	vst v63  }
0x35: {  	s24 =	rddreg [dreg:$0xf]  }
0x36: {  	[spmem:s2] =	stream.linear.scatter [tilespmem:s10], [sflag:$0x1], $0x1400, $0x38;
	[tilespmem:$0x1F300] =	vst v63  }
0x37: {  	s25 =	rddreg [dreg:$0x10]  }
0x38: {  	[spmem:s24] =	stream.linear.scatter [tilespmem:s10], [sflag:$0x1], $0x1400, $0x38;
	[tilespmem:$0x1F300] =	vst v63  }
0x39: {  	s6 =	rddreg [dreg:$0x11]  }
0x3a: {  	[spmem:s25] =	stream.linear.scatter [tilespmem:s10], [sflag:$0x1], $0x1400, $0x38;
	[tilespmem:$0x1F300] =	vst v63  }
0x3b: {  	s7 =	rddreg [dreg:$0x12]  }
0x3c: {  	[spmem:s6] =	stream.linear.scatter [tilespmem:s10], [sflag:$0x1], $0x1400, $0x38;
	[tilespmem:$0x1F300] =	vst v63  }
0x3d: {  	s9 =	rddreg [dreg:$0x17]  }
0x3e: {  	[spmem:s7] =	stream.linear.scatter [tilespmem:s10], [sflag:$0x1], $0x1400, $0x38;
	[tilespmem:$0x1F300] =	vst v63  }
0x3f: {  	s22 =	rddreg [dreg:$0x18]  }
0x40: {  	[spmem:s9] =	stream.linear.scatter [tilespmem:s10], [sflag:$0x1], $0x1400, $0x38;
	[tilespmem:$0x1F300] =	vst v63  }
0x41: {  	s23 =	rddreg [dreg:$0x19]  }
0x42: {  	[spmem:s22] =	stream.linear.scatter [tilespmem:s10], [sflag:$0x1], $0x1400, $0x38;
	[tilespmem:$0x1F300] =	vst v63  }
0x43: {  	s24 =	rddreg [dreg:$0x1a]  }
0x44: {  	[spmem:s23] =	stream.linear.scatter [tilespmem:s10], [sflag:$0x1], $0x1400, $0x38;
	[tilespmem:$0x1F300] =	vst v63  }
0x45: {  	s25 =	rddreg [dreg:$0x1b]  }
0x46: {  	[spmem:s24] =	stream.linear.scatter [tilespmem:s10], [sflag:$0x1], $0x1400, $0x38;
	[tilespmem:$0x1F300] =	vst v63  }
0x47: {  	s6 =	rddreg [dreg:$0x1c]  }
0x48: {  	[spmem:s25] =	stream.linear.scatter [tilespmem:s10], [sflag:$0x1], $0x1400, $0x38;
	[tilespmem:$0x1F300] =	vst v63  }
0x49: {  	s7 =	rddreg [dreg:$0x1d]  }
0x4a: {  	[spmem:s6] =	stream.linear.scatter [tilespmem:s10], [sflag:$0x1], $0x1400, $0x38;
	[tilespmem:$0x1F300] =	vst v63  }
0x4b: {  	s9 =	rddreg [dreg:$0x1e]  }
0x4c: {  	[spmem:s7] =	stream.linear.scatter [tilespmem:s10], [sflag:$0x1], $0x1400, $0x38;
	[tilespmem:$0x1F300] =	vst v63  }
0x4d: {  	s22 =	rddreg [dreg:$0x1f]  }
0x4e: {  	[spmem:s9] =	stream.linear.scatter [tilespmem:s10], [sflag:$0x1], $0x1400, $0x38;
	[tilespmem:$0x1F300] =	vst v63  }
0x4f: {  	s23 =	sld [smem:$0x7FD]  }
0x50: {  	[spmem:s22] =	stream.linear.scatter [tilespmem:s10], [sflag:$0x1], $0x1400, $0x38;
	[tilespmem:$0x1F300] =	vst v63  }
0x51: {  	_ = 	snop  }
0x52: {  	[spmem:s23] =	stream.linear.scatter [tilespmem:s10], [sflag:$0x1], $0x1400, $0x38;
	[tilespmem:$0x1F300] =	vst v63  }
0x53: {  	s24 =	simm.s32 $0x0;
	s25 =	simm.s32 $0x14000;
	s6 =	rddreg [dreg:$0x4]  }
0x54: {  	[tilespmem:s25], [sflag:$0xB] =	stream.linear.gather [hbm4b:s6+s24], $0x2710, $0x38;
	[tilespmem:$0x1F300] =	vst v63  }
0x55: {  	_ =	swait.ge [sflag:s12], $0x2710  }
0x56: {  	[sflag:s12] =	ssyncset.done $0x0  }
0x57: {  	s9 =	simm.s32 $0x16780;
	s22 =	rddreg [dreg:$0x5];
	[sflag:s12] =	ssyncadd.s32 $0xFFFFD8F0  }
0x58: {  	[tilespmem:s9], [sflag:$0xB] =	stream.linear.gather [hbm4b:s22+s24], $0x2710, $0x38;
	[tilespmem:$0x1F300] =	vst v63  }
0x59: {  	_ =	swait.ge [sflag:s12], $0x2710  }
0x5a: {  	[sflag:s12] =	ssyncset.done $0x0  }
0x5b: {  	[sflag:s12] =	ssyncadd.s32 $0xFFFFD8F0  }
0x5c: {  	_ =	swait.ge [sflag:s14], $0x1400  }
0x5d: {  	[sflag:s14] =	ssyncset.done $0x0  }
0x5e: {  	[sflag:s14] =	ssyncadd.s32 $0xFFFFEC00  }
0x5f: {  	_ =	swait.ge [sflag:s14], $0x1400  }
0x60: {  	[sflag:s14] =	ssyncset.done $0x0  }
0x61: {  	[sflag:s14] =	ssyncadd.s32 $0xFFFFEC00  }
0x62: {  	_ =	swait.ge [sflag:s14], $0x1400  }
0x63: {  	[sflag:s14] =	ssyncset.done $0x0  }
0x64: {  	[sflag:s14] =	ssyncadd.s32 $0xFFFFEC00  }
0x65: {  	_ =	swait.ge [sflag:s14], $0x1400  }
0x66: {  	[sflag:s14] =	ssyncset.done $0x0  }
0x67: {  	[sflag:s14] =	ssyncadd.s32 $0xFFFFEC00  }
0x68: {  	_ =	swait.ge [sflag:s14], $0x1400  }
0x69: {  	[sflag:s14] =	ssyncset.done $0x0  }
0x6a: {  	[sflag:s14] =	ssyncadd.s32 $0xFFFFEC00  }
0x6b: {  	_ =	swait.ge [sflag:s14], $0x1400  }
0x6c: {  	[sflag:s14] =	ssyncset.done $0x0  }
0x6d: {  	[sflag:s14] =	ssyncadd.s32 $0xFFFFEC00  }
0x6e: {  	_ =	swait.ge [sflag:s14], $0x1400  }
0x6f: {  	[sflag:s14] =	ssyncset.done $0x0  }
0x70: {  	[sflag:s14] =	ssyncadd.s32 $0xFFFFEC00  }
0x71: {  	_ =	swait.ge [sflag:s14], $0x1400  }
0x72: {  	[sflag:s14] =	ssyncset.done $0x0  }
0x73: {  	[sflag:s14] =	ssyncadd.s32 $0xFFFFEC00  }
0x74: {  	_ =	swait.ge [sflag:s14], $0x1400  }
0x75: {  	[sflag:s14] =	ssyncset.done $0x0  }
0x76: {  	[sflag:s14] =	ssyncadd.s32 $0xFFFFEC00  }
0x77: {  	_ =	swait.ge [sflag:s14], $0x1400  }
0x78: {  	[sflag:s14] =	ssyncset.done $0x0  }
0x79: {  	[sflag:s14] =	ssyncadd.s32 $0xFFFFEC00  }
0x7a: {  	_ =	swait.ge [sflag:s14], $0x1400  }
0x7b: {  	[sflag:s14] =	ssyncset.done $0x0  }
0x7c: {  	[sflag:s14] =	ssyncadd.s32 $0xFFFFEC00  }
0x7d: {  	_ =	swait.ge [sflag:s14], $0x1400  }
0x7e: {  	[sflag:s14] =	ssyncset.done $0x0  }
0x7f: {  	[sflag:s14] =	ssyncadd.s32 $0xFFFFEC00  }
0x80: {  	_ =	swait.ge [sflag:s14], $0x1400  }
0x81: {  	[sflag:s14] =	ssyncset.done $0x0  }
0x82: {  	[sflag:s14] =	ssyncadd.s32 $0xFFFFEC00  }
0x83: {  	_ =	swait.ge [sflag:s14], $0x1400  }
0x84: {  	[sflag:s14] =	ssyncset.done $0x0  }
0x85: {  	[sflag:s14] =	ssyncadd.s32 $0xFFFFEC00  }
0x86: {  	_ =	swait.ge [sflag:s14], $0x1400  }
0x87: {  	[sflag:s14] =	ssyncset.done $0x0  }
0x88: {  	[sflag:s14] =	ssyncadd.s32 $0xFFFFEC00  }
0x89: {  	_ =	swait.ge [sflag:s14], $0x1400  }
0x8a: {  	[sflag:s14] =	ssyncset.done $0x0  }
0x8b: {  	[sflag:s14] =	ssyncadd.s32 $0xFFFFEC00  }
0x8c: {  	[bflag:$0x0] =	sbarrier.arrive $0xFFFF  }
0x8d: {  	[tilespmem:s10], [sflag:$0x1] =	stream.indirect.gather [hbm4b:s0+s15], $0x80, s25, s15, $0xb8;
	[tilespmem:$0x1F300] =	vst v63  }
0x8e: {  	s23 =	simm.s32 $0x14028  }
0x8f: {  	[tilespmem:s16], [sflag:$0x2] =	stream.indirect.gather [hbm4b:s0+s15], $0x80, s23, s15, $0xb8;
	[tilespmem:$0x1F300] =	vst v63  }
0x90: {  	s24 =	simm.s32 $0x14050  }
0x91: {  	[tilespmem:s17], [sflag:$0x3] =	stream.indirect.gather [hbm4b:s0+s15], $0x80, s24, s15, $0xb8;
	[tilespmem:$0x1F300] =	vst v63  }
0x92: {  	s25 =	simm.s32 $0x14078  }
0x93: {  	[tilespmem:s18], [sflag:$0x4] =	stream.indirect.gather [hbm4b:s0+s15], $0x80, s25, s15, $0xb8;
	[tilespmem:$0x1F300] =	vst v63  }
0x94: {  	s6 =	simm.s32 $0x140A0  }
0x95: {  	[tilespmem:s19], [sflag:$0x5] =	stream.indirect.gather [hbm4b:s0+s15], $0x80, s6, s15, $0xb8;
	[tilespmem:$0x1F300] =	vst v63  }
0x96: {  	_ =	swait.ge [sflag:s14], $0x1400  }
0x97: {  	[sflag:s14] =	ssyncset.done $0x0  }
0x98: {  	[sflag:s14] =	ssyncadd.s32 $0xFFFFEC00  }
0x99: {  	[spmem:s3] =	stream.indirect.scatter.add.f32 [tilespmem:s10], [sflag:$0x6], $0x80, s9, s15, $0xb8;
	[tilespmem:$0x1F300] =	vst v63  }
0x9a: {  	_ =	swait.ge [sflag:s20], $0x1400  }
0x9b: {  	[sflag:s20] =	ssyncset.done $0x0  }
0x9c: {  	s7 =	simm.s32 $0x167A8;
	[sflag:s20] =	ssyncadd.s32 $0xFFFFEC00  }
0x9d: {  	[spmem:s3] =	stream.indirect.scatter.add.f32 [tilespmem:s16], [sflag:$0x7], $0x80, s7, s15, $0xb8;
	[tilespmem:$0x1F300] =	vst v63  }
0x9e: {  	_ =	swait.ge [sflag:s21], $0x1400  }
0x9f: {  	[sflag:s21] =	ssyncset.done $0x0  }
0xa0: {  	s9 =	simm.s32 $0x167D0;
	[sflag:s21] =	ssyncadd.s32 $0xFFFFEC00  }
0xa1: {  	[spmem:s3] =	stream.indirect.scatter.add.f32 [tilespmem:s17], [sflag:$0x8], $0x80, s9, s15, $0xb8;
	[tilespmem:$0x1F300] =	vst v63  }
0xa2: {  	_ =	swait.ge [sflag:s26], $0x1400  }
0xa3: {  	[sflag:s26] =	ssyncset.done $0x0  }
0xa4: {  	s22 =	simm.s32 $0x167F8;
	[sflag:s26] =	ssyncadd.s32 $0xFFFFEC00  }
0xa5: {  	[spmem:s3] =	stream.indirect.scatter.add.f32 [tilespmem:s18], [sflag:$0x9], $0x80, s22, s15, $0xb8;
	[tilespmem:$0x1F300] =	vst v63  }
0xa6: {  	_ =	swait.ge [sflag:s28], $0x1400  }
0xa7: {  	[sflag:s28] =	ssyncset.done $0x0  }
0xa8: {  	s23 =	simm.s32 $0x16820;
	[sflag:s28] =	ssyncadd.s32 $0xFFFFEC00  }
0xa9: {  	[spmem:s3] =	stream.indirect.scatter.add.f32 [tilespmem:s19], [sflag:$0xA], $0x80, s23, s15, $0xb8;
	[tilespmem:$0x1F300] =	vst v63  }
0xaa: {  	_ =	swait.ge [sflag:s29], $0x1400  }
0xab: {  	[sflag:s29] =	ssyncset.done $0x0  }
0xac: {  	s24 =	simm.s32 $0x140C8;
	[sflag:s29] =	ssyncadd.s32 $0xFFFFEC00  }
0xad: {  	[tilespmem:s10], [sflag:$0x1] =	stream.indirect.gather [hbm4b:s0+s15], $0x80, s24, s15, $0xb8;
	[tilespmem:$0x1F300] =	vst v63  }
0xae: {  	_ =	swait.ge [sflag:s30], $0x1400  }
0xaf: {  	[sflag:s30] =	ssyncset.done $0x0  }
0xb0: {  	s25 =	simm.s32 $0x140F0;
	[sflag:s30] =	ssyncadd.s32 $0xFFFFEC00  }
0xb1: {  	[tilespmem:s16], [sflag:$0x2] =	stream.indirect.gather [hbm4b:s0+s15], $0x80, s25, s15, $0xb8;
	[tilespmem:$0x1F300] =	vst v63  }
0xb2: {  	_ =	swait.ge [sflag:s11], $0x1400  }
0xb3: {  	[sflag:s11] =	ssyncset.done $0x0  }
0xb4: {  	s6 =	simm.s32 $0x14118;
	[sflag:s11] =	ssyncadd.s32 $0xFFFFEC00  }
0xb5: {  	[tilespmem:s17], [sflag:$0x3] =	stream.indirect.gather [hbm4b:s0+s15], $0x80, s6, s15, $0xb8;
	[tilespmem:$0x1F300] =	vst v63  }
0xb6: {  	_ =	swait.ge [sflag:s31], $0x1400  }
0xb7: {  	[sflag:s31] =	ssyncset.done $0x0  }
0xb8: {  	s7 =	simm.s32 $0x14140;
	[sflag:s31] =	ssyncadd.s32 $0xFFFFEC00  }
0xb9: {  	[tilespmem:s18], [sflag:$0x4] =	stream.indirect.gather [hbm4b:s0+s15], $0x80, s7, s15, $0xb8;
	[tilespmem:$0x1F300] =	vst v63  }
0xba: {  	_ =	swait.ge [sflag:s1], $0x1400  }
0xbb: {  	[sflag:s1] =	ssyncset.done $0x0  }
0xbc: {  	s9 =	simm.s32 $0x14168;
	[sflag:s1] =	ssyncadd.s32 $0xFFFFEC00  }
0xbd: {  	[tilespmem:s19], [sflag:$0x5] =	stream.indirect.gather [hbm4b:s0+s15], $0x80, s9, s15, $0xb8;
	[tilespmem:$0x1F300] =	vst v63  }
0xbe: {  	_ =	swait.ge [sflag:s14], $0x1400  }
0xbf: {  	[sflag:s14] =	ssyncset.done $0x0  }
0xc0: {  	s22 =	simm.s32 $0x16848;
	[sflag:s14] =	ssyncadd.s32 $0xFFFFEC00  }
0xc1: {  	[spmem:s3] =	stream.indirect.scatter.add.f32 [tilespmem:s10], [sflag:$0x6], $0x80, s22, s15, $0xb8;
	[tilespmem:$0x1F300] =	vst v63  }
0xc2: {  	_ =	swait.ge [sflag:s20], $0x1400  }
0xc3: {  	[sflag:s20] =	ssyncset.done $0x0  }
0xc4: {  	s23 =	simm.s32 $0x16870;
	[sflag:s20] =	ssyncadd.s32 $0xFFFFEC00  }
0xc5: {  	[spmem:s3] =	stream.indirect.scatter.add.f32 [tilespmem:s16], [sflag:$0x7], $0x80, s23, s15, $0xb8;
	[tilespmem:$0x1F300] =	vst v63  }
0xc6: {  	_ =	swait.ge [sflag:s21], $0x1400  }
0xc7: {  	[sflag:s21] =	ssyncset.done $0x0  }
0xc8: {  	s24 =	simm.s32 $0x16898;
	[sflag:s21] =	ssyncadd.s32 $0xFFFFEC00  }
0xc9: {  	[spmem:s3] =	stream.indirect.scatter.add.f32 [tilespmem:s17], [sflag:$0x8], $0x80, s24, s15, $0xb8;
	[tilespmem:$0x1F300] =	vst v63  }
0xca: {  	_ =	swait.ge [sflag:s26], $0x1400  }
0xcb: {  	[sflag:s26] =	ssyncset.done $0x0  }
0xcc: {  	s25 =	simm.s32 $0x168C0;
	[sflag:s26] =	ssyncadd.s32 $0xFFFFEC00  }
0xcd: {  	[spmem:s3] =	stream.indirect.scatter.add.f32 [tilespmem:s18], [sflag:$0x9], $0x80, s25, s15, $0xb8;
	[tilespmem:$0x1F300] =	vst v63  }
0xce: {  	_ =	swait.ge [sflag:s28], $0x1400  }
0xcf: {  	[sflag:s28] =	ssyncset.done $0x0  }
0xd0: {  	s2 =	simm.s32 $0x320;
	s6 =	simm.s32 $0x168E8;
	[sflag:s28] =	ssyncadd.s32 $0xFFFFEC00  }
.LBB2_4:
0xd1: {  	[spmem:s3] =	stream.indirect.scatter.add.f32 [tilespmem:s19], [sflag:$0xA], $0x80, s6, s15, $0xb8;
	[tilespmem:$0x1F300] =	vst v63  }
0xd2: {  	s6 =	smov.u32 s2  }
0xd3: {  	p0 =	sne.s32 s2, $0x9600;
	s2 =	sadd.s32 $0x320, s2;
	_ =	swait.ge [sflag:s29], $0x1400  }
0xd4: {  	s6 =	sshra.s32 s6, $0x2;
	[sflag:s29] =	ssyncset.done $0x0  }
0xd5: {  	s7 =	sadd.s32 $0x140C8, s6;
	[sflag:s29] =	ssyncadd.s32 $0xFFFFEC00  }
0xd6: {  	[tilespmem:s10], [sflag:$0x1] =	stream.indirect.gather [hbm4b:s0+s15], $0x80, s7, s15, $0xb8;
	[tilespmem:$0x1F300] =	vst v63  }
0xd7: {  	_ =	swait.ge [sflag:s30], $0x1400  }
0xd8: {  	[sflag:s30] =	ssyncset.done $0x0  }
0xd9: {  	s7 =	sadd.s32 $0x140F0, s6;
	[sflag:s30] =	ssyncadd.s32 $0xFFFFEC00  }
0xda: {  	[tilespmem:s16], [sflag:$0x2] =	stream.indirect.gather [hbm4b:s0+s15], $0x80, s7, s15, $0xb8;
	[tilespmem:$0x1F300] =	vst v63  }
0xdb: {  	_ =	swait.ge [sflag:s11], $0x1400  }
0xdc: {  	[sflag:s11] =	ssyncset.done $0x0  }
0xdd: {  	s7 =	sadd.s32 $0x14118, s6;
	[sflag:s11] =	ssyncadd.s32 $0xFFFFEC00  }
0xde: {  	[tilespmem:s17], [sflag:$0x3] =	stream.indirect.gather [hbm4b:s0+s15], $0x80, s7, s15, $0xb8;
	[tilespmem:$0x1F300] =	vst v63  }
0xdf: {  	_ =	swait.ge [sflag:s31], $0x1400  }
0xe0: {  	[sflag:s31] =	ssyncset.done $0x0  }
0xe1: {  	s7 =	sadd.s32 $0x14140, s6;
	[sflag:s31] =	ssyncadd.s32 $0xFFFFEC00  }
0xe2: {  	[tilespmem:s18], [sflag:$0x4] =	stream.indirect.gather [hbm4b:s0+s15], $0x80, s7, s15, $0xb8;
	[tilespmem:$0x1F300] =	vst v63  }
0xe3: {  	_ =	swait.ge [sflag:s1], $0x1400  }
0xe4: {  	[sflag:s1] =	ssyncset.done $0x0  }
0xe5: {  	s7 =	sadd.s32 $0x14168, s6;
	[sflag:s1] =	ssyncadd.s32 $0xFFFFEC00  }
0xe6: {  	[tilespmem:s19], [sflag:$0x5] =	stream.indirect.gather [hbm4b:s0+s15], $0x80, s7, s15, $0xb8;
	[tilespmem:$0x1F300] =	vst v63  }
0xe7: {  	_ =	swait.ge [sflag:s14], $0x1400  }
0xe8: {  	[sflag:s14] =	ssyncset.done $0x0  }
0xe9: {  	s7 =	sadd.s32 $0x16848, s6;
	[sflag:s14] =	ssyncadd.s32 $0xFFFFEC00  }
0xea: {  	[spmem:s3] =	stream.indirect.scatter.add.f32 [tilespmem:s10], [sflag:$0x6], $0x80, s7, s15, $0xb8;
	[tilespmem:$0x1F300] =	vst v63  }
0xeb: {  	_ =	swait.ge [sflag:s20], $0x1400  }
0xec: {  	[sflag:s20] =	ssyncset.done $0x0  }
0xed: {  	s7 =	sadd.s32 $0x16870, s6;
	[sflag:s20] =	ssyncadd.s32 $0xFFFFEC00  }
0xee: {  	[spmem:s3] =	stream.indirect.scatter.add.f32 [tilespmem:s16], [sflag:$0x7], $0x80, s7, s15, $0xb8;
	[tilespmem:$0x1F300] =	vst v63  }
0xef: {  	_ =	swait.ge [sflag:s21], $0x1400  }
0xf0: {  	[sflag:s21] =	ssyncset.done $0x0  }
0xf1: {  	s7 =	sadd.s32 $0x16898, s6;
	[sflag:s21] =	ssyncadd.s32 $0xFFFFEC00  }
0xf2: {  	[spmem:s3] =	stream.indirect.scatter.add.f32 [tilespmem:s17], [sflag:$0x8], $0x80, s7, s15, $0xb8;
	[tilespmem:$0x1F300] =	vst v63  }
0xf3: {  	_ =	swait.ge [sflag:s26], $0x1400  }
0xf4: {  	[sflag:s26] =	ssyncset.done $0x0  }
.Ltmp1:
0xf5: {  	s7 =	sadd.s32 $0x168C0, s6;
	[sflag:s26] =	ssyncadd.s32 $0xFFFFEC00;
	(pc) =	sbr.rel @p0 .LBB2_4-.Ltmp1, $4  }
0xf6: {  	[spmem:s3] =	stream.indirect.scatter.add.f32 [tilespmem:s18], [sflag:$0x9], $0x80, s7, s15, $0xb8;
	[tilespmem:$0x1F300] =	vst v63  }
0xf7: {  	_ =	swait.ge [sflag:s28], $0x1400  }
0xf8: {  	[sflag:s28] =	ssyncset.done $0x0  }
0xf9: {  	s6 =	sadd.s32 $0x168E8, s6;
	[sflag:s28] =	ssyncadd.s32 $0xFFFFEC00  }
0xfa: {  	[spmem:s3] =	stream.indirect.scatter.add.f32 [tilespmem:s19], [sflag:$0xA], $0x80, s6, s15, $0xb8;
	[tilespmem:$0x1F300] =	vst v63  }
0xfb: {  	_ =	swait.ge [sflag:s29], $0x1400  }
0xfc: {  	[sflag:s29] =	ssyncset.done $0x0  }
0xfd: {  	[sflag:s29] =	ssyncadd.s32 $0xFFFFEC00  }
0xfe: {  	_ =	swait.ge [sflag:s30], $0x1400  }
0xff: {  	[sflag:s30] =	ssyncset.done $0x0  }
0x100: {  	[sflag:s30] =	ssyncadd.s32 $0xFFFFEC00  }
0x101: {  	_ =	swait.ge [sflag:s11], $0x1400  }
0x102: {  	[sflag:s11] =	ssyncset.done $0x0  }
0x103: {  	[sflag:s11] =	ssyncadd.s32 $0xFFFFEC00  }
0x104: {  	_ =	swait.ge [sflag:s31], $0x1400  }
0x105: {  	[sflag:s31] =	ssyncset.done $0x0  }
0x106: {  	[sflag:s31] =	ssyncadd.s32 $0xFFFFEC00  }
0x107: {  	_ =	swait.ge [sflag:s1], $0x1400  }
0x108: {  	[sflag:s1] =	ssyncset.done $0x0  }
0x109: {  	[sflag:s1] =	ssyncadd.s32 $0xFFFFEC00  }
0x10a: {  	[bflag:$0x0] =	sbarrier.arrive $0xFFFF  }
0x10b: {  	[tilespmem:s10], [sflag:$0x1] =	stream.linear.gather [spmem:s8], $0x1400, $0x38;
	[tilespmem:$0x1F300] =	vst v63  }
0x10c: {  	s2 =	rddreg [dreg:$0x6]  }
0x10d: {  	[tilespmem:s16], [sflag:$0x2] =	stream.linear.gather [spmem:s2], $0x1400, $0x38;
	[tilespmem:$0x1F300] =	vst v63  }
0x10e: {  	s6 =	rddreg [dreg:$0x7]  }
0x10f: {  	[tilespmem:s17], [sflag:$0x3] =	stream.linear.gather [spmem:s6], $0x1400, $0x38;
	[tilespmem:$0x1F300] =	vst v63  }
0x110: {  	s7 =	rddreg [dreg:$0x8]  }
0x111: {  	[tilespmem:s18], [sflag:$0x4] =	stream.linear.gather [spmem:s7], $0x1400, $0x38;
	[tilespmem:$0x1F300] =	vst v63  }
0x112: {  	_ =	swait.ge [sflag:s14], $0x1400  }
0x113: {  	[sflag:s14] =	ssyncset.done $0x0  }
0x114: {  	s9 =	simm.s32 $0x0;
	s22 =	rddreg [dreg:$0x9];
	[sflag:s14] =	ssyncadd.s32 $0xFFFFEC00  }
0x115: {  	[hbm4b:s22+s9] =	stream.linear.scatter [tilespmem:s10], [sflag:$0x6], $0x1400, $0x38;
	[tilespmem:$0x1F300] =	vst v63  }
0x116: {  	_ =	swait.ge [sflag:s20], $0x1400  }
0x117: {  	[sflag:s20] =	ssyncset.done $0x0  }
0x118: {  	s23 =	rddreg [dreg:$0xa];
	[sflag:s20] =	ssyncadd.s32 $0xFFFFEC00  }
0x119: {  	[hbm4b:s23+s9] =	stream.linear.scatter [tilespmem:s16], [sflag:$0x7], $0x1400, $0x38;
	[tilespmem:$0x1F300] =	vst v63  }
0x11a: {  	_ =	swait.ge [sflag:s21], $0x1400  }
0x11b: {  	[sflag:s21] =	ssyncset.done $0x0  }
0x11c: {  	s24 =	rddreg [dreg:$0xb];
	[sflag:s21] =	ssyncadd.s32 $0xFFFFEC00  }
0x11d: {  	[hbm4b:s24+s9] =	stream.linear.scatter [tilespmem:s17], [sflag:$0x8], $0x1400, $0x38;
	[tilespmem:$0x1F300] =	vst v63  }
0x11e: {  	_ =	swait.ge [sflag:s26], $0x1400  }
0x11f: {  	[sflag:s26] =	ssyncset.done $0x0  }
0x120: {  	s25 =	rddreg [dreg:$0xc];
	[sflag:s26] =	ssyncadd.s32 $0xFFFFEC00  }
0x121: {  	[hbm4b:s25+s9] =	stream.linear.scatter [tilespmem:s18], [sflag:$0x9], $0x1400, $0x38;
	[tilespmem:$0x1F300] =	vst v63  }
0x122: {  	_ =	swait.ge [sflag:s29], $0x1400  }
0x123: {  	s7 =	sadd.s32 $0x0, s8;
	[sflag:s29] =	ssyncset.done $0x0  }
0x124: {  	s9 =	sadd.s32 $0x5000, s7;
	[sflag:s29] =	ssyncadd.s32 $0xFFFFEC00  }
0x125: {  	[tilespmem:s10], [sflag:$0x1] =	stream.linear.gather [spmem:s9], $0x1400, $0x38;
	[tilespmem:$0x1F300] =	vst v63  }
0x126: {  	_ =	swait.ge [sflag:s30], $0x1400  }
0x127: {  	[sflag:s30] =	ssyncset.done $0x0  }
0x128: {  	s22 =	sadd.s32 $0x6400, s7;
	[sflag:s30] =	ssyncadd.s32 $0xFFFFEC00  }
0x129: {  	[tilespmem:s16], [sflag:$0x2] =	stream.linear.gather [spmem:s22], $0x1400, $0x38;
	[tilespmem:$0x1F300] =	vst v63  }
0x12a: {  	_ =	swait.ge [sflag:s11], $0x1400  }
0x12b: {  	[sflag:s11] =	ssyncset.done $0x0  }
0x12c: {  	s23 =	sadd.s32 $0x7800, s7;
	[sflag:s11] =	ssyncadd.s32 $0xFFFFEC00  }
0x12d: {  	[tilespmem:s17], [sflag:$0x3] =	stream.linear.gather [spmem:s23], $0x1400, $0x38;
	[tilespmem:$0x1F300] =	vst v63  }
0x12e: {  	_ =	swait.ge [sflag:s31], $0x1400  }
0x12f: {  	[sflag:s31] =	ssyncset.done $0x0  }
0x130: {  	s2 =	sadd.s32 $0x8C00, s7;
	[sflag:s31] =	ssyncadd.s32 $0xFFFFEC00  }
0x131: {  	[tilespmem:s18], [sflag:$0x4] =	stream.linear.gather [spmem:s2], $0x1400, $0x38;
	[tilespmem:$0x1F300] =	vst v63  }
0x132: {  	_ =	swait.ge [sflag:s14], $0x1400  }
0x133: {  	s7 =	rddreg [dreg:$0x16]  }
0x134: {  	[sflag:s14] =	ssyncset.done $0x0;
	s24 =	sshrl.u32 s7, $0x3  }
0x135: {  	[sflag:s14] =	ssyncadd.s32 $0xFFFFEC00;
	s2 =	sadd.s32 s5, s24  }
0x136: {  	[hbm4b:s2+s4] =	stream.linear.scatter [tilespmem:s10], [sflag:$0x6], $0x1400, $0x38;
	[tilespmem:$0x1F300] =	vst v63  }
0x137: {  	_ =	swait.ge [sflag:s20], $0x1400  }
0x138: {  	[sflag:s20] =	ssyncset.done $0x0  }
0x139: {  	s25 =	rddreg [dreg:$0x15];
	[sflag:s20] =	ssyncadd.s32 $0xFFFFEC00  }
0x13a: {  	[hbm4b:s25+s4] =	stream.linear.scatter [tilespmem:s16], [sflag:$0x7], $0x1400, $0x38;
	[tilespmem:$0x1F300] =	vst v63  }
0x13b: {  	_ =	swait.ge [sflag:s21], $0x1400  }
0x13c: {  	[sflag:s21] =	ssyncset.done $0x0  }
0x13d: {  	s23 =	rddreg [dreg:$0x14];
	[sflag:s21] =	ssyncadd.s32 $0xFFFFEC00  }
0x13e: {  	[hbm4b:s23+s4] =	stream.linear.scatter [tilespmem:s17], [sflag:$0x8], $0x1400, $0x38;
	[tilespmem:$0x1F300] =	vst v63  }
0x13f: {  	s7 =	sadd.s32 $0x5000, s7;
	s2 =	simm.s32 $0x14000;
	_ =	swait.ge [sflag:s26], $0x1400  }
0x140: {  	s6 =	sadd.s32 $0xA00, s25;
	[sflag:s26] =	ssyncset.done $0x0;
	s22 =	rddreg [dreg:$0x13]  }
0x141: {  	s23 =	sadd.s32 $0xA00, s23;
	[sflag:s26] =	ssyncadd.s32 $0xFFFFEC00;
	s9 =	sadd.s32 $0xA00, s22  }
.LBB2_6:
0x142: {  	[hbm4b:s22+s4] =	stream.linear.scatter [tilespmem:s18], [sflag:$0x9], $0x1400, $0x38;
	[tilespmem:$0x1F300] =	vst v63  }
0x143: {  	s22 =	sshra.s32 s2, $0x2;
	p0 =	sne.s32 s2, $0x28000;
	_ =	swait.ge [sflag:s29], $0x1400  }
0x144: {  	s2 =	sadd.s32 $0x14000, s2;
	s25 =	sadd.s32 s22, s8;
	[sflag:s29] =	ssyncset.done $0x0  }
0x145: {  	s22 =	smov.u32 s9;
	s24 =	sadd.s32 $0x5000, s25;
	[sflag:s29] =	ssyncadd.s32 $0xFFFFEC00  }
0x146: {  	[tilespmem:s10], [sflag:$0x1] =	stream.linear.gather [spmem:s24], $0x1400, $0x38;
	[tilespmem:$0x1F300] =	vst v63  }
0x147: {  	_ =	swait.ge [sflag:s30], $0x1400  }
0x148: {  	[sflag:s30] =	ssyncset.done $0x0  }
0x149: {  	s24 =	sadd.s32 $0x6400, s25;
	[sflag:s30] =	ssyncadd.s32 $0xFFFFEC00  }
0x14a: {  	[tilespmem:s16], [sflag:$0x2] =	stream.linear.gather [spmem:s24], $0x1400, $0x38;
	[tilespmem:$0x1F300] =	vst v63  }
0x14b: {  	_ =	swait.ge [sflag:s11], $0x1400  }
0x14c: {  	[sflag:s11] =	ssyncset.done $0x0  }
0x14d: {  	s24 =	sadd.s32 $0x7800, s25;
	[sflag:s11] =	ssyncadd.s32 $0xFFFFEC00  }
0x14e: {  	[tilespmem:s17], [sflag:$0x3] =	stream.linear.gather [spmem:s24], $0x1400, $0x38;
	[tilespmem:$0x1F300] =	vst v63  }
0x14f: {  	_ =	swait.ge [sflag:s31], $0x1400  }
0x150: {  	[sflag:s31] =	ssyncset.done $0x0  }
0x151: {  	s24 =	sadd.s32 $0x8C00, s25;
	[sflag:s31] =	ssyncadd.s32 $0xFFFFEC00  }
0x152: {  	[tilespmem:s18], [sflag:$0x4] =	stream.linear.gather [spmem:s24], $0x1400, $0x38;
	[tilespmem:$0x1F300] =	vst v63  }
0x153: {  	_ =	swait.ge [sflag:s14], $0x1400  }
0x154: {  	s24 =	sshrl.u32 s7, $0x3;
	[sflag:s14] =	ssyncset.done $0x0  }
0x155: {  	s24 =	sadd.s32 s5, s24;
	[sflag:s14] =	ssyncadd.s32 $0xFFFFEC00  }
0x156: {  	[hbm4b:s24+s4] =	stream.linear.scatter [tilespmem:s10], [sflag:$0x6], $0x1400, $0x38;
	[tilespmem:$0x1F300] =	vst v63  }
0x157: {  	_ =	swait.ge [sflag:s20], $0x1400  }
0x158: {  	[sflag:s20] =	ssyncset.done $0x0  }
0x159: {  	[sflag:s20] =	ssyncadd.s32 $0xFFFFEC00  }
0x15a: {  	[hbm4b:s6+s4] =	stream.linear.scatter [tilespmem:s16], [sflag:$0x7], $0x1400, $0x38;
	[tilespmem:$0x1F300] =	vst v63  }
0x15b: {  	_ =	swait.ge [sflag:s21], $0x1400  }
0x15c: {  	[sflag:s21] =	ssyncset.done $0x0  }
.Ltmp2:
0x15d: {  	[sflag:s21] =	ssyncadd.s32 $0xFFFFEC00;
	(pc) =	sbr.rel @p0 .LBB2_6-.Ltmp2, $4  }
0x15e: {  	[hbm4b:s23+s4] =	stream.linear.scatter [tilespmem:s17], [sflag:$0x8], $0x1400, $0x38;
	[tilespmem:$0x1F300] =	vst v63  }
0x15f: {  	_ =	swait.ge [sflag:s26], $0x1400  }
0x160: {  	s7 =	sadd.s32 $0x5000, s7;
	s6 =	sadd.s32 $0xA00, s6;
	[sflag:s26] =	ssyncset.done $0x0  }
0x161: {  	s9 =	sadd.s32 $0xA00, s9;
	s23 =	sadd.s32 $0xA00, s23;
	[sflag:s26] =	ssyncadd.s32 $0xFFFFEC00  }
0x162: {  	[hbm4b:s22+s4] =	stream.linear.scatter [tilespmem:s18], [sflag:$0x9], $0x1400, $0x38;
	[tilespmem:$0x1F300] =	vst v63  }
0x163: {  	_ =	swait.ge [sflag:s29], $0x1400  }
0x164: {  	[sflag:s29] =	ssyncset.done $0x0  }
0x165: {  	[sflag:s29] =	ssyncadd.s32 $0xFFFFEC00  }
0x166: {  	_ =	swait.ge [sflag:s30], $0x1400  }
0x167: {  	[sflag:s30] =	ssyncset.done $0x0  }
0x168: {  	[sflag:s30] =	ssyncadd.s32 $0xFFFFEC00  }
0x169: {  	_ =	swait.ge [sflag:s11], $0x1400  }
0x16a: {  	[sflag:s11] =	ssyncset.done $0x0  }
0x16b: {  	[sflag:s11] =	ssyncadd.s32 $0xFFFFEC00  }
0x16c: {  	_ =	swait.ge [sflag:s31], $0x1400  }
0x16d: {  	s13 =	sadd.s32 $0x1, s13;
	s2 =	rddreg [dreg:$0xd]  }
0x16e: {  	p0 =	sne.s32 s13, s2  }
.Ltmp3:
0x16f: {  	_ = 	snop;
	(pc) =	sbr.rel @p0 .LBB2_1-.Ltmp3, $3  }
0x170: {  	_ =	sdelay $0x1  }
0x171: {  	[sflag:s31] =	ssyncset.done $0x0  }
0x172: {  	[sflag:s31] =	ssyncadd.s32 $0xFFFFEC00  }
0x173: {  	_ =	sfence.sel $0x180000  }
0x174: {  	[bflag:$0x0] =	sbarrier.arrive $0xFFFF  }
0x175: {  	_ =	strace $0x9000004D  }
0x176: {  	s0 =	stileid.u32;
	[bflag:$0x2] =	sbarrier.arrive $0xFFFF  }
0x177: {  	p0 =	sne.s32 s0, $0x0;
	s0 =	rddreg [dreg:$0x3]  }
0x178: {  	s0 =	sadd.s32 @!p0 $0x100000, s0  }
0x179: {  	[sflag:s0] =	ssyncadd.tile.s32 @!p0 $0x1;
	_ =	shalt  }
.Lfunc_end2:
_tile_overlayer_lowered:
.L_overlay_start_2:
0x17a: {  	(tag) =	ssettag $0x2  }
0x17b: {  	s0 =	rddreg [dreg:$0x0];
	s2 =	stileid.u32  }
0x17c: {  	s1 =	rddreg [dreg:$0x1];
	p0 =	sne.s32 s2, $0x0  }
0x17d: {  	s3 =	rddreg [dreg:$0x2];
	[bflag:$0x3] =	sbarrier.arrive $0xFFFF;
	s2 =	simm.s32 @!p0 $0x1C0B  }
0x17e: {  	[timem:s3], [sflag:s2] =	dma.local @!p0 [hbm:s0], s1  }
0x17f: {  	s0 =	simm.s32 @!p0 $0xB  }
0x180: {  	_ =	swait.ge @!p0 [sflag:s0], s1  }
0x181: {  	s1 =	ssub.s32 @!p0 $0x0, s1;
	[sflag:s0] =	ssyncset.done @!p0 $0x0  }
0x182: {  	[sflag:s0] =	ssyncadd.s32 @!p0 s1  }
0x183: {  	[bflag:$0x3] =	sbarrier.arrive $0xFFFF  }
0x184: {  	_ =	shalt  }

// kernel: kernel.8.cloned.1.call-start
scs
__scs_entry_jumppad:
0x0: {  	(pc) =	sbr.rel $0x88, $3  }
0x1: {  	(tag) =	ssettag $0x0;
	lr =	simm.s32 $0x1  }
0x2: {  	[smem:$0x3F9B] =	sst lr;
	_ =	strace $0xD0000000  }
0x3: {  	_ = 	snop  }
0x4: {  	_ = 	snop  }
0x5: {  	_ = 	snop  }
0x6: {  	_ = 	snop  }
0x7: {  	_ = 	snop  }
__scs_overlays_trampoline_lowered:
0x8: {  	[smem:$0x3FAA] =	sst s0  }
0x9: {  	[smem:$0x3FAB] =	sst s1  }
0xa: {  	[smem:$0x3FAC] =	sst s2  }
0xb: {  	[smem:$0x3FAD] =	sst s3  }
0xc: {  	[smem:$0x3FAE] =	sst s4  }
0xd: {  	[smem:$0x3FAF] =	sst s5  }
0xe: {  	[smem:$0x3FB0] =	sst s6  }
0xf: {  	[smem:$0x3FB1] =	sst s7  }
0x10: {  	[smem:$0x3FB2] =	sst s8  }
0x11: {  	[smem:$0x3FB3] =	sst s9;
	s0 =	simm.s32 @!p0 $0x0  }
0x12: {  	s1 =	sld [smem:$0x3F99];
	s0 =	simm.s32 @p0 $0x1  }
0x13: {  	[smem:$0x3FB4] =	sst s0;
	s0 =	simm.s32 @!p1 $0x0  }
0x14: {  	s2 =	sld [smem:$0x3F98];
	s0 =	simm.s32 @p1 $0x1  }
0x15: {  	[smem:$0x3FB5] =	sst s0;
	s0 =	simm.s32 @!p2 $0x0  }
0x16: {  	s3 =	sld [smem:$0x3FDB];
	s0 =	simm.s32 @p2 $0x1  }
0x17: {  	s4 =	simm.s32 $0x1BF5;
	[smem:$0x3FB7] =	sst s0  }
0x18: {  	s0 =	sld [smem:$0x3F9A];
	_ =	swait.ge [sflag:s4], $0x0  }
0x19: {  	s7 =	sld [smem:$0x3F9B]  }
0x1a: {  	s8 =	sadd.s32 $0xFFFFE003, lr  }
0x1b: {  	s9 =	sadd.s32 $0xFFFFFEF7, lr;
	s5 =	simm.s32 $0xFFFFFFFF;
	p2 =	slt.u32 s8, $0xFFFFF086  }
0x1c: {  	p1 =	slt.u32 s9, $0xF7A;
	s5 =	simm.s32 @!p2 $0x0  }
0x1d: {  	s5 =	simm.s32 @p1 $0x1;
	p0 =	seq.s32 s7, s2  }
0x1e: {  	s7 =	smul.u32 @!p0 $0xF7A, s2;
	p2 =	seq.s32 @!p0 s5, $0x0  }
0x1f: {  	s9 =	smul.u32 $0xF7A, s1;
	s8 =	simm.s32 @!p0 $0x1BF5;
	p2 =	por !p2, p0  }
0x20: {  	[sflag:s8] =	ssyncset.s32 @!p0 $0xFFFFF086;
	s6 =	sadd.s32 @!p0 s3, s7;
	s7 =	simm.s32 @!p0 $0x108  }
0x21: {  	s3 =	sadd.s32 s3, s9;
	s6 =	sadd.s32 @!p0 $0x88, s6;
	s7 =	simm.s32 @p2 $0x1082  }
0x22: {  	[simem:s7], [sflag:s8] =	dma.local @!p0 [hbm:s6], $0xF7A  }
0x23: {  	s9 =	sor.u32 $0xD0000000, s2;
	s6 =	simm.s32 $0x108;
	_ =	swait.ge @!p0 [sflag:s8], $0x0  }
0x24: {  	s3 =	sadd.s32 $0x88, s3;
	s6 =	simm.s32 @!p1 $0x1082;
	[sflag:s4] =	ssyncset.s32 $0xFFFFF086  }
0x25: {  	[simem:s6], [sflag:s4] =	dma.local [hbm:s3], $0xF7A  }
0x26: {  	[smem:$0x3F9B] =	sst s1;
	(tag) =	ssettag s2;
	_ =	strace s9  }
0x27: {  	s1 =	sld [smem:$0x3FAB]  }
0x28: {  	s2 =	sld [smem:$0x3FAC]  }
0x29: {  	s4 =	sld [smem:$0x3FAE]  }
0x2a: {  	p0 =	seq.s32 s5, $0x0;
	s5 =	sld [smem:$0x3FAF]  }
0x2b: {  	s6 =	sld [smem:$0x3FB0]  }
0x2c: {  	s7 =	sld [smem:$0x3FB1]  }
0x2d: {  	s3 =	simm.s32 $0x108;
	s8 =	sld [smem:$0x3FB2]  }
0x2e: {  	s3 =	simm.s32 @!p0 $0x1082;
	s9 =	sld [smem:$0x3FB3]  }
0x2f: {  	lr =	sadd.s32 s0, s3;
	s0 =	sld [smem:$0x3FAA]  }
0x30: {  	s3 =	sld [smem:$0x3FAD]  }
0x31: {  	[smem:$0x3FB6] =	sst s10  }
0x32: {  	s10 =	sld [smem:$0x3FB4];
	_ =	sdelay $0x3  }
0x33: {  	p0 =	seq.s32 s10, $0x1;
	s10 =	sld [smem:$0x3FB6];
	_ =	sdelay $0x3  }
0x34: {  	[smem:$0x3FB6] =	sst s10  }
0x35: {  	s10 =	sld [smem:$0x3FB5];
	_ =	sdelay $0x3  }
0x36: {  	p1 =	seq.s32 s10, $0x1;
	s10 =	sld [smem:$0x3FB6];
	_ =	sdelay $0x3  }
0x37: {  	[smem:$0x3FB6] =	sst s10  }
0x38: {  	s10 =	sld [smem:$0x3FB7]  }
0x39: {  	_ = 	snop;
	(pc) =	sbr.ind lr, $3  }
0x3a: {  	_ = 	snop  }
0x3b: {  	_ = 	snop  }
0x3c: {  	p2 =	seq.s32 s10, $0x1;
	s10 =	sld [smem:$0x3FB6]  }
0x3d: {  	_ =	shalt  }
0x3e: {  	_ =	shalt  }
0x3f: {  	_ =	shalt  }
0x40: {  	_ =	shalt  }
0x41: {  	_ =	shalt  }
0x42: {  	_ =	shalt  }
0x43: {  	_ =	shalt  }
0x44: {  	_ =	shalt  }
0x45: {  	_ =	shalt  }
0x46: {  	_ =	shalt  }
0x47: {  	_ =	shalt  }
0x48: {  	_ =	shalt  }
0x49: {  	_ =	shalt  }
0x4a: {  	_ =	shalt  }
0x4b: {  	_ =	shalt  }
0x4c: {  	_ =	shalt  }
0x4d: {  	_ =	shalt  }
0x4e: {  	_ =	shalt  }
0x4f: {  	_ =	shalt  }
0x50: {  	_ =	shalt  }
0x51: {  	_ =	shalt  }
0x52: {  	_ =	shalt  }
0x53: {  	_ =	shalt  }
0x54: {  	_ =	shalt  }
0x55: {  	_ =	shalt  }
0x56: {  	_ =	shalt  }
0x57: {  	_ =	shalt  }
0x58: {  	_ =	shalt  }
0x59: {  	_ =	shalt  }
0x5a: {  	_ =	shalt  }
0x5b: {  	_ =	shalt  }
0x5c: {  	_ =	shalt  }
0x5d: {  	_ =	shalt  }
0x5e: {  	_ =	shalt  }
0x5f: {  	_ =	shalt  }
0x60: {  	_ =	shalt  }
0x61: {  	_ =	shalt  }
0x62: {  	_ =	shalt  }
0x63: {  	_ =	shalt  }
0x64: {  	_ =	shalt  }
0x65: {  	_ =	shalt  }
0x66: {  	_ =	shalt  }
0x67: {  	_ =	shalt  }
0x68: {  	_ =	shalt  }
0x69: {  	_ =	shalt  }
0x6a: {  	_ =	shalt  }
0x6b: {  	_ =	shalt  }
0x6c: {  	_ =	shalt  }
0x6d: {  	_ =	shalt  }
0x6e: {  	_ =	shalt  }
0x6f: {  	_ =	shalt  }
0x70: {  	_ =	shalt  }
0x71: {  	_ =	shalt  }
0x72: {  	_ =	shalt  }
0x73: {  	_ =	shalt  }
0x74: {  	_ =	shalt  }
0x75: {  	_ =	shalt  }
0x76: {  	_ =	shalt  }
0x77: {  	_ =	shalt  }
0x78: {  	_ =	shalt  }
0x79: {  	_ =	shalt  }
0x7a: {  	_ =	shalt  }
0x7b: {  	_ =	shalt  }
0x7c: {  	_ =	shalt  }
0x7d: {  	_ =	shalt  }
0x7e: {  	_ =	shalt  }
0x7f: {  	_ =	shalt  }
0x80: {  	_ =	shalt  }
0x81: {  	_ =	shalt  }
0x82: {  	_ =	shalt  }
0x83: {  	_ =	shalt  }
0x84: {  	_ =	shalt  }
0x85: {  	_ =	shalt  }
0x86: {  	_ =	shalt  }
0x87: {  	_ =	shalt  }
.Lfunc_end0:
.L_simem_size_0:
called_computation_lowered:
.L_overlay_start_0:
0x88: {  	s2 =	sld [smem:$0x3FD9]  }
0x89: {  	s3 =	sld [smem:$0x3FFE];
	_ =	sdelay $0x1  }
0x8a: {  	s1 =	srdreg.scid  }
0x8b: {  	s0 =	sand.u32 $0x1, s1  }
0x8c: {  	s17 =	sshll.u32 s0, $0xA;
	s2 =	sadd.s32 s3, s2  }
0x8d: {  	s2 =	sadd.s32 s2, s17  }
0x8e: {  	[smem:$0x3FC2] =	sst s2  }
0x8f: {  	_ = 	snop  }
0x90: {  	s2 =	sld [smem:$0x3FD0];
	(tm) =	ssettm $0x1  }
0x91: {  	s18 =	sld [smem:$0x3FFB];
	_ =	sdelay $0x3  }
0x92: {  	_ =	strace s18  }
0x93: {  	s3 =	sld [smem:$0x3FFC];
	_ =	sdelay $0x3  }
0x94: {  	_ =	strace s3  }
0x95: {  	s3 =	sld [smem:$0x3FFD];
	_ =	sdelay $0x3  }
0x96: {  	_ =	strace s3  }
0x97: {  	_ =	strace $0x8FFFFFFF  }
0x98: {  	s19 =	sld [smem:$0x3FDB];
	_ =	sdelay $0x1  }
0x99: {  	s4 =	simm.s32 $_scs_section_size  }
0x9a: {  	s5 =	simm.s32 $_size__tile_overlayer_lowered;
	s6 =	simm.s32 $_tile_overlayer_lowered  }
0x9b: {  	s22 =	simm.s32 $0x1BFF;
	s21 =	sshll.u32 s6, $0x1;
	s3 =	sadd.s32 s4, s19  }
0x9c: {  	s7 =	simm.s32 $0x0;
	s20 =	sshll.u32 s5, $0x1;
	s5 =	sadd.s32 s21, s3  }
0x9d: {  	[timem:s7], [sflag:s22] =	dma.local [hbm:s5], s20  }
0x9e: {  	_ =	swait.ge [sflag:s22], s20  }
0x9f: {  	s4 =	ssub.s32 $0x0, s20;
	[sflag:s22] =	ssyncset.done $0x0  }
0xa0: {  	[sflag:s22] =	ssyncadd.s32 s4;
	_ =	sdelay $0x1  }
0xa1: {  	s23 =	simm.s32 $0x1B8B  }
0xa2: {  	_ =	swait.ge [sflag:s23], $0x1  }
0xa3: {  	[sflag:s23] =	ssyncset.done $0x0  }
0xa4: {  	s25 =	simm.s32 $0x1B8E;
	s24 =	sld [smem:$0x3FFE];
	[sflag:s23] =	ssyncadd.s32 $0xFFFFFFFF  }
0xa5: {  	s26 =	simm.s32 $execute0_lowered;
	[smem:$0x3FD2] =	sst s25  }
0xa6: {  	s5 =	sshll.u32 s26, $0x1;
	_ =	strace $0x80000046;
	[dreg:$0x1] =	wrdreg $0xFFFFFFFF  }
0xa7: {  	s28 =	simm.s32 $_size_execute0_lowered;
	s3 =	sadd.s32 s3, s5;
	[dreg:$0x0] =	wrdreg $0x0  }
0xa8: {  	s5 =	sshll.u32 s28, $0x1;
	[dreg:$0x2] =	wrdreg s3  }
0xa9: {  	[dreg:$0x3] =	wrdreg s5  }
0xaa: {  	[dreg:$0x4] =	wrdreg $0xC0  }
0xab: {  	_ =	task [dreg:s7], $0x5FFFF  }
0xac: {  	[dreg:$0x1] =	wrdreg $0xFFFFFFFF  }
0xad: {  	[dreg:$0x0] =	wrdreg $0x60  }
0xae: {  	[dreg:$0x2] =	wrdreg s24  }
0xaf: {  	[dreg:$0x3] =	wrdreg s2  }
0xb0: {  	[dreg:$0x4] =	wrdreg $0x0  }
0xb1: {  	[dreg:$0x5] =	wrdreg $0x9  }
0xb2: {  	_ =	task.clear_ibuf [dreg:s7], $0x6FFFF;
	_ =	strace $0x90000046  }
0xb3: {  	s29 =	simm.s32 $0x9;
	_ =	strace $0x80000048  }
0xb4: {  	_ =	swait.ge [sflag:s29], $0x1  }
0xb5: {  	[sflag:s29] =	ssyncadd.s32 $0xFFFFFFFF  }
0xb6: {  	_ =	strace $0x90000048  }
0xb7: {  	_ =	sfence  }
0xb8: {  	s30 =	sld [smem:$0x0];
	_ =	sdelay $0x2  }
0xb9: {  	s31 =	sshll.u32 s1, $0xD;
	s1 =	sshrl.u32 s1, $0x2  }
0xba: {  	s3 =	sand.u32 $0x4000, s31;
	s1 =	sadd.s32 s1, s30  }
0xbb: {  	s0 =	sor.u32 s3, s0;
	s1 =	sshll.u32 s1, $0x11  }
0xbc: {  	s0 =	sor.u32 s1, s0  }
0xbd: {  	s0 =	sadd.s32 $0x8F2B, s0  }
0xbe: {  	[sflag:s0] =	ssyncadd.remote.s32 $0x1  }
0xbf: {  	_ =	sfence.sel $0xFFFF  }
0xc0: {  	[dreg:$0x0] =	wrdreg $0xFFFFFFFF;
	(pc) =	sbr.abs _section_cstart, $3  }
0xc1: {  	[dreg:$0x1] =	wrdreg $0xFFFFFFFF  }
0xc2: {  	_ =	task.clear_ibuf [dreg:s7], $0x2FFFF;
	_ =	strace $0x9FFFFFFF  }
0xc3: {  	(tm) =	ssettm $0x7FFFFFFF  }
tec
execute0_lowered:
.L_overlay_start_1:
0x0: {  	(tag) =	ssettag $0x1  }
0x1: {  	s4 =	rddreg [dreg:$0x0]  }
0x2: {  	s0 =	srdreg.scid;
	s6 =	rddreg [dreg:$0x1]  }
0x3: {  	s2 =	rddreg [dreg:$0x2];
	s3 =	simm.s32 $0x0;
	s11 =	simm.s32 $0x28  }
0x4: {  	s12 =	simm.s32 $0x2A00;
	s13 =	simm.s32 $0x1;
	s14 =	simm.s32 $0x80  }
0x5: {  	s15 =	simm.s32 $0x100;
	s5 =	sand.u32 $0x1, s0;
	s0 =	stileid.u32  }
0x6: {  	s16 =	simm.s32 $0x0;
	[smem:$0x7FF] =	sst s3;
	s8 =	smul.u32 $0xA00, s0  }
0x7: {  	s1 =	sshll.u32 s5, $0x4;
	s9 =	smul.u32 $0x500, s0;
	s29 =	ssub.s32 $0x2, s5  }
0x8: {  	s5 =	sshll.u32 s5, $0x7;
	s7 =	sor.u32 s0, s1;
	s1 =	rddreg [dreg:$0x3]  }
0x9: {  	_ =	strace $0x80000047;
	s10 =	sshrl.u32 s29, $0x1;
	s7 =	smul.u32 $0x4E2, s7  }
0xa: {  	s8 =	sshrl.u32 s8, $0x2;
	s5 =	sor.u32 s5, s9;
	s30 =	ssub.s32 s29, s10  }
0xb: {  	s9 =	simm.s32 $0x2;
	s10 =	simm.s32 $0x280;
	s31 =	sshrl.u32 s5, $0x3  }
0xc: {  	s7 =	sadd.s32 s7, s4;
	s4 =	sadd.s32 s8, s2;
	s6 =	sadd.s32 s6, s31  }
0xd: {  	v0 =	vimm.f32 $0.0e+00;
	v1 =	vimm.f32 $1.000000000e+00;
	s8 =	simm.s32 $0x2A80;
	s5 =	sadd.s32 $0xBE00, s7;
	s7 =	smax.u32 s30, $0x1  }
.LBB2_1:
0xe: {  	[tilespmem:$0x2A80] =	vst v0  }
0xf: {  	[tilespmem:$0x2A90] =	vst v0  }
0x10: {  	[tilespmem:$0x2AA0] =	vst v0  }
0x11: {  	[tilespmem:$0x2AB0] =	vst v0  }
0x12: {  	[tilespmem:$0x2AC0] =	vst v0  }
0x13: {  	[tilespmem:$0x2AD0] =	vst v0  }
0x14: {  	[tilespmem:$0x2AE0] =	vst v0  }
0x15: {  	[tilespmem:$0x2AF0] =	vst v0  }
0x16: {  	[tilespmem:$0x2B00] =	vst v0  }
0x17: {  	[tilespmem:$0x2B10] =	vst v0  }
0x18: {  	[tilespmem:$0x2B20] =	vst v0  }
0x19: {  	[tilespmem:$0x2B30] =	vst v0  }
0x1a: {  	[tilespmem:$0x2B40] =	vst v0  }
0x1b: {  	[tilespmem:$0x2B50] =	vst v0  }
0x1c: {  	[tilespmem:$0x2B60] =	vst v0  }
0x1d: {  	[tilespmem:$0x2B70] =	vst v0  }
0x1e: {  	[tilespmem:$0x2B80] =	vst v0  }
0x1f: {  	[tilespmem:$0x2B90] =	vst v0  }
0x20: {  	[tilespmem:$0x2BA0] =	vst v0  }
0x21: {  	[tilespmem:$0x2BB0] =	vst v0  }
0x22: {  	[tilespmem:$0x2BC0] =	vst v0  }
0x23: {  	[tilespmem:$0x2BD0] =	vst v0  }
0x24: {  	[tilespmem:$0x2BE0] =	vst v0  }
0x25: {  	[tilespmem:$0x2BF0] =	vst v0  }
0x26: {  	[tilespmem:$0x2C00] =	vst v0  }
0x27: {  	[tilespmem:$0x2C10] =	vst v0  }
0x28: {  	[tilespmem:$0x2C20] =	vst v0  }
0x29: {  	[tilespmem:$0x2C30] =	vst v0  }
0x2a: {  	[tilespmem:$0x2C40] =	vst v0  }
0x2b: {  	[tilespmem:$0x2C50] =	vst v0  }
0x2c: {  	[tilespmem:$0x2C60] =	vst v0  }
0x2d: {  	[tilespmem:$0x2C70] =	vst v0  }
0x2e: {  	[tilespmem:$0x2C80] =	vst v0  }
0x2f: {  	[tilespmem:$0x2C90] =	vst v0  }
0x30: {  	[tilespmem:$0x2CA0] =	vst v0  }
0x31: {  	[tilespmem:$0x2CB0] =	vst v0  }
0x32: {  	[tilespmem:$0x2CC0] =	vst v0  }
0x33: {  	[tilespmem:$0x2CD0] =	vst v0  }
0x34: {  	[tilespmem:$0x2CE0] =	vst v0  }
0x35: {  	[tilespmem:$0x2CF0] =	vst v0  }
0x36: {  	[tilespmem:$0x2A00] =	vst v1  }
0x37: {  	[tilespmem:$0x2A10] =	vst v1  }
0x38: {  	[tilespmem:$0x2A18] =	vst v1  }
0x39: {  	[spmem:s4] =	stream.linear.scatter [tilespmem:s8], [sflag:$0x2], $0x280, $0x38;
	[tilespmem:$0x2D00] =	vst v63  }
0x3a: {  	_ =	swait.ge [sflag:s9], $0x280  }
0x3b: {  	[sflag:s9] =	ssyncset.done $0x0  }
0x3c: {  	[sflag:s9] =	ssyncadd.s32 $0xFFFFFD80  }
0x3d: {  	[tilespmem:s10], [sflag:$0x2] =	stream.linear.gather [hbm4b:s5+s3], $0x2710, $0x38;
	[tilespmem:$0x2D00] =	vst v63  }
0x3e: {  	_ =	swait.ge [sflag:s9], $0x2710  }
0x3f: {  	[sflag:s9] =	ssyncset.done $0x0  }
0x40: {  	[sflag:s9] =	ssyncadd.s32 $0xFFFFD8F0  }
0x41: {  	s17 =	simm.s32 $0x280;
	[bflag:$0x0] =	sbarrier.arrive $0xFFFF  }
0x42: {  	[spmem:s2] =	stream.indirect.scatter.add.f32 [tilespmem:s12], [sflag:$0x1], $0x1, s17, s11, $0xb8;
	[tilespmem:$0x2D00] =	vst v63  }
0x43: {  	s20 =	simm.s32 $0x2A8  }
0x44: {  	[spmem:s2] =	stream.indirect.scatter.add.f32 [tilespmem:s12], [sflag:$0x1], $0x1, s20, s11, $0xb8;
	[tilespmem:$0x2D00] =	vst v63  }
0x45: {  	s21 =	simm.s32 $0x2D0  }
0x46: {  	[spmem:s2] =	stream.indirect.scatter.add.f32 [tilespmem:s12], [sflag:$0x1], $0x1, s21, s11, $0xb8;
	[tilespmem:$0x2D00] =	vst v63  }
0x47: {  	s22 =	simm.s32 $0x2F8  }
0x48: {  	[spmem:s2] =	stream.indirect.scatter.add.f32 [tilespmem:s12], [sflag:$0x1], $0x1, s22, s11, $0xb8;
	[tilespmem:$0x2D00] =	vst v63  }
0x49: {  	s23 =	simm.s32 $0x320  }
0x4a: {  	[spmem:s2] =	stream.indirect.scatter.add.f32 [tilespmem:s12], [sflag:$0x1], $0x1, s23, s11, $0xb8;
	[tilespmem:$0x2D00] =	vst v63  }
0x4b: {  	s24 =	simm.s32 $0x348  }
0x4c: {  	[spmem:s2] =	stream.indirect.scatter.add.f32 [tilespmem:s12], [sflag:$0x1], $0x1, s24, s11, $0xb8;
	[tilespmem:$0x2D00] =	vst v63  }
0x4d: {  	s25 =	simm.s32 $0x370  }
0x4e: {  	[spmem:s2] =	stream.indirect.scatter.add.f32 [tilespmem:s12], [sflag:$0x1], $0x1, s25, s11, $0xb8;
	[tilespmem:$0x2D00] =	vst v63  }
0x4f: {  	s26 =	simm.s32 $0x398  }
0x50: {  	[spmem:s2] =	stream.indirect.scatter.add.f32 [tilespmem:s12], [sflag:$0x1], $0x1, s26, s11, $0xb8;
	[tilespmem:$0x2D00] =	vst v63  }
0x51: {  	s28 =	simm.s32 $0x3C0  }
0x52: {  	[spmem:s2] =	stream.indirect.scatter.add.f32 [tilespmem:s12], [sflag:$0x1], $0x1, s28, s11, $0xb8;
	[tilespmem:$0x2D00] =	vst v63  }
0x53: {  	s29 =	simm.s32 $0x3E8  }
0x54: {  	[spmem:s2] =	stream.indirect.scatter.add.f32 [tilespmem:s12], [sflag:$0x1], $0x1, s29, s11, $0xb8;
	[tilespmem:$0x2D00] =	vst v63  }
0x55: {  	s30 =	simm.s32 $0x410  }
0x56: {  	[spmem:s2] =	stream.indirect.scatter.add.f32 [tilespmem:s12], [sflag:$0x1], $0x1, s30, s11, $0xb8;
	[tilespmem:$0x2D00] =	vst v63  }
0x57: {  	s31 =	simm.s32 $0x438  }
0x58: {  	[spmem:s2] =	stream.indirect.scatter.add.f32 [tilespmem:s12], [sflag:$0x1], $0x1, s31, s11, $0xb8;
	[tilespmem:$0x2D00] =	vst v63  }
0x59: {  	s18 =	simm.s32 $0x460  }
0x5a: {  	[spmem:s2] =	stream.indirect.scatter.add.f32 [tilespmem:s12], [sflag:$0x1], $0x1, s18, s11, $0xb8;
	[tilespmem:$0x2D00] =	vst v63  }
0x5b: {  	s19 =	simm.s32 $0x488  }
0x5c: {  	[spmem:s2] =	stream.indirect.scatter.add.f32 [tilespmem:s12], [sflag:$0x1], $0x1, s19, s11, $0xb8;
	[tilespmem:$0x2D00] =	vst v63  }
0x5d: {  	s20 =	simm.s32 $0x4B0  }
0x5e: {  	[spmem:s2] =	stream.indirect.scatter.add.f32 [tilespmem:s12], [sflag:$0x1], $0x1, s20, s11, $0xb8;
	[tilespmem:$0x2D00] =	vst v63  }
0x5f: {  	s21 =	simm.s32 $0x4D8  }
0x60: {  	[spmem:s2] =	stream.indirect.scatter.add.f32 [tilespmem:s12], [sflag:$0x1], $0x1, s21, s11, $0xb8;
	[tilespmem:$0x2D00] =	vst v63  }
0x61: {  	s22 =	simm.s32 $0x500  }
0x62: {  	[spmem:s2] =	stream.indirect.scatter.add.f32 [tilespmem:s12], [sflag:$0x1], $0x1, s22, s11, $0xb8;
	[tilespmem:$0x2D00] =	vst v63  }
0x63: {  	s23 =	simm.s32 $0x528  }
0x64: {  	[spmem:s2] =	stream.indirect.scatter.add.f32 [tilespmem:s12], [sflag:$0x1], $0x1, s23, s11, $0xb8;
	[tilespmem:$0x2D00] =	vst v63  }
0x65: {  	s24 =	simm.s32 $0x550  }
0x66: {  	[spmem:s2] =	stream.indirect.scatter.add.f32 [tilespmem:s12], [sflag:$0x1], $0x1, s24, s11, $0xb8;
	[tilespmem:$0x2D00] =	vst v63  }
0x67: {  	s25 =	simm.s32 $0x578  }
0x68: {  	[spmem:s2] =	stream.indirect.scatter.add.f32 [tilespmem:s12], [sflag:$0x1], $0x1, s25, s11, $0xb8;
	[tilespmem:$0x2D00] =	vst v63  }
0x69: {  	s26 =	simm.s32 $0x5A0  }
0x6a: {  	[spmem:s2] =	stream.indirect.scatter.add.f32 [tilespmem:s12], [sflag:$0x1], $0x1, s26, s11, $0xb8;
	[tilespmem:$0x2D00] =	vst v63  }
0x6b: {  	s28 =	simm.s32 $0x5C8  }
0x6c: {  	[spmem:s2] =	stream.indirect.scatter.add.f32 [tilespmem:s12], [sflag:$0x1], $0x1, s28, s11, $0xb8;
	[tilespmem:$0x2D00] =	vst v63  }
0x6d: {  	s29 =	simm.s32 $0x5F0  }
0x6e: {  	[spmem:s2] =	stream.indirect.scatter.add.f32 [tilespmem:s12], [sflag:$0x1], $0x1, s29, s11, $0xb8;
	[tilespmem:$0x2D00] =	vst v63  }
0x6f: {  	s30 =	simm.s32 $0x618  }
0x70: {  	[spmem:s2] =	stream.indirect.scatter.add.f32 [tilespmem:s12], [sflag:$0x1], $0x1, s30, s11, $0xb8;
	[tilespmem:$0x2D00] =	vst v63  }
0x71: {  	s31 =	simm.s32 $0x640  }
0x72: {  	[spmem:s2] =	stream.indirect.scatter.add.f32 [tilespmem:s12], [sflag:$0x1], $0x1, s31, s11, $0xb8;
	[tilespmem:$0x2D00] =	vst v63  }
0x73: {  	_ =	swait.ge [sflag:s13], $0x28  }
0x74: {  	[sflag:s13] =	ssyncset.done $0x0  }
0x75: {  	[sflag:s13] =	ssyncadd.s32 $0xFFFFFFD8  }
0x76: {  	_ =	swait.ge [sflag:s13], $0x28  }
0x77: {  	[sflag:s13] =	ssyncset.done $0x0  }
0x78: {  	[sflag:s13] =	ssyncadd.s32 $0xFFFFFFD8  }
0x79: {  	_ =	swait.ge [sflag:s13], $0x28  }
0x7a: {  	[sflag:s13] =	ssyncset.done $0x0  }
0x7b: {  	[sflag:s13] =	ssyncadd.s32 $0xFFFFFFD8  }
0x7c: {  	_ =	swait.ge [sflag:s13], $0x28  }
0x7d: {  	[sflag:s13] =	ssyncset.done $0x0  }
0x7e: {  	[sflag:s13] =	ssyncadd.s32 $0xFFFFFFD8  }
0x7f: {  	_ =	swait.ge [sflag:s13], $0x28  }
0x80: {  	[sflag:s13] =	ssyncset.done $0x0  }
0x81: {  	[sflag:s13] =	ssyncadd.s32 $0xFFFFFFD8  }
0x82: {  	_ =	swait.ge [sflag:s13], $0x28  }
0x83: {  	[sflag:s13] =	ssyncset.done $0x0  }
0x84: {  	[sflag:s13] =	ssyncadd.s32 $0xFFFFFFD8  }
0x85: {  	_ =	swait.ge [sflag:s13], $0x28  }
0x86: {  	[sflag:s13] =	ssyncset.done $0x0  }
0x87: {  	[sflag:s13] =	ssyncadd.s32 $0xFFFFFFD8  }
0x88: {  	_ =	swait.ge [sflag:s13], $0x28  }
0x89: {  	[sflag:s13] =	ssyncset.done $0x0  }
0x8a: {  	[sflag:s13] =	ssyncadd.s32 $0xFFFFFFD8  }
0x8b: {  	_ =	swait.ge [sflag:s13], $0x28  }
0x8c: {  	[sflag:s13] =	ssyncset.done $0x0  }
0x8d: {  	[sflag:s13] =	ssyncadd.s32 $0xFFFFFFD8  }
0x8e: {  	_ =	swait.ge [sflag:s13], $0x28  }
0x8f: {  	[sflag:s13] =	ssyncset.done $0x0  }
0x90: {  	[sflag:s13] =	ssyncadd.s32 $0xFFFFFFD8  }
0x91: {  	_ =	swait.ge [sflag:s13], $0x28  }
0x92: {  	[sflag:s13] =	ssyncset.done $0x0  }
0x93: {  	[sflag:s13] =	ssyncadd.s32 $0xFFFFFFD8  }
0x94: {  	_ =	swait.ge [sflag:s13], $0x28  }
0x95: {  	[sflag:s13] =	ssyncset.done $0x0  }
0x96: {  	[sflag:s13] =	ssyncadd.s32 $0xFFFFFFD8  }
0x97: {  	_ =	swait.ge [sflag:s13], $0x28  }
0x98: {  	[sflag:s13] =	ssyncset.done $0x0  }
0x99: {  	[sflag:s13] =	ssyncadd.s32 $0xFFFFFFD8  }
0x9a: {  	_ =	swait.ge [sflag:s13], $0x28  }
0x9b: {  	[sflag:s13] =	ssyncset.done $0x0  }
0x9c: {  	[sflag:s13] =	ssyncadd.s32 $0xFFFFFFD8  }
0x9d: {  	_ =	swait.ge [sflag:s13], $0x28  }
0x9e: {  	[sflag:s13] =	ssyncset.done $0x0  }
0x9f: {  	[sflag:s13] =	ssyncadd.s32 $0xFFFFFFD8  }
0xa0: {  	_ =	swait.ge [sflag:s13], $0x28  }
0xa1: {  	[sflag:s13] =	ssyncset.done $0x0  }
0xa2: {  	[sflag:s13] =	ssyncadd.s32 $0xFFFFFFD8  }
0xa3: {  	_ =	swait.ge [sflag:s13], $0x28  }
0xa4: {  	[sflag:s13] =	ssyncset.done $0x0  }
0xa5: {  	[sflag:s13] =	ssyncadd.s32 $0xFFFFFFD8  }
0xa6: {  	_ =	swait.ge [sflag:s13], $0x28  }
0xa7: {  	[sflag:s13] =	ssyncset.done $0x0  }
0xa8: {  	[sflag:s13] =	ssyncadd.s32 $0xFFFFFFD8  }
0xa9: {  	_ =	swait.ge [sflag:s13], $0x28  }
0xaa: {  	[sflag:s13] =	ssyncset.done $0x0  }
0xab: {  	[sflag:s13] =	ssyncadd.s32 $0xFFFFFFD8  }
0xac: {  	_ =	swait.ge [sflag:s13], $0x28  }
0xad: {  	[sflag:s13] =	ssyncset.done $0x0  }
0xae: {  	[sflag:s13] =	ssyncadd.s32 $0xFFFFFFD8  }
0xaf: {  	_ =	swait.ge [sflag:s13], $0x28  }
0xb0: {  	[sflag:s13] =	ssyncset.done $0x0  }
0xb1: {  	[sflag:s13] =	ssyncadd.s32 $0xFFFFFFD8  }
0xb2: {  	_ =	swait.ge [sflag:s13], $0x28  }
0xb3: {  	[sflag:s13] =	ssyncset.done $0x0  }
0xb4: {  	[sflag:s13] =	ssyncadd.s32 $0xFFFFFFD8  }
0xb5: {  	_ =	swait.ge [sflag:s13], $0x28  }
0xb6: {  	[sflag:s13] =	ssyncset.done $0x0  }
0xb7: {  	[sflag:s13] =	ssyncadd.s32 $0xFFFFFFD8  }
0xb8: {  	_ =	swait.ge [sflag:s13], $0x28  }
0xb9: {  	[sflag:s13] =	ssyncset.done $0x0  }
0xba: {  	[sflag:s13] =	ssyncadd.s32 $0xFFFFFFD8  }
0xbb: {  	_ =	swait.ge [sflag:s13], $0x28  }
0xbc: {  	s19 =	simm.s32 $0x3E8;
	s20 =	simm.s32 $0x1F40;
	[sflag:s13] =	ssyncset.done $0x0  }
.LBB2_2:
0xbd: {  	s21 =	sadd.s32 $0x280, s19  }
0xbe: {  	[sflag:s13] =	ssyncadd.s32 $0xFFFFFFD8;
	s18 =	smov.u32 s20;
	s17 =	sadd.s32 $0xFA0, s20  }
0xbf: {  	[spmem:s2] =	stream.indirect.scatter.add.f32 [tilespmem:s12], [sflag:$0x1], $0x1, s21, s11, $0xb8;
	[tilespmem:$0x2D00] =	vst v63  }
0xc0: {  	p0 =	sne.s32 s20, $0x8CA0;
	s20 =	sadd.s32 $0x2A8, s19  }
0xc1: {  	[spmem:s2] =	stream.indirect.scatter.add.f32 [tilespmem:s12], [sflag:$0x1], $0x1, s20, s11, $0xb8;
	[tilespmem:$0x2D00] =	vst v63  }
0xc2: {  	s20 =	sadd.s32 $0x2D0, s19  }
0xc3: {  	[spmem:s2] =	stream.indirect.scatter.add.f32 [tilespmem:s12], [sflag:$0x1], $0x1, s20, s11, $0xb8;
	[tilespmem:$0x2D00] =	vst v63  }
0xc4: {  	s20 =	sadd.s32 $0x2F8, s19  }
0xc5: {  	[spmem:s2] =	stream.indirect.scatter.add.f32 [tilespmem:s12], [sflag:$0x1], $0x1, s20, s11, $0xb8;
	[tilespmem:$0x2D00] =	vst v63  }
0xc6: {  	s20 =	sadd.s32 $0x320, s19  }
0xc7: {  	[spmem:s2] =	stream.indirect.scatter.add.f32 [tilespmem:s12], [sflag:$0x1], $0x1, s20, s11, $0xb8;
	[tilespmem:$0x2D00] =	vst v63  }
0xc8: {  	s20 =	sadd.s32 $0x348, s19  }
0xc9: {  	[spmem:s2] =	stream.indirect.scatter.add.f32 [tilespmem:s12], [sflag:$0x1], $0x1, s20, s11, $0xb8;
	[tilespmem:$0x2D00] =	vst v63  }
0xca: {  	s20 =	sadd.s32 $0x370, s19  }
0xcb: {  	[spmem:s2] =	stream.indirect.scatter.add.f32 [tilespmem:s12], [sflag:$0x1], $0x1, s20, s11, $0xb8;
	[tilespmem:$0x2D00] =	vst v63  }
0xcc: {  	s20 =	sadd.s32 $0x398, s19  }
0xcd: {  	[spmem:s2] =	stream.indirect.scatter.add.f32 [tilespmem:s12], [sflag:$0x1], $0x1, s20, s11, $0xb8;
	[tilespmem:$0x2D00] =	vst v63  }
0xce: {  	s20 =	sadd.s32 $0x3C0, s19  }
0xcf: {  	[spmem:s2] =	stream.indirect.scatter.add.f32 [tilespmem:s12], [sflag:$0x1], $0x1, s20, s11, $0xb8;
	[tilespmem:$0x2D00] =	vst v63  }
0xd0: {  	s20 =	sadd.s32 $0x3E8, s19  }
0xd1: {  	[spmem:s2] =	stream.indirect.scatter.add.f32 [tilespmem:s12], [sflag:$0x1], $0x1, s20, s11, $0xb8;
	[tilespmem:$0x2D00] =	vst v63  }
0xd2: {  	s20 =	sadd.s32 $0x410, s19  }
0xd3: {  	[spmem:s2] =	stream.indirect.scatter.add.f32 [tilespmem:s12], [sflag:$0x1], $0x1, s20, s11, $0xb8;
	[tilespmem:$0x2D00] =	vst v63  }
0xd4: {  	s20 =	sadd.s32 $0x438, s19  }
0xd5: {  	[spmem:s2] =	stream.indirect.scatter.add.f32 [tilespmem:s12], [sflag:$0x1], $0x1, s20, s11, $0xb8;
	[tilespmem:$0x2D00] =	vst v63  }
0xd6: {  	s20 =	sadd.s32 $0x460, s19  }
0xd7: {  	[spmem:s2] =	stream.indirect.scatter.add.f32 [tilespmem:s12], [sflag:$0x1], $0x1, s20, s11, $0xb8;
	[tilespmem:$0x2D00] =	vst v63  }
0xd8: {  	s20 =	sadd.s32 $0x488, s19  }
0xd9: {  	[spmem:s2] =	stream.indirect.scatter.add.f32 [tilespmem:s12], [sflag:$0x1], $0x1, s20, s11, $0xb8;
	[tilespmem:$0x2D00] =	vst v63  }
0xda: {  	s20 =	sadd.s32 $0x4B0, s19  }
0xdb: {  	[spmem:s2] =	stream.indirect.scatter.add.f32 [tilespmem:s12], [sflag:$0x1], $0x1, s20, s11, $0xb8;
	[tilespmem:$0x2D00] =	vst v63  }
0xdc: {  	s20 =	sadd.s32 $0x4D8, s19  }
0xdd: {  	[spmem:s2] =	stream.indirect.scatter.add.f32 [tilespmem:s12], [sflag:$0x1], $0x1, s20, s11, $0xb8;
	[tilespmem:$0x2D00] =	vst v63  }
0xde: {  	s20 =	sadd.s32 $0x500, s19  }
0xdf: {  	[spmem:s2] =	stream.indirect.scatter.add.f32 [tilespmem:s12], [sflag:$0x1], $0x1, s20, s11, $0xb8;
	[tilespmem:$0x2D00] =	vst v63  }
0xe0: {  	s20 =	sadd.s32 $0x528, s19  }
0xe1: {  	[spmem:s2] =	stream.indirect.scatter.add.f32 [tilespmem:s12], [sflag:$0x1], $0x1, s20, s11, $0xb8;
	[tilespmem:$0x2D00] =	vst v63  }
0xe2: {  	s20 =	sadd.s32 $0x550, s19  }
0xe3: {  	[spmem:s2] =	stream.indirect.scatter.add.f32 [tilespmem:s12], [sflag:$0x1], $0x1, s20, s11, $0xb8;
	[tilespmem:$0x2D00] =	vst v63  }
0xe4: {  	s20 =	sadd.s32 $0x578, s19  }
0xe5: {  	[spmem:s2] =	stream.indirect.scatter.add.f32 [tilespmem:s12], [sflag:$0x1], $0x1, s20, s11, $0xb8;
	[tilespmem:$0x2D00] =	vst v63  }
0xe6: {  	s20 =	sadd.s32 $0x5A0, s19  }
0xe7: {  	[spmem:s2] =	stream.indirect.scatter.add.f32 [tilespmem:s12], [sflag:$0x1], $0x1, s20, s11, $0xb8;
	[tilespmem:$0x2D00] =	vst v63  }
0xe8: {  	s20 =	sadd.s32 $0x5C8, s19  }
0xe9: {  	[spmem:s2] =	stream.indirect.scatter.add.f32 [tilespmem:s12], [sflag:$0x1], $0x1, s20, s11, $0xb8;
	[tilespmem:$0x2D00] =	vst v63  }
0xea: {  	s20 =	sadd.s32 $0x5F0, s19  }
0xeb: {  	[spmem:s2] =	stream.indirect.scatter.add.f32 [tilespmem:s12], [sflag:$0x1], $0x1, s20, s11, $0xb8;
	[tilespmem:$0x2D00] =	vst v63  }
0xec: {  	s20 =	sadd.s32 $0x618, s19  }
0xed: {  	[spmem:s2] =	stream.indirect.scatter.add.f32 [tilespmem:s12], [sflag:$0x1], $0x1, s20, s11, $0xb8;
	[tilespmem:$0x2D00] =	vst v63  }
0xee: {  	s19 =	sadd.s32 $0x640, s19  }
0xef: {  	[spmem:s2] =	stream.indirect.scatter.add.f32 [tilespmem:s12], [sflag:$0x1], $0x1, s19, s11, $0xb8;
	[tilespmem:$0x2D00] =	vst v63  }
0xf0: {  	_ =	swait.ge [sflag:s13], $0x28  }
0xf1: {  	[sflag:s13] =	ssyncset.done $0x0  }
0xf2: {  	[sflag:s13] =	ssyncadd.s32 $0xFFFFFFD8  }
0xf3: {  	_ =	swait.ge [sflag:s13], $0x28  }
0xf4: {  	[sflag:s13] =	ssyncset.done $0x0  }
0xf5: {  	[sflag:s13] =	ssyncadd.s32 $0xFFFFFFD8  }
0xf6: {  	_ =	swait.ge [sflag:s13], $0x28  }
0xf7: {  	[sflag:s13] =	ssyncset.done $0x0  }
0xf8: {  	[sflag:s13] =	ssyncadd.s32 $0xFFFFFFD8  }
0xf9: {  	_ =	swait.ge [sflag:s13], $0x28  }
0xfa: {  	[sflag:s13] =	ssyncset.done $0x0  }
0xfb: {  	[sflag:s13] =	ssyncadd.s32 $0xFFFFFFD8  }
0xfc: {  	_ =	swait.ge [sflag:s13], $0x28  }
0xfd: {  	[sflag:s13] =	ssyncset.done $0x0  }
0xfe: {  	[sflag:s13] =	ssyncadd.s32 $0xFFFFFFD8  }
0xff: {  	_ =	swait.ge [sflag:s13], $0x28  }
0x100: {  	[sflag:s13] =	ssyncset.done $0x0  }
0x101: {  	[sflag:s13] =	ssyncadd.s32 $0xFFFFFFD8  }
0x102: {  	_ =	swait.ge [sflag:s13], $0x28  }
0x103: {  	[sflag:s13] =	ssyncset.done $0x0  }
0x104: {  	[sflag:s13] =	ssyncadd.s32 $0xFFFFFFD8  }
0x105: {  	_ =	swait.ge [sflag:s13], $0x28  }
0x106: {  	[sflag:s13] =	ssyncset.done $0x0  }
0x107: {  	[sflag:s13] =	ssyncadd.s32 $0xFFFFFFD8  }
0x108: {  	_ =	swait.ge [sflag:s13], $0x28  }
0x109: {  	[sflag:s13] =	ssyncset.done $0x0  }
0x10a: {  	[sflag:s13] =	ssyncadd.s32 $0xFFFFFFD8  }
0x10b: {  	_ =	swait.ge [sflag:s13], $0x28  }
0x10c: {  	[sflag:s13] =	ssyncset.done $0x0  }
0x10d: {  	[sflag:s13] =	ssyncadd.s32 $0xFFFFFFD8  }
0x10e: {  	_ =	swait.ge [sflag:s13], $0x28  }
0x10f: {  	[sflag:s13] =	ssyncset.done $0x0  }
0x110: {  	[sflag:s13] =	ssyncadd.s32 $0xFFFFFFD8  }
0x111: {  	_ =	swait.ge [sflag:s13], $0x28  }
0x112: {  	[sflag:s13] =	ssyncset.done $0x0  }
0x113: {  	[sflag:s13] =	ssyncadd.s32 $0xFFFFFFD8  }
0x114: {  	_ =	swait.ge [sflag:s13], $0x28  }
0x115: {  	[sflag:s13] =	ssyncset.done $0x0  }
0x116: {  	[sflag:s13] =	ssyncadd.s32 $0xFFFFFFD8  }
0x117: {  	_ =	swait.ge [sflag:s13], $0x28  }
0x118: {  	[sflag:s13] =	ssyncset.done $0x0  }
0x119: {  	[sflag:s13] =	ssyncadd.s32 $0xFFFFFFD8  }
0x11a: {  	_ =	swait.ge [sflag:s13], $0x28  }
0x11b: {  	[sflag:s13] =	ssyncset.done $0x0  }
0x11c: {  	[sflag:s13] =	ssyncadd.s32 $0xFFFFFFD8  }
0x11d: {  	_ =	swait.ge [sflag:s13], $0x28  }
0x11e: {  	[sflag:s13] =	ssyncset.done $0x0  }
0x11f: {  	[sflag:s13] =	ssyncadd.s32 $0xFFFFFFD8  }
0x120: {  	_ =	swait.ge [sflag:s13], $0x28  }
0x121: {  	[sflag:s13] =	ssyncset.done $0x0  }
0x122: {  	[sflag:s13] =	ssyncadd.s32 $0xFFFFFFD8  }
0x123: {  	_ =	swait.ge [sflag:s13], $0x28  }
0x124: {  	[sflag:s13] =	ssyncset.done $0x0  }
0x125: {  	[sflag:s13] =	ssyncadd.s32 $0xFFFFFFD8  }
0x126: {  	_ =	swait.ge [sflag:s13], $0x28  }
0x127: {  	[sflag:s13] =	ssyncset.done $0x0  }
0x128: {  	[sflag:s13] =	ssyncadd.s32 $0xFFFFFFD8  }
0x129: {  	_ =	swait.ge [sflag:s13], $0x28  }
0x12a: {  	[sflag:s13] =	ssyncset.done $0x0  }
0x12b: {  	[sflag:s13] =	ssyncadd.s32 $0xFFFFFFD8  }
0x12c: {  	_ =	swait.ge [sflag:s13], $0x28  }
0x12d: {  	[sflag:s13] =	ssyncset.done $0x0  }
0x12e: {  	[sflag:s13] =	ssyncadd.s32 $0xFFFFFFD8  }
0x12f: {  	_ =	swait.ge [sflag:s13], $0x28  }
0x130: {  	[sflag:s13] =	ssyncset.done $0x0  }
0x131: {  	[sflag:s13] =	ssyncadd.s32 $0xFFFFFFD8  }
0x132: {  	_ =	swait.ge [sflag:s13], $0x28  }
0x133: {  	[sflag:s13] =	ssyncset.done $0x0  }
0x134: {  	[sflag:s13] =	ssyncadd.s32 $0xFFFFFFD8  }
.Ltmp0:
0x135: {  	_ =	swait.ge [sflag:s13], $0x28;
	(pc) =	sbr.rel @p0 .LBB2_2-.Ltmp0, $4  }
0x136: {  	[sflag:s13] =	ssyncset.done $0x0  }
0x137: {  	[sflag:s13] =	ssyncadd.s32 $0xFFFFFFD8  }
0x138: {  	_ =	swait.ge [sflag:s13], $0x28  }
0x139: {  	s20 =	smov.u32 s17;
	s19 =	sshra.s32 s18, $0x2;
	[sflag:s13] =	ssyncset.done $0x0  }
0x13a: {  	s17 =	sadd.s32 $0x280, s19;
	[sflag:s13] =	ssyncadd.s32 $0xFFFFFFD8  }
0x13b: {  	[spmem:s2] =	stream.indirect.scatter.add.f32 [tilespmem:s12], [sflag:$0x1], $0x1, s17, s11, $0xb8;
	[tilespmem:$0x2D00] =	vst v63  }
0x13c: {  	s18 =	sadd.s32 $0x2A8, s19  }
0x13d: {  	[spmem:s2] =	stream.indirect.scatter.add.f32 [tilespmem:s12], [sflag:$0x1], $0x1, s18, s11, $0xb8;
	[tilespmem:$0x2D00] =	vst v63  }
0x13e: {  	s20 =	sadd.s32 $0x2D0, s19  }
0x13f: {  	[spmem:s2] =	stream.indirect.scatter.add.f32 [tilespmem:s12], [sflag:$0x1], $0x1, s20, s11, $0xb8;
	[tilespmem:$0x2D00] =	vst v63  }
0x140: {  	s21 =	sadd.s32 $0x2F8, s19  }
0x141: {  	[spmem:s2] =	stream.indirect.scatter.add.f32 [tilespmem:s12], [sflag:$0x1], $0x1, s21, s11, $0xb8;
	[tilespmem:$0x2D00] =	vst v63  }
0x142: {  	s22 =	sadd.s32 $0x320, s19  }
0x143: {  	[spmem:s2] =	stream.indirect.scatter.add.f32 [tilespmem:s12], [sflag:$0x1], $0x1, s22, s11, $0xb8;
	[tilespmem:$0x2D00] =	vst v63  }
0x144: {  	s23 =	sadd.s32 $0x348, s19  }
0x145: {  	[spmem:s2] =	stream.indirect.scatter.add.f32 [tilespmem:s12], [sflag:$0x1], $0x1, s23, s11, $0xb8;
	[tilespmem:$0x2D00] =	vst v63  }
0x146: {  	s24 =	sadd.s32 $0x370, s19  }
0x147: {  	[spmem:s2] =	stream.indirect.scatter.add.f32 [tilespmem:s12], [sflag:$0x1], $0x1, s24, s11, $0xb8;
	[tilespmem:$0x2D00] =	vst v63  }
0x148: {  	s25 =	sadd.s32 $0x398, s19  }
0x149: {  	[spmem:s2] =	stream.indirect.scatter.add.f32 [tilespmem:s12], [sflag:$0x1], $0x1, s25, s11, $0xb8;
	[tilespmem:$0x2D00] =	vst v63  }
0x14a: {  	s26 =	sadd.s32 $0x3C0, s19  }
0x14b: {  	[spmem:s2] =	stream.indirect.scatter.add.f32 [tilespmem:s12], [sflag:$0x1], $0x1, s26, s11, $0xb8;
	[tilespmem:$0x2D00] =	vst v63  }
0x14c: {  	s28 =	sadd.s32 $0x3E8, s19  }
0x14d: {  	[spmem:s2] =	stream.indirect.scatter.add.f32 [tilespmem:s12], [sflag:$0x1], $0x1, s28, s11, $0xb8;
	[tilespmem:$0x2D00] =	vst v63  }
0x14e: {  	s29 =	sadd.s32 $0x410, s19  }
0x14f: {  	[spmem:s2] =	stream.indirect.scatter.add.f32 [tilespmem:s12], [sflag:$0x1], $0x1, s29, s11, $0xb8;
	[tilespmem:$0x2D00] =	vst v63  }
0x150: {  	s30 =	sadd.s32 $0x438, s19  }
0x151: {  	[spmem:s2] =	stream.indirect.scatter.add.f32 [tilespmem:s12], [sflag:$0x1], $0x1, s30, s11, $0xb8;
	[tilespmem:$0x2D00] =	vst v63  }
0x152: {  	s31 =	sadd.s32 $0x460, s19  }
0x153: {  	[spmem:s2] =	stream.indirect.scatter.add.f32 [tilespmem:s12], [sflag:$0x1], $0x1, s31, s11, $0xb8;
	[tilespmem:$0x2D00] =	vst v63  }
0x154: {  	s18 =	sadd.s32 $0x488, s19  }
0x155: {  	[spmem:s2] =	stream.indirect.scatter.add.f32 [tilespmem:s12], [sflag:$0x1], $0x1, s18, s11, $0xb8;
	[tilespmem:$0x2D00] =	vst v63  }
0x156: {  	s20 =	sadd.s32 $0x4B0, s19  }
0x157: {  	[spmem:s2] =	stream.indirect.scatter.add.f32 [tilespmem:s12], [sflag:$0x1], $0x1, s20, s11, $0xb8;
	[tilespmem:$0x2D00] =	vst v63  }
0x158: {  	s21 =	sadd.s32 $0x4D8, s19  }
0x159: {  	[spmem:s2] =	stream.indirect.scatter.add.f32 [tilespmem:s12], [sflag:$0x1], $0x1, s21, s11, $0xb8;
	[tilespmem:$0x2D00] =	vst v63  }
0x15a: {  	s22 =	sadd.s32 $0x500, s19  }
0x15b: {  	[spmem:s2] =	stream.indirect.scatter.add.f32 [tilespmem:s12], [sflag:$0x1], $0x1, s22, s11, $0xb8;
	[tilespmem:$0x2D00] =	vst v63  }
0x15c: {  	s23 =	sadd.s32 $0x528, s19  }
0x15d: {  	[spmem:s2] =	stream.indirect.scatter.add.f32 [tilespmem:s12], [sflag:$0x1], $0x1, s23, s11, $0xb8;
	[tilespmem:$0x2D00] =	vst v63  }
0x15e: {  	s24 =	sadd.s32 $0x550, s19  }
0x15f: {  	[spmem:s2] =	stream.indirect.scatter.add.f32 [tilespmem:s12], [sflag:$0x1], $0x1, s24, s11, $0xb8;
	[tilespmem:$0x2D00] =	vst v63  }
0x160: {  	s25 =	sadd.s32 $0x578, s19  }
0x161: {  	[spmem:s2] =	stream.indirect.scatter.add.f32 [tilespmem:s12], [sflag:$0x1], $0x1, s25, s11, $0xb8;
	[tilespmem:$0x2D00] =	vst v63  }
0x162: {  	s26 =	sadd.s32 $0x5A0, s19  }
0x163: {  	[spmem:s2] =	stream.indirect.scatter.add.f32 [tilespmem:s12], [sflag:$0x1], $0x1, s26, s11, $0xb8;
	[tilespmem:$0x2D00] =	vst v63  }
0x164: {  	s28 =	sadd.s32 $0x5C8, s19  }
0x165: {  	[spmem:s2] =	stream.indirect.scatter.add.f32 [tilespmem:s12], [sflag:$0x1], $0x1, s28, s11, $0xb8;
	[tilespmem:$0x2D00] =	vst v63  }
0x166: {  	s29 =	sadd.s32 $0x5F0, s19  }
0x167: {  	[spmem:s2] =	stream.indirect.scatter.add.f32 [tilespmem:s12], [sflag:$0x1], $0x1, s29, s11, $0xb8;
	[tilespmem:$0x2D00] =	vst v63  }
0x168: {  	s30 =	sadd.s32 $0x618, s19  }
0x169: {  	[spmem:s2] =	stream.indirect.scatter.add.f32 [tilespmem:s12], [sflag:$0x1], $0x1, s30, s11, $0xb8;
	[tilespmem:$0x2D00] =	vst v63  }
0x16a: {  	s31 =	sadd.s32 $0x640, s19  }
0x16b: {  	[spmem:s2] =	stream.indirect.scatter.add.f32 [tilespmem:s12], [sflag:$0x1], $0x1, s31, s11, $0xb8;
	[tilespmem:$0x2D00] =	vst v63  }
0x16c: {  	_ =	swait.ge [sflag:s13], $0x28  }
0x16d: {  	[sflag:s13] =	ssyncset.done $0x0  }
0x16e: {  	[sflag:s13] =	ssyncadd.s32 $0xFFFFFFD8  }
0x16f: {  	_ =	swait.ge [sflag:s13], $0x28  }
0x170: {  	[sflag:s13] =	ssyncset.done $0x0  }
0x171: {  	[sflag:s13] =	ssyncadd.s32 $0xFFFFFFD8  }
0x172: {  	_ =	swait.ge [sflag:s13], $0x28  }
0x173: {  	[sflag:s13] =	ssyncset.done $0x0  }
0x174: {  	[sflag:s13] =	ssyncadd.s32 $0xFFFFFFD8  }
0x175: {  	_ =	swait.ge [sflag:s13], $0x28  }
0x176: {  	[sflag:s13] =	ssyncset.done $0x0  }
0x177: {  	[sflag:s13] =	ssyncadd.s32 $0xFFFFFFD8  }
0x178: {  	_ =	swait.ge [sflag:s13], $0x28  }
0x179: {  	[sflag:s13] =	ssyncset.done $0x0  }
0x17a: {  	[sflag:s13] =	ssyncadd.s32 $0xFFFFFFD8  }
0x17b: {  	_ =	swait.ge [sflag:s13], $0x28  }
0x17c: {  	[sflag:s13] =	ssyncset.done $0x0  }
0x17d: {  	[sflag:s13] =	ssyncadd.s32 $0xFFFFFFD8  }
0x17e: {  	_ =	swait.ge [sflag:s13], $0x28  }
0x17f: {  	[sflag:s13] =	ssyncset.done $0x0  }
0x180: {  	[sflag:s13] =	ssyncadd.s32 $0xFFFFFFD8  }
0x181: {  	_ =	swait.ge [sflag:s13], $0x28  }
0x182: {  	[sflag:s13] =	ssyncset.done $0x0  }
0x183: {  	[sflag:s13] =	ssyncadd.s32 $0xFFFFFFD8  }
0x184: {  	_ =	swait.ge [sflag:s13], $0x28  }
0x185: {  	[sflag:s13] =	ssyncset.done $0x0  }
0x186: {  	[sflag:s13] =	ssyncadd.s32 $0xFFFFFFD8  }
0x187: {  	_ =	swait.ge [sflag:s13], $0x28  }
0x188: {  	[sflag:s13] =	ssyncset.done $0x0  }
0x189: {  	[sflag:s13] =	ssyncadd.s32 $0xFFFFFFD8  }
0x18a: {  	_ =	swait.ge [sflag:s13], $0x28  }
0x18b: {  	[sflag:s13] =	ssyncset.done $0x0  }
0x18c: {  	[sflag:s13] =	ssyncadd.s32 $0xFFFFFFD8  }
0x18d: {  	_ =	swait.ge [sflag:s13], $0x28  }
0x18e: {  	[sflag:s13] =	ssyncset.done $0x0  }
0x18f: {  	[sflag:s13] =	ssyncadd.s32 $0xFFFFFFD8  }
0x190: {  	_ =	swait.ge [sflag:s13], $0x28  }
0x191: {  	[sflag:s13] =	ssyncset.done $0x0  }
0x192: {  	[sflag:s13] =	ssyncadd.s32 $0xFFFFFFD8  }
0x193: {  	_ =	swait.ge [sflag:s13], $0x28  }
0x194: {  	[sflag:s13] =	ssyncset.done $0x0  }
0x195: {  	[sflag:s13] =	ssyncadd.s32 $0xFFFFFFD8  }
0x196: {  	_ =	swait.ge [sflag:s13], $0x28  }
0x197: {  	[sflag:s13] =	ssyncset.done $0x0  }
0x198: {  	[sflag:s13] =	ssyncadd.s32 $0xFFFFFFD8  }
0x199: {  	_ =	swait.ge [sflag:s13], $0x28  }
0x19a: {  	[sflag:s13] =	ssyncset.done $0x0  }
0x19b: {  	[sflag:s13] =	ssyncadd.s32 $0xFFFFFFD8  }
0x19c: {  	_ =	swait.ge [sflag:s13], $0x28  }
0x19d: {  	[sflag:s13] =	ssyncset.done $0x0  }
0x19e: {  	[sflag:s13] =	ssyncadd.s32 $0xFFFFFFD8  }
0x19f: {  	_ =	swait.ge [sflag:s13], $0x28  }
0x1a0: {  	[sflag:s13] =	ssyncset.done $0x0  }
0x1a1: {  	[sflag:s13] =	ssyncadd.s32 $0xFFFFFFD8  }
0x1a2: {  	_ =	swait.ge [sflag:s13], $0x28  }
0x1a3: {  	[sflag:s13] =	ssyncset.done $0x0  }
0x1a4: {  	[sflag:s13] =	ssyncadd.s32 $0xFFFFFFD8  }
0x1a5: {  	_ =	swait.ge [sflag:s13], $0x28  }
0x1a6: {  	[sflag:s13] =	ssyncset.done $0x0  }
0x1a7: {  	[sflag:s13] =	ssyncadd.s32 $0xFFFFFFD8  }
0x1a8: {  	_ =	swait.ge [sflag:s13], $0x28  }
0x1a9: {  	[sflag:s13] =	ssyncset.done $0x0  }
0x1aa: {  	[sflag:s13] =	ssyncadd.s32 $0xFFFFFFD8  }
0x1ab: {  	_ =	swait.ge [sflag:s13], $0x28  }
0x1ac: {  	[sflag:s13] =	ssyncset.done $0x0  }
0x1ad: {  	[sflag:s13] =	ssyncadd.s32 $0xFFFFFFD8  }
0x1ae: {  	_ =	swait.ge [sflag:s13], $0x28  }
0x1af: {  	[sflag:s13] =	ssyncset.done $0x0  }
0x1b0: {  	[sflag:s13] =	ssyncadd.s32 $0xFFFFFFD8  }
0x1b1: {  	_ =	swait.ge [sflag:s13], $0x28  }
0x1b2: {  	[sflag:s13] =	ssyncset.done $0x0  }
0x1b3: {  	[sflag:s13] =	ssyncadd.s32 $0xFFFFFFD8  }
0x1b4: {  	_ =	swait.ge [sflag:s13], $0x28  }
0x1b5: {  	[sflag:s13] =	ssyncset.done $0x0  }
0x1b6: {  	[sflag:s13] =	ssyncadd.s32 $0xFFFFFFD8  }
0x1b7: {  	[bflag:$0x0] =	sbarrier.arrive $0xFFFF  }
0x1b8: {  	[tilespmem:s8], [sflag:$0x2] =	stream.linear.gather [spmem:s4], $0x280, $0x38;
	[tilespmem:$0x2D00] =	vst v63  }
0x1b9: {  	s16 =	sadd.s32 $0x1, s16;
	_ =	swait.ge [sflag:s9], $0x280  }
0x1ba: {  	p0 =	sne.s32 s16, s7;
	[sflag:s9] =	ssyncset.done $0x0  }
.Ltmp1:
0x1bb: {  	[sflag:s9] =	ssyncadd.s32 $0xFFFFFD80;
	(pc) =	sbr.rel @p0 .LBB2_1-.Ltmp1, $4  }
0x1bc: {  	[hbm4b:s6+s14] =	stream.strided.scatter [tilespmem:s8], [sflag:$0x2], $0x280, s15, s14, $0x38;
	[tilespmem:$0x2D00] =	vst v63  }
0x1bd: {  	_ =	swait.ge [sflag:s9], $0x280  }
0x1be: {  	[sflag:s9] =	ssyncset.done $0x0  }
0x1bf: {  	[sflag:s9] =	ssyncadd.s32 $0xFFFFFD80  }
0x1c0: {  	_ =	sfence.sel $0x180000  }
0x1c1: {  	[bflag:$0x0] =	sbarrier.arrive $0xFFFF  }
0x1c2: {  	p0 =	sne.s32 s0, $0x0;
	_ =	strace $0x90000047  }
0x1c3: {  	s0 =	sadd.s32 @!p0 $0x100000, s1;
	[bflag:$0x2] =	sbarrier.arrive $0xFFFF  }
0x1c4: {  	[sflag:s0] =	ssyncadd.tile.s32 @!p0 $0x1;
	_ =	shalt  }
.Lfunc_end2:
_tile_overlayer_lowered:
.L_overlay_start_2:
0x1c5: {  	(tag) =	ssettag $0x2  }
0x1c6: {  	s0 =	rddreg [dreg:$0x0];
	s2 =	stileid.u32  }
0x1c7: {  	s1 =	rddreg [dreg:$0x1];
	p0 =	sne.s32 s2, $0x0  }
0x1c8: {  	s3 =	rddreg [dreg:$0x2];
	[bflag:$0x3] =	sbarrier.arrive $0xFFFF;
	s2 =	simm.s32 @!p0 $0x1C02  }
0x1c9: {  	[timem:s3], [sflag:s2] =	dma.local @!p0 [hbm:s0], s1  }
0x1ca: {  	s0 =	simm.s32 @!p0 $0x2  }
0x1cb: {  	_ =	swait.ge @!p0 [sflag:s0], s1  }
0x1cc: {  	s1 =	ssub.s32 @!p0 $0x0, s1;
	[sflag:s0] =	ssyncset.done @!p0 $0x0  }
0x1cd: {  	[sflag:s0] =	ssyncadd.s32 @!p0 s1  }
0x1ce: {  	[bflag:$0x3] =	sbarrier.arrive $0xFFFF  }
0x1cf: {  	_ =	shalt  }

</sc_bundles>
